<compile_context>
chip_gen: v7x
topology: tpu7x:2x2x1
jax: 0.10.2.dev20260603
libtpu: 0.0.44.dev20260713+nightly
codegen_flags: <defaults>
</compile_context>

<pallas_src>
import functools

import jax
import jax.numpy as jnp
from jax import lax
from jax.experimental import pallas as pl
from jax.experimental.pallas import tpu as pltpu
from jax.experimental.pallas import tpu_sc as plsc

N = 10000
E = 160000
DIN, DH, DOUT = 256, 512, 64
NC, NS = 2, 16
NW = NC * NS
EPT = E // NW
EB = 128
NB = 40
EPTP = NB * EB
CF = 128
NCH = DH // CF
ACC_ROWS = 10112
ZR = ACC_ROWS // NS
RB = 1000
GRID = N // RB

def _mesh():
    return plsc.VectorSubcoreMesh(
        core_axis_name="c", subcore_axis_name="s",
        num_cores=NC, num_subcores=NS)



def _deg_body(dst_hbm, zeros_hbm, ones_hbm, out_hbm, dst_v, ones_v, deg_sh):
    ci = lax.axis_index("c")
    si = lax.axis_index("s")
    wid = ci * NS + si
    pltpu.sync_copy(dst_hbm.at[wid], dst_v)
    pltpu.sync_copy(ones_hbm, ones_v)
    pltpu.sync_copy(zeros_hbm, deg_sh.at[pl.ds(si * ZR, ZR)])
    plsc.subcore_barrier()

    def body(j, carry):
        pltpu.sync_copy(ones_v, deg_sh.at[dst_v.at[j]], add=True)
        return carry

    lax.fori_loop(0, NB, body, 0)
    plsc.subcore_barrier()
    pltpu.sync_copy(deg_sh.at[pl.ds(si * ZR, ZR)],
                    out_hbm.at[ci].at[pl.ds(si * ZR, ZR)])


@functools.cache
def _deg():
    return pl.kernel(
        _deg_body,
        out_type=jax.ShapeDtypeStruct((NC, ACC_ROWS, CF), jnp.float32),
        mesh=_mesh(),
        scratch_types=[
            pltpu.VMEM((NB, EB), jnp.int32),
            pltpu.VMEM((EB, CF), jnp.float32),
            pltpu.VMEM_SHARED((ACC_ROWS, CF), jnp.float32),
        ],
    )


def _scat_body(y0, y1, y2, y3, src_hbm, dst_hbm, zeros_hbm,
               o0, o1, o2, o3, src_v, dst_v, rows_v, gsem, ssem, acc_sh):
    ys = (y0, y1, y2, y3)
    outs = (o0, o1, o2, o3)
    ci = lax.axis_index("c")
    si = lax.axis_index("s")
    wid = ci * NS + si
    pltpu.sync_copy(src_hbm.at[wid], src_v)
    pltpu.sync_copy(dst_hbm.at[wid], dst_v)
    for c in range(NCH):
        yc = ys[c]

        def g_issue(j, b, _y=yc):
            pltpu.async_copy(_y.at[src_v.at[j]], rows_v.at[b], gsem.at[b])

        def g_wait(j, b, _y=yc):
            pltpu.make_async_copy(
                _y.at[src_v.at[j]], rows_v.at[b], gsem.at[b]).wait()

        g_issue(0, 0)
        g_issue(1, 1)
        if c == 0:
            pltpu.sync_copy(zeros_hbm, acc_sh.at[pl.ds(si * ZR, ZR)])
        plsc.subcore_barrier()

        def body(j0, carry):
            for b in range(2):
                j = 2 * j0 + b
                g_wait(j, b)
                pltpu.sync_copy(rows_v.at[b], acc_sh.at[dst_v.at[j]],
                                add=True)
                g_issue(j + 2, b)
            return carry

        lax.fori_loop(0, NB // 2 - 1, body, 0)
        for b in range(2):
            j = NB - 2 + b
            g_wait(j, b)
            pltpu.sync_copy(rows_v.at[b], acc_sh.at[dst_v.at[j]], add=True)
        plsc.subcore_barrier()
        pltpu.sync_copy(acc_sh.at[pl.ds(si * ZR, ZR)],
                        outs[c].at[ci].at[pl.ds(si * ZR, ZR)])


@functools.cache
def _scat():
    return pl.kernel(
        _scat_body,
        out_type=[jax.ShapeDtypeStruct((NC, ACC_ROWS, CF), jnp.float32)] * NCH,
        mesh=_mesh(),
        scratch_types=[
            pltpu.VMEM((NB, EB), jnp.int32),
            pltpu.VMEM((NB, EB), jnp.int32),
            pltpu.VMEM((2, EB, CF), jnp.float32),
            pltpu.SemaphoreType.DMA((2,)),
            pltpu.SemaphoreType.DMA((2,)),
            pltpu.VMEM_SHARED((ACC_ROWS, CF), jnp.float32),
        ],
    )



def _mat1_body(x_ref, w_ref, degp_ref, dinv_ref, *y_refs):
    deg = degp_ref[0] + degp_ref[1]
    dinv = lax.rsqrt(deg[:, 0:1] + 1.0)
    dinv_ref[...] = dinv
    xw = jnp.dot(x_ref[...], w_ref[...], preferred_element_type=jnp.float32)
    y = xw * dinv
    for c in range(NCH):
        y_refs[c][...] = y[:, c * CF:(c + 1) * CF]


_mat1 = pl.pallas_call(
    _mat1_body,
    grid=(GRID,),
    in_specs=[
        pl.BlockSpec((RB, DIN), lambda i: (i, 0)),
        pl.BlockSpec((DIN, DH), lambda i: (0, 0)),
        pl.BlockSpec((NC, RB, CF), lambda i: (0, i, 0)),
    ],
    out_specs=[pl.BlockSpec((RB, 1), lambda i: (i, 0))] +
              [pl.BlockSpec((RB, CF), lambda i: (i, 0))] * NCH,
    out_shape=[jax.ShapeDtypeStruct((N, 1), jnp.float32)] +
              [jax.ShapeDtypeStruct((N, CF), jnp.float32)] * NCH,
)


def _mat2_body(dinv_ref, b1_ref, w2_ref,
               a0, a1, a2, a3, y0, y1, y2, y3, *out_refs):
    accs = (a0, a1, a2, a3)
    ys = (y0, y1, y2, y3)
    dinv = dinv_ref[...]
    cols = []
    prev = None
    for c in range(NCH):
        cum = accs[c][0] + accs[c][1]
        acc = (cum if prev is None else cum - prev) + ys[c][...]
        prev = cum
        b = b1_ref[0, c * CF:(c + 1) * CF][None, :]
        cols.append(jnp.maximum(acc * dinv + b, 0.0))
    h1 = jnp.concatenate(cols, axis=1)
    xw = jnp.dot(h1, w2_ref[...], preferred_element_type=jnp.float32)
    ynew = xw * dinv
    for c in range(NCH):
        out_refs[c][...] = ynew[:, c * CF:(c + 1) * CF]


_mat2 = pl.pallas_call(
    _mat2_body,
    grid=(GRID,),
    in_specs=[
        pl.BlockSpec((RB, 1), lambda i: (i, 0)),
        pl.BlockSpec((1, DH), lambda i: (0, 0)),
        pl.BlockSpec((DH, DH), lambda i: (0, 0)),
    ] + [pl.BlockSpec((NC, RB, CF), lambda i: (0, i, 0))] * NCH
      + [pl.BlockSpec((RB, CF), lambda i: (i, 0))] * NCH,
    out_specs=[pl.BlockSpec((RB, CF), lambda i: (i, 0))] * NCH,
    out_shape=[jax.ShapeDtypeStruct((N, CF), jnp.float32)] * NCH,
)


def _mat3_body(dinv_ref, b2_ref, wc1_ref, bc1_ref, wc2_ref, bc2_ref,
               a0, a1, a2, a3, y0, y1, y2, y3,
               h_ref, gr_ref, logits_ref):
    accs = (a0, a1, a2, a3)
    ys = (y0, y1, y2, y3)
    i = pl.program_id(0)
    dinv = dinv_ref[...]
    cols = []
    prev = None
    for c in range(NCH):
        cum = accs[c][0] + accs[c][1]
        acc = (cum if prev is None else cum - prev) + ys[c][...]
        prev = cum
        b = b2_ref[0, c * CF:(c + 1) * CF][None, :]
        cols.append(acc * dinv + b)
    h = jnp.concatenate(cols, axis=1)
    h_ref[...] = h
    partial = jnp.sum(h, axis=0, keepdims=True) * (1.0 / N)

    @pl.when(i == 0)
    def _():
        gr_ref[...] = partial

    @pl.when(i > 0)
    def _():
        gr_ref[...] = gr_ref[...] + partial

    @pl.when(i == GRID - 1)
    def _():
        gr = gr_ref[...]
        cvec = jnp.maximum(
            jnp.dot(gr, wc1_ref[...], preferred_element_type=jnp.float32)
            + bc1_ref[...], 0.0)
        logits_ref[...] = (
            jnp.dot(cvec, wc2_ref[...], preferred_element_type=jnp.float32)
            + bc2_ref[...])


_mat3 = pl.pallas_call(
    _mat3_body,
    grid=(GRID,),
    in_specs=[
        pl.BlockSpec((RB, 1), lambda i: (i, 0)),
        pl.BlockSpec((1, DH), lambda i: (0, 0)),
        pl.BlockSpec((DH, DH), lambda i: (0, 0)),
        pl.BlockSpec((1, DH), lambda i: (0, 0)),
        pl.BlockSpec((DH, DOUT), lambda i: (0, 0)),
        pl.BlockSpec((1, DOUT), lambda i: (0, 0)),
    ] + [pl.BlockSpec((NC, RB, CF), lambda i: (0, i, 0))] * NCH
      + [pl.BlockSpec((RB, CF), lambda i: (i, 0))] * NCH,
    out_specs=[
        pl.BlockSpec((RB, DH), lambda i: (i, 0)),
        pl.BlockSpec((1, DH), lambda i: (0, 0)),
        pl.BlockSpec((1, DOUT), lambda i: (0, 0)),
    ],
    out_shape=[
        jax.ShapeDtypeStruct((N, DH), jnp.float32),
        jax.ShapeDtypeStruct((1, DH), jnp.float32),
        jax.ShapeDtypeStruct((1, DOUT), jnp.float32),
    ],
)



def kernel(x, edge_index, W1, b1, W2, b2, Wc1, bc1, Wc2, bc2):
    src = edge_index[0].astype(jnp.int32)
    dst = edge_index[1].astype(jnp.int32)
    srcp = jnp.pad(src.reshape(NW, EPT),
                   ((0, 0), (0, EPTP - EPT))).reshape(NW, NB, EB)
    dstp = jnp.pad(dst.reshape(NW, EPT), ((0, 0), (0, EPTP - EPT)),
                   constant_values=N).reshape(NW, NB, EB)
    zeros128 = jnp.zeros((ZR, CF), jnp.float32)
    ones128 = jnp.ones((EB, CF), jnp.float32)

    degp = _deg()(dstp, zeros128, ones128)
    dinv, *ycs = _mat1(x, W1, degp)
    acc1 = _scat()(*ycs, srcp, dstp, zeros128)
    y2cs = _mat2(dinv, b1.reshape(1, DH), W2, *acc1, *ycs)
    acc2 = _scat()(*y2cs, srcp, dstp, zeros128)
    h, gr, logits = _mat3(dinv, b2.reshape(1, DH), Wc1, bc1.reshape(1, DH),
                          Wc2, bc2.reshape(1, DOUT), *acc2, *y2cs)
    return h, gr, logits

# --- scband reference (transcript-rebuilt; emitter-appended) ---
"""Pipeline reference for scband-gcntest-27977416966476 (READ-ONLY COPY).

The authoritative reference and input builder live on the scoring server;
editing this copy changes nothing except your own understanding.
"""

import jax, jax.numpy as jnp
import numpy as np

N_NODES = 10000
N_EDGES = 160000
D_IN = 256
D_HID = 512
D_OUT = 64


def gcn_conv(x, src, dst, W, b):
    # GCNConv: out = D^{-1/2} (A + I) D^{-1/2} X W + b
    n = x.shape[0]
    loop = jnp.arange(n, dtype=src.dtype)
    s = jnp.concatenate([src, loop])
    d = jnp.concatenate([dst, loop])
    xw = x @ W
    deg = jnp.zeros((n,), dtype=x.dtype).at[d].add(1.0)
    dinv = jnp.where(deg > 0, deg ** -0.5, 0.0)
    norm = dinv[s] * dinv[d]
    msgs = xw[s] * norm[:, None]
    out = jnp.zeros((n, W.shape[1]), dtype=x.dtype).at[d].add(msgs)
    return out + b


def setup_inputs(seed: int = 0) -> dict:
    key = jax.random.key(seed)
    ks = jax.random.split(key, 12)
    x = jax.random.normal(ks[0], (N_NODES, D_IN), dtype=jnp.float32)
    edge_index = jax.random.randint(ks[1], (2, N_EDGES), 0, N_NODES, dtype=jnp.int64)
    # Glorot-ish init for weights
    W1 = jax.random.normal(ks[2], (D_IN, D_HID), dtype=jnp.float32) * (1.0 / np.sqrt(D_IN))
    b1 = jnp.zeros((D_HID,), dtype=jnp.float32)
    W2 = jax.random.normal(ks[3], (D_HID, D_HID), dtype=jnp.float32) * (1.0 / np.sqrt(D_HID))
    b2 = jnp.zeros((D_HID,), dtype=jnp.float32)
    Wc1 = jax.random.normal(ks[4], (D_HID, D_HID), dtype=jnp.float32) * (1.0 / np.sqrt(D_HID))
    bc1 = jnp.zeros((D_HID,), dtype=jnp.float32)
    Wc2 = jax.random.normal(ks[5], (D_HID, D_OUT), dtype=jnp.float32) * (1.0 / np.sqrt(D_HID))
    bc2 = jnp.zeros((D_OUT,), dtype=jnp.float32)
    return {"x": x, "edge_index": edge_index, "W1": W1, "b1": b1, "W2": W2, "b2": b2,
            "Wc1": Wc1, "bc1": bc1, "Wc2": Wc2, "bc2": bc2}


def reference(x, edge_index, W1, b1, W2, b2, Wc1, bc1, Wc2, bc2):
    src = edge_index[0]
    dst = edge_index[1]
    h = gcn_conv(x, src, dst, W1, b1)
    h = jax.nn.relu(h)
    # dropout p=0.5 in eval mode (self.training=False) -> identity
    h = gcn_conv(h, src, dst, W2, b2)
    # global_mean_pool over the single graph (all nodes)
    graph_reps = jnp.mean(h, axis=0, keepdims=True)
    c = graph_reps @ Wc1 + bc1
    c = jax.nn.relu(c)
    logits = c @ Wc2 + bc2
    return (h, graph_reps, logits)

if __name__ == "__main__":
    import jax
    _d = setup_inputs()
    print(jax.jit(kernel)(*tuple(_d.values())))

</pallas_src>

<mosaic_0001>
#map = affine_map<(d0, d1) -> (0, 0, 0)>
#map1 = affine_map<(d0, d1) -> (0, 0)>
module attributes {stable_mosaic.version = 14 : i64} {
  func.func @_deg_body(%arg0: i32, %arg1: i32, %arg2: memref<32x40x128xi32, #tpu.memory_space<hbm>>, %arg3: memref<632x128xf32, #tpu.memory_space<hbm>>, %arg4: memref<128x128xf32, #tpu.memory_space<hbm>>, %arg5: memref<2x10112x128xf32, #tpu.memory_space<hbm>>, %arg6: memref<40x128xi32, #tpu.memory_space<vmem>>, %arg7: memref<128x128xf32, #tpu.memory_space<vmem>>, %arg8: memref<10112x128xf32, #tpu.memory_space<vmem_shared>>) attributes {dimension_semantics = [#tpu.dimension_semantics<core_parallel>, #tpu.dimension_semantics<subcore_parallel>], iteration_bounds = array<i64: 2, 16>, scalar_prefetch = 0 : i64, scratch_operands = 3 : i64, tpu.core_type = #tpu.core_type<sc_vector_subcore>, window_params = [{transform_indices = #map}, {transform_indices = #map1}, {transform_indices = #map1}, {transform_indices = #map}]} {
    %mul3A = arith.constant 16 : i32
    %mul3A_0 = arith.muli %arg0, %mul3A : i32
    %add3A = arith.addi %mul3A_0, %arg1 : i32
    "tpu.region"() ({
      %run_scoped3A = tpu.sem_alloc : memref<!tpu.dma_semaphore, #tpu.memory_space<semaphore_mem>>
      %dma_start3A = arith.constant 0 : i32
      %dma_start3A_13 = arith.constant 0 : i32
      %dma_start3A_14 = tpu.memref_slice %arg2[%add3A, %dma_start3A, %dma_start3A_13] : memref<32x40x128xi32, #tpu.memory_space<hbm>> -> memref<1x40x128xi32, #tpu.memory_space<hbm>>
      %dma_start3A_15 = tpu.memref_squeeze %dma_start3A_14 : memref<1x40x128xi32, #tpu.memory_space<hbm>> -> memref<40x128xi32, #tpu.memory_space<hbm>>
      %dma_start3A_16 = arith.constant 0 : i32
      %dma_start3A_17 = arith.constant 0 : i32
      %dma_start3A_18 = tpu.memref_slice %arg2[%add3A, %dma_start3A_16, %dma_start3A_17] : memref<32x40x128xi32, #tpu.memory_space<hbm>> -> memref<1x40x128xi32, #tpu.memory_space<hbm>>
      %dma_start3A_19 = tpu.memref_squeeze %dma_start3A_18 : memref<1x40x128xi32, #tpu.memory_space<hbm>> -> memref<40x128xi32, #tpu.memory_space<hbm>>
      tpu.enqueue_dma source(%dma_start3A_19 : memref<40x128xi32, #tpu.memory_space<hbm>>) target(%arg6 : memref<40x128xi32, #tpu.memory_space<vmem>>) target_semaphore(%run_scoped3A : memref<!tpu.dma_semaphore, #tpu.memory_space<semaphore_mem>>)
      %dma_wait3A = arith.constant 0 : i32
      %dma_wait3A_20 = arith.constant 0 : i32
      %dma_wait3A_21 = tpu.memref_slice %arg2[%add3A, %dma_wait3A, %dma_wait3A_20] : memref<32x40x128xi32, #tpu.memory_space<hbm>> -> memref<1x40x128xi32, #tpu.memory_space<hbm>>
      %dma_wait3A_22 = tpu.memref_squeeze %dma_wait3A_21 : memref<1x40x128xi32, #tpu.memory_space<hbm>> -> memref<40x128xi32, #tpu.memory_space<hbm>>
      %dma_wait3A_23 = arith.constant 0 : i32
      %dma_wait3A_24 = arith.constant 0 : i32
      %dma_wait3A_25 = tpu.memref_slice %arg2[%add3A, %dma_wait3A_23, %dma_wait3A_24] : memref<32x40x128xi32, #tpu.memory_space<hbm>> -> memref<1x40x128xi32, #tpu.memory_space<hbm>>
      %dma_wait3A_26 = tpu.memref_squeeze %dma_wait3A_25 : memref<1x40x128xi32, #tpu.memory_space<hbm>> -> memref<40x128xi32, #tpu.memory_space<hbm>>
      tpu.wait_dma2 semaphore(%run_scoped3A : memref<!tpu.dma_semaphore, #tpu.memory_space<semaphore_mem>>) src(%dma_wait3A_26 : memref<40x128xi32, #tpu.memory_space<hbm>>) dst(%arg6 : memref<40x128xi32, #tpu.memory_space<vmem>>)
      tpu.yield
    }) : () -> ()
    "tpu.region"() ({
      %run_scoped3A = tpu.sem_alloc : memref<!tpu.dma_semaphore, #tpu.memory_space<semaphore_mem>>
      tpu.enqueue_dma source(%arg4 : memref<128x128xf32, #tpu.memory_space<hbm>>) target(%arg7 : memref<128x128xf32, #tpu.memory_space<vmem>>) target_semaphore(%run_scoped3A : memref<!tpu.dma_semaphore, #tpu.memory_space<semaphore_mem>>)
      tpu.wait_dma2 semaphore(%run_scoped3A : memref<!tpu.dma_semaphore, #tpu.memory_space<semaphore_mem>>) src(%arg4 : memref<128x128xf32, #tpu.memory_space<hbm>>) dst(%arg7 : memref<128x128xf32, #tpu.memory_space<vmem>>)
      tpu.yield
    }) : () -> ()
    %mul3A_1 = arith.constant 632 : i32
    %mul3A_2 = arith.muli %arg1, %mul3A_1 : i32
    "tpu.region"() ({
      %run_scoped3A = tpu.sem_alloc : memref<!tpu.dma_semaphore, #tpu.memory_space<semaphore_mem>>
      %dma_start3A = arith.constant 0 : i32
      %dma_start3A_13 = tpu.memref_slice %arg8[%mul3A_2, %dma_start3A] : memref<10112x128xf32, #tpu.memory_space<vmem_shared>> -> memref<632x128xf32, #tpu.memory_space<vmem_shared>>
      tpu.enqueue_dma source(%arg3 : memref<632x128xf32, #tpu.memory_space<hbm>>) target(%dma_start3A_13 : memref<632x128xf32, #tpu.memory_space<vmem_shared>>) target_semaphore(%run_scoped3A : memref<!tpu.dma_semaphore, #tpu.memory_space<semaphore_mem>>)
      %dma_wait3A = arith.constant 0 : i32
      %dma_wait3A_14 = tpu.memref_slice %arg8[%mul3A_2, %dma_wait3A] : memref<10112x128xf32, #tpu.memory_space<vmem_shared>> -> memref<632x128xf32, #tpu.memory_space<vmem_shared>>
      tpu.wait_dma2 semaphore(%run_scoped3A : memref<!tpu.dma_semaphore, #tpu.memory_space<semaphore_mem>>) src(%arg3 : memref<632x128xf32, #tpu.memory_space<hbm>>) dst(%dma_wait3A_14 : memref<632x128xf32, #tpu.memory_space<vmem_shared>>)
      tpu.yield
    }) : () -> ()
    %barrier3A = arith.constant 0 : index
    tpu.barrier barrier_id(%barrier3A)
    %scan3A = arith.constant 0 : i32
    %scan3A_3 = arith.constant 0 : i32
    %scan3A_4 = arith.constant 40 : i32
    %scan3A_5 = arith.addi %scan3A_3, %scan3A_4 : i32
    %scan3A_6 = arith.constant 1 : i32
    scf.for %scan3A_13 = %scan3A_3 to %scan3A_5 step %scan3A_6  : i32 {
      "tpu.region"() ({
        %run_scoped3A = tpu.sem_alloc : memref<!tpu.dma_semaphore, #tpu.memory_space<semaphore_mem>>
        %dma_start3A = arith.constant 0 : i32
        %dma_start3A_14 = tpu.memref_slice %arg6[%scan3A_13, %dma_start3A] : memref<40x128xi32, #tpu.memory_space<vmem>> -> memref<1x128xi32, #tpu.memory_space<vmem>>
        %dma_start3A_15 = tpu.memref_squeeze %dma_start3A_14 : memref<1x128xi32, #tpu.memory_space<vmem>> -> memref<128xi32, #tpu.memory_space<vmem>>
        %dma_start3A_16 = arith.constant 0 : i32
        %dma_start3A_17 = arith.constant 0 : i32
        %dma_start3A_18 = tpu.memref_slice %arg8[%dma_start3A_16, %dma_start3A_17] : memref<10112x128xf32, #tpu.memory_space<vmem_shared>> -> memref<10112x128xf32, #tpu.memory_space<vmem_shared>>
        tpu.enqueue_indirect_dma source(%arg7 : memref<128x128xf32, #tpu.memory_space<vmem>>) target(%dma_start3A_18 : memref<10112x128xf32, #tpu.memory_space<vmem_shared>>) offsets(%dma_start3A_15 : memref<128xi32, #tpu.memory_space<vmem>>) semaphore(%run_scoped3A : memref<!tpu.dma_semaphore, #tpu.memory_space<semaphore_mem>>) {add = true}
        %dma_wait3A = arith.constant 0 : i32
        %dma_wait3A_19 = tpu.memref_slice %arg6[%scan3A_13, %dma_wait3A] : memref<40x128xi32, #tpu.memory_space<vmem>> -> memref<1x128xi32, #tpu.memory_space<vmem>>
        %dma_wait3A_20 = tpu.memref_squeeze %dma_wait3A_19 : memref<1x128xi32, #tpu.memory_space<vmem>> -> memref<128xi32, #tpu.memory_space<vmem>>
        %dma_wait3A_21 = arith.constant 0 : i32
        %dma_wait3A_22 = arith.constant 0 : i32
        %dma_wait3A_23 = tpu.memref_slice %arg8[%dma_wait3A_21, %dma_wait3A_22] : memref<10112x128xf32, #tpu.memory_space<vmem_shared>> -> memref<10112x128xf32, #tpu.memory_space<vmem_shared>>
        tpu.wait_indirect_dma semaphore(%run_scoped3A : memref<!tpu.dma_semaphore, #tpu.memory_space<semaphore_mem>>) src(%arg7 : memref<128x128xf32, #tpu.memory_space<vmem>>) dst(%dma_wait3A_23 : memref<10112x128xf32, #tpu.memory_space<vmem_shared>>)
        tpu.yield
      }) : () -> ()
    }
    %scan3A_7 = arith.constant 40 : i32
    %barrier3A_8 = arith.constant 0 : index
    tpu.barrier barrier_id(%barrier3A_8)
    %mul3A_9 = arith.constant 632 : i32
    %mul3A_10 = arith.muli %arg1, %mul3A_9 : i32
    %mul3A_11 = arith.constant 632 : i32
    %mul3A_12 = arith.muli %arg1, %mul3A_11 : i32
    "tpu.region"() ({
      %run_scoped3A = tpu.sem_alloc : memref<!tpu.dma_semaphore, #tpu.memory_space<semaphore_mem>>
      %dma_start3A = arith.constant 0 : i32
      %dma_start3A_13 = arith.constant 0 : i32
      %dma_start3A_14 = tpu.memref_slice %arg5[%arg0, %dma_start3A, %dma_start3A_13] : memref<2x10112x128xf32, #tpu.memory_space<hbm>> -> memref<1x10112x128xf32, #tpu.memory_space<hbm>>
      %dma_start3A_15 = tpu.memref_squeeze %dma_start3A_14 : memref<1x10112x128xf32, #tpu.memory_space<hbm>> -> memref<10112x128xf32, #tpu.memory_space<hbm>>
      %dma_start3A_16 = arith.constant 0 : i32
      %dma_start3A_17 = tpu.memref_slice %dma_start3A_15[%mul3A_12, %dma_start3A_16] : memref<10112x128xf32, #tpu.memory_space<hbm>> -> memref<632x128xf32, #tpu.memory_space<hbm>>
      %dma_start3A_18 = arith.constant 0 : i32
      %dma_start3A_19 = tpu.memref_slice %arg8[%mul3A_10, %dma_start3A_18] : memref<10112x128xf32, #tpu.memory_space<vmem_shared>> -> memref<632x128xf32, #tpu.memory_space<vmem_shared>>
      tpu.enqueue_dma source(%dma_start3A_19 : memref<632x128xf32, #tpu.memory_space<vmem_shared>>) target(%dma_start3A_17 : memref<632x128xf32, #tpu.memory_space<hbm>>) target_semaphore(%run_scoped3A : memref<!tpu.dma_semaphore, #tpu.memory_space<semaphore_mem>>)
      %dma_wait3A = arith.constant 0 : i32
      %dma_wait3A_20 = arith.constant 0 : i32
      %dma_wait3A_21 = tpu.memref_slice %arg5[%arg0, %dma_wait3A, %dma_wait3A_20] : memref<2x10112x128xf32, #tpu.memory_space<hbm>> -> memref<1x10112x128xf32, #tpu.memory_space<hbm>>
      %dma_wait3A_22 = tpu.memref_squeeze %dma_wait3A_21 : memref<1x10112x128xf32, #tpu.memory_space<hbm>> -> memref<10112x128xf32, #tpu.memory_space<hbm>>
      %dma_wait3A_23 = arith.constant 0 : i32
      %dma_wait3A_24 = tpu.memref_slice %dma_wait3A_22[%mul3A_12, %dma_wait3A_23] : memref<10112x128xf32, #tpu.memory_space<hbm>> -> memref<632x128xf32, #tpu.memory_space<hbm>>
      %dma_wait3A_25 = arith.constant 0 : i32
      %dma_wait3A_26 = tpu.memref_slice %arg8[%mul3A_10, %dma_wait3A_25] : memref<10112x128xf32, #tpu.memory_space<vmem_shared>> -> memref<632x128xf32, #tpu.memory_space<vmem_shared>>
      tpu.wait_dma2 semaphore(%run_scoped3A : memref<!tpu.dma_semaphore, #tpu.memory_space<semaphore_mem>>) src(%dma_wait3A_26 : memref<632x128xf32, #tpu.memory_space<vmem_shared>>) dst(%dma_wait3A_24 : memref<632x128xf32, #tpu.memory_space<hbm>>)
      tpu.yield
    }) : () -> ()
    return
  }
}

#map = affine_map<(d0, d1) -> (0, 0)>
#map1 = affine_map<(d0, d1) -> (0, 0, 0)>
module attributes {stable_mosaic.version = 14 : i64} {
  func.func @_scat_body(%arg0: i32, %arg1: i32, %arg2: memref<10000x128xf32, #tpu.memory_space<hbm>>, %arg3: memref<10000x128xf32, #tpu.memory_space<hbm>>, %arg4: memref<10000x128xf32, #tpu.memory_space<hbm>>, %arg5: memref<10000x128xf32, #tpu.memory_space<hbm>>, %arg6: memref<32x40x128xi32, #tpu.memory_space<hbm>>, %arg7: memref<32x40x128xi32, #tpu.memory_space<hbm>>, %arg8: memref<632x128xf32, #tpu.memory_space<hbm>>, %arg9: memref<2x10112x128xf32, #tpu.memory_space<hbm>>, %arg10: memref<2x10112x128xf32, #tpu.memory_space<hbm>>, %arg11: memref<2x10112x128xf32, #tpu.memory_space<hbm>>, %arg12: memref<2x10112x128xf32, #tpu.memory_space<hbm>>, %arg13: memref<40x128xi32, #tpu.memory_space<vmem>>, %arg14: memref<40x128xi32, #tpu.memory_space<vmem>>, %arg15: memref<2x128x128xf32, #tpu.memory_space<vmem>>, %arg16: memref<2x!tpu.dma_semaphore, #tpu.memory_space<semaphore_mem>>, %arg17: memref<2x!tpu.dma_semaphore, #tpu.memory_space<semaphore_mem>>, %arg18: memref<10112x128xf32, #tpu.memory_space<vmem_shared>>) attributes {dimension_semantics = [#tpu.dimension_semantics<core_parallel>, #tpu.dimension_semantics<subcore_parallel>], iteration_bounds = array<i64: 2, 16>, scalar_prefetch = 0 : i64, scratch_operands = 6 : i64, tpu.core_type = #tpu.core_type<sc_vector_subcore>, window_params = [{transform_indices = #map}, {transform_indices = #map}, {transform_indices = #map}, {transform_indices = #map}, {transform_indices = #map1}, {transform_indices = #map1}, {transform_indices = #map}, {transform_indices = #map1}, {transform_indices = #map1}, {transform_indices = #map1}, {transform_indices = #map1}]} {
    %mul3A = arith.constant 16 : i32
    %mul3A_0 = arith.muli %arg0, %mul3A : i32
    %add3A = arith.addi %mul3A_0, %arg1 : i32
    "tpu.region"() ({
      %run_scoped3A_302 = tpu.sem_alloc : memref<!tpu.dma_semaphore, #tpu.memory_space<semaphore_mem>>
      %dma_start3A_303 = arith.constant 0 : i32
      %dma_start3A_304 = arith.constant 0 : i32
      %dma_start3A_305 = tpu.memref_slice %arg6[%add3A, %dma_start3A_303, %dma_start3A_304] : memref<32x40x128xi32, #tpu.memory_space<hbm>> -> memref<1x40x128xi32, #tpu.memory_space<hbm>>
      %dma_start3A_306 = tpu.memref_squeeze %dma_start3A_305 : memref<1x40x128xi32, #tpu.memory_space<hbm>> -> memref<40x128xi32, #tpu.memory_space<hbm>>
      %dma_start3A_307 = arith.constant 0 : i32
      %dma_start3A_308 = arith.constant 0 : i32
      %dma_start3A_309 = tpu.memref_slice %arg6[%add3A, %dma_start3A_307, %dma_start3A_308] : memref<32x40x128xi32, #tpu.memory_space<hbm>> -> memref<1x40x128xi32, #tpu.memory_space<hbm>>
      %dma_start3A_310 = tpu.memref_squeeze %dma_start3A_309 : memref<1x40x128xi32, #tpu.memory_space<hbm>> -> memref<40x128xi32, #tpu.memory_space<hbm>>
      tpu.enqueue_dma source(%dma_start3A_310 : memref<40x128xi32, #tpu.memory_space<hbm>>) target(%arg13 : memref<40x128xi32, #tpu.memory_space<vmem>>) target_semaphore(%run_scoped3A_302 : memref<!tpu.dma_semaphore, #tpu.memory_space<semaphore_mem>>)
      %dma_wait3A_311 = arith.constant 0 : i32
      %dma_wait3A_312 = arith.constant 0 : i32
      %dma_wait3A_313 = tpu.memref_slice %arg6[%add3A, %dma_wait3A_311, %dma_wait3A_312] : memref<32x40x128xi32, #tpu.memory_space<hbm>> -> memref<1x40x128xi32, #tpu.memory_space<hbm>>
      %dma_wait3A_314 = tpu.memref_squeeze %dma_wait3A_313 : memref<1x40x128xi32, #tpu.memory_space<hbm>> -> memref<40x128xi32, #tpu.memory_space<hbm>>
      %dma_wait3A_315 = arith.constant 0 : i32
      %dma_wait3A_316 = arith.constant 0 : i32
      %dma_wait3A_317 = tpu.memref_slice %arg6[%add3A, %dma_wait3A_315, %dma_wait3A_316] : memref<32x40x128xi32, #tpu.memory_space<hbm>> -> memref<1x40x128xi32, #tpu.memory_space<hbm>>
      %dma_wait3A_318 = tpu.memref_squeeze %dma_wait3A_317 : memref<1x40x128xi32, #tpu.memory_space<hbm>> -> memref<40x128xi32, #tpu.memory_space<hbm>>
      tpu.wait_dma2 semaphore(%run_scoped3A_302 : memref<!tpu.dma_semaphore, #tpu.memory_space<semaphore_mem>>) src(%dma_wait3A_318 : memref<40x128xi32, #tpu.memory_space<hbm>>) dst(%arg13 : memref<40x128xi32, #tpu.memory_space<vmem>>)
      tpu.yield
    }) : () -> ()
    "tpu.region"() ({
      %run_scoped3A_302 = tpu.sem_alloc : memref<!tpu.dma_semaphore, #tpu.memory_space<semaphore_mem>>
      %dma_start3A_303 = arith.constant 0 : i32
      %dma_start3A_304 = arith.constant 0 : i32
      %dma_start3A_305 = tpu.memref_slice %arg7[%add3A, %dma_start3A_303, %dma_start3A_304] : memref<32x40x128xi32, #tpu.memory_space<hbm>> -> memref<1x40x128xi32, #tpu.memory_space<hbm>>
      %dma_start3A_306 = tpu.memref_squeeze %dma_start3A_305 : memref<1x40x128xi32, #tpu.memory_space<hbm>> -> memref<40x128xi32, #tpu.memory_space<hbm>>
      %dma_start3A_307 = arith.constant 0 : i32
      %dma_start3A_308 = arith.constant 0 : i32
      %dma_start3A_309 = tpu.memref_slice %arg7[%add3A, %dma_start3A_307, %dma_start3A_308] : memref<32x40x128xi32, #tpu.memory_space<hbm>> -> memref<1x40x128xi32, #tpu.memory_space<hbm>>
      %dma_start3A_310 = tpu.memref_squeeze %dma_start3A_309 : memref<1x40x128xi32, #tpu.memory_space<hbm>> -> memref<40x128xi32, #tpu.memory_space<hbm>>
      tpu.enqueue_dma source(%dma_start3A_310 : memref<40x128xi32, #tpu.memory_space<hbm>>) target(%arg14 : memref<40x128xi32, #tpu.memory_space<vmem>>) target_semaphore(%run_scoped3A_302 : memref<!tpu.dma_semaphore, #tpu.memory_space<semaphore_mem>>)
      %dma_wait3A_311 = arith.constant 0 : i32
      %dma_wait3A_312 = arith.constant 0 : i32
      %dma_wait3A_313 = tpu.memref_slice %arg7[%add3A, %dma_wait3A_311, %dma_wait3A_312] : memref<32x40x128xi32, #tpu.memory_space<hbm>> -> memref<1x40x128xi32, #tpu.memory_space<hbm>>
      %dma_wait3A_314 = tpu.memref_squeeze %dma_wait3A_313 : memref<1x40x128xi32, #tpu.memory_space<hbm>> -> memref<40x128xi32, #tpu.memory_space<hbm>>
      %dma_wait3A_315 = arith.constant 0 : i32
      %dma_wait3A_316 = arith.constant 0 : i32
      %dma_wait3A_317 = tpu.memref_slice %arg7[%add3A, %dma_wait3A_315, %dma_wait3A_316] : memref<32x40x128xi32, #tpu.memory_space<hbm>> -> memref<1x40x128xi32, #tpu.memory_space<hbm>>
      %dma_wait3A_318 = tpu.memref_squeeze %dma_wait3A_317 : memref<1x40x128xi32, #tpu.memory_space<hbm>> -> memref<40x128xi32, #tpu.memory_space<hbm>>
      tpu.wait_dma2 semaphore(%run_scoped3A_302 : memref<!tpu.dma_semaphore, #tpu.memory_space<semaphore_mem>>) src(%dma_wait3A_318 : memref<40x128xi32, #tpu.memory_space<hbm>>) dst(%arg14 : memref<40x128xi32, #tpu.memory_space<vmem>>)
      tpu.yield
    }) : () -> ()
    %dma_start3A = arith.constant 0 : i32
    %dma_start3A_1 = arith.constant 0 : i32
    %dma_start3A_2 = arith.constant 0 : i32
    %dma_start3A_3 = arith.constant 0 : i32
    %dma_start3A_4 = arith.constant 0 : i32
    %dma_start3A_5 = tpu.memref_slice %arg15[%dma_start3A_1, %dma_start3A_3, %dma_start3A_4] : memref<2x128x128xf32, #tpu.memory_space<vmem>> -> memref<1x128x128xf32, #tpu.memory_space<vmem>>
    %dma_start3A_6 = tpu.memref_squeeze %dma_start3A_5 : memref<1x128x128xf32, #tpu.memory_space<vmem>> -> memref<128x128xf32, #tpu.memory_space<vmem>>
    %dma_start3A_7 = arith.constant 0 : i32
    %dma_start3A_8 = tpu.memref_slice %arg13[%dma_start3A, %dma_start3A_7] : memref<40x128xi32, #tpu.memory_space<vmem>> -> memref<1x128xi32, #tpu.memory_space<vmem>>
    %dma_start3A_9 = tpu.memref_squeeze %dma_start3A_8 : memref<1x128xi32, #tpu.memory_space<vmem>> -> memref<128xi32, #tpu.memory_space<vmem>>
    %dma_start3A_10 = arith.constant 0 : i32
    %dma_start3A_11 = arith.constant 0 : i32
    %dma_start3A_12 = tpu.memref_slice %arg2[%dma_start3A_10, %dma_start3A_11] : memref<10000x128xf32, #tpu.memory_space<hbm>> -> memref<10000x128xf32, #tpu.memory_space<hbm>>
    %dma_start3A_13 = tpu.memref_slice %arg16[%dma_start3A_2] : memref<2x!tpu.dma_semaphore, #tpu.memory_space<semaphore_mem>> -> memref<1x!tpu.dma_semaphore, #tpu.memory_space<semaphore_mem>>
    %dma_start3A_14 = tpu.memref_squeeze %dma_start3A_13 : memref<1x!tpu.dma_semaphore, #tpu.memory_space<semaphore_mem>> -> memref<!tpu.dma_semaphore, #tpu.memory_space<semaphore_mem>>
    tpu.enqueue_indirect_dma source(%dma_start3A_12 : memref<10000x128xf32, #tpu.memory_space<hbm>>) target(%dma_start3A_6 : memref<128x128xf32, #tpu.memory_space<vmem>>) offsets(%dma_start3A_9 : memref<128xi32, #tpu.memory_space<vmem>>) semaphore(%dma_start3A_14 : memref<!tpu.dma_semaphore, #tpu.memory_space<semaphore_mem>>)
    %dma_start3A_15 = arith.constant 1 : i32
    %dma_start3A_16 = arith.constant 1 : i32
    %dma_start3A_17 = arith.constant 1 : i32
    %dma_start3A_18 = arith.constant 0 : i32
    %dma_start3A_19 = arith.constant 0 : i32
    %dma_start3A_20 = tpu.memref_slice %arg15[%dma_start3A_16, %dma_start3A_18, %dma_start3A_19] : memref<2x128x128xf32, #tpu.memory_space<vmem>> -> memref<1x128x128xf32, #tpu.memory_space<vmem>>
    %dma_start3A_21 = tpu.memref_squeeze %dma_start3A_20 : memref<1x128x128xf32, #tpu.memory_space<vmem>> -> memref<128x128xf32, #tpu.memory_space<vmem>>
    %dma_start3A_22 = arith.constant 0 : i32
    %dma_start3A_23 = tpu.memref_slice %arg13[%dma_start3A_15, %dma_start3A_22] : memref<40x128xi32, #tpu.memory_space<vmem>> -> memref<1x128xi32, #tpu.memory_space<vmem>>
    %dma_start3A_24 = tpu.memref_squeeze %dma_start3A_23 : memref<1x128xi32, #tpu.memory_space<vmem>> -> memref<128xi32, #tpu.memory_space<vmem>>
    %dma_start3A_25 = arith.constant 0 : i32
    %dma_start3A_26 = arith.constant 0 : i32
    %dma_start3A_27 = tpu.memref_slice %arg2[%dma_start3A_25, %dma_start3A_26] : memref<10000x128xf32, #tpu.memory_space<hbm>> -> memref<10000x128xf32, #tpu.memory_space<hbm>>
    %dma_start3A_28 = tpu.memref_slice %arg16[%dma_start3A_17] : memref<2x!tpu.dma_semaphore, #tpu.memory_space<semaphore_mem>> -> memref<1x!tpu.dma_semaphore, #tpu.memory_space<semaphore_mem>>
    %dma_start3A_29 = tpu.memref_squeeze %dma_start3A_28 : memref<1x!tpu.dma_semaphore, #tpu.memory_space<semaphore_mem>> -> memref<!tpu.dma_semaphore, #tpu.memory_space<semaphore_mem>>
    tpu.enqueue_indirect_dma source(%dma_start3A_27 : memref<10000x128xf32, #tpu.memory_space<hbm>>) target(%dma_start3A_21 : memref<128x128xf32, #tpu.memory_space<vmem>>) offsets(%dma_start3A_24 : memref<128xi32, #tpu.memory_space<vmem>>) semaphore(%dma_start3A_29 : memref<!tpu.dma_semaphore, #tpu.memory_space<semaphore_mem>>)
    %mul3A_30 = arith.constant 632 : i32
    %mul3A_31 = arith.muli %arg1, %mul3A_30 : i32
    "tpu.region"() ({
      %run_scoped3A_302 = tpu.sem_alloc : memref<!tpu.dma_semaphore, #tpu.memory_space<semaphore_mem>>
      %dma_start3A_303 = arith.constant 0 : i32
      %dma_start3A_304 = tpu.memref_slice %arg18[%mul3A_31, %dma_start3A_303] : memref<10112x128xf32, #tpu.memory_space<vmem_shared>> -> memref<632x128xf32, #tpu.memory_space<vmem_shared>>
      tpu.enqueue_dma source(%arg8 : memref<632x128xf32, #tpu.memory_space<hbm>>) target(%dma_start3A_304 : memref<632x128xf32, #tpu.memory_space<vmem_shared>>) target_semaphore(%run_scoped3A_302 : memref<!tpu.dma_semaphore, #tpu.memory_space<semaphore_mem>>)
      %dma_wait3A_305 = arith.constant 0 : i32
      %dma_wait3A_306 = tpu.memref_slice %arg18[%mul3A_31, %dma_wait3A_305] : memref<10112x128xf32, #tpu.memory_space<vmem_shared>> -> memref<632x128xf32, #tpu.memory_space<vmem_shared>>
      tpu.wait_dma2 semaphore(%run_scoped3A_302 : memref<!tpu.dma_semaphore, #tpu.memory_space<semaphore_mem>>) src(%arg8 : memref<632x128xf32, #tpu.memory_space<hbm>>) dst(%dma_wait3A_306 : memref<632x128xf32, #tpu.memory_space<vmem_shared>>)
      tpu.yield
    }) : () -> ()
    %barrier3A = arith.constant 0 : index
    tpu.barrier barrier_id(%barrier3A)
    %scan3A = arith.constant 0 : i32
    %scan3A_32 = arith.constant 0 : i32
    %scan3A_33 = arith.constant 19 : i32
    %scan3A_34 = arith.addi %scan3A_32, %scan3A_33 : i32
    %scan3A_35 = arith.constant 1 : i32
    scf.for %scan3A_302 = %scan3A_32 to %scan3A_34 step %scan3A_35  : i32 {
      %mul3A_303 = arith.constant 2 : i32
      %mul3A_304 = arith.muli %mul3A_303, %scan3A_302 : i32
      %add3A_305 = arith.constant 0 : i32
      %add3A_306 = arith.addi %mul3A_304, %add3A_305 : i32
      %dma_wait3A_307 = arith.constant 0 : i32
      %dma_wait3A_308 = arith.constant 0 : i32
      %dma_wait3A_309 = arith.constant 0 : i32
      %dma_wait3A_310 = arith.constant 0 : i32
      %dma_wait3A_311 = tpu.memref_slice %arg15[%dma_wait3A_307, %dma_wait3A_309, %dma_wait3A_310] : memref<2x128x128xf32, #tpu.memory_space<vmem>> -> memref<1x128x128xf32, #tpu.memory_space<vmem>>
      %dma_wait3A_312 = tpu.memref_squeeze %dma_wait3A_311 : memref<1x128x128xf32, #tpu.memory_space<vmem>> -> memref<128x128xf32, #tpu.memory_space<vmem>>
      %dma_wait3A_313 = arith.constant 0 : i32
      %dma_wait3A_314 = tpu.memref_slice %arg13[%add3A_306, %dma_wait3A_313] : memref<40x128xi32, #tpu.memory_space<vmem>> -> memref<1x128xi32, #tpu.memory_space<vmem>>
      %dma_wait3A_315 = tpu.memref_squeeze %dma_wait3A_314 : memref<1x128xi32, #tpu.memory_space<vmem>> -> memref<128xi32, #tpu.memory_space<vmem>>
      %dma_wait3A_316 = arith.constant 0 : i32
      %dma_wait3A_317 = arith.constant 0 : i32
      %dma_wait3A_318 = tpu.memref_slice %arg2[%dma_wait3A_316, %dma_wait3A_317] : memref<10000x128xf32, #tpu.memory_space<hbm>> -> memref<10000x128xf32, #tpu.memory_space<hbm>>
      %dma_wait3A_319 = tpu.memref_slice %arg16[%dma_wait3A_308] : memref<2x!tpu.dma_semaphore, #tpu.memory_space<semaphore_mem>> -> memref<1x!tpu.dma_semaphore, #tpu.memory_space<semaphore_mem>>
      %dma_wait3A_320 = tpu.memref_squeeze %dma_wait3A_319 : memref<1x!tpu.dma_semaphore, #tpu.memory_space<semaphore_mem>> -> memref<!tpu.dma_semaphore, #tpu.memory_space<semaphore_mem>>
      tpu.wait_indirect_dma semaphore(%dma_wait3A_320 : memref<!tpu.dma_semaphore, #tpu.memory_space<semaphore_mem>>) src(%dma_wait3A_318 : memref<10000x128xf32, #tpu.memory_space<hbm>>) dst(%dma_wait3A_312 : memref<128x128xf32, #tpu.memory_space<vmem>>)
      %run_scoped3A_321 = arith.constant 0 : i32
      "tpu.region"() ({
        %run_scoped3A_373 = tpu.sem_alloc : memref<!tpu.dma_semaphore, #tpu.memory_space<semaphore_mem>>
        %dma_start3A_374 = arith.constant 0 : i32
        %dma_start3A_375 = arith.constant 0 : i32
        %dma_start3A_376 = tpu.memref_slice %arg15[%run_scoped3A_321, %dma_start3A_374, %dma_start3A_375] : memref<2x128x128xf32, #tpu.memory_space<vmem>> -> memref<1x128x128xf32, #tpu.memory_space<vmem>>
        %dma_start3A_377 = tpu.memref_squeeze %dma_start3A_376 : memref<1x128x128xf32, #tpu.memory_space<vmem>> -> memref<128x128xf32, #tpu.memory_space<vmem>>
        %dma_start3A_378 = arith.constant 0 : i32
        %dma_start3A_379 = tpu.memref_slice %arg14[%add3A_306, %dma_start3A_378] : memref<40x128xi32, #tpu.memory_space<vmem>> -> memref<1x128xi32, #tpu.memory_space<vmem>>
        %dma_start3A_380 = tpu.memref_squeeze %dma_start3A_379 : memref<1x128xi32, #tpu.memory_space<vmem>> -> memref<128xi32, #tpu.memory_space<vmem>>
        %dma_start3A_381 = arith.constant 0 : i32
        %dma_start3A_382 = arith.constant 0 : i32
        %dma_start3A_383 = tpu.memref_slice %arg18[%dma_start3A_381, %dma_start3A_382] : memref<10112x128xf32, #tpu.memory_space<vmem_shared>> -> memref<10112x128xf32, #tpu.memory_space<vmem_shared>>
        tpu.enqueue_indirect_dma source(%dma_start3A_377 : memref<128x128xf32, #tpu.memory_space<vmem>>) target(%dma_start3A_383 : memref<10112x128xf32, #tpu.memory_space<vmem_shared>>) offsets(%dma_start3A_380 : memref<128xi32, #tpu.memory_space<vmem>>) semaphore(%run_scoped3A_373 : memref<!tpu.dma_semaphore, #tpu.memory_space<semaphore_mem>>) {add = true}
        %dma_wait3A_384 = arith.constant 0 : i32
        %dma_wait3A_385 = arith.constant 0 : i32
        %dma_wait3A_386 = tpu.memref_slice %arg15[%run_scoped3A_321, %dma_wait3A_384, %dma_wait3A_385] : memref<2x128x128xf32, #tpu.memory_space<vmem>> -> memref<1x128x128xf32, #tpu.memory_space<vmem>>
        %dma_wait3A_387 = tpu.memref_squeeze %dma_wait3A_386 : memref<1x128x128xf32, #tpu.memory_space<vmem>> -> memref<128x128xf32, #tpu.memory_space<vmem>>
        %dma_wait3A_388 = arith.constant 0 : i32
        %dma_wait3A_389 = tpu.memref_slice %arg14[%add3A_306, %dma_wait3A_388] : memref<40x128xi32, #tpu.memory_space<vmem>> -> memref<1x128xi32, #tpu.memory_space<vmem>>
        %dma_wait3A_390 = tpu.memref_squeeze %dma_wait3A_389 : memref<1x128xi32, #tpu.memory_space<vmem>> -> memref<128xi32, #tpu.memory_space<vmem>>
        %dma_wait3A_391 = arith.constant 0 : i32
        %dma_wait3A_392 = arith.constant 0 : i32
        %dma_wait3A_393 = tpu.memref_slice %arg18[%dma_wait3A_391, %dma_wait3A_392] : memref<10112x128xf32, #tpu.memory_space<vmem_shared>> -> memref<10112x128xf32, #tpu.memory_space<vmem_shared>>
        tpu.wait_indirect_dma semaphore(%run_scoped3A_373 : memref<!tpu.dma_semaphore, #tpu.memory_space<semaphore_mem>>) src(%dma_wait3A_387 : memref<128x128xf32, #tpu.memory_space<vmem>>) dst(%dma_wait3A_393 : memref<10112x128xf32, #tpu.memory_space<vmem_shared>>)
        tpu.yield
      }) : () -> ()
      %add3A_322 = arith.constant 2 : i32
      %add3A_323 = arith.addi %add3A_306, %add3A_322 : i32
      %dma_start3A_324 = arith.constant 0 : i32
      %dma_start3A_325 = arith.constant 0 : i32
      %dma_start3A_326 = arith.constant 0 : i32
      %dma_start3A_327 = arith.constant 0 : i32
      %dma_start3A_328 = tpu.memref_slice %arg15[%dma_start3A_324, %dma_start3A_326, %dma_start3A_327] : memref<2x128x128xf32, #tpu.memory_space<vmem>> -> memref<1x128x128xf32, #tpu.memory_space<vmem>>
      %dma_start3A_329 = tpu.memref_squeeze %dma_start3A_328 : memref<1x128x128xf32, #tpu.memory_space<vmem>> -> memref<128x128xf32, #tpu.memory_space<vmem>>
      %dma_start3A_330 = arith.constant 0 : i32
      %dma_start3A_331 = tpu.memref_slice %arg13[%add3A_323, %dma_start3A_330] : memref<40x128xi32, #tpu.memory_space<vmem>> -> memref<1x128xi32, #tpu.memory_space<vmem>>
      %dma_start3A_332 = tpu.memref_squeeze %dma_start3A_331 : memref<1x128xi32, #tpu.memory_space<vmem>> -> memref<128xi32, #tpu.memory_space<vmem>>
      %dma_start3A_333 = arith.constant 0 : i32
      %dma_start3A_334 = arith.constant 0 : i32
      %dma_start3A_335 = tpu.memref_slice %arg2[%dma_start3A_333, %dma_start3A_334] : memref<10000x128xf32, #tpu.memory_space<hbm>> -> memref<10000x128xf32, #tpu.memory_space<hbm>>
      %dma_start3A_336 = tpu.memref_slice %arg16[%dma_start3A_325] : memref<2x!tpu.dma_semaphore, #tpu.memory_space<semaphore_mem>> -> memref<1x!tpu.dma_semaphore, #tpu.memory_space<semaphore_mem>>
      %dma_start3A_337 = tpu.memref_squeeze %dma_start3A_336 : memref<1x!tpu.dma_semaphore, #tpu.memory_space<semaphore_mem>> -> memref<!tpu.dma_semaphore, #tpu.memory_space<semaphore_mem>>
      tpu.enqueue_indirect_dma source(%dma_start3A_335 : memref<10000x128xf32, #tpu.memory_space<hbm>>) target(%dma_start3A_329 : memref<128x128xf32, #tpu.memory_space<vmem>>) offsets(%dma_start3A_332 : memref<128xi32, #tpu.memory_space<vmem>>) semaphore(%dma_start3A_337 : memref<!tpu.dma_semaphore, #tpu.memory_space<semaphore_mem>>)
      %mul3A_338 = arith.constant 2 : i32
      %mul3A_339 = arith.muli %mul3A_338, %scan3A_302 : i32
      %add3A_340 = arith.constant 1 : i32
      %add3A_341 = arith.addi %mul3A_339, %add3A_340 : i32
      %dma_wait3A_342 = arith.constant 1 : i32
      %dma_wait3A_343 = arith.constant 1 : i32
      %dma_wait3A_344 = arith.constant 0 : i32
      %dma_wait3A_345 = arith.constant 0 : i32
      %dma_wait3A_346 = tpu.memref_slice %arg15[%dma_wait3A_342, %dma_wait3A_344, %dma_wait3A_345] : memref<2x128x128xf32, #tpu.memory_space<vmem>> -> memref<1x128x128xf32, #tpu.memory_space<vmem>>
      %dma_wait3A_347 = tpu.memref_squeeze %dma_wait3A_346 : memref<1x128x128xf32, #tpu.memory_space<vmem>> -> memref<128x128xf32, #tpu.memory_space<vmem>>
      %dma_wait3A_348 = arith.constant 0 : i32
      %dma_wait3A_349 = tpu.memref_slice %arg13[%add3A_341, %dma_wait3A_348] : memref<40x128xi32, #tpu.memory_space<vmem>> -> memref<1x128xi32, #tpu.memory_space<vmem>>
      %dma_wait3A_350 = tpu.memref_squeeze %dma_wait3A_349 : memref<1x128xi32, #tpu.memory_space<vmem>> -> memref<128xi32, #tpu.memory_space<vmem>>
      %dma_wait3A_351 = arith.constant 0 : i32
      %dma_wait3A_352 = arith.constant 0 : i32
      %dma_wait3A_353 = tpu.memref_slice %arg2[%dma_wait3A_351, %dma_wait3A_352] : memref<10000x128xf32, #tpu.memory_space<hbm>> -> memref<10000x128xf32, #tpu.memory_space<hbm>>
      %dma_wait3A_354 = tpu.memref_slice %arg16[%dma_wait3A_343] : memref<2x!tpu.dma_semaphore, #tpu.memory_space<semaphore_mem>> -> memref<1x!tpu.dma_semaphore, #tpu.memory_space<semaphore_mem>>
      %dma_wait3A_355 = tpu.memref_squeeze %dma_wait3A_354 : memref<1x!tpu.dma_semaphore, #tpu.memory_space<semaphore_mem>> -> memref<!tpu.dma_semaphore, #tpu.memory_space<semaphore_mem>>
      tpu.wait_indirect_dma semaphore(%dma_wait3A_355 : memref<!tpu.dma_semaphore, #tpu.memory_space<semaphore_mem>>) src(%dma_wait3A_353 : memref<10000x128xf32, #tpu.memory_space<hbm>>) dst(%dma_wait3A_347 : memref<128x128xf32, #tpu.memory_space<vmem>>)
      %run_scoped3A_356 = arith.constant 1 : i32
      "tpu.region"() ({
        %run_scoped3A_373 = tpu.sem_alloc : memref<!tpu.dma_semaphore, #tpu.memory_space<semaphore_mem>>
        %dma_start3A_374 = arith.constant 0 : i32
        %dma_start3A_375 = arith.constant 0 : i32
        %dma_start3A_376 = tpu.memref_slice %arg15[%run_scoped3A_356, %dma_start3A_374, %dma_start3A_375] : memref<2x128x128xf32, #tpu.memory_space<vmem>> -> memref<1x128x128xf32, #tpu.memory_space<vmem>>
        %dma_start3A_377 = tpu.memref_squeeze %dma_start3A_376 : memref<1x128x128xf32, #tpu.memory_space<vmem>> -> memref<128x128xf32, #tpu.memory_space<vmem>>
        %dma_start3A_378 = arith.constant 0 : i32
        %dma_start3A_379 = tpu.memref_slice %arg14[%add3A_341, %dma_start3A_378] : memref<40x128xi32, #tpu.memory_space<vmem>> -> memref<1x128xi32, #tpu.memory_space<vmem>>
        %dma_start3A_380 = tpu.memref_squeeze %dma_start3A_379 : memref<1x128xi32, #tpu.memory_space<vmem>> -> memref<128xi32, #tpu.memory_space<vmem>>
        %dma_start3A_381 = arith.constant 0 : i32
        %dma_start3A_382 = arith.constant 0 : i32
        %dma_start3A_383 = tpu.memref_slice %arg18[%dma_start3A_381, %dma_start3A_382] : memref<10112x128xf32, #tpu.memory_space<vmem_shared>> -> memref<10112x128xf32, #tpu.memory_space<vmem_shared>>
        tpu.enqueue_indirect_dma source(%dma_start3A_377 : memref<128x128xf32, #tpu.memory_space<vmem>>) target(%dma_start3A_383 : memref<10112x128xf32, #tpu.memory_space<vmem_shared>>) offsets(%dma_start3A_380 : memref<128xi32, #tpu.memory_space<vmem>>) semaphore(%run_scoped3A_373 : memref<!tpu.dma_semaphore, #tpu.memory_space<semaphore_mem>>) {add = true}
        %dma_wait3A_384 = arith.constant 0 : i32
        %dma_wait3A_385 = arith.constant 0 : i32
        %dma_wait3A_386 = tpu.memref_slice %arg15[%run_scoped3A_356, %dma_wait3A_384, %dma_wait3A_385] : memref<2x128x128xf32, #tpu.memory_space<vmem>> -> memref<1x128x128xf32, #tpu.memory_space<vmem>>
        %dma_wait3A_387 = tpu.memref_squeeze %dma_wait3A_386 : memref<1x128x128xf32, #tpu.memory_space<vmem>> -> memref<128x128xf32, #tpu.memory_space<vmem>>
        %dma_wait3A_388 = arith.constant 0 : i32
        %dma_wait3A_389 = tpu.memref_slice %arg14[%add3A_341, %dma_wait3A_388] : memref<40x128xi32, #tpu.memory_space<vmem>> -> memref<1x128xi32, #tpu.memory_space<vmem>>
        %dma_wait3A_390 = tpu.memref_squeeze %dma_wait3A_389 : memref<1x128xi32, #tpu.memory_space<vmem>> -> memref<128xi32, #tpu.memory_space<vmem>>
        %dma_wait3A_391 = arith.constant 0 : i32
        %dma_wait3A_392 = arith.constant 0 : i32
        %dma_wait3A_393 = tpu.memref_slice %arg18[%dma_wait3A_391, %dma_wait3A_392] : memref<10112x128xf32, #tpu.memory_space<vmem_shared>> -> memref<10112x128xf32, #tpu.memory_space<vmem_shared>>
        tpu.wait_indirect_dma semaphore(%run_scoped3A_373 : memref<!tpu.dma_semaphore, #tpu.memory_space<semaphore_mem>>) src(%dma_wait3A_387 : memref<128x128xf32, #tpu.memory_space<vmem>>) dst(%dma_wait3A_393 : memref<10112x128xf32, #tpu.memory_space<vmem_shared>>)
        tpu.yield
      }) : () -> ()
      %add3A_357 = arith.constant 2 : i32
      %add3A_358 = arith.addi %add3A_341, %add3A_357 : i32
      %dma_start3A_359 = arith.constant 1 : i32
      %dma_start3A_360 = arith.constant 1 : i32
      %dma_start3A_361 = arith.constant 0 : i32
      %dma_start3A_362 = arith.constant 0 : i32
      %dma_start3A_363 = tpu.memref_slice %arg15[%dma_start3A_359, %dma_start3A_361, %dma_start3A_362] : memref<2x128x128xf32, #tpu.memory_space<vmem>> -> memref<1x128x128xf32, #tpu.memory_space<vmem>>
      %dma_start3A_364 = tpu.memref_squeeze %dma_start3A_363 : memref<1x128x128xf32, #tpu.memory_space<vmem>> -> memref<128x128xf32, #tpu.memory_space<vmem>>
      %dma_start3A_365 = arith.constant 0 : i32
      %dma_start3A_366 = tpu.memref_slice %arg13[%add3A_358, %dma_start3A_365] : memref<40x128xi32, #tpu.memory_space<vmem>> -> memref<1x128xi32, #tpu.memory_space<vmem>>
      %dma_start3A_367 = tpu.memref_squeeze %dma_start3A_366 : memref<1x128xi32, #tpu.memory_space<vmem>> -> memref<128xi32, #tpu.memory_space<vmem>>
      %dma_start3A_368 = arith.constant 0 : i32
      %dma_start3A_369 = arith.constant 0 : i32
      %dma_start3A_370 = tpu.memref_slice %arg2[%dma_start3A_368, %dma_start3A_369] : memref<10000x128xf32, #tpu.memory_space<hbm>> -> memref<10000x128xf32, #tpu.memory_space<hbm>>
      %dma_start3A_371 = tpu.memref_slice %arg16[%dma_start3A_360] : memref<2x!tpu.dma_semaphore, #tpu.memory_space<semaphore_mem>> -> memref<1x!tpu.dma_semaphore, #tpu.memory_space<semaphore_mem>>
      %dma_start3A_372 = tpu.memref_squeeze %dma_start3A_371 : memref<1x!tpu.dma_semaphore, #tpu.memory_space<semaphore_mem>> -> memref<!tpu.dma_semaphore, #tpu.memory_space<semaphore_mem>>
      tpu.enqueue_indirect_dma source(%dma_start3A_370 : memref<10000x128xf32, #tpu.memory_space<hbm>>) target(%dma_start3A_364 : memref<128x128xf32, #tpu.memory_space<vmem>>) offsets(%dma_start3A_367 : memref<128xi32, #tpu.memory_space<vmem>>) semaphore(%dma_start3A_372 : memref<!tpu.dma_semaphore, #tpu.memory_space<semaphore_mem>>)
    }
    %scan3A_36 = arith.constant 19 : i32
    %dma_wait3A = arith.constant 38 : i32
    %dma_wait3A_37 = arith.constant 0 : i32
    %dma_wait3A_38 = arith.constant 0 : i32
    %dma_wait3A_39 = arith.constant 0 : i32
    %dma_wait3A_40 = arith.constant 0 : i32
    %dma_wait3A_41 = tpu.memref_slice %arg15[%dma_wait3A_37, %dma_wait3A_39, %dma_wait3A_40] : memref<2x128x128xf32, #tpu.memory_space<vmem>> -> memref<1x128x128xf32, #tpu.memory_space<vmem>>
    %dma_wait3A_42 = tpu.memref_squeeze %dma_wait3A_41 : memref<1x128x128xf32, #tpu.memory_space<vmem>> -> memref<128x128xf32, #tpu.memory_space<vmem>>
    %dma_wait3A_43 = arith.constant 0 : i32
    %dma_wait3A_44 = tpu.memref_slice %arg13[%dma_wait3A, %dma_wait3A_43] : memref<40x128xi32, #tpu.memory_space<vmem>> -> memref<1x128xi32, #tpu.memory_space<vmem>>
    %dma_wait3A_45 = tpu.memref_squeeze %dma_wait3A_44 : memref<1x128xi32, #tpu.memory_space<vmem>> -> memref<128xi32, #tpu.memory_space<vmem>>
    %dma_wait3A_46 = arith.constant 0 : i32
    %dma_wait3A_47 = arith.constant 0 : i32
    %dma_wait3A_48 = tpu.memref_slice %arg2[%dma_wait3A_46, %dma_wait3A_47] : memref<10000x128xf32, #tpu.memory_space<hbm>> -> memref<10000x128xf32, #tpu.memory_space<hbm>>
    %dma_wait3A_49 = tpu.memref_slice %arg16[%dma_wait3A_38] : memref<2x!tpu.dma_semaphore, #tpu.memory_space<semaphore_mem>> -> memref<1x!tpu.dma_semaphore, #tpu.memory_space<semaphore_mem>>
    %dma_wait3A_50 = tpu.memref_squeeze %dma_wait3A_49 : memref<1x!tpu.dma_semaphore, #tpu.memory_space<semaphore_mem>> -> memref<!tpu.dma_semaphore, #tpu.memory_space<semaphore_mem>>
    tpu.wait_indirect_dma semaphore(%dma_wait3A_50 : memref<!tpu.dma_semaphore, #tpu.memory_space<semaphore_mem>>) src(%dma_wait3A_48 : memref<10000x128xf32, #tpu.memory_space<hbm>>) dst(%dma_wait3A_42 : memref<128x128xf32, #tpu.memory_space<vmem>>)
    %run_scoped3A = arith.constant 0 : i32
    %run_scoped3A_51 = arith.constant 38 : i32
    "tpu.region"() ({
      %run_scoped3A_302 = tpu.sem_alloc : memref<!tpu.dma_semaphore, #tpu.memory_space<semaphore_mem>>
      %dma_start3A_303 = arith.constant 0 : i32
      %dma_start3A_304 = arith.constant 0 : i32
      %dma_start3A_305 = tpu.memref_slice %arg15[%run_scoped3A, %dma_start3A_303, %dma_start3A_304] : memref<2x128x128xf32, #tpu.memory_space<vmem>> -> memref<1x128x128xf32, #tpu.memory_space<vmem>>
      %dma_start3A_306 = tpu.memref_squeeze %dma_start3A_305 : memref<1x128x128xf32, #tpu.memory_space<vmem>> -> memref<128x128xf32, #tpu.memory_space<vmem>>
      %dma_start3A_307 = arith.constant 0 : i32
      %dma_start3A_308 = tpu.memref_slice %arg14[%run_scoped3A_51, %dma_start3A_307] : memref<40x128xi32, #tpu.memory_space<vmem>> -> memref<1x128xi32, #tpu.memory_space<vmem>>
      %dma_start3A_309 = tpu.memref_squeeze %dma_start3A_308 : memref<1x128xi32, #tpu.memory_space<vmem>> -> memref<128xi32, #tpu.memory_space<vmem>>
      %dma_start3A_310 = arith.constant 0 : i32
      %dma_start3A_311 = arith.constant 0 : i32
      %dma_start3A_312 = tpu.memref_slice %arg18[%dma_start3A_310, %dma_start3A_311] : memref<10112x128xf32, #tpu.memory_space<vmem_shared>> -> memref<10112x128xf32, #tpu.memory_space<vmem_shared>>
      tpu.enqueue_indirect_dma source(%dma_start3A_306 : memref<128x128xf32, #tpu.memory_space<vmem>>) target(%dma_start3A_312 : memref<10112x128xf32, #tpu.memory_space<vmem_shared>>) offsets(%dma_start3A_309 : memref<128xi32, #tpu.memory_space<vmem>>) semaphore(%run_scoped3A_302 : memref<!tpu.dma_semaphore, #tpu.memory_space<semaphore_mem>>) {add = true}
      %dma_wait3A_313 = arith.constant 0 : i32
      %dma_wait3A_314 = arith.constant 0 : i32
      %dma_wait3A_315 = tpu.memref_slice %arg15[%run_scoped3A, %dma_wait3A_313, %dma_wait3A_314] : memref<2x128x128xf32, #tpu.memory_space<vmem>> -> memref<1x128x128xf32, #tpu.memory_space<vmem>>
      %dma_wait3A_316 = tpu.memref_squeeze %dma_wait3A_315 : memref<1x128x128xf32, #tpu.memory_space<vmem>> -> memref<128x128xf32, #tpu.memory_space<vmem>>
      %dma_wait3A_317 = arith.constant 0 : i32
      %dma_wait3A_318 = tpu.memref_slice %arg14[%run_scoped3A_51, %dma_wait3A_317] : memref<40x128xi32, #tpu.memory_space<vmem>> -> memref<1x128xi32, #tpu.memory_space<vmem>>
      %dma_wait3A_319 = tpu.memref_squeeze %dma_wait3A_318 : memref<1x128xi32, #tpu.memory_space<vmem>> -> memref<128xi32, #tpu.memory_space<vmem>>
      %dma_wait3A_320 = arith.constant 0 : i32
      %dma_wait3A_321 = arith.constant 0 : i32
      %dma_wait3A_322 = tpu.memref_slice %arg18[%dma_wait3A_320, %dma_wait3A_321] : memref<10112x128xf32, #tpu.memory_space<vmem_shared>> -> memref<10112x128xf32, #tpu.memory_space<vmem_shared>>
      tpu.wait_indirect_dma semaphore(%run_scoped3A_302 : memref<!tpu.dma_semaphore, #tpu.memory_space<semaphore_mem>>) src(%dma_wait3A_316 : memref<128x128xf32, #tpu.memory_space<vmem>>) dst(%dma_wait3A_322 : memref<10112x128xf32, #tpu.memory_space<vmem_shared>>)
      tpu.yield
    }) : () -> ()
    %dma_wait3A_52 = arith.constant 39 : i32
    %dma_wait3A_53 = arith.constant 1 : i32
    %dma_wait3A_54 = arith.constant 1 : i32
    %dma_wait3A_55 = arith.constant 0 : i32
    %dma_wait3A_56 = arith.constant 0 : i32
    %dma_wait3A_57 = tpu.memref_slice %arg15[%dma_wait3A_53, %dma_wait3A_55, %dma_wait3A_56] : memref<2x128x128xf32, #tpu.memory_space<vmem>> -> memref<1x128x128xf32, #tpu.memory_space<vmem>>
    %dma_wait3A_58 = tpu.memref_squeeze %dma_wait3A_57 : memref<1x128x128xf32, #tpu.memory_space<vmem>> -> memref<128x128xf32, #tpu.memory_space<vmem>>
    %dma_wait3A_59 = arith.constant 0 : i32
    %dma_wait3A_60 = tpu.memref_slice %arg13[%dma_wait3A_52, %dma_wait3A_59] : memref<40x128xi32, #tpu.memory_space<vmem>> -> memref<1x128xi32, #tpu.memory_space<vmem>>
    %dma_wait3A_61 = tpu.memref_squeeze %dma_wait3A_60 : memref<1x128xi32, #tpu.memory_space<vmem>> -> memref<128xi32, #tpu.memory_space<vmem>>
    %dma_wait3A_62 = arith.constant 0 : i32
    %dma_wait3A_63 = arith.constant 0 : i32
    %dma_wait3A_64 = tpu.memref_slice %arg2[%dma_wait3A_62, %dma_wait3A_63] : memref<10000x128xf32, #tpu.memory_space<hbm>> -> memref<10000x128xf32, #tpu.memory_space<hbm>>
    %dma_wait3A_65 = tpu.memref_slice %arg16[%dma_wait3A_54] : memref<2x!tpu.dma_semaphore, #tpu.memory_space<semaphore_mem>> -> memref<1x!tpu.dma_semaphore, #tpu.memory_space<semaphore_mem>>
    %dma_wait3A_66 = tpu.memref_squeeze %dma_wait3A_65 : memref<1x!tpu.dma_semaphore, #tpu.memory_space<semaphore_mem>> -> memref<!tpu.dma_semaphore, #tpu.memory_space<semaphore_mem>>
    tpu.wait_indirect_dma semaphore(%dma_wait3A_66 : memref<!tpu.dma_semaphore, #tpu.memory_space<semaphore_mem>>) src(%dma_wait3A_64 : memref<10000x128xf32, #tpu.memory_space<hbm>>) dst(%dma_wait3A_58 : memref<128x128xf32, #tpu.memory_space<vmem>>)
    %run_scoped3A_67 = arith.constant 1 : i32
    %run_scoped3A_68 = arith.constant 39 : i32
    "tpu.region"() ({
      %run_scoped3A_302 = tpu.sem_alloc : memref<!tpu.dma_semaphore, #tpu.memory_space<semaphore_mem>>
      %dma_start3A_303 = arith.constant 0 : i32
      %dma_start3A_304 = arith.constant 0 : i32
      %dma_start3A_305 = tpu.memref_slice %arg15[%run_scoped3A_67, %dma_start3A_303, %dma_start3A_304] : memref<2x128x128xf32, #tpu.memory_space<vmem>> -> memref<1x128x128xf32, #tpu.memory_space<vmem>>
      %dma_start3A_306 = tpu.memref_squeeze %dma_start3A_305 : memref<1x128x128xf32, #tpu.memory_space<vmem>> -> memref<128x128xf32, #tpu.memory_space<vmem>>
      %dma_start3A_307 = arith.constant 0 : i32
      %dma_start3A_308 = tpu.memref_slice %arg14[%run_scoped3A_68, %dma_start3A_307] : memref<40x128xi32, #tpu.memory_space<vmem>> -> memref<1x128xi32, #tpu.memory_space<vmem>>
      %dma_start3A_309 = tpu.memref_squeeze %dma_start3A_308 : memref<1x128xi32, #tpu.memory_space<vmem>> -> memref<128xi32, #tpu.memory_space<vmem>>
      %dma_start3A_310 = arith.constant 0 : i32
      %dma_start3A_311 = arith.constant 0 : i32
      %dma_start3A_312 = tpu.memref_slice %arg18[%dma_start3A_310, %dma_start3A_311] : memref<10112x128xf32, #tpu.memory_space<vmem_shared>> -> memref<10112x128xf32, #tpu.memory_space<vmem_shared>>
      tpu.enqueue_indirect_dma source(%dma_start3A_306 : memref<128x128xf32, #tpu.memory_space<vmem>>) target(%dma_start3A_312 : memref<10112x128xf32, #tpu.memory_space<vmem_shared>>) offsets(%dma_start3A_309 : memref<128xi32, #tpu.memory_space<vmem>>) semaphore(%run_scoped3A_302 : memref<!tpu.dma_semaphore, #tpu.memory_space<semaphore_mem>>) {add = true}
      %dma_wait3A_313 = arith.constant 0 : i32
      %dma_wait3A_314 = arith.constant 0 : i32
      %dma_wait3A_315 = tpu.memref_slice %arg15[%run_scoped3A_67, %dma_wait3A_313, %dma_wait3A_314] : memref<2x128x128xf32, #tpu.memory_space<vmem>> -> memref<1x128x128xf32, #tpu.memory_space<vmem>>
      %dma_wait3A_316 = tpu.memref_squeeze %dma_wait3A_315 : memref<1x128x128xf32, #tpu.memory_space<vmem>> -> memref<128x128xf32, #tpu.memory_space<vmem>>
      %dma_wait3A_317 = arith.constant 0 : i32
      %dma_wait3A_318 = tpu.memref_slice %arg14[%run_scoped3A_68, %dma_wait3A_317] : memref<40x128xi32, #tpu.memory_space<vmem>> -> memref<1x128xi32, #tpu.memory_space<vmem>>
      %dma_wait3A_319 = tpu.memref_squeeze %dma_wait3A_318 : memref<1x128xi32, #tpu.memory_space<vmem>> -> memref<128xi32, #tpu.memory_space<vmem>>
      %dma_wait3A_320 = arith.constant 0 : i32
      %dma_wait3A_321 = arith.constant 0 : i32
      %dma_wait3A_322 = tpu.memref_slice %arg18[%dma_wait3A_320, %dma_wait3A_321] : memref<10112x128xf32, #tpu.memory_space<vmem_shared>> -> memref<10112x128xf32, #tpu.memory_space<vmem_shared>>
      tpu.wait_indirect_dma semaphore(%run_scoped3A_302 : memref<!tpu.dma_semaphore, #tpu.memory_space<semaphore_mem>>) src(%dma_wait3A_316 : memref<128x128xf32, #tpu.memory_space<vmem>>) dst(%dma_wait3A_322 : memref<10112x128xf32, #tpu.memory_space<vmem_shared>>)
      tpu.yield
    }) : () -> ()
    %barrier3A_69 = arith.constant 0 : index
    tpu.barrier barrier_id(%barrier3A_69)
    %mul3A_70 = arith.constant 632 : i32
    %mul3A_71 = arith.muli %arg1, %mul3A_70 : i32
    %mul3A_72 = arith.constant 632 : i32
    %mul3A_73 = arith.muli %arg1, %mul3A_72 : i32
    "tpu.region"() ({
      %run_scoped3A_302 = tpu.sem_alloc : memref<!tpu.dma_semaphore, #tpu.memory_space<semaphore_mem>>
      %dma_start3A_303 = arith.constant 0 : i32
      %dma_start3A_304 = arith.constant 0 : i32
      %dma_start3A_305 = tpu.memref_slice %arg9[%arg0, %dma_start3A_303, %dma_start3A_304] : memref<2x10112x128xf32, #tpu.memory_space<hbm>> -> memref<1x10112x128xf32, #tpu.memory_space<hbm>>
      %dma_start3A_306 = tpu.memref_squeeze %dma_start3A_305 : memref<1x10112x128xf32, #tpu.memory_space<hbm>> -> memref<10112x128xf32, #tpu.memory_space<hbm>>
      %dma_start3A_307 = arith.constant 0 : i32
      %dma_start3A_308 = tpu.memref_slice %dma_start3A_306[%mul3A_73, %dma_start3A_307] : memref<10112x128xf32, #tpu.memory_space<hbm>> -> memref<632x128xf32, #tpu.memory_space<hbm>>
      %dma_start3A_309 = arith.constant 0 : i32
      %dma_start3A_310 = tpu.memref_slice %arg18[%mul3A_71, %dma_start3A_309] : memref<10112x128xf32, #tpu.memory_space<vmem_shared>> -> memref<632x128xf32, #tpu.memory_space<vmem_shared>>
      tpu.enqueue_dma source(%dma_start3A_310 : memref<632x128xf32, #tpu.memory_space<vmem_shared>>) target(%dma_start3A_308 : memref<632x128xf32, #tpu.memory_space<hbm>>) target_semaphore(%run_scoped3A_302 : memref<!tpu.dma_semaphore, #tpu.memory_space<semaphore_mem>>)
      %dma_wait3A_311 = arith.constant 0 : i32
      %dma_wait3A_312 = arith.constant 0 : i32
      %dma_wait3A_313 = tpu.memref_slice %arg9[%arg0, %dma_wait3A_311, %dma_wait3A_312] : memref<2x10112x128xf32, #tpu.memory_space<hbm>> -> memref<1x10112x128xf32, #tpu.memory_space<hbm>>
      %dma_wait3A_314 = tpu.memref_squeeze %dma_wait3A_313 : memref<1x10112x128xf32, #tpu.memory_space<hbm>> -> memref<10112x128xf32, #tpu.memory_space<hbm>>
      %dma_wait3A_315 = arith.constant 0 : i32
      %dma_wait3A_316 = tpu.memref_slice %dma_wait3A_314[%mul3A_73, %dma_wait3A_315] : memref<10112x128xf32, #tpu.memory_space<hbm>> -> memref<632x128xf32, #tpu.memory_space<hbm>>
      %dma_wait3A_317 = arith.constant 0 : i32
      %dma_wait3A_318 = tpu.memref_slice %arg18[%mul3A_71, %dma_wait3A_317] : memref<10112x128xf32, #tpu.memory_space<vmem_shared>> -> memref<632x128xf32, #tpu.memory_space<vmem_shared>>
      tpu.wait_dma2 semaphore(%run_scoped3A_302 : memref<!tpu.dma_semaphore, #tpu.memory_space<semaphore_mem>>) src(%dma_wait3A_318 : memref<632x128xf32, #tpu.memory_space<vmem_shared>>) dst(%dma_wait3A_316 : memref<632x128xf32, #tpu.memory_space<hbm>>)
      tpu.yield
    }) : () -> ()
    %dma_start3A_74 = arith.constant 0 : i32
    %dma_start3A_75 = arith.constant 0 : i32
    %dma_start3A_76 = arith.constant 0 : i32
    %dma_start3A_77 = arith.constant 0 : i32
    %dma_start3A_78 = arith.constant 0 : i32
    %dma_start3A_79 = tpu.memref_slice %arg15[%dma_start3A_75, %dma_start3A_77, %dma_start3A_78] : memref<2x128x128xf32, #tpu.memory_space<vmem>> -> memref<1x128x128xf32, #tpu.memory_space<vmem>>
    %dma_start3A_80 = tpu.memref_squeeze %dma_start3A_79 : memref<1x128x128xf32, #tpu.memory_space<vmem>> -> memref<128x128xf32, #tpu.memory_space<vmem>>
    %dma_start3A_81 = arith.constant 0 : i32
    %dma_start3A_82 = tpu.memref_slice %arg13[%dma_start3A_74, %dma_start3A_81] : memref<40x128xi32, #tpu.memory_space<vmem>> -> memref<1x128xi32, #tpu.memory_space<vmem>>
    %dma_start3A_83 = tpu.memref_squeeze %dma_start3A_82 : memref<1x128xi32, #tpu.memory_space<vmem>> -> memref<128xi32, #tpu.memory_space<vmem>>
    %dma_start3A_84 = arith.constant 0 : i32
    %dma_start3A_85 = arith.constant 0 : i32
    %dma_start3A_86 = tpu.memref_slice %arg3[%dma_start3A_84, %dma_start3A_85] : memref<10000x128xf32, #tpu.memory_space<hbm>> -> memref<10000x128xf32, #tpu.memory_space<hbm>>
    %dma_start3A_87 = tpu.memref_slice %arg16[%dma_start3A_76] : memref<2x!tpu.dma_semaphore, #tpu.memory_space<semaphore_mem>> -> memref<1x!tpu.dma_semaphore, #tpu.memory_space<semaphore_mem>>
    %dma_start3A_88 = tpu.memref_squeeze %dma_start3A_87 : memref<1x!tpu.dma_semaphore, #tpu.memory_space<semaphore_mem>> -> memref<!tpu.dma_semaphore, #tpu.memory_space<semaphore_mem>>
    tpu.enqueue_indirect_dma source(%dma_start3A_86 : memref<10000x128xf32, #tpu.memory_space<hbm>>) target(%dma_start3A_80 : memref<128x128xf32, #tpu.memory_space<vmem>>) offsets(%dma_start3A_83 : memref<128xi32, #tpu.memory_space<vmem>>) semaphore(%dma_start3A_88 : memref<!tpu.dma_semaphore, #tpu.memory_space<semaphore_mem>>)
    %dma_start3A_89 = arith.constant 1 : i32
    %dma_start3A_90 = arith.constant 1 : i32
    %dma_start3A_91 = arith.constant 1 : i32
    %dma_start3A_92 = arith.constant 0 : i32
    %dma_start3A_93 = arith.constant 0 : i32
    %dma_start3A_94 = tpu.memref_slice %arg15[%dma_start3A_90, %dma_start3A_92, %dma_start3A_93] : memref<2x128x128xf32, #tpu.memory_space<vmem>> -> memref<1x128x128xf32, #tpu.memory_space<vmem>>
    %dma_start3A_95 = tpu.memref_squeeze %dma_start3A_94 : memref<1x128x128xf32, #tpu.memory_space<vmem>> -> memref<128x128xf32, #tpu.memory_space<vmem>>
    %dma_start3A_96 = arith.constant 0 : i32
    %dma_start3A_97 = tpu.memref_slice %arg13[%dma_start3A_89, %dma_start3A_96] : memref<40x128xi32, #tpu.memory_space<vmem>> -> memref<1x128xi32, #tpu.memory_space<vmem>>
    %dma_start3A_98 = tpu.memref_squeeze %dma_start3A_97 : memref<1x128xi32, #tpu.memory_space<vmem>> -> memref<128xi32, #tpu.memory_space<vmem>>
    %dma_start3A_99 = arith.constant 0 : i32
    %dma_start3A_100 = arith.constant 0 : i32
    %dma_start3A_101 = tpu.memref_slice %arg3[%dma_start3A_99, %dma_start3A_100] : memref<10000x128xf32, #tpu.memory_space<hbm>> -> memref<10000x128xf32, #tpu.memory_space<hbm>>
    %dma_start3A_102 = tpu.memref_slice %arg16[%dma_start3A_91] : memref<2x!tpu.dma_semaphore, #tpu.memory_space<semaphore_mem>> -> memref<1x!tpu.dma_semaphore, #tpu.memory_space<semaphore_mem>>
    %dma_start3A_103 = tpu.memref_squeeze %dma_start3A_102 : memref<1x!tpu.dma_semaphore, #tpu.memory_space<semaphore_mem>> -> memref<!tpu.dma_semaphore, #tpu.memory_space<semaphore_mem>>
    tpu.enqueue_indirect_dma source(%dma_start3A_101 : memref<10000x128xf32, #tpu.memory_space<hbm>>) target(%dma_start3A_95 : memref<128x128xf32, #tpu.memory_space<vmem>>) offsets(%dma_start3A_98 : memref<128xi32, #tpu.memory_space<vmem>>) semaphore(%dma_start3A_103 : memref<!tpu.dma_semaphore, #tpu.memory_space<semaphore_mem>>)
    %barrier3A_104 = arith.constant 0 : index
    tpu.barrier barrier_id(%barrier3A_104)
    %scan3A_105 = arith.constant 0 : i32
    %scan3A_106 = arith.constant 0 : i32
    %scan3A_107 = arith.constant 19 : i32
    %scan3A_108 = arith.addi %scan3A_106, %scan3A_107 : i32
    %scan3A_109 = arith.constant 1 : i32
    scf.for %scan3A_302 = %scan3A_106 to %scan3A_108 step %scan3A_109  : i32 {
      %mul3A_303 = arith.constant 2 : i32
      %mul3A_304 = arith.muli %mul3A_303, %scan3A_302 : i32
      %add3A_305 = arith.constant 0 : i32
      %add3A_306 = arith.addi %mul3A_304, %add3A_305 : i32
      %dma_wait3A_307 = arith.constant 0 : i32
      %dma_wait3A_308 = arith.constant 0 : i32
      %dma_wait3A_309 = arith.constant 0 : i32
      %dma_wait3A_310 = arith.constant 0 : i32
      %dma_wait3A_311 = tpu.memref_slice %arg15[%dma_wait3A_307, %dma_wait3A_309, %dma_wait3A_310] : memref<2x128x128xf32, #tpu.memory_space<vmem>> -> memref<1x128x128xf32, #tpu.memory_space<vmem>>
      %dma_wait3A_312 = tpu.memref_squeeze %dma_wait3A_311 : memref<1x128x128xf32, #tpu.memory_space<vmem>> -> memref<128x128xf32, #tpu.memory_space<vmem>>
      %dma_wait3A_313 = arith.constant 0 : i32
      %dma_wait3A_314 = tpu.memref_slice %arg13[%add3A_306, %dma_wait3A_313] : memref<40x128xi32, #tpu.memory_space<vmem>> -> memref<1x128xi32, #tpu.memory_space<vmem>>
      %dma_wait3A_315 = tpu.memref_squeeze %dma_wait3A_314 : memref<1x128xi32, #tpu.memory_space<vmem>> -> memref<128xi32, #tpu.memory_space<vmem>>
      %dma_wait3A_316 = arith.constant 0 : i32
      %dma_wait3A_317 = arith.constant 0 : i32
      %dma_wait3A_318 = tpu.memref_slice %arg3[%dma_wait3A_316, %dma_wait3A_317] : memref<10000x128xf32, #tpu.memory_space<hbm>> -> memref<10000x128xf32, #tpu.memory_space<hbm>>
      %dma_wait3A_319 = tpu.memref_slice %arg16[%dma_wait3A_308] : memref<2x!tpu.dma_semaphore, #tpu.memory_space<semaphore_mem>> -> memref<1x!tpu.dma_semaphore, #tpu.memory_space<semaphore_mem>>
      %dma_wait3A_320 = tpu.memref_squeeze %dma_wait3A_319 : memref<1x!tpu.dma_semaphore, #tpu.memory_space<semaphore_mem>> -> memref<!tpu.dma_semaphore, #tpu.memory_space<semaphore_mem>>
      tpu.wait_indirect_dma semaphore(%dma_wait3A_320 : memref<!tpu.dma_semaphore, #tpu.memory_space<semaphore_mem>>) src(%dma_wait3A_318 : memref<10000x128xf32, #tpu.memory_space<hbm>>) dst(%dma_wait3A_312 : memref<128x128xf32, #tpu.memory_space<vmem>>)
      %run_scoped3A_321 = arith.constant 0 : i32
      "tpu.region"() ({
        %run_scoped3A_373 = tpu.sem_alloc : memref<!tpu.dma_semaphore, #tpu.memory_space<semaphore_mem>>
        %dma_start3A_374 = arith.constant 0 : i32
        %dma_start3A_375 = arith.constant 0 : i32
        %dma_start3A_376 = tpu.memref_slice %arg15[%run_scoped3A_321, %dma_start3A_374, %dma_start3A_375] : memref<2x128x128xf32, #tpu.memory_space<vmem>> -> memref<1x128x128xf32, #tpu.memory_space<vmem>>
        %dma_start3A_377 = tpu.memref_squeeze %dma_start3A_376 : memref<1x128x128xf32, #tpu.memory_space<vmem>> -> memref<128x128xf32, #tpu.memory_space<vmem>>
        %dma_start3A_378 = arith.constant 0 : i32
        %dma_start3A_379 = tpu.memref_slice %arg14[%add3A_306, %dma_start3A_378] : memref<40x128xi32, #tpu.memory_space<vmem>> -> memref<1x128xi32, #tpu.memory_space<vmem>>
        %dma_start3A_380 = tpu.memref_squeeze %dma_start3A_379 : memref<1x128xi32, #tpu.memory_space<vmem>> -> memref<128xi32, #tpu.memory_space<vmem>>
        %dma_start3A_381 = arith.constant 0 : i32
        %dma_start3A_382 = arith.constant 0 : i32
        %dma_start3A_383 = tpu.memref_slice %arg18[%dma_start3A_381, %dma_start3A_382] : memref<10112x128xf32, #tpu.memory_space<vmem_shared>> -> memref<10112x128xf32, #tpu.memory_space<vmem_shared>>
        tpu.enqueue_indirect_dma source(%dma_start3A_377 : memref<128x128xf32, #tpu.memory_space<vmem>>) target(%dma_start3A_383 : memref<10112x128xf32, #tpu.memory_space<vmem_shared>>) offsets(%dma_start3A_380 : memref<128xi32, #tpu.memory_space<vmem>>) semaphore(%run_scoped3A_373 : memref<!tpu.dma_semaphore, #tpu.memory_space<semaphore_mem>>) {add = true}
        %dma_wait3A_384 = arith.constant 0 : i32
        %dma_wait3A_385 = arith.constant 0 : i32
        %dma_wait3A_386 = tpu.memref_slice %arg15[%run_scoped3A_321, %dma_wait3A_384, %dma_wait3A_385] : memref<2x128x128xf32, #tpu.memory_space<vmem>> -> memref<1x128x128xf32, #tpu.memory_space<vmem>>
        %dma_wait3A_387 = tpu.memref_squeeze %dma_wait3A_386 : memref<1x128x128xf32, #tpu.memory_space<vmem>> -> memref<128x128xf32, #tpu.memory_space<vmem>>
        %dma_wait3A_388 = arith.constant 0 : i32
        %dma_wait3A_389 = tpu.memref_slice %arg14[%add3A_306, %dma_wait3A_388] : memref<40x128xi32, #tpu.memory_space<vmem>> -> memref<1x128xi32, #tpu.memory_space<vmem>>
        %dma_wait3A_390 = tpu.memref_squeeze %dma_wait3A_389 : memref<1x128xi32, #tpu.memory_space<vmem>> -> memref<128xi32, #tpu.memory_space<vmem>>
        %dma_wait3A_391 = arith.constant 0 : i32
        %dma_wait3A_392 = arith.constant 0 : i32
        %dma_wait3A_393 = tpu.memref_slice %arg18[%dma_wait3A_391, %dma_wait3A_392] : memref<10112x128xf32, #tpu.memory_space<vmem_shared>> -> memref<10112x128xf32, #tpu.memory_space<vmem_shared>>
        tpu.wait_indirect_dma semaphore(%run_scoped3A_373 : memref<!tpu.dma_semaphore, #tpu.memory_space<semaphore_mem>>) src(%dma_wait3A_387 : memref<128x128xf32, #tpu.memory_space<vmem>>) dst(%dma_wait3A_393 : memref<10112x128xf32, #tpu.memory_space<vmem_shared>>)
        tpu.yield
      }) : () -> ()
      %add3A_322 = arith.constant 2 : i32
      %add3A_323 = arith.addi %add3A_306, %add3A_322 : i32
      %dma_start3A_324 = arith.constant 0 : i32
      %dma_start3A_325 = arith.constant 0 : i32
      %dma_start3A_326 = arith.constant 0 : i32
      %dma_start3A_327 = arith.constant 0 : i32
      %dma_start3A_328 = tpu.memref_slice %arg15[%dma_start3A_324, %dma_start3A_326, %dma_start3A_327] : memref<2x128x128xf32, #tpu.memory_space<vmem>> -> memref<1x128x128xf32, #tpu.memory_space<vmem>>
      %dma_start3A_329 = tpu.memref_squeeze %dma_start3A_328 : memref<1x128x128xf32, #tpu.memory_space<vmem>> -> memref<128x128xf32, #tpu.memory_space<vmem>>
      %dma_start3A_330 = arith.constant 0 : i32
      %dma_start3A_331 = tpu.memref_slice %arg13[%add3A_323, %dma_start3A_330] : memref<40x128xi32, #tpu.memory_space<vmem>> -> memref<1x128xi32, #tpu.memory_space<vmem>>
      %dma_start3A_332 = tpu.memref_squeeze %dma_start3A_331 : memref<1x128xi32, #tpu.memory_space<vmem>> -> memref<128xi32, #tpu.memory_space<vmem>>
      %dma_start3A_333 = arith.constant 0 : i32
      %dma_start3A_334 = arith.constant 0 : i32
      %dma_start3A_335 = tpu.memref_slice %arg3[%dma_start3A_333, %dma_start3A_334] : memref<10000x128xf32, #tpu.memory_space<hbm>> -> memref<10000x128xf32, #tpu.memory_space<hbm>>
      %dma_start3A_336 = tpu.memref_slice %arg16[%dma_start3A_325] : memref<2x!tpu.dma_semaphore, #tpu.memory_space<semaphore_mem>> -> memref<1x!tpu.dma_semaphore, #tpu.memory_space<semaphore_mem>>
      %dma_start3A_337 = tpu.memref_squeeze %dma_start3A_336 : memref<1x!tpu.dma_semaphore, #tpu.memory_space<semaphore_mem>> -> memref<!tpu.dma_semaphore, #tpu.memory_space<semaphore_mem>>
      tpu.enqueue_indirect_dma source(%dma_start3A_335 : memref<10000x128xf32, #tpu.memory_space<hbm>>) target(%dma_start3A_329 : memref<128x128xf32, #tpu.memory_space<vmem>>) offsets(%dma_start3A_332 : memref<128xi32, #tpu.memory_space<vmem>>) semaphore(%dma_start3A_337 : memref<!tpu.dma_semaphore, #tpu.memory_space<semaphore_mem>>)
      %mul3A_338 = arith.constant 2 : i32
      %mul3A_339 = arith.muli %mul3A_338, %scan3A_302 : i32
      %add3A_340 = arith.constant 1 : i32
      %add3A_341 = arith.addi %mul3A_339, %add3A_340 : i32
      %dma_wait3A_342 = arith.constant 1 : i32
      %dma_wait3A_343 = arith.constant 1 : i32
      %dma_wait3A_344 = arith.constant 0 : i32
      %dma_wait3A_345 = arith.constant 0 : i32
      %dma_wait3A_346 = tpu.memref_slice %arg15[%dma_wait3A_342, %dma_wait3A_344, %dma_wait3A_345] : memref<2x128x128xf32, #tpu.memory_space<vmem>> -> memref<1x128x128xf32, #tpu.memory_space<vmem>>
      %dma_wait3A_347 = tpu.memref_squeeze %dma_wait3A_346 : memref<1x128x128xf32, #tpu.memory_space<vmem>> -> memref<128x128xf32, #tpu.memory_space<vmem>>
      %dma_wait3A_348 = arith.constant 0 : i32
      %dma_wait3A_349 = tpu.memref_slice %arg13[%add3A_341, %dma_wait3A_348] : memref<40x128xi32, #tpu.memory_space<vmem>> -> memref<1x128xi32, #tpu.memory_space<vmem>>
      %dma_wait3A_350 = tpu.memref_squeeze %dma_wait3A_349 : memref<1x128xi32, #tpu.memory_space<vmem>> -> memref<128xi32, #tpu.memory_space<vmem>>
      %dma_wait3A_351 = arith.constant 0 : i32
      %dma_wait3A_352 = arith.constant 0 : i32
      %dma_wait3A_353 = tpu.memref_slice %arg3[%dma_wait3A_351, %dma_wait3A_352] : memref<10000x128xf32, #tpu.memory_space<hbm>> -> memref<10000x128xf32, #tpu.memory_space<hbm>>
      %dma_wait3A_354 = tpu.memref_slice %arg16[%dma_wait3A_343] : memref<2x!tpu.dma_semaphore, #tpu.memory_space<semaphore_mem>> -> memref<1x!tpu.dma_semaphore, #tpu.memory_space<semaphore_mem>>
      %dma_wait3A_355 = tpu.memref_squeeze %dma_wait3A_354 : memref<1x!tpu.dma_semaphore, #tpu.memory_space<semaphore_mem>> -> memref<!tpu.dma_semaphore, #tpu.memory_space<semaphore_mem>>
      tpu.wait_indirect_dma semaphore(%dma_wait3A_355 : memref<!tpu.dma_semaphore, #tpu.memory_space<semaphore_mem>>) src(%dma_wait3A_353 : memref<10000x128xf32, #tpu.memory_space<hbm>>) dst(%dma_wait3A_347 : memref<128x128xf32, #tpu.memory_space<vmem>>)
      %run_scoped3A_356 = arith.constant 1 : i32
      "tpu.region"() ({
        %run_scoped3A_373 = tpu.sem_alloc : memref<!tpu.dma_semaphore, #tpu.memory_space<semaphore_mem>>
        %dma_start3A_374 = arith.constant 0 : i32
        %dma_start3A_375 = arith.constant 0 : i32
        %dma_start3A_376 = tpu.memref_slice %arg15[%run_scoped3A_356, %dma_start3A_374, %dma_start3A_375] : memref<2x128x128xf32, #tpu.memory_space<vmem>> -> memref<1x128x128xf32, #tpu.memory_space<vmem>>
        %dma_start3A_377 = tpu.memref_squeeze %dma_start3A_376 : memref<1x128x128xf32, #tpu.memory_space<vmem>> -> memref<128x128xf32, #tpu.memory_space<vmem>>
        %dma_start3A_378 = arith.constant 0 : i32
        %dma_start3A_379 = tpu.memref_slice %arg14[%add3A_341, %dma_start3A_378] : memref<40x128xi32, #tpu.memory_space<vmem>> -> memref<1x128xi32, #tpu.memory_space<vmem>>
        %dma_start3A_380 = tpu.memref_squeeze %dma_start3A_379 : memref<1x128xi32, #tpu.memory_space<vmem>> -> memref<128xi32, #tpu.memory_space<vmem>>
        %dma_start3A_381 = arith.constant 0 : i32
        %dma_start3A_382 = arith.constant 0 : i32
        %dma_start3A_383 = tpu.memref_slice %arg18[%dma_start3A_381, %dma_start3A_382] : memref<10112x128xf32, #tpu.memory_space<vmem_shared>> -> memref<10112x128xf32, #tpu.memory_space<vmem_shared>>
        tpu.enqueue_indirect_dma source(%dma_start3A_377 : memref<128x128xf32, #tpu.memory_space<vmem>>) target(%dma_start3A_383 : memref<10112x128xf32, #tpu.memory_space<vmem_shared>>) offsets(%dma_start3A_380 : memref<128xi32, #tpu.memory_space<vmem>>) semaphore(%run_scoped3A_373 : memref<!tpu.dma_semaphore, #tpu.memory_space<semaphore_mem>>) {add = true}
        %dma_wait3A_384 = arith.constant 0 : i32
        %dma_wait3A_385 = arith.constant 0 : i32
        %dma_wait3A_386 = tpu.memref_slice %arg15[%run_scoped3A_356, %dma_wait3A_384, %dma_wait3A_385] : memref<2x128x128xf32, #tpu.memory_space<vmem>> -> memref<1x128x128xf32, #tpu.memory_space<vmem>>
        %dma_wait3A_387 = tpu.memref_squeeze %dma_wait3A_386 : memref<1x128x128xf32, #tpu.memory_space<vmem>> -> memref<128x128xf32, #tpu.memory_space<vmem>>
        %dma_wait3A_388 = arith.constant 0 : i32
        %dma_wait3A_389 = tpu.memref_slice %arg14[%add3A_341, %dma_wait3A_388] : memref<40x128xi32, #tpu.memory_space<vmem>> -> memref<1x128xi32, #tpu.memory_space<vmem>>
        %dma_wait3A_390 = tpu.memref_squeeze %dma_wait3A_389 : memref<1x128xi32, #tpu.memory_space<vmem>> -> memref<128xi32, #tpu.memory_space<vmem>>
        %dma_wait3A_391 = arith.constant 0 : i32
        %dma_wait3A_392 = arith.constant 0 : i32
        %dma_wait3A_393 = tpu.memref_slice %arg18[%dma_wait3A_391, %dma_wait3A_392] : memref<10112x128xf32, #tpu.memory_space<vmem_shared>> -> memref<10112x128xf32, #tpu.memory_space<vmem_shared>>
        tpu.wait_indirect_dma semaphore(%run_scoped3A_373 : memref<!tpu.dma_semaphore, #tpu.memory_space<semaphore_mem>>) src(%dma_wait3A_387 : memref<128x128xf32, #tpu.memory_space<vmem>>) dst(%dma_wait3A_393 : memref<10112x128xf32, #tpu.memory_space<vmem_shared>>)
        tpu.yield
      }) : () -> ()
      %add3A_357 = arith.constant 2 : i32
      %add3A_358 = arith.addi %add3A_341, %add3A_357 : i32
      %dma_start3A_359 = arith.constant 1 : i32
      %dma_start3A_360 = arith.constant 1 : i32
      %dma_start3A_361 = arith.constant 0 : i32
      %dma_start3A_362 = arith.constant 0 : i32
      %dma_start3A_363 = tpu.memref_slice %arg15[%dma_start3A_359, %dma_start3A_361, %dma_start3A_362] : memref<2x128x128xf32, #tpu.memory_space<vmem>> -> memref<1x128x128xf32, #tpu.memory_space<vmem>>
      %dma_start3A_364 = tpu.memref_squeeze %dma_start3A_363 : memref<1x128x128xf32, #tpu.memory_space<vmem>> -> memref<128x128xf32, #tpu.memory_space<vmem>>
      %dma_start3A_365 = arith.constant 0 : i32
      %dma_start3A_366 = tpu.memref_slice %arg13[%add3A_358, %dma_start3A_365] : memref<40x128xi32, #tpu.memory_space<vmem>> -> memref<1x128xi32, #tpu.memory_space<vmem>>
      %dma_start3A_367 = tpu.memref_squeeze %dma_start3A_366 : memref<1x128xi32, #tpu.memory_space<vmem>> -> memref<128xi32, #tpu.memory_space<vmem>>
      %dma_start3A_368 = arith.constant 0 : i32
      %dma_start3A_369 = arith.constant 0 : i32
      %dma_start3A_370 = tpu.memref_slice %arg3[%dma_start3A_368, %dma_start3A_369] : memref<10000x128xf32, #tpu.memory_space<hbm>> -> memref<10000x128xf32, #tpu.memory_space<hbm>>
      %dma_start3A_371 = tpu.memref_slice %arg16[%dma_start3A_360] : memref<2x!tpu.dma_semaphore, #tpu.memory_space<semaphore_mem>> -> memref<1x!tpu.dma_semaphore, #tpu.memory_space<semaphore_mem>>
      %dma_start3A_372 = tpu.memref_squeeze %dma_start3A_371 : memref<1x!tpu.dma_semaphore, #tpu.memory_space<semaphore_mem>> -> memref<!tpu.dma_semaphore, #tpu.memory_space<semaphore_mem>>
      tpu.enqueue_indirect_dma source(%dma_start3A_370 : memref<10000x128xf32, #tpu.memory_space<hbm>>) target(%dma_start3A_364 : memref<128x128xf32, #tpu.memory_space<vmem>>) offsets(%dma_start3A_367 : memref<128xi32, #tpu.memory_space<vmem>>) semaphore(%dma_start3A_372 : memref<!tpu.dma_semaphore, #tpu.memory_space<semaphore_mem>>)
    }
    %scan3A_110 = arith.constant 19 : i32
    %dma_wait3A_111 = arith.constant 38 : i32
    %dma_wait3A_112 = arith.constant 0 : i32
    %dma_wait3A_113 = arith.constant 0 : i32
    %dma_wait3A_114 = arith.constant 0 : i32
    %dma_wait3A_115 = arith.constant 0 : i32
    %dma_wait3A_116 = tpu.memref_slice %arg15[%dma_wait3A_112, %dma_wait3A_114, %dma_wait3A_115] : memref<2x128x128xf32, #tpu.memory_space<vmem>> -> memref<1x128x128xf32, #tpu.memory_space<vmem>>
    %dma_wait3A_117 = tpu.memref_squeeze %dma_wait3A_116 : memref<1x128x128xf32, #tpu.memory_space<vmem>> -> memref<128x128xf32, #tpu.memory_space<vmem>>
    %dma_wait3A_118 = arith.constant 0 : i32
    %dma_wait3A_119 = tpu.memref_slice %arg13[%dma_wait3A_111, %dma_wait3A_118] : memref<40x128xi32, #tpu.memory_space<vmem>> -> memref<1x128xi32, #tpu.memory_space<vmem>>
    %dma_wait3A_120 = tpu.memref_squeeze %dma_wait3A_119 : memref<1x128xi32, #tpu.memory_space<vmem>> -> memref<128xi32, #tpu.memory_space<vmem>>
    %dma_wait3A_121 = arith.constant 0 : i32
    %dma_wait3A_122 = arith.constant 0 : i32
    %dma_wait3A_123 = tpu.memref_slice %arg3[%dma_wait3A_121, %dma_wait3A_122] : memref<10000x128xf32, #tpu.memory_space<hbm>> -> memref<10000x128xf32, #tpu.memory_space<hbm>>
    %dma_wait3A_124 = tpu.memref_slice %arg16[%dma_wait3A_113] : memref<2x!tpu.dma_semaphore, #tpu.memory_space<semaphore_mem>> -> memref<1x!tpu.dma_semaphore, #tpu.memory_space<semaphore_mem>>
    %dma_wait3A_125 = tpu.memref_squeeze %dma_wait3A_124 : memref<1x!tpu.dma_semaphore, #tpu.memory_space<semaphore_mem>> -> memref<!tpu.dma_semaphore, #tpu.memory_space<semaphore_mem>>
    tpu.wait_indirect_dma semaphore(%dma_wait3A_125 : memref<!tpu.dma_semaphore, #tpu.memory_space<semaphore_mem>>) src(%dma_wait3A_123 : memref<10000x128xf32, #tpu.memory_space<hbm>>) dst(%dma_wait3A_117 : memref<128x128xf32, #tpu.memory_space<vmem>>)
    %run_scoped3A_126 = arith.constant 0 : i32
    %run_scoped3A_127 = arith.constant 38 : i32
    "tpu.region"() ({
      %run_scoped3A_302 = tpu.sem_alloc : memref<!tpu.dma_semaphore, #tpu.memory_space<semaphore_mem>>
      %dma_start3A_303 = arith.constant 0 : i32
      %dma_start3A_304 = arith.constant 0 : i32
      %dma_start3A_305 = tpu.memref_slice %arg15[%run_scoped3A_126, %dma_start3A_303, %dma_start3A_304] : memref<2x128x128xf32, #tpu.memory_space<vmem>> -> memref<1x128x128xf32, #tpu.memory_space<vmem>>
      %dma_start3A_306 = tpu.memref_squeeze %dma_start3A_305 : memref<1x128x128xf32, #tpu.memory_space<vmem>> -> memref<128x128xf32, #tpu.memory_space<vmem>>
      %dma_start3A_307 = arith.constant 0 : i32
      %dma_start3A_308 = tpu.memref_slice %arg14[%run_scoped3A_127, %dma_start3A_307] : memref<40x128xi32, #tpu.memory_space<vmem>> -> memref<1x128xi32, #tpu.memory_space<vmem>>
      %dma_start3A_309 = tpu.memref_squeeze %dma_start3A_308 : memref<1x128xi32, #tpu.memory_space<vmem>> -> memref<128xi32, #tpu.memory_space<vmem>>
      %dma_start3A_310 = arith.constant 0 : i32
      %dma_start3A_311 = arith.constant 0 : i32
      %dma_start3A_312 = tpu.memref_slice %arg18[%dma_start3A_310, %dma_start3A_311] : memref<10112x128xf32, #tpu.memory_space<vmem_shared>> -> memref<10112x128xf32, #tpu.memory_space<vmem_shared>>
      tpu.enqueue_indirect_dma source(%dma_start3A_306 : memref<128x128xf32, #tpu.memory_space<vmem>>) target(%dma_start3A_312 : memref<10112x128xf32, #tpu.memory_space<vmem_shared>>) offsets(%dma_start3A_309 : memref<128xi32, #tpu.memory_space<vmem>>) semaphore(%run_scoped3A_302 : memref<!tpu.dma_semaphore, #tpu.memory_space<semaphore_mem>>) {add = true}
      %dma_wait3A_313 = arith.constant 0 : i32
      %dma_wait3A_314 = arith.constant 0 : i32
      %dma_wait3A_315 = tpu.memref_slice %arg15[%run_scoped3A_126, %dma_wait3A_313, %dma_wait3A_314] : memref<2x128x128xf32, #tpu.memory_space<vmem>> -> memref<1x128x128xf32, #tpu.memory_space<vmem>>
      %dma_wait3A_316 = tpu.memref_squeeze %dma_wait3A_315 : memref<1x128x128xf32, #tpu.memory_space<vmem>> -> memref<128x128xf32, #tpu.memory_space<vmem>>
      %dma_wait3A_317 = arith.constant 0 : i32
      %dma_wait3A_318 = tpu.memref_slice %arg14[%run_scoped3A_127, %dma_wait3A_317] : memref<40x128xi32, #tpu.memory_space<vmem>> -> memref<1x128xi32, #tpu.memory_space<vmem>>
      %dma_wait3A_319 = tpu.memref_squeeze %dma_wait3A_318 : memref<1x128xi32, #tpu.memory_space<vmem>> -> memref<128xi32, #tpu.memory_space<vmem>>
      %dma_wait3A_320 = arith.constant 0 : i32
      %dma_wait3A_321 = arith.constant 0 : i32
      %dma_wait3A_322 = tpu.memref_slice %arg18[%dma_wait3A_320, %dma_wait3A_321] : memref<10112x128xf32, #tpu.memory_space<vmem_shared>> -> memref<10112x128xf32, #tpu.memory_space<vmem_shared>>
      tpu.wait_indirect_dma semaphore(%run_scoped3A_302 : memref<!tpu.dma_semaphore, #tpu.memory_space<semaphore_mem>>) src(%dma_wait3A_316 : memref<128x128xf32, #tpu.memory_space<vmem>>) dst(%dma_wait3A_322 : memref<10112x128xf32, #tpu.memory_space<vmem_shared>>)
      tpu.yield
    }) : () -> ()
    %dma_wait3A_128 = arith.constant 39 : i32
    %dma_wait3A_129 = arith.constant 1 : i32
    %dma_wait3A_130 = arith.constant 1 : i32
    %dma_wait3A_131 = arith.constant 0 : i32
    %dma_wait3A_132 = arith.constant 0 : i32
    %dma_wait3A_133 = tpu.memref_slice %arg15[%dma_wait3A_129, %dma_wait3A_131, %dma_wait3A_132] : memref<2x128x128xf32, #tpu.memory_space<vmem>> -> memref<1x128x128xf32, #tpu.memory_space<vmem>>
    %dma_wait3A_134 = tpu.memref_squeeze %dma_wait3A_133 : memref<1x128x128xf32, #tpu.memory_space<vmem>> -> memref<128x128xf32, #tpu.memory_space<vmem>>
    %dma_wait3A_135 = arith.constant 0 : i32
    %dma_wait3A_136 = tpu.memref_slice %arg13[%dma_wait3A_128, %dma_wait3A_135] : memref<40x128xi32, #tpu.memory_space<vmem>> -> memref<1x128xi32, #tpu.memory_space<vmem>>
    %dma_wait3A_137 = tpu.memref_squeeze %dma_wait3A_136 : memref<1x128xi32, #tpu.memory_space<vmem>> -> memref<128xi32, #tpu.memory_space<vmem>>
    %dma_wait3A_138 = arith.constant 0 : i32
    %dma_wait3A_139 = arith.constant 0 : i32
    %dma_wait3A_140 = tpu.memref_slice %arg3[%dma_wait3A_138, %dma_wait3A_139] : memref<10000x128xf32, #tpu.memory_space<hbm>> -> memref<10000x128xf32, #tpu.memory_space<hbm>>
    %dma_wait3A_141 = tpu.memref_slice %arg16[%dma_wait3A_130] : memref<2x!tpu.dma_semaphore, #tpu.memory_space<semaphore_mem>> -> memref<1x!tpu.dma_semaphore, #tpu.memory_space<semaphore_mem>>
    %dma_wait3A_142 = tpu.memref_squeeze %dma_wait3A_141 : memref<1x!tpu.dma_semaphore, #tpu.memory_space<semaphore_mem>> -> memref<!tpu.dma_semaphore, #tpu.memory_space<semaphore_mem>>
    tpu.wait_indirect_dma semaphore(%dma_wait3A_142 : memref<!tpu.dma_semaphore, #tpu.memory_space<semaphore_mem>>) src(%dma_wait3A_140 : memref<10000x128xf32, #tpu.memory_space<hbm>>) dst(%dma_wait3A_134 : memref<128x128xf32, #tpu.memory_space<vmem>>)
    %run_scoped3A_143 = arith.constant 1 : i32
    %run_scoped3A_144 = arith.constant 39 : i32
    "tpu.region"() ({
      %run_scoped3A_302 = tpu.sem_alloc : memref<!tpu.dma_semaphore, #tpu.memory_space<semaphore_mem>>
      %dma_start3A_303 = arith.constant 0 : i32
      %dma_start3A_304 = arith.constant 0 : i32
      %dma_start3A_305 = tpu.memref_slice %arg15[%run_scoped3A_143, %dma_start3A_303, %dma_start3A_304] : memref<2x128x128xf32, #tpu.memory_space<vmem>> -> memref<1x128x128xf32, #tpu.memory_space<vmem>>
      %dma_start3A_306 = tpu.memref_squeeze %dma_start3A_305 : memref<1x128x128xf32, #tpu.memory_space<vmem>> -> memref<128x128xf32, #tpu.memory_space<vmem>>
      %dma_start3A_307 = arith.constant 0 : i32
      %dma_start3A_308 = tpu.memref_slice %arg14[%run_scoped3A_144, %dma_start3A_307] : memref<40x128xi32, #tpu.memory_space<vmem>> -> memref<1x128xi32, #tpu.memory_space<vmem>>
      %dma_start3A_309 = tpu.memref_squeeze %dma_start3A_308 : memref<1x128xi32, #tpu.memory_space<vmem>> -> memref<128xi32, #tpu.memory_space<vmem>>
      %dma_start3A_310 = arith.constant 0 : i32
      %dma_start3A_311 = arith.constant 0 : i32
      %dma_start3A_312 = tpu.memref_slice %arg18[%dma_start3A_310, %dma_start3A_311] : memref<10112x128xf32, #tpu.memory_space<vmem_shared>> -> memref<10112x128xf32, #tpu.memory_space<vmem_shared>>
      tpu.enqueue_indirect_dma source(%dma_start3A_306 : memref<128x128xf32, #tpu.memory_space<vmem>>) target(%dma_start3A_312 : memref<10112x128xf32, #tpu.memory_space<vmem_shared>>) offsets(%dma_start3A_309 : memref<128xi32, #tpu.memory_space<vmem>>) semaphore(%run_scoped3A_302 : memref<!tpu.dma_semaphore, #tpu.memory_space<semaphore_mem>>) {add = true}
      %dma_wait3A_313 = arith.constant 0 : i32
      %dma_wait3A_314 = arith.constant 0 : i32
      %dma_wait3A_315 = tpu.memref_slice %arg15[%run_scoped3A_143, %dma_wait3A_313, %dma_wait3A_314] : memref<2x128x128xf32, #tpu.memory_space<vmem>> -> memref<1x128x128xf32, #tpu.memory_space<vmem>>
      %dma_wait3A_316 = tpu.memref_squeeze %dma_wait3A_315 : memref<1x128x128xf32, #tpu.memory_space<vmem>> -> memref<128x128xf32, #tpu.memory_space<vmem>>
      %dma_wait3A_317 = arith.constant 0 : i32
      %dma_wait3A_318 = tpu.memref_slice %arg14[%run_scoped3A_144, %dma_wait3A_317] : memref<40x128xi32, #tpu.memory_space<vmem>> -> memref<1x128xi32, #tpu.memory_space<vmem>>
      %dma_wait3A_319 = tpu.memref_squeeze %dma_wait3A_318 : memref<1x128xi32, #tpu.memory_space<vmem>> -> memref<128xi32, #tpu.memory_space<vmem>>
      %dma_wait3A_320 = arith.constant 0 : i32
      %dma_wait3A_321 = arith.constant 0 : i32
      %dma_wait3A_322 = tpu.memref_slice %arg18[%dma_wait3A_320, %dma_wait3A_321] : memref<10112x128xf32, #tpu.memory_space<vmem_shared>> -> memref<10112x128xf32, #tpu.memory_space<vmem_shared>>
      tpu.wait_indirect_dma semaphore(%run_scoped3A_302 : memref<!tpu.dma_semaphore, #tpu.memory_space<semaphore_mem>>) src(%dma_wait3A_316 : memref<128x128xf32, #tpu.memory_space<vmem>>) dst(%dma_wait3A_322 : memref<10112x128xf32, #tpu.memory_space<vmem_shared>>)
      tpu.yield
    }) : () -> ()
    %barrier3A_145 = arith.constant 0 : index
    tpu.barrier barrier_id(%barrier3A_145)
    %mul3A_146 = arith.constant 632 : i32
    %mul3A_147 = arith.muli %arg1, %mul3A_146 : i32
    %mul3A_148 = arith.constant 632 : i32
    %mul3A_149 = arith.muli %arg1, %mul3A_148 : i32
    "tpu.region"() ({
      %run_scoped3A_302 = tpu.sem_alloc : memref<!tpu.dma_semaphore, #tpu.memory_space<semaphore_mem>>
      %dma_start3A_303 = arith.constant 0 : i32
      %dma_start3A_304 = arith.constant 0 : i32
      %dma_start3A_305 = tpu.memref_slice %arg10[%arg0, %dma_start3A_303, %dma_start3A_304] : memref<2x10112x128xf32, #tpu.memory_space<hbm>> -> memref<1x10112x128xf32, #tpu.memory_space<hbm>>
      %dma_start3A_306 = tpu.memref_squeeze %dma_start3A_305 : memref<1x10112x128xf32, #tpu.memory_space<hbm>> -> memref<10112x128xf32, #tpu.memory_space<hbm>>
      %dma_start3A_307 = arith.constant 0 : i32
      %dma_start3A_308 = tpu.memref_slice %dma_start3A_306[%mul3A_149, %dma_start3A_307] : memref<10112x128xf32, #tpu.memory_space<hbm>> -> memref<632x128xf32, #tpu.memory_space<hbm>>
      %dma_start3A_309 = arith.constant 0 : i32
      %dma_start3A_310 = tpu.memref_slice %arg18[%mul3A_147, %dma_start3A_309] : memref<10112x128xf32, #tpu.memory_space<vmem_shared>> -> memref<632x128xf32, #tpu.memory_space<vmem_shared>>
      tpu.enqueue_dma source(%dma_start3A_310 : memref<632x128xf32, #tpu.memory_space<vmem_shared>>) target(%dma_start3A_308 : memref<632x128xf32, #tpu.memory_space<hbm>>) target_semaphore(%run_scoped3A_302 : memref<!tpu.dma_semaphore, #tpu.memory_space<semaphore_mem>>)
      %dma_wait3A_311 = arith.constant 0 : i32
      %dma_wait3A_312 = arith.constant 0 : i32
      %dma_wait3A_313 = tpu.memref_slice %arg10[%arg0, %dma_wait3A_311, %dma_wait3A_312] : memref<2x10112x128xf32, #tpu.memory_space<hbm>> -> memref<1x10112x128xf32, #tpu.memory_space<hbm>>
      %dma_wait3A_314 = tpu.memref_squeeze %dma_wait3A_313 : memref<1x10112x128xf32, #tpu.memory_space<hbm>> -> memref<10112x128xf32, #tpu.memory_space<hbm>>
      %dma_wait3A_315 = arith.constant 0 : i32
      %dma_wait3A_316 = tpu.memref_slice %dma_wait3A_314[%mul3A_149, %dma_wait3A_315] : memref<10112x128xf32, #tpu.memory_space<hbm>> -> memref<632x128xf32, #tpu.memory_space<hbm>>
      %dma_wait3A_317 = arith.constant 0 : i32
      %dma_wait3A_318 = tpu.memref_slice %arg18[%mul3A_147, %dma_wait3A_317] : memref<10112x128xf32, #tpu.memory_space<vmem_shared>> -> memref<632x128xf32, #tpu.memory_space<vmem_shared>>
      tpu.wait_dma2 semaphore(%run_scoped3A_302 : memref<!tpu.dma_semaphore, #tpu.memory_space<semaphore_mem>>) src(%dma_wait3A_318 : memref<632x128xf32, #tpu.memory_space<vmem_shared>>) dst(%dma_wait3A_316 : memref<632x128xf32, #tpu.memory_space<hbm>>)
      tpu.yield
    }) : () -> ()
    %dma_start3A_150 = arith.constant 0 : i32
    %dma_start3A_151 = arith.constant 0 : i32
    %dma_start3A_152 = arith.constant 0 : i32
    %dma_start3A_153 = arith.constant 0 : i32
    %dma_start3A_154 = arith.constant 0 : i32
    %dma_start3A_155 = tpu.memref_slice %arg15[%dma_start3A_151, %dma_start3A_153, %dma_start3A_154] : memref<2x128x128xf32, #tpu.memory_space<vmem>> -> memref<1x128x128xf32, #tpu.memory_space<vmem>>
    %dma_start3A_156 = tpu.memref_squeeze %dma_start3A_155 : memref<1x128x128xf32, #tpu.memory_space<vmem>> -> memref<128x128xf32, #tpu.memory_space<vmem>>
    %dma_start3A_157 = arith.constant 0 : i32
    %dma_start3A_158 = tpu.memref_slice %arg13[%dma_start3A_150, %dma_start3A_157] : memref<40x128xi32, #tpu.memory_space<vmem>> -> memref<1x128xi32, #tpu.memory_space<vmem>>
    %dma_start3A_159 = tpu.memref_squeeze %dma_start3A_158 : memref<1x128xi32, #tpu.memory_space<vmem>> -> memref<128xi32, #tpu.memory_space<vmem>>
    %dma_start3A_160 = arith.constant 0 : i32
    %dma_start3A_161 = arith.constant 0 : i32
    %dma_start3A_162 = tpu.memref_slice %arg4[%dma_start3A_160, %dma_start3A_161] : memref<10000x128xf32, #tpu.memory_space<hbm>> -> memref<10000x128xf32, #tpu.memory_space<hbm>>
    %dma_start3A_163 = tpu.memref_slice %arg16[%dma_start3A_152] : memref<2x!tpu.dma_semaphore, #tpu.memory_space<semaphore_mem>> -> memref<1x!tpu.dma_semaphore, #tpu.memory_space<semaphore_mem>>
    %dma_start3A_164 = tpu.memref_squeeze %dma_start3A_163 : memref<1x!tpu.dma_semaphore, #tpu.memory_space<semaphore_mem>> -> memref<!tpu.dma_semaphore, #tpu.memory_space<semaphore_mem>>
    tpu.enqueue_indirect_dma source(%dma_start3A_162 : memref<10000x128xf32, #tpu.memory_space<hbm>>) target(%dma_start3A_156 : memref<128x128xf32, #tpu.memory_space<vmem>>) offsets(%dma_start3A_159 : memref<128xi32, #tpu.memory_space<vmem>>) semaphore(%dma_start3A_164 : memref<!tpu.dma_semaphore, #tpu.memory_space<semaphore_mem>>)
    %dma_start3A_165 = arith.constant 1 : i32
    %dma_start3A_166 = arith.constant 1 : i32
    %dma_start3A_167 = arith.constant 1 : i32
    %dma_start3A_168 = arith.constant 0 : i32
    %dma_start3A_169 = arith.constant 0 : i32
    %dma_start3A_170 = tpu.memref_slice %arg15[%dma_start3A_166, %dma_start3A_168, %dma_start3A_169] : memref<2x128x128xf32, #tpu.memory_space<vmem>> -> memref<1x128x128xf32, #tpu.memory_space<vmem>>
    %dma_start3A_171 = tpu.memref_squeeze %dma_start3A_170 : memref<1x128x128xf32, #tpu.memory_space<vmem>> -> memref<128x128xf32, #tpu.memory_space<vmem>>
    %dma_start3A_172 = arith.constant 0 : i32
    %dma_start3A_173 = tpu.memref_slice %arg13[%dma_start3A_165, %dma_start3A_172] : memref<40x128xi32, #tpu.memory_space<vmem>> -> memref<1x128xi32, #tpu.memory_space<vmem>>
    %dma_start3A_174 = tpu.memref_squeeze %dma_start3A_173 : memref<1x128xi32, #tpu.memory_space<vmem>> -> memref<128xi32, #tpu.memory_space<vmem>>
    %dma_start3A_175 = arith.constant 0 : i32
    %dma_start3A_176 = arith.constant 0 : i32
    %dma_start3A_177 = tpu.memref_slice %arg4[%dma_start3A_175, %dma_start3A_176] : memref<10000x128xf32, #tpu.memory_space<hbm>> -> memref<10000x128xf32, #tpu.memory_space<hbm>>
    %dma_start3A_178 = tpu.memref_slice %arg16[%dma_start3A_167] : memref<2x!tpu.dma_semaphore, #tpu.memory_space<semaphore_mem>> -> memref<1x!tpu.dma_semaphore, #tpu.memory_space<semaphore_mem>>
    %dma_start3A_179 = tpu.memref_squeeze %dma_start3A_178 : memref<1x!tpu.dma_semaphore, #tpu.memory_space<semaphore_mem>> -> memref<!tpu.dma_semaphore, #tpu.memory_space<semaphore_mem>>
    tpu.enqueue_indirect_dma source(%dma_start3A_177 : memref<10000x128xf32, #tpu.memory_space<hbm>>) target(%dma_start3A_171 : memref<128x128xf32, #tpu.memory_space<vmem>>) offsets(%dma_start3A_174 : memref<128xi32, #tpu.memory_space<vmem>>) semaphore(%dma_start3A_179 : memref<!tpu.dma_semaphore, #tpu.memory_space<semaphore_mem>>)
    %barrier3A_180 = arith.constant 0 : index
    tpu.barrier barrier_id(%barrier3A_180)
    %scan3A_181 = arith.constant 0 : i32
    %scan3A_182 = arith.constant 0 : i32
    %scan3A_183 = arith.constant 19 : i32
    %scan3A_184 = arith.addi %scan3A_182, %scan3A_183 : i32
    %scan3A_185 = arith.constant 1 : i32
    scf.for %scan3A_302 = %scan3A_182 to %scan3A_184 step %scan3A_185  : i32 {
      %mul3A_303 = arith.constant 2 : i32
      %mul3A_304 = arith.muli %mul3A_303, %scan3A_302 : i32
      %add3A_305 = arith.constant 0 : i32
      %add3A_306 = arith.addi %mul3A_304, %add3A_305 : i32
      %dma_wait3A_307 = arith.constant 0 : i32
      %dma_wait3A_308 = arith.constant 0 : i32
      %dma_wait3A_309 = arith.constant 0 : i32
      %dma_wait3A_310 = arith.constant 0 : i32
      %dma_wait3A_311 = tpu.memref_slice %arg15[%dma_wait3A_307, %dma_wait3A_309, %dma_wait3A_310] : memref<2x128x128xf32, #tpu.memory_space<vmem>> -> memref<1x128x128xf32, #tpu.memory_space<vmem>>
      %dma_wait3A_312 = tpu.memref_squeeze %dma_wait3A_311 : memref<1x128x128xf32, #tpu.memory_space<vmem>> -> memref<128x128xf32, #tpu.memory_space<vmem>>
      %dma_wait3A_313 = arith.constant 0 : i32
      %dma_wait3A_314 = tpu.memref_slice %arg13[%add3A_306, %dma_wait3A_313] : memref<40x128xi32, #tpu.memory_space<vmem>> -> memref<1x128xi32, #tpu.memory_space<vmem>>
      %dma_wait3A_315 = tpu.memref_squeeze %dma_wait3A_314 : memref<1x128xi32, #tpu.memory_space<vmem>> -> memref<128xi32, #tpu.memory_space<vmem>>
      %dma_wait3A_316 = arith.constant 0 : i32
      %dma_wait3A_317 = arith.constant 0 : i32
      %dma_wait3A_318 = tpu.memref_slice %arg4[%dma_wait3A_316, %dma_wait3A_317] : memref<10000x128xf32, #tpu.memory_space<hbm>> -> memref<10000x128xf32, #tpu.memory_space<hbm>>
      %dma_wait3A_319 = tpu.memref_slice %arg16[%dma_wait3A_308] : memref<2x!tpu.dma_semaphore, #tpu.memory_space<semaphore_mem>> -> memref<1x!tpu.dma_semaphore, #tpu.memory_space<semaphore_mem>>
      %dma_wait3A_320 = tpu.memref_squeeze %dma_wait3A_319 : memref<1x!tpu.dma_semaphore, #tpu.memory_space<semaphore_mem>> -> memref<!tpu.dma_semaphore, #tpu.memory_space<semaphore_mem>>
      tpu.wait_indirect_dma semaphore(%dma_wait3A_320 : memref<!tpu.dma_semaphore, #tpu.memory_space<semaphore_mem>>) src(%dma_wait3A_318 : memref<10000x128xf32, #tpu.memory_space<hbm>>) dst(%dma_wait3A_312 : memref<128x128xf32, #tpu.memory_space<vmem>>)
      %run_scoped3A_321 = arith.constant 0 : i32
      "tpu.region"() ({
        %run_scoped3A_373 = tpu.sem_alloc : memref<!tpu.dma_semaphore, #tpu.memory_space<semaphore_mem>>
        %dma_start3A_374 = arith.constant 0 : i32
        %dma_start3A_375 = arith.constant 0 : i32
        %dma_start3A_376 = tpu.memref_slice %arg15[%run_scoped3A_321, %dma_start3A_374, %dma_start3A_375] : memref<2x128x128xf32, #tpu.memory_space<vmem>> -> memref<1x128x128xf32, #tpu.memory_space<vmem>>
        %dma_start3A_377 = tpu.memref_squeeze %dma_start3A_376 : memref<1x128x128xf32, #tpu.memory_space<vmem>> -> memref<128x128xf32, #tpu.memory_space<vmem>>
        %dma_start3A_378 = arith.constant 0 : i32
        %dma_start3A_379 = tpu.memref_slice %arg14[%add3A_306, %dma_start3A_378] : memref<40x128xi32, #tpu.memory_space<vmem>> -> memref<1x128xi32, #tpu.memory_space<vmem>>
        %dma_start3A_380 = tpu.memref_squeeze %dma_start3A_379 : memref<1x128xi32, #tpu.memory_space<vmem>> -> memref<128xi32, #tpu.memory_space<vmem>>
        %dma_start3A_381 = arith.constant 0 : i32
        %dma_start3A_382 = arith.constant 0 : i32
        %dma_start3A_383 = tpu.memref_slice %arg18[%dma_start3A_381, %dma_start3A_382] : memref<10112x128xf32, #tpu.memory_space<vmem_shared>> -> memref<10112x128xf32, #tpu.memory_space<vmem_shared>>
        tpu.enqueue_indirect_dma source(%dma_start3A_377 : memref<128x128xf32, #tpu.memory_space<vmem>>) target(%dma_start3A_383 : memref<10112x128xf32, #tpu.memory_space<vmem_shared>>) offsets(%dma_start3A_380 : memref<128xi32, #tpu.memory_space<vmem>>) semaphore(%run_scoped3A_373 : memref<!tpu.dma_semaphore, #tpu.memory_space<semaphore_mem>>) {add = true}
        %dma_wait3A_384 = arith.constant 0 : i32
        %dma_wait3A_385 = arith.constant 0 : i32
        %dma_wait3A_386 = tpu.memref_slice %arg15[%run_scoped3A_321, %dma_wait3A_384, %dma_wait3A_385] : memref<2x128x128xf32, #tpu.memory_space<vmem>> -> memref<1x128x128xf32, #tpu.memory_space<vmem>>
        %dma_wait3A_387 = tpu.memref_squeeze %dma_wait3A_386 : memref<1x128x128xf32, #tpu.memory_space<vmem>> -> memref<128x128xf32, #tpu.memory_space<vmem>>
        %dma_wait3A_388 = arith.constant 0 : i32
        %dma_wait3A_389 = tpu.memref_slice %arg14[%add3A_306, %dma_wait3A_388] : memref<40x128xi32, #tpu.memory_space<vmem>> -> memref<1x128xi32, #tpu.memory_space<vmem>>
        %dma_wait3A_390 = tpu.memref_squeeze %dma_wait3A_389 : memref<1x128xi32, #tpu.memory_space<vmem>> -> memref<128xi32, #tpu.memory_space<vmem>>
        %dma_wait3A_391 = arith.constant 0 : i32
        %dma_wait3A_392 = arith.constant 0 : i32
        %dma_wait3A_393 = tpu.memref_slice %arg18[%dma_wait3A_391, %dma_wait3A_392] : memref<10112x128xf32, #tpu.memory_space<vmem_shared>> -> memref<10112x128xf32, #tpu.memory_space<vmem_shared>>
        tpu.wait_indirect_dma semaphore(%run_scoped3A_373 : memref<!tpu.dma_semaphore, #tpu.memory_space<semaphore_mem>>) src(%dma_wait3A_387 : memref<128x128xf32, #tpu.memory_space<vmem>>) dst(%dma_wait3A_393 : memref<10112x128xf32, #tpu.memory_space<vmem_shared>>)
        tpu.yield
      }) : () -> ()
      %add3A_322 = arith.constant 2 : i32
      %add3A_323 = arith.addi %add3A_306, %add3A_322 : i32
      %dma_start3A_324 = arith.constant 0 : i32
      %dma_start3A_325 = arith.constant 0 : i32
      %dma_start3A_326 = arith.constant 0 : i32
      %dma_start3A_327 = arith.constant 0 : i32
      %dma_start3A_328 = tpu.memref_slice %arg15[%dma_start3A_324, %dma_start3A_326, %dma_start3A_327] : memref<2x128x128xf32, #tpu.memory_space<vmem>> -> memref<1x128x128xf32, #tpu.memory_space<vmem>>
      %dma_start3A_329 = tpu.memref_squeeze %dma_start3A_328 : memref<1x128x128xf32, #tpu.memory_space<vmem>> -> memref<128x128xf32, #tpu.memory_space<vmem>>
      %dma_start3A_330 = arith.constant 0 : i32
      %dma_start3A_331 = tpu.memref_slice %arg13[%add3A_323, %dma_start3A_330] : memref<40x128xi32, #tpu.memory_space<vmem>> -> memref<1x128xi32, #tpu.memory_space<vmem>>
      %dma_start3A_332 = tpu.memref_squeeze %dma_start3A_331 : memref<1x128xi32, #tpu.memory_space<vmem>> -> memref<128xi32, #tpu.memory_space<vmem>>
      %dma_start3A_333 = arith.constant 0 : i32
      %dma_start3A_334 = arith.constant 0 : i32
      %dma_start3A_335 = tpu.memref_slice %arg4[%dma_start3A_333, %dma_start3A_334] : memref<10000x128xf32, #tpu.memory_space<hbm>> -> memref<10000x128xf32, #tpu.memory_space<hbm>>
      %dma_start3A_336 = tpu.memref_slice %arg16[%dma_start3A_325] : memref<2x!tpu.dma_semaphore, #tpu.memory_space<semaphore_mem>> -> memref<1x!tpu.dma_semaphore, #tpu.memory_space<semaphore_mem>>
      %dma_start3A_337 = tpu.memref_squeeze %dma_start3A_336 : memref<1x!tpu.dma_semaphore, #tpu.memory_space<semaphore_mem>> -> memref<!tpu.dma_semaphore, #tpu.memory_space<semaphore_mem>>
      tpu.enqueue_indirect_dma source(%dma_start3A_335 : memref<10000x128xf32, #tpu.memory_space<hbm>>) target(%dma_start3A_329 : memref<128x128xf32, #tpu.memory_space<vmem>>) offsets(%dma_start3A_332 : memref<128xi32, #tpu.memory_space<vmem>>) semaphore(%dma_start3A_337 : memref<!tpu.dma_semaphore, #tpu.memory_space<semaphore_mem>>)
      %mul3A_338 = arith.constant 2 : i32
      %mul3A_339 = arith.muli %mul3A_338, %scan3A_302 : i32
      %add3A_340 = arith.constant 1 : i32
      %add3A_341 = arith.addi %mul3A_339, %add3A_340 : i32
      %dma_wait3A_342 = arith.constant 1 : i32
      %dma_wait3A_343 = arith.constant 1 : i32
      %dma_wait3A_344 = arith.constant 0 : i32
      %dma_wait3A_345 = arith.constant 0 : i32
      %dma_wait3A_346 = tpu.memref_slice %arg15[%dma_wait3A_342, %dma_wait3A_344, %dma_wait3A_345] : memref<2x128x128xf32, #tpu.memory_space<vmem>> -> memref<1x128x128xf32, #tpu.memory_space<vmem>>
      %dma_wait3A_347 = tpu.memref_squeeze %dma_wait3A_346 : memref<1x128x128xf32, #tpu.memory_space<vmem>> -> memref<128x128xf32, #tpu.memory_space<vmem>>
      %dma_wait3A_348 = arith.constant 0 : i32
      %dma_wait3A_349 = tpu.memref_slice %arg13[%add3A_341, %dma_wait3A_348] : memref<40x128xi32, #tpu.memory_space<vmem>> -> memref<1x128xi32, #tpu.memory_space<vmem>>
      %dma_wait3A_350 = tpu.memref_squeeze %dma_wait3A_349 : memref<1x128xi32, #tpu.memory_space<vmem>> -> memref<128xi32, #tpu.memory_space<vmem>>
      %dma_wait3A_351 = arith.constant 0 : i32
      %dma_wait3A_352 = arith.constant 0 : i32
      %dma_wait3A_353 = tpu.memref_slice %arg4[%dma_wait3A_351, %dma_wait3A_352] : memref<10000x128xf32, #tpu.memory_space<hbm>> -> memref<10000x128xf32, #tpu.memory_space<hbm>>
      %dma_wait3A_354 = tpu.memref_slice %arg16[%dma_wait3A_343] : memref<2x!tpu.dma_semaphore, #tpu.memory_space<semaphore_mem>> -> memref<1x!tpu.dma_semaphore, #tpu.memory_space<semaphore_mem>>
      %dma_wait3A_355 = tpu.memref_squeeze %dma_wait3A_354 : memref<1x!tpu.dma_semaphore, #tpu.memory_space<semaphore_mem>> -> memref<!tpu.dma_semaphore, #tpu.memory_space<semaphore_mem>>
      tpu.wait_indirect_dma semaphore(%dma_wait3A_355 : memref<!tpu.dma_semaphore, #tpu.memory_space<semaphore_mem>>) src(%dma_wait3A_353 : memref<10000x128xf32, #tpu.memory_space<hbm>>) dst(%dma_wait3A_347 : memref<128x128xf32, #tpu.memory_space<vmem>>)
      %run_scoped3A_356 = arith.constant 1 : i32
      "tpu.region"() ({
        %run_scoped3A_373 = tpu.sem_alloc : memref<!tpu.dma_semaphore, #tpu.memory_space<semaphore_mem>>
        %dma_start3A_374 = arith.constant 0 : i32
        %dma_start3A_375 = arith.constant 0 : i32
        %dma_start3A_376 = tpu.memref_slice %arg15[%run_scoped3A_356, %dma_start3A_374, %dma_start3A_375] : memref<2x128x128xf32, #tpu.memory_space<vmem>> -> memref<1x128x128xf32, #tpu.memory_space<vmem>>
        %dma_start3A_377 = tpu.memref_squeeze %dma_start3A_376 : memref<1x128x128xf32, #tpu.memory_space<vmem>> -> memref<128x128xf32, #tpu.memory_space<vmem>>
        %dma_start3A_378 = arith.constant 0 : i32
        %dma_start3A_379 = tpu.memref_slice %arg14[%add3A_341, %dma_start3A_378] : memref<40x128xi32, #tpu.memory_space<vmem>> -> memref<1x128xi32, #tpu.memory_space<vmem>>
        %dma_start3A_380 = tpu.memref_squeeze %dma_start3A_379 : memref<1x128xi32, #tpu.memory_space<vmem>> -> memref<128xi32, #tpu.memory_space<vmem>>
        %dma_start3A_381 = arith.constant 0 : i32
        %dma_start3A_382 = arith.constant 0 : i32
        %dma_start3A_383 = tpu.memref_slice %arg18[%dma_start3A_381, %dma_start3A_382] : memref<10112x128xf32, #tpu.memory_space<vmem_shared>> -> memref<10112x128xf32, #tpu.memory_space<vmem_shared>>
        tpu.enqueue_indirect_dma source(%dma_start3A_377 : memref<128x128xf32, #tpu.memory_space<vmem>>) target(%dma_start3A_383 : memref<10112x128xf32, #tpu.memory_space<vmem_shared>>) offsets(%dma_start3A_380 : memref<128xi32, #tpu.memory_space<vmem>>) semaphore(%run_scoped3A_373 : memref<!tpu.dma_semaphore, #tpu.memory_space<semaphore_mem>>) {add = true}
        %dma_wait3A_384 = arith.constant 0 : i32
        %dma_wait3A_385 = arith.constant 0 : i32
        %dma_wait3A_386 = tpu.memref_slice %arg15[%run_scoped3A_356, %dma_wait3A_384, %dma_wait3A_385] : memref<2x128x128xf32, #tpu.memory_space<vmem>> -> memref<1x128x128xf32, #tpu.memory_space<vmem>>
        %dma_wait3A_387 = tpu.memref_squeeze %dma_wait3A_386 : memref<1x128x128xf32, #tpu.memory_space<vmem>> -> memref<128x128xf32, #tpu.memory_space<vmem>>
        %dma_wait3A_388 = arith.constant 0 : i32
        %dma_wait3A_389 = tpu.memref_slice %arg14[%add3A_341, %dma_wait3A_388] : memref<40x128xi32, #tpu.memory_space<vmem>> -> memref<1x128xi32, #tpu.memory_space<vmem>>
        %dma_wait3A_390 = tpu.memref_squeeze %dma_wait3A_389 : memref<1x128xi32, #tpu.memory_space<vmem>> -> memref<128xi32, #tpu.memory_space<vmem>>
        %dma_wait3A_391 = arith.constant 0 : i32
        %dma_wait3A_392 = arith.constant 0 : i32
        %dma_wait3A_393 = tpu.memref_slice %arg18[%dma_wait3A_391, %dma_wait3A_392] : memref<10112x128xf32, #tpu.memory_space<vmem_shared>> -> memref<10112x128xf32, #tpu.memory_space<vmem_shared>>
        tpu.wait_indirect_dma semaphore(%run_scoped3A_373 : memref<!tpu.dma_semaphore, #tpu.memory_space<semaphore_mem>>) src(%dma_wait3A_387 : memref<128x128xf32, #tpu.memory_space<vmem>>) dst(%dma_wait3A_393 : memref<10112x128xf32, #tpu.memory_space<vmem_shared>>)
        tpu.yield
      }) : () -> ()
      %add3A_357 = arith.constant 2 : i32
      %add3A_358 = arith.addi %add3A_341, %add3A_357 : i32
      %dma_start3A_359 = arith.constant 1 : i32
      %dma_start3A_360 = arith.constant 1 : i32
      %dma_start3A_361 = arith.constant 0 : i32
      %dma_start3A_362 = arith.constant 0 : i32
      %dma_start3A_363 = tpu.memref_slice %arg15[%dma_start3A_359, %dma_start3A_361, %dma_start3A_362] : memref<2x128x128xf32, #tpu.memory_space<vmem>> -> memref<1x128x128xf32, #tpu.memory_space<vmem>>
      %dma_start3A_364 = tpu.memref_squeeze %dma_start3A_363 : memref<1x128x128xf32, #tpu.memory_space<vmem>> -> memref<128x128xf32, #tpu.memory_space<vmem>>
      %dma_start3A_365 = arith.constant 0 : i32
      %dma_start3A_366 = tpu.memref_slice %arg13[%add3A_358, %dma_start3A_365] : memref<40x128xi32, #tpu.memory_space<vmem>> -> memref<1x128xi32, #tpu.memory_space<vmem>>
      %dma_start3A_367 = tpu.memref_squeeze %dma_start3A_366 : memref<1x128xi32, #tpu.memory_space<vmem>> -> memref<128xi32, #tpu.memory_space<vmem>>
      %dma_start3A_368 = arith.constant 0 : i32
      %dma_start3A_369 = arith.constant 0 : i32
      %dma_start3A_370 = tpu.memref_slice %arg4[%dma_start3A_368, %dma_start3A_369] : memref<10000x128xf32, #tpu.memory_space<hbm>> -> memref<10000x128xf32, #tpu.memory_space<hbm>>
      %dma_start3A_371 = tpu.memref_slice %arg16[%dma_start3A_360] : memref<2x!tpu.dma_semaphore, #tpu.memory_space<semaphore_mem>> -> memref<1x!tpu.dma_semaphore, #tpu.memory_space<semaphore_mem>>
      %dma_start3A_372 = tpu.memref_squeeze %dma_start3A_371 : memref<1x!tpu.dma_semaphore, #tpu.memory_space<semaphore_mem>> -> memref<!tpu.dma_semaphore, #tpu.memory_space<semaphore_mem>>
      tpu.enqueue_indirect_dma source(%dma_start3A_370 : memref<10000x128xf32, #tpu.memory_space<hbm>>) target(%dma_start3A_364 : memref<128x128xf32, #tpu.memory_space<vmem>>) offsets(%dma_start3A_367 : memref<128xi32, #tpu.memory_space<vmem>>) semaphore(%dma_start3A_372 : memref<!tpu.dma_semaphore, #tpu.memory_space<semaphore_mem>>)
    }
    %scan3A_186 = arith.constant 19 : i32
    %dma_wait3A_187 = arith.constant 38 : i32
    %dma_wait3A_188 = arith.constant 0 : i32
    %dma_wait3A_189 = arith.constant 0 : i32
    %dma_wait3A_190 = arith.constant 0 : i32
    %dma_wait3A_191 = arith.constant 0 : i32
    %dma_wait3A_192 = tpu.memref_slice %arg15[%dma_wait3A_188, %dma_wait3A_190, %dma_wait3A_191] : memref<2x128x128xf32, #tpu.memory_space<vmem>> -> memref<1x128x128xf32, #tpu.memory_space<vmem>>
    %dma_wait3A_193 = tpu.memref_squeeze %dma_wait3A_192 : memref<1x128x128xf32, #tpu.memory_space<vmem>> -> memref<128x128xf32, #tpu.memory_space<vmem>>
    %dma_wait3A_194 = arith.constant 0 : i32
    %dma_wait3A_195 = tpu.memref_slice %arg13[%dma_wait3A_187, %dma_wait3A_194] : memref<40x128xi32, #tpu.memory_space<vmem>> -> memref<1x128xi32, #tpu.memory_space<vmem>>
    %dma_wait3A_196 = tpu.memref_squeeze %dma_wait3A_195 : memref<1x128xi32, #tpu.memory_space<vmem>> -> memref<128xi32, #tpu.memory_space<vmem>>
    %dma_wait3A_197 = arith.constant 0 : i32
    %dma_wait3A_198 = arith.constant 0 : i32
    %dma_wait3A_199 = tpu.memref_slice %arg4[%dma_wait3A_197, %dma_wait3A_198] : memref<10000x128xf32, #tpu.memory_space<hbm>> -> memref<10000x128xf32, #tpu.memory_space<hbm>>
    %dma_wait3A_200 = tpu.memref_slice %arg16[%dma_wait3A_189] : memref<2x!tpu.dma_semaphore, #tpu.memory_space<semaphore_mem>> -> memref<1x!tpu.dma_semaphore, #tpu.memory_space<semaphore_mem>>
    %dma_wait3A_201 = tpu.memref_squeeze %dma_wait3A_200 : memref<1x!tpu.dma_semaphore, #tpu.memory_space<semaphore_mem>> -> memref<!tpu.dma_semaphore, #tpu.memory_space<semaphore_mem>>
    tpu.wait_indirect_dma semaphore(%dma_wait3A_201 : memref<!tpu.dma_semaphore, #tpu.memory_space<semaphore_mem>>) src(%dma_wait3A_199 : memref<10000x128xf32, #tpu.memory_space<hbm>>) dst(%dma_wait3A_193 : memref<128x128xf32, #tpu.memory_space<vmem>>)
    %run_scoped3A_202 = arith.constant 0 : i32
    %run_scoped3A_203 = arith.constant 38 : i32
    "tpu.region"() ({
      %run_scoped3A_302 = tpu.sem_alloc : memref<!tpu.dma_semaphore, #tpu.memory_space<semaphore_mem>>
      %dma_start3A_303 = arith.constant 0 : i32
      %dma_start3A_304 = arith.constant 0 : i32
      %dma_start3A_305 = tpu.memref_slice %arg15[%run_scoped3A_202, %dma_start3A_303, %dma_start3A_304] : memref<2x128x128xf32, #tpu.memory_space<vmem>> -> memref<1x128x128xf32, #tpu.memory_space<vmem>>
      %dma_start3A_306 = tpu.memref_squeeze %dma_start3A_305 : memref<1x128x128xf32, #tpu.memory_space<vmem>> -> memref<128x128xf32, #tpu.memory_space<vmem>>
      %dma_start3A_307 = arith.constant 0 : i32
      %dma_start3A_308 = tpu.memref_slice %arg14[%run_scoped3A_203, %dma_start3A_307] : memref<40x128xi32, #tpu.memory_space<vmem>> -> memref<1x128xi32, #tpu.memory_space<vmem>>
      %dma_start3A_309 = tpu.memref_squeeze %dma_start3A_308 : memref<1x128xi32, #tpu.memory_space<vmem>> -> memref<128xi32, #tpu.memory_space<vmem>>
      %dma_start3A_310 = arith.constant 0 : i32
      %dma_start3A_311 = arith.constant 0 : i32
      %dma_start3A_312 = tpu.memref_slice %arg18[%dma_start3A_310, %dma_start3A_311] : memref<10112x128xf32, #tpu.memory_space<vmem_shared>> -> memref<10112x128xf32, #tpu.memory_space<vmem_shared>>
      tpu.enqueue_indirect_dma source(%dma_start3A_306 : memref<128x128xf32, #tpu.memory_space<vmem>>) target(%dma_start3A_312 : memref<10112x128xf32, #tpu.memory_space<vmem_shared>>) offsets(%dma_start3A_309 : memref<128xi32, #tpu.memory_space<vmem>>) semaphore(%run_scoped3A_302 : memref<!tpu.dma_semaphore, #tpu.memory_space<semaphore_mem>>) {add = true}
      %dma_wait3A_313 = arith.constant 0 : i32
      %dma_wait3A_314 = arith.constant 0 : i32
      %dma_wait3A_315 = tpu.memref_slice %arg15[%run_scoped3A_202, %dma_wait3A_313, %dma_wait3A_314] : memref<2x128x128xf32, #tpu.memory_space<vmem>> -> memref<1x128x128xf32, #tpu.memory_space<vmem>>
      %dma_wait3A_316 = tpu.memref_squeeze %dma_wait3A_315 : memref<1x128x128xf32, #tpu.memory_space<vmem>> -> memref<128x128xf32, #tpu.memory_space<vmem>>
      %dma_wait3A_317 = arith.constant 0 : i32
      %dma_wait3A_318 = tpu.memref_slice %arg14[%run_scoped3A_203, %dma_wait3A_317] : memref<40x128xi32, #tpu.memory_space<vmem>> -> memref<1x128xi32, #tpu.memory_space<vmem>>
      %dma_wait3A_319 = tpu.memref_squeeze %dma_wait3A_318 : memref<1x128xi32, #tpu.memory_space<vmem>> -> memref<128xi32, #tpu.memory_space<vmem>>
      %dma_wait3A_320 = arith.constant 0 : i32
      %dma_wait3A_321 = arith.constant 0 : i32
      %dma_wait3A_322 = tpu.memref_slice %arg18[%dma_wait3A_320, %dma_wait3A_321] : memref<10112x128xf32, #tpu.memory_space<vmem_shared>> -> memref<10112x128xf32, #tpu.memory_space<vmem_shared>>
      tpu.wait_indirect_dma semaphore(%run_scoped3A_302 : memref<!tpu.dma_semaphore, #tpu.memory_space<semaphore_mem>>) src(%dma_wait3A_316 : memref<128x128xf32, #tpu.memory_space<vmem>>) dst(%dma_wait3A_322 : memref<10112x128xf32, #tpu.memory_space<vmem_shared>>)
      tpu.yield
    }) : () -> ()
    %dma_wait3A_204 = arith.constant 39 : i32
    %dma_wait3A_205 = arith.constant 1 : i32
    %dma_wait3A_206 = arith.constant 1 : i32
    %dma_wait3A_207 = arith.constant 0 : i32
    %dma_wait3A_208 = arith.constant 0 : i32
    %dma_wait3A_209 = tpu.memref_slice %arg15[%dma_wait3A_205, %dma_wait3A_207, %dma_wait3A_208] : memref<2x128x128xf32, #tpu.memory_space<vmem>> -> memref<1x128x128xf32, #tpu.memory_space<vmem>>
    %dma_wait3A_210 = tpu.memref_squeeze %dma_wait3A_209 : memref<1x128x128xf32, #tpu.memory_space<vmem>> -> memref<128x128xf32, #tpu.memory_space<vmem>>
    %dma_wait3A_211 = arith.constant 0 : i32
    %dma_wait3A_212 = tpu.memref_slice %arg13[%dma_wait3A_204, %dma_wait3A_211] : memref<40x128xi32, #tpu.memory_space<vmem>> -> memref<1x128xi32, #tpu.memory_space<vmem>>
    %dma_wait3A_213 = tpu.memref_squeeze %dma_wait3A_212 : memref<1x128xi32, #tpu.memory_space<vmem>> -> memref<128xi32, #tpu.memory_space<vmem>>
    %dma_wait3A_214 = arith.constant 0 : i32
    %dma_wait3A_215 = arith.constant 0 : i32
    %dma_wait3A_216 = tpu.memref_slice %arg4[%dma_wait3A_214, %dma_wait3A_215] : memref<10000x128xf32, #tpu.memory_space<hbm>> -> memref<10000x128xf32, #tpu.memory_space<hbm>>
    %dma_wait3A_217 = tpu.memref_slice %arg16[%dma_wait3A_206] : memref<2x!tpu.dma_semaphore, #tpu.memory_space<semaphore_mem>> -> memref<1x!tpu.dma_semaphore, #tpu.memory_space<semaphore_mem>>
    %dma_wait3A_218 = tpu.memref_squeeze %dma_wait3A_217 : memref<1x!tpu.dma_semaphore, #tpu.memory_space<semaphore_mem>> -> memref<!tpu.dma_semaphore, #tpu.memory_space<semaphore_mem>>
    tpu.wait_indirect_dma semaphore(%dma_wait3A_218 : memref<!tpu.dma_semaphore, #tpu.memory_space<semaphore_mem>>) src(%dma_wait3A_216 : memref<10000x128xf32, #tpu.memory_space<hbm>>) dst(%dma_wait3A_210 : memref<128x128xf32, #tpu.memory_space<vmem>>)
    %run_scoped3A_219 = arith.constant 1 : i32
    %run_scoped3A_220 = arith.constant 39 : i32
    "tpu.region"() ({
      %run_scoped3A_302 = tpu.sem_alloc : memref<!tpu.dma_semaphore, #tpu.memory_space<semaphore_mem>>
      %dma_start3A_303 = arith.constant 0 : i32
      %dma_start3A_304 = arith.constant 0 : i32
      %dma_start3A_305 = tpu.memref_slice %arg15[%run_scoped3A_219, %dma_start3A_303, %dma_start3A_304] : memref<2x128x128xf32, #tpu.memory_space<vmem>> -> memref<1x128x128xf32, #tpu.memory_space<vmem>>
      %dma_start3A_306 = tpu.memref_squeeze %dma_start3A_305 : memref<1x128x128xf32, #tpu.memory_space<vmem>> -> memref<128x128xf32, #tpu.memory_space<vmem>>
      %dma_start3A_307 = arith.constant 0 : i32
      %dma_start3A_308 = tpu.memref_slice %arg14[%run_scoped3A_220, %dma_start3A_307] : memref<40x128xi32, #tpu.memory_space<vmem>> -> memref<1x128xi32, #tpu.memory_space<vmem>>
      %dma_start3A_309 = tpu.memref_squeeze %dma_start3A_308 : memref<1x128xi32, #tpu.memory_space<vmem>> -> memref<128xi32, #tpu.memory_space<vmem>>
      %dma_start3A_310 = arith.constant 0 : i32
      %dma_start3A_311 = arith.constant 0 : i32
      %dma_start3A_312 = tpu.memref_slice %arg18[%dma_start3A_310, %dma_start3A_311] : memref<10112x128xf32, #tpu.memory_space<vmem_shared>> -> memref<10112x128xf32, #tpu.memory_space<vmem_shared>>
      tpu.enqueue_indirect_dma source(%dma_start3A_306 : memref<128x128xf32, #tpu.memory_space<vmem>>) target(%dma_start3A_312 : memref<10112x128xf32, #tpu.memory_space<vmem_shared>>) offsets(%dma_start3A_309 : memref<128xi32, #tpu.memory_space<vmem>>) semaphore(%run_scoped3A_302 : memref<!tpu.dma_semaphore, #tpu.memory_space<semaphore_mem>>) {add = true}
      %dma_wait3A_313 = arith.constant 0 : i32
      %dma_wait3A_314 = arith.constant 0 : i32
      %dma_wait3A_315 = tpu.memref_slice %arg15[%run_scoped3A_219, %dma_wait3A_313, %dma_wait3A_314] : memref<2x128x128xf32, #tpu.memory_space<vmem>> -> memref<1x128x128xf32, #tpu.memory_space<vmem>>
      %dma_wait3A_316 = tpu.memref_squeeze %dma_wait3A_315 : memref<1x128x128xf32, #tpu.memory_space<vmem>> -> memref<128x128xf32, #tpu.memory_space<vmem>>
      %dma_wait3A_317 = arith.constant 0 : i32
      %dma_wait3A_318 = tpu.memref_slice %arg14[%run_scoped3A_220, %dma_wait3A_317] : memref<40x128xi32, #tpu.memory_space<vmem>> -> memref<1x128xi32, #tpu.memory_space<vmem>>
      %dma_wait3A_319 = tpu.memref_squeeze %dma_wait3A_318 : memref<1x128xi32, #tpu.memory_space<vmem>> -> memref<128xi32, #tpu.memory_space<vmem>>
      %dma_wait3A_320 = arith.constant 0 : i32
      %dma_wait3A_321 = arith.constant 0 : i32
      %dma_wait3A_322 = tpu.memref_slice %arg18[%dma_wait3A_320, %dma_wait3A_321] : memref<10112x128xf32, #tpu.memory_space<vmem_shared>> -> memref<10112x128xf32, #tpu.memory_space<vmem_shared>>
      tpu.wait_indirect_dma semaphore(%run_scoped3A_302 : memref<!tpu.dma_semaphore, #tpu.memory_space<semaphore_mem>>) src(%dma_wait3A_316 : memref<128x128xf32, #tpu.memory_space<vmem>>) dst(%dma_wait3A_322 : memref<10112x128xf32, #tpu.memory_space<vmem_shared>>)
      tpu.yield
    }) : () -> ()
    %barrier3A_221 = arith.constant 0 : index
    tpu.barrier barrier_id(%barrier3A_221)
    %mul3A_222 = arith.constant 632 : i32
    %mul3A_223 = arith.muli %arg1, %mul3A_222 : i32
    %mul3A_224 = arith.constant 632 : i32
    %mul3A_225 = arith.muli %arg1, %mul3A_224 : i32
    "tpu.region"() ({
      %run_scoped3A_302 = tpu.sem_alloc : memref<!tpu.dma_semaphore, #tpu.memory_space<semaphore_mem>>
      %dma_start3A_303 = arith.constant 0 : i32
      %dma_start3A_304 = arith.constant 0 : i32
      %dma_start3A_305 = tpu.memref_slice %arg11[%arg0, %dma_start3A_303, %dma_start3A_304] : memref<2x10112x128xf32, #tpu.memory_space<hbm>> -> memref<1x10112x128xf32, #tpu.memory_space<hbm>>
      %dma_start3A_306 = tpu.memref_squeeze %dma_start3A_305 : memref<1x10112x128xf32, #tpu.memory_space<hbm>> -> memref<10112x128xf32, #tpu.memory_space<hbm>>
      %dma_start3A_307 = arith.constant 0 : i32
      %dma_start3A_308 = tpu.memref_slice %dma_start3A_306[%mul3A_225, %dma_start3A_307] : memref<10112x128xf32, #tpu.memory_space<hbm>> -> memref<632x128xf32, #tpu.memory_space<hbm>>
      %dma_start3A_309 = arith.constant 0 : i32
      %dma_start3A_310 = tpu.memref_slice %arg18[%mul3A_223, %dma_start3A_309] : memref<10112x128xf32, #tpu.memory_space<vmem_shared>> -> memref<632x128xf32, #tpu.memory_space<vmem_shared>>
      tpu.enqueue_dma source(%dma_start3A_310 : memref<632x128xf32, #tpu.memory_space<vmem_shared>>) target(%dma_start3A_308 : memref<632x128xf32, #tpu.memory_space<hbm>>) target_semaphore(%run_scoped3A_302 : memref<!tpu.dma_semaphore, #tpu.memory_space<semaphore_mem>>)
      %dma_wait3A_311 = arith.constant 0 : i32
      %dma_wait3A_312 = arith.constant 0 : i32
      %dma_wait3A_313 = tpu.memref_slice %arg11[%arg0, %dma_wait3A_311, %dma_wait3A_312] : memref<2x10112x128xf32, #tpu.memory_space<hbm>> -> memref<1x10112x128xf32, #tpu.memory_space<hbm>>
      %dma_wait3A_314 = tpu.memref_squeeze %dma_wait3A_313 : memref<1x10112x128xf32, #tpu.memory_space<hbm>> -> memref<10112x128xf32, #tpu.memory_space<hbm>>
      %dma_wait3A_315 = arith.constant 0 : i32
      %dma_wait3A_316 = tpu.memref_slice %dma_wait3A_314[%mul3A_225, %dma_wait3A_315] : memref<10112x128xf32, #tpu.memory_space<hbm>> -> memref<632x128xf32, #tpu.memory_space<hbm>>
      %dma_wait3A_317 = arith.constant 0 : i32
      %dma_wait3A_318 = tpu.memref_slice %arg18[%mul3A_223, %dma_wait3A_317] : memref<10112x128xf32, #tpu.memory_space<vmem_shared>> -> memref<632x128xf32, #tpu.memory_space<vmem_shared>>
      tpu.wait_dma2 semaphore(%run_scoped3A_302 : memref<!tpu.dma_semaphore, #tpu.memory_space<semaphore_mem>>) src(%dma_wait3A_318 : memref<632x128xf32, #tpu.memory_space<vmem_shared>>) dst(%dma_wait3A_316 : memref<632x128xf32, #tpu.memory_space<hbm>>)
      tpu.yield
    }) : () -> ()
    %dma_start3A_226 = arith.constant 0 : i32
    %dma_start3A_227 = arith.constant 0 : i32
    %dma_start3A_228 = arith.constant 0 : i32
    %dma_start3A_229 = arith.constant 0 : i32
    %dma_start3A_230 = arith.constant 0 : i32
    %dma_start3A_231 = tpu.memref_slice %arg15[%dma_start3A_227, %dma_start3A_229, %dma_start3A_230] : memref<2x128x128xf32, #tpu.memory_space<vmem>> -> memref<1x128x128xf32, #tpu.memory_space<vmem>>
    %dma_start3A_232 = tpu.memref_squeeze %dma_start3A_231 : memref<1x128x128xf32, #tpu.memory_space<vmem>> -> memref<128x128xf32, #tpu.memory_space<vmem>>
    %dma_start3A_233 = arith.constant 0 : i32
    %dma_start3A_234 = tpu.memref_slice %arg13[%dma_start3A_226, %dma_start3A_233] : memref<40x128xi32, #tpu.memory_space<vmem>> -> memref<1x128xi32, #tpu.memory_space<vmem>>
    %dma_start3A_235 = tpu.memref_squeeze %dma_start3A_234 : memref<1x128xi32, #tpu.memory_space<vmem>> -> memref<128xi32, #tpu.memory_space<vmem>>
    %dma_start3A_236 = arith.constant 0 : i32
    %dma_start3A_237 = arith.constant 0 : i32
    %dma_start3A_238 = tpu.memref_slice %arg5[%dma_start3A_236, %dma_start3A_237] : memref<10000x128xf32, #tpu.memory_space<hbm>> -> memref<10000x128xf32, #tpu.memory_space<hbm>>
    %dma_start3A_239 = tpu.memref_slice %arg16[%dma_start3A_228] : memref<2x!tpu.dma_semaphore, #tpu.memory_space<semaphore_mem>> -> memref<1x!tpu.dma_semaphore, #tpu.memory_space<semaphore_mem>>
    %dma_start3A_240 = tpu.memref_squeeze %dma_start3A_239 : memref<1x!tpu.dma_semaphore, #tpu.memory_space<semaphore_mem>> -> memref<!tpu.dma_semaphore, #tpu.memory_space<semaphore_mem>>
    tpu.enqueue_indirect_dma source(%dma_start3A_238 : memref<10000x128xf32, #tpu.memory_space<hbm>>) target(%dma_start3A_232 : memref<128x128xf32, #tpu.memory_space<vmem>>) offsets(%dma_start3A_235 : memref<128xi32, #tpu.memory_space<vmem>>) semaphore(%dma_start3A_240 : memref<!tpu.dma_semaphore, #tpu.memory_space<semaphore_mem>>)
    %dma_start3A_241 = arith.constant 1 : i32
    %dma_start3A_242 = arith.constant 1 : i32
    %dma_start3A_243 = arith.constant 1 : i32
    %dma_start3A_244 = arith.constant 0 : i32
    %dma_start3A_245 = arith.constant 0 : i32
    %dma_start3A_246 = tpu.memref_slice %arg15[%dma_start3A_242, %dma_start3A_244, %dma_start3A_245] : memref<2x128x128xf32, #tpu.memory_space<vmem>> -> memref<1x128x128xf32, #tpu.memory_space<vmem>>
    %dma_start3A_247 = tpu.memref_squeeze %dma_start3A_246 : memref<1x128x128xf32, #tpu.memory_space<vmem>> -> memref<128x128xf32, #tpu.memory_space<vmem>>
    %dma_start3A_248 = arith.constant 0 : i32
    %dma_start3A_249 = tpu.memref_slice %arg13[%dma_start3A_241, %dma_start3A_248] : memref<40x128xi32, #tpu.memory_space<vmem>> -> memref<1x128xi32, #tpu.memory_space<vmem>>
    %dma_start3A_250 = tpu.memref_squeeze %dma_start3A_249 : memref<1x128xi32, #tpu.memory_space<vmem>> -> memref<128xi32, #tpu.memory_space<vmem>>
    %dma_start3A_251 = arith.constant 0 : i32
    %dma_start3A_252 = arith.constant 0 : i32
    %dma_start3A_253 = tpu.memref_slice %arg5[%dma_start3A_251, %dma_start3A_252] : memref<10000x128xf32, #tpu.memory_space<hbm>> -> memref<10000x128xf32, #tpu.memory_space<hbm>>
    %dma_start3A_254 = tpu.memref_slice %arg16[%dma_start3A_243] : memref<2x!tpu.dma_semaphore, #tpu.memory_space<semaphore_mem>> -> memref<1x!tpu.dma_semaphore, #tpu.memory_space<semaphore_mem>>
    %dma_start3A_255 = tpu.memref_squeeze %dma_start3A_254 : memref<1x!tpu.dma_semaphore, #tpu.memory_space<semaphore_mem>> -> memref<!tpu.dma_semaphore, #tpu.memory_space<semaphore_mem>>
    tpu.enqueue_indirect_dma source(%dma_start3A_253 : memref<10000x128xf32, #tpu.memory_space<hbm>>) target(%dma_start3A_247 : memref<128x128xf32, #tpu.memory_space<vmem>>) offsets(%dma_start3A_250 : memref<128xi32, #tpu.memory_space<vmem>>) semaphore(%dma_start3A_255 : memref<!tpu.dma_semaphore, #tpu.memory_space<semaphore_mem>>)
    %barrier3A_256 = arith.constant 0 : index
    tpu.barrier barrier_id(%barrier3A_256)
    %scan3A_257 = arith.constant 0 : i32
    %scan3A_258 = arith.constant 0 : i32
    %scan3A_259 = arith.constant 19 : i32
    %scan3A_260 = arith.addi %scan3A_258, %scan3A_259 : i32
    %scan3A_261 = arith.constant 1 : i32
    scf.for %scan3A_302 = %scan3A_258 to %scan3A_260 step %scan3A_261  : i32 {
      %mul3A_303 = arith.constant 2 : i32
      %mul3A_304 = arith.muli %mul3A_303, %scan3A_302 : i32
      %add3A_305 = arith.constant 0 : i32
      %add3A_306 = arith.addi %mul3A_304, %add3A_305 : i32
      %dma_wait3A_307 = arith.constant 0 : i32
      %dma_wait3A_308 = arith.constant 0 : i32
      %dma_wait3A_309 = arith.constant 0 : i32
      %dma_wait3A_310 = arith.constant 0 : i32
      %dma_wait3A_311 = tpu.memref_slice %arg15[%dma_wait3A_307, %dma_wait3A_309, %dma_wait3A_310] : memref<2x128x128xf32, #tpu.memory_space<vmem>> -> memref<1x128x128xf32, #tpu.memory_space<vmem>>
      %dma_wait3A_312 = tpu.memref_squeeze %dma_wait3A_311 : memref<1x128x128xf32, #tpu.memory_space<vmem>> -> memref<128x128xf32, #tpu.memory_space<vmem>>
      %dma_wait3A_313 = arith.constant 0 : i32
      %dma_wait3A_314 = tpu.memref_slice %arg13[%add3A_306, %dma_wait3A_313] : memref<40x128xi32, #tpu.memory_space<vmem>> -> memref<1x128xi32, #tpu.memory_space<vmem>>
      %dma_wait3A_315 = tpu.memref_squeeze %dma_wait3A_314 : memref<1x128xi32, #tpu.memory_space<vmem>> -> memref<128xi32, #tpu.memory_space<vmem>>
      %dma_wait3A_316 = arith.constant 0 : i32
      %dma_wait3A_317 = arith.constant 0 : i32
      %dma_wait3A_318 = tpu.memref_slice %arg5[%dma_wait3A_316, %dma_wait3A_317] : memref<10000x128xf32, #tpu.memory_space<hbm>> -> memref<10000x128xf32, #tpu.memory_space<hbm>>
      %dma_wait3A_319 = tpu.memref_slice %arg16[%dma_wait3A_308] : memref<2x!tpu.dma_semaphore, #tpu.memory_space<semaphore_mem>> -> memref<1x!tpu.dma_semaphore, #tpu.memory_space<semaphore_mem>>
      %dma_wait3A_320 = tpu.memref_squeeze %dma_wait3A_319 : memref<1x!tpu.dma_semaphore, #tpu.memory_space<semaphore_mem>> -> memref<!tpu.dma_semaphore, #tpu.memory_space<semaphore_mem>>
      tpu.wait_indirect_dma semaphore(%dma_wait3A_320 : memref<!tpu.dma_semaphore, #tpu.memory_space<semaphore_mem>>) src(%dma_wait3A_318 : memref<10000x128xf32, #tpu.memory_space<hbm>>) dst(%dma_wait3A_312 : memref<128x128xf32, #tpu.memory_space<vmem>>)
      %run_scoped3A_321 = arith.constant 0 : i32
      "tpu.region"() ({
        %run_scoped3A_373 = tpu.sem_alloc : memref<!tpu.dma_semaphore, #tpu.memory_space<semaphore_mem>>
        %dma_start3A_374 = arith.constant 0 : i32
        %dma_start3A_375 = arith.constant 0 : i32
        %dma_start3A_376 = tpu.memref_slice %arg15[%run_scoped3A_321, %dma_start3A_374, %dma_start3A_375] : memref<2x128x128xf32, #tpu.memory_space<vmem>> -> memref<1x128x128xf32, #tpu.memory_space<vmem>>
        %dma_start3A_377 = tpu.memref_squeeze %dma_start3A_376 : memref<1x128x128xf32, #tpu.memory_space<vmem>> -> memref<128x128xf32, #tpu.memory_space<vmem>>
        %dma_start3A_378 = arith.constant 0 : i32
        %dma_start3A_379 = tpu.memref_slice %arg14[%add3A_306, %dma_start3A_378] : memref<40x128xi32, #tpu.memory_space<vmem>> -> memref<1x128xi32, #tpu.memory_space<vmem>>
        %dma_start3A_380 = tpu.memref_squeeze %dma_start3A_379 : memref<1x128xi32, #tpu.memory_space<vmem>> -> memref<128xi32, #tpu.memory_space<vmem>>
        %dma_start3A_381 = arith.constant 0 : i32
        %dma_start3A_382 = arith.constant 0 : i32
        %dma_start3A_383 = tpu.memref_slice %arg18[%dma_start3A_381, %dma_start3A_382] : memref<10112x128xf32, #tpu.memory_space<vmem_shared>> -> memref<10112x128xf32, #tpu.memory_space<vmem_shared>>
        tpu.enqueue_indirect_dma source(%dma_start3A_377 : memref<128x128xf32, #tpu.memory_space<vmem>>) target(%dma_start3A_383 : memref<10112x128xf32, #tpu.memory_space<vmem_shared>>) offsets(%dma_start3A_380 : memref<128xi32, #tpu.memory_space<vmem>>) semaphore(%run_scoped3A_373 : memref<!tpu.dma_semaphore, #tpu.memory_space<semaphore_mem>>) {add = true}
        %dma_wait3A_384 = arith.constant 0 : i32
        %dma_wait3A_385 = arith.constant 0 : i32
        %dma_wait3A_386 = tpu.memref_slice %arg15[%run_scoped3A_321, %dma_wait3A_384, %dma_wait3A_385] : memref<2x128x128xf32, #tpu.memory_space<vmem>> -> memref<1x128x128xf32, #tpu.memory_space<vmem>>
        %dma_wait3A_387 = tpu.memref_squeeze %dma_wait3A_386 : memref<1x128x128xf32, #tpu.memory_space<vmem>> -> memref<128x128xf32, #tpu.memory_space<vmem>>
        %dma_wait3A_388 = arith.constant 0 : i32
        %dma_wait3A_389 = tpu.memref_slice %arg14[%add3A_306, %dma_wait3A_388] : memref<40x128xi32, #tpu.memory_space<vmem>> -> memref<1x128xi32, #tpu.memory_space<vmem>>
        %dma_wait3A_390 = tpu.memref_squeeze %dma_wait3A_389 : memref<1x128xi32, #tpu.memory_space<vmem>> -> memref<128xi32, #tpu.memory_space<vmem>>
        %dma_wait3A_391 = arith.constant 0 : i32
        %dma_wait3A_392 = arith.constant 0 : i32
        %dma_wait3A_393 = tpu.memref_slice %arg18[%dma_wait3A_391, %dma_wait3A_392] : memref<10112x128xf32, #tpu.memory_space<vmem_shared>> -> memref<10112x128xf32, #tpu.memory_space<vmem_shared>>
        tpu.wait_indirect_dma semaphore(%run_scoped3A_373 : memref<!tpu.dma_semaphore, #tpu.memory_space<semaphore_mem>>) src(%dma_wait3A_387 : memref<128x128xf32, #tpu.memory_space<vmem>>) dst(%dma_wait3A_393 : memref<10112x128xf32, #tpu.memory_space<vmem_shared>>)
        tpu.yield
      }) : () -> ()
      %add3A_322 = arith.constant 2 : i32
      %add3A_323 = arith.addi %add3A_306, %add3A_322 : i32
      %dma_start3A_324 = arith.constant 0 : i32
      %dma_start3A_325 = arith.constant 0 : i32
      %dma_start3A_326 = arith.constant 0 : i32
      %dma_start3A_327 = arith.constant 0 : i32
      %dma_start3A_328 = tpu.memref_slice %arg15[%dma_start3A_324, %dma_start3A_326, %dma_start3A_327] : memref<2x128x128xf32, #tpu.memory_space<vmem>> -> memref<1x128x128xf32, #tpu.memory_space<vmem>>
      %dma_start3A_329 = tpu.memref_squeeze %dma_start3A_328 : memref<1x128x128xf32, #tpu.memory_space<vmem>> -> memref<128x128xf32, #tpu.memory_space<vmem>>
      %dma_start3A_330 = arith.constant 0 : i32
      %dma_start3A_331 = tpu.memref_slice %arg13[%add3A_323, %dma_start3A_330] : memref<40x128xi32, #tpu.memory_space<vmem>> -> memref<1x128xi32, #tpu.memory_space<vmem>>
      %dma_start3A_332 = tpu.memref_squeeze %dma_start3A_331 : memref<1x128xi32, #tpu.memory_space<vmem>> -> memref<128xi32, #tpu.memory_space<vmem>>
      %dma_start3A_333 = arith.constant 0 : i32
      %dma_start3A_334 = arith.constant 0 : i32
      %dma_start3A_335 = tpu.memref_slice %arg5[%dma_start3A_333, %dma_start3A_334] : memref<10000x128xf32, #tpu.memory_space<hbm>> -> memref<10000x128xf32, #tpu.memory_space<hbm>>
      %dma_start3A_336 = tpu.memref_slice %arg16[%dma_start3A_325] : memref<2x!tpu.dma_semaphore, #tpu.memory_space<semaphore_mem>> -> memref<1x!tpu.dma_semaphore, #tpu.memory_space<semaphore_mem>>
      %dma_start3A_337 = tpu.memref_squeeze %dma_start3A_336 : memref<1x!tpu.dma_semaphore, #tpu.memory_space<semaphore_mem>> -> memref<!tpu.dma_semaphore, #tpu.memory_space<semaphore_mem>>
      tpu.enqueue_indirect_dma source(%dma_start3A_335 : memref<10000x128xf32, #tpu.memory_space<hbm>>) target(%dma_start3A_329 : memref<128x128xf32, #tpu.memory_space<vmem>>) offsets(%dma_start3A_332 : memref<128xi32, #tpu.memory_space<vmem>>) semaphore(%dma_start3A_337 : memref<!tpu.dma_semaphore, #tpu.memory_space<semaphore_mem>>)
      %mul3A_338 = arith.constant 2 : i32
      %mul3A_339 = arith.muli %mul3A_338, %scan3A_302 : i32
      %add3A_340 = arith.constant 1 : i32
      %add3A_341 = arith.addi %mul3A_339, %add3A_340 : i32
      %dma_wait3A_342 = arith.constant 1 : i32
      %dma_wait3A_343 = arith.constant 1 : i32
      %dma_wait3A_344 = arith.constant 0 : i32
      %dma_wait3A_345 = arith.constant 0 : i32
      %dma_wait3A_346 = tpu.memref_slice %arg15[%dma_wait3A_342, %dma_wait3A_344, %dma_wait3A_345] : memref<2x128x128xf32, #tpu.memory_space<vmem>> -> memref<1x128x128xf32, #tpu.memory_space<vmem>>
      %dma_wait3A_347 = tpu.memref_squeeze %dma_wait3A_346 : memref<1x128x128xf32, #tpu.memory_space<vmem>> -> memref<128x128xf32, #tpu.memory_space<vmem>>
      %dma_wait3A_348 = arith.constant 0 : i32
      %dma_wait3A_349 = tpu.memref_slice %arg13[%add3A_341, %dma_wait3A_348] : memref<40x128xi32, #tpu.memory_space<vmem>> -> memref<1x128xi32, #tpu.memory_space<vmem>>
      %dma_wait3A_350 = tpu.memref_squeeze %dma_wait3A_349 : memref<1x128xi32, #tpu.memory_space<vmem>> -> memref<128xi32, #tpu.memory_space<vmem>>
      %dma_wait3A_351 = arith.constant 0 : i32
      %dma_wait3A_352 = arith.constant 0 : i32
      %dma_wait3A_353 = tpu.memref_slice %arg5[%dma_wait3A_351, %dma_wait3A_352] : memref<10000x128xf32, #tpu.memory_space<hbm>> -> memref<10000x128xf32, #tpu.memory_space<hbm>>
      %dma_wait3A_354 = tpu.memref_slice %arg16[%dma_wait3A_343] : memref<2x!tpu.dma_semaphore, #tpu.memory_space<semaphore_mem>> -> memref<1x!tpu.dma_semaphore, #tpu.memory_space<semaphore_mem>>
      %dma_wait3A_355 = tpu.memref_squeeze %dma_wait3A_354 : memref<1x!tpu.dma_semaphore, #tpu.memory_space<semaphore_mem>> -> memref<!tpu.dma_semaphore, #tpu.memory_space<semaphore_mem>>
      tpu.wait_indirect_dma semaphore(%dma_wait3A_355 : memref<!tpu.dma_semaphore, #tpu.memory_space<semaphore_mem>>) src(%dma_wait3A_353 : memref<10000x128xf32, #tpu.memory_space<hbm>>) dst(%dma_wait3A_347 : memref<128x128xf32, #tpu.memory_space<vmem>>)
      %run_scoped3A_356 = arith.constant 1 : i32
      "tpu.region"() ({
        %run_scoped3A_373 = tpu.sem_alloc : memref<!tpu.dma_semaphore, #tpu.memory_space<semaphore_mem>>
        %dma_start3A_374 = arith.constant 0 : i32
        %dma_start3A_375 = arith.constant 0 : i32
        %dma_start3A_376 = tpu.memref_slice %arg15[%run_scoped3A_356, %dma_start3A_374, %dma_start3A_375] : memref<2x128x128xf32, #tpu.memory_space<vmem>> -> memref<1x128x128xf32, #tpu.memory_space<vmem>>
        %dma_start3A_377 = tpu.memref_squeeze %dma_start3A_376 : memref<1x128x128xf32, #tpu.memory_space<vmem>> -> memref<128x128xf32, #tpu.memory_space<vmem>>
        %dma_start3A_378 = arith.constant 0 : i32
        %dma_start3A_379 = tpu.memref_slice %arg14[%add3A_341, %dma_start3A_378] : memref<40x128xi32, #tpu.memory_space<vmem>> -> memref<1x128xi32, #tpu.memory_space<vmem>>
        %dma_start3A_380 = tpu.memref_squeeze %dma_start3A_379 : memref<1x128xi32, #tpu.memory_space<vmem>> -> memref<128xi32, #tpu.memory_space<vmem>>
        %dma_start3A_381 = arith.constant 0 : i32
        %dma_start3A_382 = arith.constant 0 : i32
        %dma_start3A_383 = tpu.memref_slice %arg18[%dma_start3A_381, %dma_start3A_382] : memref<10112x128xf32, #tpu.memory_space<vmem_shared>> -> memref<10112x128xf32, #tpu.memory_space<vmem_shared>>
        tpu.enqueue_indirect_dma source(%dma_start3A_377 : memref<128x128xf32, #tpu.memory_space<vmem>>) target(%dma_start3A_383 : memref<10112x128xf32, #tpu.memory_space<vmem_shared>>) offsets(%dma_start3A_380 : memref<128xi32, #tpu.memory_space<vmem>>) semaphore(%run_scoped3A_373 : memref<!tpu.dma_semaphore, #tpu.memory_space<semaphore_mem>>) {add = true}
        %dma_wait3A_384 = arith.constant 0 : i32
        %dma_wait3A_385 = arith.constant 0 : i32
        %dma_wait3A_386 = tpu.memref_slice %arg15[%run_scoped3A_356, %dma_wait3A_384, %dma_wait3A_385] : memref<2x128x128xf32, #tpu.memory_space<vmem>> -> memref<1x128x128xf32, #tpu.memory_space<vmem>>
        %dma_wait3A_387 = tpu.memref_squeeze %dma_wait3A_386 : memref<1x128x128xf32, #tpu.memory_space<vmem>> -> memref<128x128xf32, #tpu.memory_space<vmem>>
        %dma_wait3A_388 = arith.constant 0 : i32
        %dma_wait3A_389 = tpu.memref_slice %arg14[%add3A_341, %dma_wait3A_388] : memref<40x128xi32, #tpu.memory_space<vmem>> -> memref<1x128xi32, #tpu.memory_space<vmem>>
        %dma_wait3A_390 = tpu.memref_squeeze %dma_wait3A_389 : memref<1x128xi32, #tpu.memory_space<vmem>> -> memref<128xi32, #tpu.memory_space<vmem>>
        %dma_wait3A_391 = arith.constant 0 : i32
        %dma_wait3A_392 = arith.constant 0 : i32
        %dma_wait3A_393 = tpu.memref_slice %arg18[%dma_wait3A_391, %dma_wait3A_392] : memref<10112x128xf32, #tpu.memory_space<vmem_shared>> -> memref<10112x128xf32, #tpu.memory_space<vmem_shared>>
        tpu.wait_indirect_dma semaphore(%run_scoped3A_373 : memref<!tpu.dma_semaphore, #tpu.memory_space<semaphore_mem>>) src(%dma_wait3A_387 : memref<128x128xf32, #tpu.memory_space<vmem>>) dst(%dma_wait3A_393 : memref<10112x128xf32, #tpu.memory_space<vmem_shared>>)
        tpu.yield
      }) : () -> ()
      %add3A_357 = arith.constant 2 : i32
      %add3A_358 = arith.addi %add3A_341, %add3A_357 : i32
      %dma_start3A_359 = arith.constant 1 : i32
      %dma_start3A_360 = arith.constant 1 : i32
      %dma_start3A_361 = arith.constant 0 : i32
      %dma_start3A_362 = arith.constant 0 : i32
      %dma_start3A_363 = tpu.memref_slice %arg15[%dma_start3A_359, %dma_start3A_361, %dma_start3A_362] : memref<2x128x128xf32, #tpu.memory_space<vmem>> -> memref<1x128x128xf32, #tpu.memory_space<vmem>>
      %dma_start3A_364 = tpu.memref_squeeze %dma_start3A_363 : memref<1x128x128xf32, #tpu.memory_space<vmem>> -> memref<128x128xf32, #tpu.memory_space<vmem>>
      %dma_start3A_365 = arith.constant 0 : i32
      %dma_start3A_366 = tpu.memref_slice %arg13[%add3A_358, %dma_start3A_365] : memref<40x128xi32, #tpu.memory_space<vmem>> -> memref<1x128xi32, #tpu.memory_space<vmem>>
      %dma_start3A_367 = tpu.memref_squeeze %dma_start3A_366 : memref<1x128xi32, #tpu.memory_space<vmem>> -> memref<128xi32, #tpu.memory_space<vmem>>
      %dma_start3A_368 = arith.constant 0 : i32
      %dma_start3A_369 = arith.constant 0 : i32
      %dma_start3A_370 = tpu.memref_slice %arg5[%dma_start3A_368, %dma_start3A_369] : memref<10000x128xf32, #tpu.memory_space<hbm>> -> memref<10000x128xf32, #tpu.memory_space<hbm>>
      %dma_start3A_371 = tpu.memref_slice %arg16[%dma_start3A_360] : memref<2x!tpu.dma_semaphore, #tpu.memory_space<semaphore_mem>> -> memref<1x!tpu.dma_semaphore, #tpu.memory_space<semaphore_mem>>
      %dma_start3A_372 = tpu.memref_squeeze %dma_start3A_371 : memref<1x!tpu.dma_semaphore, #tpu.memory_space<semaphore_mem>> -> memref<!tpu.dma_semaphore, #tpu.memory_space<semaphore_mem>>
      tpu.enqueue_indirect_dma source(%dma_start3A_370 : memref<10000x128xf32, #tpu.memory_space<hbm>>) target(%dma_start3A_364 : memref<128x128xf32, #tpu.memory_space<vmem>>) offsets(%dma_start3A_367 : memref<128xi32, #tpu.memory_space<vmem>>) semaphore(%dma_start3A_372 : memref<!tpu.dma_semaphore, #tpu.memory_space<semaphore_mem>>)
    }
    %scan3A_262 = arith.constant 19 : i32
    %dma_wait3A_263 = arith.constant 38 : i32
    %dma_wait3A_264 = arith.constant 0 : i32
    %dma_wait3A_265 = arith.constant 0 : i32
    %dma_wait3A_266 = arith.constant 0 : i32
    %dma_wait3A_267 = arith.constant 0 : i32
    %dma_wait3A_268 = tpu.memref_slice %arg15[%dma_wait3A_264, %dma_wait3A_266, %dma_wait3A_267] : memref<2x128x128xf32, #tpu.memory_space<vmem>> -> memref<1x128x128xf32, #tpu.memory_space<vmem>>
    %dma_wait3A_269 = tpu.memref_squeeze %dma_wait3A_268 : memref<1x128x128xf32, #tpu.memory_space<vmem>> -> memref<128x128xf32, #tpu.memory_space<vmem>>
    %dma_wait3A_270 = arith.constant 0 : i32
    %dma_wait3A_271 = tpu.memref_slice %arg13[%dma_wait3A_263, %dma_wait3A_270] : memref<40x128xi32, #tpu.memory_space<vmem>> -> memref<1x128xi32, #tpu.memory_space<vmem>>
    %dma_wait3A_272 = tpu.memref_squeeze %dma_wait3A_271 : memref<1x128xi32, #tpu.memory_space<vmem>> -> memref<128xi32, #tpu.memory_space<vmem>>
    %dma_wait3A_273 = arith.constant 0 : i32
    %dma_wait3A_274 = arith.constant 0 : i32
    %dma_wait3A_275 = tpu.memref_slice %arg5[%dma_wait3A_273, %dma_wait3A_274] : memref<10000x128xf32, #tpu.memory_space<hbm>> -> memref<10000x128xf32, #tpu.memory_space<hbm>>
    %dma_wait3A_276 = tpu.memref_slice %arg16[%dma_wait3A_265] : memref<2x!tpu.dma_semaphore, #tpu.memory_space<semaphore_mem>> -> memref<1x!tpu.dma_semaphore, #tpu.memory_space<semaphore_mem>>
    %dma_wait3A_277 = tpu.memref_squeeze %dma_wait3A_276 : memref<1x!tpu.dma_semaphore, #tpu.memory_space<semaphore_mem>> -> memref<!tpu.dma_semaphore, #tpu.memory_space<semaphore_mem>>
    tpu.wait_indirect_dma semaphore(%dma_wait3A_277 : memref<!tpu.dma_semaphore, #tpu.memory_space<semaphore_mem>>) src(%dma_wait3A_275 : memref<10000x128xf32, #tpu.memory_space<hbm>>) dst(%dma_wait3A_269 : memref<128x128xf32, #tpu.memory_space<vmem>>)
    %run_scoped3A_278 = arith.constant 0 : i32
    %run_scoped3A_279 = arith.constant 38 : i32
    "tpu.region"() ({
      %run_scoped3A_302 = tpu.sem_alloc : memref<!tpu.dma_semaphore, #tpu.memory_space<semaphore_mem>>
      %dma_start3A_303 = arith.constant 0 : i32
      %dma_start3A_304 = arith.constant 0 : i32
      %dma_start3A_305 = tpu.memref_slice %arg15[%run_scoped3A_278, %dma_start3A_303, %dma_start3A_304] : memref<2x128x128xf32, #tpu.memory_space<vmem>> -> memref<1x128x128xf32, #tpu.memory_space<vmem>>
      %dma_start3A_306 = tpu.memref_squeeze %dma_start3A_305 : memref<1x128x128xf32, #tpu.memory_space<vmem>> -> memref<128x128xf32, #tpu.memory_space<vmem>>
      %dma_start3A_307 = arith.constant 0 : i32
      %dma_start3A_308 = tpu.memref_slice %arg14[%run_scoped3A_279, %dma_start3A_307] : memref<40x128xi32, #tpu.memory_space<vmem>> -> memref<1x128xi32, #tpu.memory_space<vmem>>
      %dma_start3A_309 = tpu.memref_squeeze %dma_start3A_308 : memref<1x128xi32, #tpu.memory_space<vmem>> -> memref<128xi32, #tpu.memory_space<vmem>>
      %dma_start3A_310 = arith.constant 0 : i32
      %dma_start3A_311 = arith.constant 0 : i32
      %dma_start3A_312 = tpu.memref_slice %arg18[%dma_start3A_310, %dma_start3A_311] : memref<10112x128xf32, #tpu.memory_space<vmem_shared>> -> memref<10112x128xf32, #tpu.memory_space<vmem_shared>>
      tpu.enqueue_indirect_dma source(%dma_start3A_306 : memref<128x128xf32, #tpu.memory_space<vmem>>) target(%dma_start3A_312 : memref<10112x128xf32, #tpu.memory_space<vmem_shared>>) offsets(%dma_start3A_309 : memref<128xi32, #tpu.memory_space<vmem>>) semaphore(%run_scoped3A_302 : memref<!tpu.dma_semaphore, #tpu.memory_space<semaphore_mem>>) {add = true}
      %dma_wait3A_313 = arith.constant 0 : i32
      %dma_wait3A_314 = arith.constant 0 : i32
      %dma_wait3A_315 = tpu.memref_slice %arg15[%run_scoped3A_278, %dma_wait3A_313, %dma_wait3A_314] : memref<2x128x128xf32, #tpu.memory_space<vmem>> -> memref<1x128x128xf32, #tpu.memory_space<vmem>>
      %dma_wait3A_316 = tpu.memref_squeeze %dma_wait3A_315 : memref<1x128x128xf32, #tpu.memory_space<vmem>> -> memref<128x128xf32, #tpu.memory_space<vmem>>
      %dma_wait3A_317 = arith.constant 0 : i32
      %dma_wait3A_318 = tpu.memref_slice %arg14[%run_scoped3A_279, %dma_wait3A_317] : memref<40x128xi32, #tpu.memory_space<vmem>> -> memref<1x128xi32, #tpu.memory_space<vmem>>
      %dma_wait3A_319 = tpu.memref_squeeze %dma_wait3A_318 : memref<1x128xi32, #tpu.memory_space<vmem>> -> memref<128xi32, #tpu.memory_space<vmem>>
      %dma_wait3A_320 = arith.constant 0 : i32
      %dma_wait3A_321 = arith.constant 0 : i32
      %dma_wait3A_322 = tpu.memref_slice %arg18[%dma_wait3A_320, %dma_wait3A_321] : memref<10112x128xf32, #tpu.memory_space<vmem_shared>> -> memref<10112x128xf32, #tpu.memory_space<vmem_shared>>
      tpu.wait_indirect_dma semaphore(%run_scoped3A_302 : memref<!tpu.dma_semaphore, #tpu.memory_space<semaphore_mem>>) src(%dma_wait3A_316 : memref<128x128xf32, #tpu.memory_space<vmem>>) dst(%dma_wait3A_322 : memref<10112x128xf32, #tpu.memory_space<vmem_shared>>)
      tpu.yield
    }) : () -> ()
    %dma_wait3A_280 = arith.constant 39 : i32
    %dma_wait3A_281 = arith.constant 1 : i32
    %dma_wait3A_282 = arith.constant 1 : i32
    %dma_wait3A_283 = arith.constant 0 : i32
    %dma_wait3A_284 = arith.constant 0 : i32
    %dma_wait3A_285 = tpu.memref_slice %arg15[%dma_wait3A_281, %dma_wait3A_283, %dma_wait3A_284] : memref<2x128x128xf32, #tpu.memory_space<vmem>> -> memref<1x128x128xf32, #tpu.memory_space<vmem>>
    %dma_wait3A_286 = tpu.memref_squeeze %dma_wait3A_285 : memref<1x128x128xf32, #tpu.memory_space<vmem>> -> memref<128x128xf32, #tpu.memory_space<vmem>>
    %dma_wait3A_287 = arith.constant 0 : i32
    %dma_wait3A_288 = tpu.memref_slice %arg13[%dma_wait3A_280, %dma_wait3A_287] : memref<40x128xi32, #tpu.memory_space<vmem>> -> memref<1x128xi32, #tpu.memory_space<vmem>>
    %dma_wait3A_289 = tpu.memref_squeeze %dma_wait3A_288 : memref<1x128xi32, #tpu.memory_space<vmem>> -> memref<128xi32, #tpu.memory_space<vmem>>
    %dma_wait3A_290 = arith.constant 0 : i32
    %dma_wait3A_291 = arith.constant 0 : i32
    %dma_wait3A_292 = tpu.memref_slice %arg5[%dma_wait3A_290, %dma_wait3A_291] : memref<10000x128xf32, #tpu.memory_space<hbm>> -> memref<10000x128xf32, #tpu.memory_space<hbm>>
    %dma_wait3A_293 = tpu.memref_slice %arg16[%dma_wait3A_282] : memref<2x!tpu.dma_semaphore, #tpu.memory_space<semaphore_mem>> -> memref<1x!tpu.dma_semaphore, #tpu.memory_space<semaphore_mem>>
    %dma_wait3A_294 = tpu.memref_squeeze %dma_wait3A_293 : memref<1x!tpu.dma_semaphore, #tpu.memory_space<semaphore_mem>> -> memref<!tpu.dma_semaphore, #tpu.memory_space<semaphore_mem>>
    tpu.wait_indirect_dma semaphore(%dma_wait3A_294 : memref<!tpu.dma_semaphore, #tpu.memory_space<semaphore_mem>>) src(%dma_wait3A_292 : memref<10000x128xf32, #tpu.memory_space<hbm>>) dst(%dma_wait3A_286 : memref<128x128xf32, #tpu.memory_space<vmem>>)
    %run_scoped3A_295 = arith.constant 1 : i32
    %run_scoped3A_296 = arith.constant 39 : i32
    "tpu.region"() ({
      %run_scoped3A_302 = tpu.sem_alloc : memref<!tpu.dma_semaphore, #tpu.memory_space<semaphore_mem>>
      %dma_start3A_303 = arith.constant 0 : i32
      %dma_start3A_304 = arith.constant 0 : i32
      %dma_start3A_305 = tpu.memref_slice %arg15[%run_scoped3A_295, %dma_start3A_303, %dma_start3A_304] : memref<2x128x128xf32, #tpu.memory_space<vmem>> -> memref<1x128x128xf32, #tpu.memory_space<vmem>>
      %dma_start3A_306 = tpu.memref_squeeze %dma_start3A_305 : memref<1x128x128xf32, #tpu.memory_space<vmem>> -> memref<128x128xf32, #tpu.memory_space<vmem>>
      %dma_start3A_307 = arith.constant 0 : i32
      %dma_start3A_308 = tpu.memref_slice %arg14[%run_scoped3A_296, %dma_start3A_307] : memref<40x128xi32, #tpu.memory_space<vmem>> -> memref<1x128xi32, #tpu.memory_space<vmem>>
      %dma_start3A_309 = tpu.memref_squeeze %dma_start3A_308 : memref<1x128xi32, #tpu.memory_space<vmem>> -> memref<128xi32, #tpu.memory_space<vmem>>
      %dma_start3A_310 = arith.constant 0 : i32
      %dma_start3A_311 = arith.constant 0 : i32
      %dma_start3A_312 = tpu.memref_slice %arg18[%dma_start3A_310, %dma_start3A_311] : memref<10112x128xf32, #tpu.memory_space<vmem_shared>> -> memref<10112x128xf32, #tpu.memory_space<vmem_shared>>
      tpu.enqueue_indirect_dma source(%dma_start3A_306 : memref<128x128xf32, #tpu.memory_space<vmem>>) target(%dma_start3A_312 : memref<10112x128xf32, #tpu.memory_space<vmem_shared>>) offsets(%dma_start3A_309 : memref<128xi32, #tpu.memory_space<vmem>>) semaphore(%run_scoped3A_302 : memref<!tpu.dma_semaphore, #tpu.memory_space<semaphore_mem>>) {add = true}
      %dma_wait3A_313 = arith.constant 0 : i32
      %dma_wait3A_314 = arith.constant 0 : i32
      %dma_wait3A_315 = tpu.memref_slice %arg15[%run_scoped3A_295, %dma_wait3A_313, %dma_wait3A_314] : memref<2x128x128xf32, #tpu.memory_space<vmem>> -> memref<1x128x128xf32, #tpu.memory_space<vmem>>
      %dma_wait3A_316 = tpu.memref_squeeze %dma_wait3A_315 : memref<1x128x128xf32, #tpu.memory_space<vmem>> -> memref<128x128xf32, #tpu.memory_space<vmem>>
      %dma_wait3A_317 = arith.constant 0 : i32
      %dma_wait3A_318 = tpu.memref_slice %arg14[%run_scoped3A_296, %dma_wait3A_317] : memref<40x128xi32, #tpu.memory_space<vmem>> -> memref<1x128xi32, #tpu.memory_space<vmem>>
      %dma_wait3A_319 = tpu.memref_squeeze %dma_wait3A_318 : memref<1x128xi32, #tpu.memory_space<vmem>> -> memref<128xi32, #tpu.memory_space<vmem>>
      %dma_wait3A_320 = arith.constant 0 : i32
      %dma_wait3A_321 = arith.constant 0 : i32
      %dma_wait3A_322 = tpu.memref_slice %arg18[%dma_wait3A_320, %dma_wait3A_321] : memref<10112x128xf32, #tpu.memory_space<vmem_shared>> -> memref<10112x128xf32, #tpu.memory_space<vmem_shared>>
      tpu.wait_indirect_dma semaphore(%run_scoped3A_302 : memref<!tpu.dma_semaphore, #tpu.memory_space<semaphore_mem>>) src(%dma_wait3A_316 : memref<128x128xf32, #tpu.memory_space<vmem>>) dst(%dma_wait3A_322 : memref<10112x128xf32, #tpu.memory_space<vmem_shared>>)
      tpu.yield
    }) : () -> ()
    %barrier3A_297 = arith.constant 0 : index
    tpu.barrier barrier_id(%barrier3A_297)
    %mul3A_298 = arith.constant 632 : i32
    %mul3A_299 = arith.muli %arg1, %mul3A_298 : i32
    %mul3A_300 = arith.constant 632 : i32
    %mul3A_301 = arith.muli %arg1, %mul3A_300 : i32
    "tpu.region"() ({
      %run_scoped3A_302 = tpu.sem_alloc : memref<!tpu.dma_semaphore, #tpu.memory_space<semaphore_mem>>
      %dma_start3A_303 = arith.constant 0 : i32
      %dma_start3A_304 = arith.constant 0 : i32
      %dma_start3A_305 = tpu.memref_slice %arg12[%arg0, %dma_start3A_303, %dma_start3A_304] : memref<2x10112x128xf32, #tpu.memory_space<hbm>> -> memref<1x10112x128xf32, #tpu.memory_space<hbm>>
      %dma_start3A_306 = tpu.memref_squeeze %dma_start3A_305 : memref<1x10112x128xf32, #tpu.memory_space<hbm>> -> memref<10112x128xf32, #tpu.memory_space<hbm>>
      %dma_start3A_307 = arith.constant 0 : i32
      %dma_start3A_308 = tpu.memref_slice %dma_start3A_306[%mul3A_301, %dma_start3A_307] : memref<10112x128xf32, #tpu.memory_space<hbm>> -> memref<632x128xf32, #tpu.memory_space<hbm>>
      %dma_start3A_309 = arith.constant 0 : i32
      %dma_start3A_310 = tpu.memref_slice %arg18[%mul3A_299, %dma_start3A_309] : memref<10112x128xf32, #tpu.memory_space<vmem_shared>> -> memref<632x128xf32, #tpu.memory_space<vmem_shared>>
      tpu.enqueue_dma source(%dma_start3A_310 : memref<632x128xf32, #tpu.memory_space<vmem_shared>>) target(%dma_start3A_308 : memref<632x128xf32, #tpu.memory_space<hbm>>) target_semaphore(%run_scoped3A_302 : memref<!tpu.dma_semaphore, #tpu.memory_space<semaphore_mem>>)
      %dma_wait3A_311 = arith.constant 0 : i32
      %dma_wait3A_312 = arith.constant 0 : i32
      %dma_wait3A_313 = tpu.memref_slice %arg12[%arg0, %dma_wait3A_311, %dma_wait3A_312] : memref<2x10112x128xf32, #tpu.memory_space<hbm>> -> memref<1x10112x128xf32, #tpu.memory_space<hbm>>
      %dma_wait3A_314 = tpu.memref_squeeze %dma_wait3A_313 : memref<1x10112x128xf32, #tpu.memory_space<hbm>> -> memref<10112x128xf32, #tpu.memory_space<hbm>>
      %dma_wait3A_315 = arith.constant 0 : i32
      %dma_wait3A_316 = tpu.memref_slice %dma_wait3A_314[%mul3A_301, %dma_wait3A_315] : memref<10112x128xf32, #tpu.memory_space<hbm>> -> memref<632x128xf32, #tpu.memory_space<hbm>>
      %dma_wait3A_317 = arith.constant 0 : i32
      %dma_wait3A_318 = tpu.memref_slice %arg18[%mul3A_299, %dma_wait3A_317] : memref<10112x128xf32, #tpu.memory_space<vmem_shared>> -> memref<632x128xf32, #tpu.memory_space<vmem_shared>>
      tpu.wait_dma2 semaphore(%run_scoped3A_302 : memref<!tpu.dma_semaphore, #tpu.memory_space<semaphore_mem>>) src(%dma_wait3A_318 : memref<632x128xf32, #tpu.memory_space<vmem_shared>>) dst(%dma_wait3A_316 : memref<632x128xf32, #tpu.memory_space<hbm>>)
      tpu.yield
    }) : () -> ()
    return
  }
}

#map = affine_map<(d0, d1) -> (0, 0)>
#map1 = affine_map<(d0, d1) -> (0, 0, 0)>
module attributes {stable_mosaic.version = 14 : i64} {
  func.func @_scat_body(%arg0: i32, %arg1: i32, %arg2: memref<10000x128xf32, #tpu.memory_space<hbm>>, %arg3: memref<10000x128xf32, #tpu.memory_space<hbm>>, %arg4: memref<10000x128xf32, #tpu.memory_space<hbm>>, %arg5: memref<10000x128xf32, #tpu.memory_space<hbm>>, %arg6: memref<32x40x128xi32, #tpu.memory_space<hbm>>, %arg7: memref<32x40x128xi32, #tpu.memory_space<hbm>>, %arg8: memref<632x128xf32, #tpu.memory_space<hbm>>, %arg9: memref<2x10112x128xf32, #tpu.memory_space<hbm>>, %arg10: memref<2x10112x128xf32, #tpu.memory_space<hbm>>, %arg11: memref<2x10112x128xf32, #tpu.memory_space<hbm>>, %arg12: memref<2x10112x128xf32, #tpu.memory_space<hbm>>, %arg13: memref<40x128xi32, #tpu.memory_space<vmem>>, %arg14: memref<40x128xi32, #tpu.memory_space<vmem>>, %arg15: memref<2x128x128xf32, #tpu.memory_space<vmem>>, %arg16: memref<2x!tpu.dma_semaphore, #tpu.memory_space<semaphore_mem>>, %arg17: memref<2x!tpu.dma_semaphore, #tpu.memory_space<semaphore_mem>>, %arg18: memref<10112x128xf32, #tpu.memory_space<vmem_shared>>) attributes {dimension_semantics = [#tpu.dimension_semantics<core_parallel>, #tpu.dimension_semantics<subcore_parallel>], iteration_bounds = array<i64: 2, 16>, scalar_prefetch = 0 : i64, scratch_operands = 6 : i64, tpu.core_type = #tpu.core_type<sc_vector_subcore>, window_params = [{transform_indices = #map}, {transform_indices = #map}, {transform_indices = #map}, {transform_indices = #map}, {transform_indices = #map1}, {transform_indices = #map1}, {transform_indices = #map}, {transform_indices = #map1}, {transform_indices = #map1}, {transform_indices = #map1}, {transform_indices = #map1}]} {
    %mul3A = arith.constant 16 : i32
    %mul3A_0 = arith.muli %arg0, %mul3A : i32
    %add3A = arith.addi %mul3A_0, %arg1 : i32
    "tpu.region"() ({
      %run_scoped3A_302 = tpu.sem_alloc : memref<!tpu.dma_semaphore, #tpu.memory_space<semaphore_mem>>
      %dma_start3A_303 = arith.constant 0 : i32
      %dma_start3A_304 = arith.constant 0 : i32
      %dma_start3A_305 = tpu.memref_slice %arg6[%add3A, %dma_start3A_303, %dma_start3A_304] : memref<32x40x128xi32, #tpu.memory_space<hbm>> -> memref<1x40x128xi32, #tpu.memory_space<hbm>>
      %dma_start3A_306 = tpu.memref_squeeze %dma_start3A_305 : memref<1x40x128xi32, #tpu.memory_space<hbm>> -> memref<40x128xi32, #tpu.memory_space<hbm>>
      %dma_start3A_307 = arith.constant 0 : i32
      %dma_start3A_308 = arith.constant 0 : i32
      %dma_start3A_309 = tpu.memref_slice %arg6[%add3A, %dma_start3A_307, %dma_start3A_308] : memref<32x40x128xi32, #tpu.memory_space<hbm>> -> memref<1x40x128xi32, #tpu.memory_space<hbm>>
      %dma_start3A_310 = tpu.memref_squeeze %dma_start3A_309 : memref<1x40x128xi32, #tpu.memory_space<hbm>> -> memref<40x128xi32, #tpu.memory_space<hbm>>
      tpu.enqueue_dma source(%dma_start3A_310 : memref<40x128xi32, #tpu.memory_space<hbm>>) target(%arg13 : memref<40x128xi32, #tpu.memory_space<vmem>>) target_semaphore(%run_scoped3A_302 : memref<!tpu.dma_semaphore, #tpu.memory_space<semaphore_mem>>)
      %dma_wait3A_311 = arith.constant 0 : i32
      %dma_wait3A_312 = arith.constant 0 : i32
      %dma_wait3A_313 = tpu.memref_slice %arg6[%add3A, %dma_wait3A_311, %dma_wait3A_312] : memref<32x40x128xi32, #tpu.memory_space<hbm>> -> memref<1x40x128xi32, #tpu.memory_space<hbm>>
      %dma_wait3A_314 = tpu.memref_squeeze %dma_wait3A_313 : memref<1x40x128xi32, #tpu.memory_space<hbm>> -> memref<40x128xi32, #tpu.memory_space<hbm>>
      %dma_wait3A_315 = arith.constant 0 : i32
      %dma_wait3A_316 = arith.constant 0 : i32
      %dma_wait3A_317 = tpu.memref_slice %arg6[%add3A, %dma_wait3A_315, %dma_wait3A_316] : memref<32x40x128xi32, #tpu.memory_space<hbm>> -> memref<1x40x128xi32, #tpu.memory_space<hbm>>
      %dma_wait3A_318 = tpu.memref_squeeze %dma_wait3A_317 : memref<1x40x128xi32, #tpu.memory_space<hbm>> -> memref<40x128xi32, #tpu.memory_space<hbm>>
      tpu.wait_dma2 semaphore(%run_scoped3A_302 : memref<!tpu.dma_semaphore, #tpu.memory_space<semaphore_mem>>) src(%dma_wait3A_318 : memref<40x128xi32, #tpu.memory_space<hbm>>) dst(%arg13 : memref<40x128xi32, #tpu.memory_space<vmem>>)
      tpu.yield
    }) : () -> ()
    "tpu.region"() ({
      %run_scoped3A_302 = tpu.sem_alloc : memref<!tpu.dma_semaphore, #tpu.memory_space<semaphore_mem>>
      %dma_start3A_303 = arith.constant 0 : i32
      %dma_start3A_304 = arith.constant 0 : i32
      %dma_start3A_305 = tpu.memref_slice %arg7[%add3A, %dma_start3A_303, %dma_start3A_304] : memref<32x40x128xi32, #tpu.memory_space<hbm>> -> memref<1x40x128xi32, #tpu.memory_space<hbm>>
      %dma_start3A_306 = tpu.memref_squeeze %dma_start3A_305 : memref<1x40x128xi32, #tpu.memory_space<hbm>> -> memref<40x128xi32, #tpu.memory_space<hbm>>
      %dma_start3A_307 = arith.constant 0 : i32
      %dma_start3A_308 = arith.constant 0 : i32
      %dma_start3A_309 = tpu.memref_slice %arg7[%add3A, %dma_start3A_307, %dma_start3A_308] : memref<32x40x128xi32, #tpu.memory_space<hbm>> -> memref<1x40x128xi32, #tpu.memory_space<hbm>>
      %dma_start3A_310 = tpu.memref_squeeze %dma_start3A_309 : memref<1x40x128xi32, #tpu.memory_space<hbm>> -> memref<40x128xi32, #tpu.memory_space<hbm>>
      tpu.enqueue_dma source(%dma_start3A_310 : memref<40x128xi32, #tpu.memory_space<hbm>>) target(%arg14 : memref<40x128xi32, #tpu.memory_space<vmem>>) target_semaphore(%run_scoped3A_302 : memref<!tpu.dma_semaphore, #tpu.memory_space<semaphore_mem>>)
      %dma_wait3A_311 = arith.constant 0 : i32
      %dma_wait3A_312 = arith.constant 0 : i32
      %dma_wait3A_313 = tpu.memref_slice %arg7[%add3A, %dma_wait3A_311, %dma_wait3A_312] : memref<32x40x128xi32, #tpu.memory_space<hbm>> -> memref<1x40x128xi32, #tpu.memory_space<hbm>>
      %dma_wait3A_314 = tpu.memref_squeeze %dma_wait3A_313 : memref<1x40x128xi32, #tpu.memory_space<hbm>> -> memref<40x128xi32, #tpu.memory_space<hbm>>
      %dma_wait3A_315 = arith.constant 0 : i32
      %dma_wait3A_316 = arith.constant 0 : i32
      %dma_wait3A_317 = tpu.memref_slice %arg7[%add3A, %dma_wait3A_315, %dma_wait3A_316] : memref<32x40x128xi32, #tpu.memory_space<hbm>> -> memref<1x40x128xi32, #tpu.memory_space<hbm>>
      %dma_wait3A_318 = tpu.memref_squeeze %dma_wait3A_317 : memref<1x40x128xi32, #tpu.memory_space<hbm>> -> memref<40x128xi32, #tpu.memory_space<hbm>>
      tpu.wait_dma2 semaphore(%run_scoped3A_302 : memref<!tpu.dma_semaphore, #tpu.memory_space<semaphore_mem>>) src(%dma_wait3A_318 : memref<40x128xi32, #tpu.memory_space<hbm>>) dst(%arg14 : memref<40x128xi32, #tpu.memory_space<vmem>>)
      tpu.yield
    }) : () -> ()
    %dma_start3A = arith.constant 0 : i32
    %dma_start3A_1 = arith.constant 0 : i32
    %dma_start3A_2 = arith.constant 0 : i32
    %dma_start3A_3 = arith.constant 0 : i32
    %dma_start3A_4 = arith.constant 0 : i32
    %dma_start3A_5 = tpu.memref_slice %arg15[%dma_start3A_1, %dma_start3A_3, %dma_start3A_4] : memref<2x128x128xf32, #tpu.memory_space<vmem>> -> memref<1x128x128xf32, #tpu.memory_space<vmem>>
    %dma_start3A_6 = tpu.memref_squeeze %dma_start3A_5 : memref<1x128x128xf32, #tpu.memory_space<vmem>> -> memref<128x128xf32, #tpu.memory_space<vmem>>
    %dma_start3A_7 = arith.constant 0 : i32
    %dma_start3A_8 = tpu.memref_slice %arg13[%dma_start3A, %dma_start3A_7] : memref<40x128xi32, #tpu.memory_space<vmem>> -> memref<1x128xi32, #tpu.memory_space<vmem>>
    %dma_start3A_9 = tpu.memref_squeeze %dma_start3A_8 : memref<1x128xi32, #tpu.memory_space<vmem>> -> memref<128xi32, #tpu.memory_space<vmem>>
    %dma_start3A_10 = arith.constant 0 : i32
    %dma_start3A_11 = arith.constant 0 : i32
    %dma_start3A_12 = tpu.memref_slice %arg2[%dma_start3A_10, %dma_start3A_11] : memref<10000x128xf32, #tpu.memory_space<hbm>> -> memref<10000x128xf32, #tpu.memory_space<hbm>>
    %dma_start3A_13 = tpu.memref_slice %arg16[%dma_start3A_2] : memref<2x!tpu.dma_semaphore, #tpu.memory_space<semaphore_mem>> -> memref<1x!tpu.dma_semaphore, #tpu.memory_space<semaphore_mem>>
    %dma_start3A_14 = tpu.memref_squeeze %dma_start3A_13 : memref<1x!tpu.dma_semaphore, #tpu.memory_space<semaphore_mem>> -> memref<!tpu.dma_semaphore, #tpu.memory_space<semaphore_mem>>
    tpu.enqueue_indirect_dma source(%dma_start3A_12 : memref<10000x128xf32, #tpu.memory_space<hbm>>) target(%dma_start3A_6 : memref<128x128xf32, #tpu.memory_space<vmem>>) offsets(%dma_start3A_9 : memref<128xi32, #tpu.memory_space<vmem>>) semaphore(%dma_start3A_14 : memref<!tpu.dma_semaphore, #tpu.memory_space<semaphore_mem>>)
    %dma_start3A_15 = arith.constant 1 : i32
    %dma_start3A_16 = arith.constant 1 : i32
    %dma_start3A_17 = arith.constant 1 : i32
    %dma_start3A_18 = arith.constant 0 : i32
    %dma_start3A_19 = arith.constant 0 : i32
    %dma_start3A_20 = tpu.memref_slice %arg15[%dma_start3A_16, %dma_start3A_18, %dma_start3A_19] : memref<2x128x128xf32, #tpu.memory_space<vmem>> -> memref<1x128x128xf32, #tpu.memory_space<vmem>>
    %dma_start3A_21 = tpu.memref_squeeze %dma_start3A_20 : memref<1x128x128xf32, #tpu.memory_space<vmem>> -> memref<128x128xf32, #tpu.memory_space<vmem>>
    %dma_start3A_22 = arith.constant 0 : i32
    %dma_start3A_23 = tpu.memref_slice %arg13[%dma_start3A_15, %dma_start3A_22] : memref<40x128xi32, #tpu.memory_space<vmem>> -> memref<1x128xi32, #tpu.memory_space<vmem>>
    %dma_start3A_24 = tpu.memref_squeeze %dma_start3A_23 : memref<1x128xi32, #tpu.memory_space<vmem>> -> memref<128xi32, #tpu.memory_space<vmem>>
    %dma_start3A_25 = arith.constant 0 : i32
    %dma_start3A_26 = arith.constant 0 : i32
    %dma_start3A_27 = tpu.memref_slice %arg2[%dma_start3A_25, %dma_start3A_26] : memref<10000x128xf32, #tpu.memory_space<hbm>> -> memref<10000x128xf32, #tpu.memory_space<hbm>>
    %dma_start3A_28 = tpu.memref_slice %arg16[%dma_start3A_17] : memref<2x!tpu.dma_semaphore, #tpu.memory_space<semaphore_mem>> -> memref<1x!tpu.dma_semaphore, #tpu.memory_space<semaphore_mem>>
    %dma_start3A_29 = tpu.memref_squeeze %dma_start3A_28 : memref<1x!tpu.dma_semaphore, #tpu.memory_space<semaphore_mem>> -> memref<!tpu.dma_semaphore, #tpu.memory_space<semaphore_mem>>
    tpu.enqueue_indirect_dma source(%dma_start3A_27 : memref<10000x128xf32, #tpu.memory_space<hbm>>) target(%dma_start3A_21 : memref<128x128xf32, #tpu.memory_space<vmem>>) offsets(%dma_start3A_24 : memref<128xi32, #tpu.memory_space<vmem>>) semaphore(%dma_start3A_29 : memref<!tpu.dma_semaphore, #tpu.memory_space<semaphore_mem>>)
    %mul3A_30 = arith.constant 632 : i32
    %mul3A_31 = arith.muli %arg1, %mul3A_30 : i32
    "tpu.region"() ({
      %run_scoped3A_302 = tpu.sem_alloc : memref<!tpu.dma_semaphore, #tpu.memory_space<semaphore_mem>>
      %dma_start3A_303 = arith.constant 0 : i32
      %dma_start3A_304 = tpu.memref_slice %arg18[%mul3A_31, %dma_start3A_303] : memref<10112x128xf32, #tpu.memory_space<vmem_shared>> -> memref<632x128xf32, #tpu.memory_space<vmem_shared>>
      tpu.enqueue_dma source(%arg8 : memref<632x128xf32, #tpu.memory_space<hbm>>) target(%dma_start3A_304 : memref<632x128xf32, #tpu.memory_space<vmem_shared>>) target_semaphore(%run_scoped3A_302 : memref<!tpu.dma_semaphore, #tpu.memory_space<semaphore_mem>>)
      %dma_wait3A_305 = arith.constant 0 : i32
      %dma_wait3A_306 = tpu.memref_slice %arg18[%mul3A_31, %dma_wait3A_305] : memref<10112x128xf32, #tpu.memory_space<vmem_shared>> -> memref<632x128xf32, #tpu.memory_space<vmem_shared>>
      tpu.wait_dma2 semaphore(%run_scoped3A_302 : memref<!tpu.dma_semaphore, #tpu.memory_space<semaphore_mem>>) src(%arg8 : memref<632x128xf32, #tpu.memory_space<hbm>>) dst(%dma_wait3A_306 : memref<632x128xf32, #tpu.memory_space<vmem_shared>>)
      tpu.yield
    }) : () -> ()
    %barrier3A = arith.constant 0 : index
    tpu.barrier barrier_id(%barrier3A)
    %scan3A = arith.constant 0 : i32
    %scan3A_32 = arith.constant 0 : i32
    %scan3A_33 = arith.constant 19 : i32
    %scan3A_34 = arith.addi %scan3A_32, %scan3A_33 : i32
    %scan3A_35 = arith.constant 1 : i32
    scf.for %scan3A_302 = %scan3A_32 to %scan3A_34 step %scan3A_35  : i32 {
      %mul3A_303 = arith.constant 2 : i32
      %mul3A_304 = arith.muli %mul3A_303, %scan3A_302 : i32
      %add3A_305 = arith.constant 0 : i32
      %add3A_306 = arith.addi %mul3A_304, %add3A_305 : i32
      %dma_wait3A_307 = arith.constant 0 : i32
      %dma_wait3A_308 = arith.constant 0 : i32
      %dma_wait3A_309 = arith.constant 0 : i32
      %dma_wait3A_310 = arith.constant 0 : i32
      %dma_wait3A_311 = tpu.memref_slice %arg15[%dma_wait3A_307, %dma_wait3A_309, %dma_wait3A_310] : memref<2x128x128xf32, #tpu.memory_space<vmem>> -> memref<1x128x128xf32, #tpu.memory_space<vmem>>
      %dma_wait3A_312 = tpu.memref_squeeze %dma_wait3A_311 : memref<1x128x128xf32, #tpu.memory_space<vmem>> -> memref<128x128xf32, #tpu.memory_space<vmem>>
      %dma_wait3A_313 = arith.constant 0 : i32
      %dma_wait3A_314 = tpu.memref_slice %arg13[%add3A_306, %dma_wait3A_313] : memref<40x128xi32, #tpu.memory_space<vmem>> -> memref<1x128xi32, #tpu.memory_space<vmem>>
      %dma_wait3A_315 = tpu.memref_squeeze %dma_wait3A_314 : memref<1x128xi32, #tpu.memory_space<vmem>> -> memref<128xi32, #tpu.memory_space<vmem>>
      %dma_wait3A_316 = arith.constant 0 : i32
      %dma_wait3A_317 = arith.constant 0 : i32
      %dma_wait3A_318 = tpu.memref_slice %arg2[%dma_wait3A_316, %dma_wait3A_317] : memref<10000x128xf32, #tpu.memory_space<hbm>> -> memref<10000x128xf32, #tpu.memory_space<hbm>>
      %dma_wait3A_319 = tpu.memref_slice %arg16[%dma_wait3A_308] : memref<2x!tpu.dma_semaphore, #tpu.memory_space<semaphore_mem>> -> memref<1x!tpu.dma_semaphore, #tpu.memory_space<semaphore_mem>>
      %dma_wait3A_320 = tpu.memref_squeeze %dma_wait3A_319 : memref<1x!tpu.dma_semaphore, #tpu.memory_space<semaphore_mem>> -> memref<!tpu.dma_semaphore, #tpu.memory_space<semaphore_mem>>
      tpu.wait_indirect_dma semaphore(%dma_wait3A_320 : memref<!tpu.dma_semaphore, #tpu.memory_space<semaphore_mem>>) src(%dma_wait3A_318 : memref<10000x128xf32, #tpu.memory_space<hbm>>) dst(%dma_wait3A_312 : memref<128x128xf32, #tpu.memory_space<vmem>>)
      %run_scoped3A_321 = arith.constant 0 : i32
      "tpu.region"() ({
        %run_scoped3A_373 = tpu.sem_alloc : memref<!tpu.dma_semaphore, #tpu.memory_space<semaphore_mem>>
        %dma_start3A_374 = arith.constant 0 : i32
        %dma_start3A_375 = arith.constant 0 : i32
        %dma_start3A_376 = tpu.memref_slice %arg15[%run_scoped3A_321, %dma_start3A_374, %dma_start3A_375] : memref<2x128x128xf32, #tpu.memory_space<vmem>> -> memref<1x128x128xf32, #tpu.memory_space<vmem>>
        %dma_start3A_377 = tpu.memref_squeeze %dma_start3A_376 : memref<1x128x128xf32, #tpu.memory_space<vmem>> -> memref<128x128xf32, #tpu.memory_space<vmem>>
        %dma_start3A_378 = arith.constant 0 : i32
        %dma_start3A_379 = tpu.memref_slice %arg14[%add3A_306, %dma_start3A_378] : memref<40x128xi32, #tpu.memory_space<vmem>> -> memref<1x128xi32, #tpu.memory_space<vmem>>
        %dma_start3A_380 = tpu.memref_squeeze %dma_start3A_379 : memref<1x128xi32, #tpu.memory_space<vmem>> -> memref<128xi32, #tpu.memory_space<vmem>>
        %dma_start3A_381 = arith.constant 0 : i32
        %dma_start3A_382 = arith.constant 0 : i32
        %dma_start3A_383 = tpu.memref_slice %arg18[%dma_start3A_381, %dma_start3A_382] : memref<10112x128xf32, #tpu.memory_space<vmem_shared>> -> memref<10112x128xf32, #tpu.memory_space<vmem_shared>>
        tpu.enqueue_indirect_dma source(%dma_start3A_377 : memref<128x128xf32, #tpu.memory_space<vmem>>) target(%dma_start3A_383 : memref<10112x128xf32, #tpu.memory_space<vmem_shared>>) offsets(%dma_start3A_380 : memref<128xi32, #tpu.memory_space<vmem>>) semaphore(%run_scoped3A_373 : memref<!tpu.dma_semaphore, #tpu.memory_space<semaphore_mem>>) {add = true}
        %dma_wait3A_384 = arith.constant 0 : i32
        %dma_wait3A_385 = arith.constant 0 : i32
        %dma_wait3A_386 = tpu.memref_slice %arg15[%run_scoped3A_321, %dma_wait3A_384, %dma_wait3A_385] : memref<2x128x128xf32, #tpu.memory_space<vmem>> -> memref<1x128x128xf32, #tpu.memory_space<vmem>>
        %dma_wait3A_387 = tpu.memref_squeeze %dma_wait3A_386 : memref<1x128x128xf32, #tpu.memory_space<vmem>> -> memref<128x128xf32, #tpu.memory_space<vmem>>
        %dma_wait3A_388 = arith.constant 0 : i32
        %dma_wait3A_389 = tpu.memref_slice %arg14[%add3A_306, %dma_wait3A_388] : memref<40x128xi32, #tpu.memory_space<vmem>> -> memref<1x128xi32, #tpu.memory_space<vmem>>
        %dma_wait3A_390 = tpu.memref_squeeze %dma_wait3A_389 : memref<1x128xi32, #tpu.memory_space<vmem>> -> memref<128xi32, #tpu.memory_space<vmem>>
        %dma_wait3A_391 = arith.constant 0 : i32
        %dma_wait3A_392 = arith.constant 0 : i32
        %dma_wait3A_393 = tpu.memref_slice %arg18[%dma_wait3A_391, %dma_wait3A_392] : memref<10112x128xf32, #tpu.memory_space<vmem_shared>> -> memref<10112x128xf32, #tpu.memory_space<vmem_shared>>
        tpu.wait_indirect_dma semaphore(%run_scoped3A_373 : memref<!tpu.dma_semaphore, #tpu.memory_space<semaphore_mem>>) src(%dma_wait3A_387 : memref<128x128xf32, #tpu.memory_space<vmem>>) dst(%dma_wait3A_393 : memref<10112x128xf32, #tpu.memory_space<vmem_shared>>)
        tpu.yield
      }) : () -> ()
      %add3A_322 = arith.constant 2 : i32
      %add3A_323 = arith.addi %add3A_306, %add3A_322 : i32
      %dma_start3A_324 = arith.constant 0 : i32
      %dma_start3A_325 = arith.constant 0 : i32
      %dma_start3A_326 = arith.constant 0 : i32
      %dma_start3A_327 = arith.constant 0 : i32
      %dma_start3A_328 = tpu.memref_slice %arg15[%dma_start3A_324, %dma_start3A_326, %dma_start3A_327] : memref<2x128x128xf32, #tpu.memory_space<vmem>> -> memref<1x128x128xf32, #tpu.memory_space<vmem>>
      %dma_start3A_329 = tpu.memref_squeeze %dma_start3A_328 : memref<1x128x128xf32, #tpu.memory_space<vmem>> -> memref<128x128xf32, #tpu.memory_space<vmem>>
      %dma_start3A_330 = arith.constant 0 : i32
      %dma_start3A_331 = tpu.memref_slice %arg13[%add3A_323, %dma_start3A_330] : memref<40x128xi32, #tpu.memory_space<vmem>> -> memref<1x128xi32, #tpu.memory_space<vmem>>
      %dma_start3A_332 = tpu.memref_squeeze %dma_start3A_331 : memref<1x128xi32, #tpu.memory_space<vmem>> -> memref<128xi32, #tpu.memory_space<vmem>>
      %dma_start3A_333 = arith.constant 0 : i32
      %dma_start3A_334 = arith.constant 0 : i32
      %dma_start3A_335 = tpu.memref_slice %arg2[%dma_start3A_333, %dma_start3A_334] : memref<10000x128xf32, #tpu.memory_space<hbm>> -> memref<10000x128xf32, #tpu.memory_space<hbm>>
      %dma_start3A_336 = tpu.memref_slice %arg16[%dma_start3A_325] : memref<2x!tpu.dma_semaphore, #tpu.memory_space<semaphore_mem>> -> memref<1x!tpu.dma_semaphore, #tpu.memory_space<semaphore_mem>>
      %dma_start3A_337 = tpu.memref_squeeze %dma_start3A_336 : memref<1x!tpu.dma_semaphore, #tpu.memory_space<semaphore_mem>> -> memref<!tpu.dma_semaphore, #tpu.memory_space<semaphore_mem>>
      tpu.enqueue_indirect_dma source(%dma_start3A_335 : memref<10000x128xf32, #tpu.memory_space<hbm>>) target(%dma_start3A_329 : memref<128x128xf32, #tpu.memory_space<vmem>>) offsets(%dma_start3A_332 : memref<128xi32, #tpu.memory_space<vmem>>) semaphore(%dma_start3A_337 : memref<!tpu.dma_semaphore, #tpu.memory_space<semaphore_mem>>)
      %mul3A_338 = arith.constant 2 : i32
      %mul3A_339 = arith.muli %mul3A_338, %scan3A_302 : i32
      %add3A_340 = arith.constant 1 : i32
      %add3A_341 = arith.addi %mul3A_339, %add3A_340 : i32
      %dma_wait3A_342 = arith.constant 1 : i32
      %dma_wait3A_343 = arith.constant 1 : i32
      %dma_wait3A_344 = arith.constant 0 : i32
      %dma_wait3A_345 = arith.constant 0 : i32
      %dma_wait3A_346 = tpu.memref_slice %arg15[%dma_wait3A_342, %dma_wait3A_344, %dma_wait3A_345] : memref<2x128x128xf32, #tpu.memory_space<vmem>> -> memref<1x128x128xf32, #tpu.memory_space<vmem>>
      %dma_wait3A_347 = tpu.memref_squeeze %dma_wait3A_346 : memref<1x128x128xf32, #tpu.memory_space<vmem>> -> memref<128x128xf32, #tpu.memory_space<vmem>>
      %dma_wait3A_348 = arith.constant 0 : i32
      %dma_wait3A_349 = tpu.memref_slice %arg13[%add3A_341, %dma_wait3A_348] : memref<40x128xi32, #tpu.memory_space<vmem>> -> memref<1x128xi32, #tpu.memory_space<vmem>>
      %dma_wait3A_350 = tpu.memref_squeeze %dma_wait3A_349 : memref<1x128xi32, #tpu.memory_space<vmem>> -> memref<128xi32, #tpu.memory_space<vmem>>
      %dma_wait3A_351 = arith.constant 0 : i32
      %dma_wait3A_352 = arith.constant 0 : i32
      %dma_wait3A_353 = tpu.memref_slice %arg2[%dma_wait3A_351, %dma_wait3A_352] : memref<10000x128xf32, #tpu.memory_space<hbm>> -> memref<10000x128xf32, #tpu.memory_space<hbm>>
      %dma_wait3A_354 = tpu.memref_slice %arg16[%dma_wait3A_343] : memref<2x!tpu.dma_semaphore, #tpu.memory_space<semaphore_mem>> -> memref<1x!tpu.dma_semaphore, #tpu.memory_space<semaphore_mem>>
      %dma_wait3A_355 = tpu.memref_squeeze %dma_wait3A_354 : memref<1x!tpu.dma_semaphore, #tpu.memory_space<semaphore_mem>> -> memref<!tpu.dma_semaphore, #tpu.memory_space<semaphore_mem>>
      tpu.wait_indirect_dma semaphore(%dma_wait3A_355 : memref<!tpu.dma_semaphore, #tpu.memory_space<semaphore_mem>>) src(%dma_wait3A_353 : memref<10000x128xf32, #tpu.memory_space<hbm>>) dst(%dma_wait3A_347 : memref<128x128xf32, #tpu.memory_space<vmem>>)
      %run_scoped3A_356 = arith.constant 1 : i32
      "tpu.region"() ({
        %run_scoped3A_373 = tpu.sem_alloc : memref<!tpu.dma_semaphore, #tpu.memory_space<semaphore_mem>>
        %dma_start3A_374 = arith.constant 0 : i32
        %dma_start3A_375 = arith.constant 0 : i32
        %dma_start3A_376 = tpu.memref_slice %arg15[%run_scoped3A_356, %dma_start3A_374, %dma_start3A_375] : memref<2x128x128xf32, #tpu.memory_space<vmem>> -> memref<1x128x128xf32, #tpu.memory_space<vmem>>
        %dma_start3A_377 = tpu.memref_squeeze %dma_start3A_376 : memref<1x128x128xf32, #tpu.memory_space<vmem>> -> memref<128x128xf32, #tpu.memory_space<vmem>>
        %dma_start3A_378 = arith.constant 0 : i32
        %dma_start3A_379 = tpu.memref_slice %arg14[%add3A_341, %dma_start3A_378] : memref<40x128xi32, #tpu.memory_space<vmem>> -> memref<1x128xi32, #tpu.memory_space<vmem>>
        %dma_start3A_380 = tpu.memref_squeeze %dma_start3A_379 : memref<1x128xi32, #tpu.memory_space<vmem>> -> memref<128xi32, #tpu.memory_space<vmem>>
        %dma_start3A_381 = arith.constant 0 : i32
        %dma_start3A_382 = arith.constant 0 : i32
        %dma_start3A_383 = tpu.memref_slice %arg18[%dma_start3A_381, %dma_start3A_382] : memref<10112x128xf32, #tpu.memory_space<vmem_shared>> -> memref<10112x128xf32, #tpu.memory_space<vmem_shared>>
        tpu.enqueue_indirect_dma source(%dma_start3A_377 : memref<128x128xf32, #tpu.memory_space<vmem>>) target(%dma_start3A_383 : memref<10112x128xf32, #tpu.memory_space<vmem_shared>>) offsets(%dma_start3A_380 : memref<128xi32, #tpu.memory_space<vmem>>) semaphore(%run_scoped3A_373 : memref<!tpu.dma_semaphore, #tpu.memory_space<semaphore_mem>>) {add = true}
        %dma_wait3A_384 = arith.constant 0 : i32
        %dma_wait3A_385 = arith.constant 0 : i32
        %dma_wait3A_386 = tpu.memref_slice %arg15[%run_scoped3A_356, %dma_wait3A_384, %dma_wait3A_385] : memref<2x128x128xf32, #tpu.memory_space<vmem>> -> memref<1x128x128xf32, #tpu.memory_space<vmem>>
        %dma_wait3A_387 = tpu.memref_squeeze %dma_wait3A_386 : memref<1x128x128xf32, #tpu.memory_space<vmem>> -> memref<128x128xf32, #tpu.memory_space<vmem>>
        %dma_wait3A_388 = arith.constant 0 : i32
        %dma_wait3A_389 = tpu.memref_slice %arg14[%add3A_341, %dma_wait3A_388] : memref<40x128xi32, #tpu.memory_space<vmem>> -> memref<1x128xi32, #tpu.memory_space<vmem>>
        %dma_wait3A_390 = tpu.memref_squeeze %dma_wait3A_389 : memref<1x128xi32, #tpu.memory_space<vmem>> -> memref<128xi32, #tpu.memory_space<vmem>>
        %dma_wait3A_391 = arith.constant 0 : i32
        %dma_wait3A_392 = arith.constant 0 : i32
        %dma_wait3A_393 = tpu.memref_slice %arg18[%dma_wait3A_391, %dma_wait3A_392] : memref<10112x128xf32, #tpu.memory_space<vmem_shared>> -> memref<10112x128xf32, #tpu.memory_space<vmem_shared>>
        tpu.wait_indirect_dma semaphore(%run_scoped3A_373 : memref<!tpu.dma_semaphore, #tpu.memory_space<semaphore_mem>>) src(%dma_wait3A_387 : memref<128x128xf32, #tpu.memory_space<vmem>>) dst(%dma_wait3A_393 : memref<10112x128xf32, #tpu.memory_space<vmem_shared>>)
        tpu.yield
      }) : () -> ()
      %add3A_357 = arith.constant 2 : i32
      %add3A_358 = arith.addi %add3A_341, %add3A_357 : i32
      %dma_start3A_359 = arith.constant 1 : i32
      %dma_start3A_360 = arith.constant 1 : i32
      %dma_start3A_361 = arith.constant 0 : i32
      %dma_start3A_362 = arith.constant 0 : i32
      %dma_start3A_363 = tpu.memref_slice %arg15[%dma_start3A_359, %dma_start3A_361, %dma_start3A_362] : memref<2x128x128xf32, #tpu.memory_space<vmem>> -> memref<1x128x128xf32, #tpu.memory_space<vmem>>
      %dma_start3A_364 = tpu.memref_squeeze %dma_start3A_363 : memref<1x128x128xf32, #tpu.memory_space<vmem>> -> memref<128x128xf32, #tpu.memory_space<vmem>>
      %dma_start3A_365 = arith.constant 0 : i32
      %dma_start3A_366 = tpu.memref_slice %arg13[%add3A_358, %dma_start3A_365] : memref<40x128xi32, #tpu.memory_space<vmem>> -> memref<1x128xi32, #tpu.memory_space<vmem>>
      %dma_start3A_367 = tpu.memref_squeeze %dma_start3A_366 : memref<1x128xi32, #tpu.memory_space<vmem>> -> memref<128xi32, #tpu.memory_space<vmem>>
      %dma_start3A_368 = arith.constant 0 : i32
      %dma_start3A_369 = arith.constant 0 : i32
      %dma_start3A_370 = tpu.memref_slice %arg2[%dma_start3A_368, %dma_start3A_369] : memref<10000x128xf32, #tpu.memory_space<hbm>> -> memref<10000x128xf32, #tpu.memory_space<hbm>>
      %dma_start3A_371 = tpu.memref_slice %arg16[%dma_start3A_360] : memref<2x!tpu.dma_semaphore, #tpu.memory_space<semaphore_mem>> -> memref<1x!tpu.dma_semaphore, #tpu.memory_space<semaphore_mem>>
      %dma_start3A_372 = tpu.memref_squeeze %dma_start3A_371 : memref<1x!tpu.dma_semaphore, #tpu.memory_space<semaphore_mem>> -> memref<!tpu.dma_semaphore, #tpu.memory_space<semaphore_mem>>
      tpu.enqueue_indirect_dma source(%dma_start3A_370 : memref<10000x128xf32, #tpu.memory_space<hbm>>) target(%dma_start3A_364 : memref<128x128xf32, #tpu.memory_space<vmem>>) offsets(%dma_start3A_367 : memref<128xi32, #tpu.memory_space<vmem>>) semaphore(%dma_start3A_372 : memref<!tpu.dma_semaphore, #tpu.memory_space<semaphore_mem>>)
    }
    %scan3A_36 = arith.constant 19 : i32
    %dma_wait3A = arith.constant 38 : i32
    %dma_wait3A_37 = arith.constant 0 : i32
    %dma_wait3A_38 = arith.constant 0 : i32
    %dma_wait3A_39 = arith.constant 0 : i32
    %dma_wait3A_40 = arith.constant 0 : i32
    %dma_wait3A_41 = tpu.memref_slice %arg15[%dma_wait3A_37, %dma_wait3A_39, %dma_wait3A_40] : memref<2x128x128xf32, #tpu.memory_space<vmem>> -> memref<1x128x128xf32, #tpu.memory_space<vmem>>
    %dma_wait3A_42 = tpu.memref_squeeze %dma_wait3A_41 : memref<1x128x128xf32, #tpu.memory_space<vmem>> -> memref<128x128xf32, #tpu.memory_space<vmem>>
    %dma_wait3A_43 = arith.constant 0 : i32
    %dma_wait3A_44 = tpu.memref_slice %arg13[%dma_wait3A, %dma_wait3A_43] : memref<40x128xi32, #tpu.memory_space<vmem>> -> memref<1x128xi32, #tpu.memory_space<vmem>>
    %dma_wait3A_45 = tpu.memref_squeeze %dma_wait3A_44 : memref<1x128xi32, #tpu.memory_space<vmem>> -> memref<128xi32, #tpu.memory_space<vmem>>
    %dma_wait3A_46 = arith.constant 0 : i32
    %dma_wait3A_47 = arith.constant 0 : i32
    %dma_wait3A_48 = tpu.memref_slice %arg2[%dma_wait3A_46, %dma_wait3A_47] : memref<10000x128xf32, #tpu.memory_space<hbm>> -> memref<10000x128xf32, #tpu.memory_space<hbm>>
    %dma_wait3A_49 = tpu.memref_slice %arg16[%dma_wait3A_38] : memref<2x!tpu.dma_semaphore, #tpu.memory_space<semaphore_mem>> -> memref<1x!tpu.dma_semaphore, #tpu.memory_space<semaphore_mem>>
    %dma_wait3A_50 = tpu.memref_squeeze %dma_wait3A_49 : memref<1x!tpu.dma_semaphore, #tpu.memory_space<semaphore_mem>> -> memref<!tpu.dma_semaphore, #tpu.memory_space<semaphore_mem>>
    tpu.wait_indirect_dma semaphore(%dma_wait3A_50 : memref<!tpu.dma_semaphore, #tpu.memory_space<semaphore_mem>>) src(%dma_wait3A_48 : memref<10000x128xf32, #tpu.memory_space<hbm>>) dst(%dma_wait3A_42 : memref<128x128xf32, #tpu.memory_space<vmem>>)
    %run_scoped3A = arith.constant 0 : i32
    %run_scoped3A_51 = arith.constant 38 : i32
    "tpu.region"() ({
      %run_scoped3A_302 = tpu.sem_alloc : memref<!tpu.dma_semaphore, #tpu.memory_space<semaphore_mem>>
      %dma_start3A_303 = arith.constant 0 : i32
      %dma_start3A_304 = arith.constant 0 : i32
      %dma_start3A_305 = tpu.memref_slice %arg15[%run_scoped3A, %dma_start3A_303, %dma_start3A_304] : memref<2x128x128xf32, #tpu.memory_space<vmem>> -> memref<1x128x128xf32, #tpu.memory_space<vmem>>
      %dma_start3A_306 = tpu.memref_squeeze %dma_start3A_305 : memref<1x128x128xf32, #tpu.memory_space<vmem>> -> memref<128x128xf32, #tpu.memory_space<vmem>>
      %dma_start3A_307 = arith.constant 0 : i32
      %dma_start3A_308 = tpu.memref_slice %arg14[%run_scoped3A_51, %dma_start3A_307] : memref<40x128xi32, #tpu.memory_space<vmem>> -> memref<1x128xi32, #tpu.memory_space<vmem>>
      %dma_start3A_309 = tpu.memref_squeeze %dma_start3A_308 : memref<1x128xi32, #tpu.memory_space<vmem>> -> memref<128xi32, #tpu.memory_space<vmem>>
      %dma_start3A_310 = arith.constant 0 : i32
      %dma_start3A_311 = arith.constant 0 : i32
      %dma_start3A_312 = tpu.memref_slice %arg18[%dma_start3A_310, %dma_start3A_311] : memref<10112x128xf32, #tpu.memory_space<vmem_shared>> -> memref<10112x128xf32, #tpu.memory_space<vmem_shared>>
      tpu.enqueue_indirect_dma source(%dma_start3A_306 : memref<128x128xf32, #tpu.memory_space<vmem>>) target(%dma_start3A_312 : memref<10112x128xf32, #tpu.memory_space<vmem_shared>>) offsets(%dma_start3A_309 : memref<128xi32, #tpu.memory_space<vmem>>) semaphore(%run_scoped3A_302 : memref<!tpu.dma_semaphore, #tpu.memory_space<semaphore_mem>>) {add = true}
      %dma_wait3A_313 = arith.constant 0 : i32
      %dma_wait3A_314 = arith.constant 0 : i32
      %dma_wait3A_315 = tpu.memref_slice %arg15[%run_scoped3A, %dma_wait3A_313, %dma_wait3A_314] : memref<2x128x128xf32, #tpu.memory_space<vmem>> -> memref<1x128x128xf32, #tpu.memory_space<vmem>>
      %dma_wait3A_316 = tpu.memref_squeeze %dma_wait3A_315 : memref<1x128x128xf32, #tpu.memory_space<vmem>> -> memref<128x128xf32, #tpu.memory_space<vmem>>
      %dma_wait3A_317 = arith.constant 0 : i32
      %dma_wait3A_318 = tpu.memref_slice %arg14[%run_scoped3A_51, %dma_wait3A_317] : memref<40x128xi32, #tpu.memory_space<vmem>> -> memref<1x128xi32, #tpu.memory_space<vmem>>
      %dma_wait3A_319 = tpu.memref_squeeze %dma_wait3A_318 : memref<1x128xi32, #tpu.memory_space<vmem>> -> memref<128xi32, #tpu.memory_space<vmem>>
      %dma_wait3A_320 = arith.constant 0 : i32
      %dma_wait3A_321 = arith.constant 0 : i32
      %dma_wait3A_322 = tpu.memref_slice %arg18[%dma_wait3A_320, %dma_wait3A_321] : memref<10112x128xf32, #tpu.memory_space<vmem_shared>> -> memref<10112x128xf32, #tpu.memory_space<vmem_shared>>
      tpu.wait_indirect_dma semaphore(%run_scoped3A_302 : memref<!tpu.dma_semaphore, #tpu.memory_space<semaphore_mem>>) src(%dma_wait3A_316 : memref<128x128xf32, #tpu.memory_space<vmem>>) dst(%dma_wait3A_322 : memref<10112x128xf32, #tpu.memory_space<vmem_shared>>)
      tpu.yield
    }) : () -> ()
    %dma_wait3A_52 = arith.constant 39 : i32
    %dma_wait3A_53 = arith.constant 1 : i32
    %dma_wait3A_54 = arith.constant 1 : i32
    %dma_wait3A_55 = arith.constant 0 : i32
    %dma_wait3A_56 = arith.constant 0 : i32
    %dma_wait3A_57 = tpu.memref_slice %arg15[%dma_wait3A_53, %dma_wait3A_55, %dma_wait3A_56] : memref<2x128x128xf32, #tpu.memory_space<vmem>> -> memref<1x128x128xf32, #tpu.memory_space<vmem>>
    %dma_wait3A_58 = tpu.memref_squeeze %dma_wait3A_57 : memref<1x128x128xf32, #tpu.memory_space<vmem>> -> memref<128x128xf32, #tpu.memory_space<vmem>>
    %dma_wait3A_59 = arith.constant 0 : i32
    %dma_wait3A_60 = tpu.memref_slice %arg13[%dma_wait3A_52, %dma_wait3A_59] : memref<40x128xi32, #tpu.memory_space<vmem>> -> memref<1x128xi32, #tpu.memory_space<vmem>>
    %dma_wait3A_61 = tpu.memref_squeeze %dma_wait3A_60 : memref<1x128xi32, #tpu.memory_space<vmem>> -> memref<128xi32, #tpu.memory_space<vmem>>
    %dma_wait3A_62 = arith.constant 0 : i32
    %dma_wait3A_63 = arith.constant 0 : i32
    %dma_wait3A_64 = tpu.memref_slice %arg2[%dma_wait3A_62, %dma_wait3A_63] : memref<10000x128xf32, #tpu.memory_space<hbm>> -> memref<10000x128xf32, #tpu.memory_space<hbm>>
    %dma_wait3A_65 = tpu.memref_slice %arg16[%dma_wait3A_54] : memref<2x!tpu.dma_semaphore, #tpu.memory_space<semaphore_mem>> -> memref<1x!tpu.dma_semaphore, #tpu.memory_space<semaphore_mem>>
    %dma_wait3A_66 = tpu.memref_squeeze %dma_wait3A_65 : memref<1x!tpu.dma_semaphore, #tpu.memory_space<semaphore_mem>> -> memref<!tpu.dma_semaphore, #tpu.memory_space<semaphore_mem>>
    tpu.wait_indirect_dma semaphore(%dma_wait3A_66 : memref<!tpu.dma_semaphore, #tpu.memory_space<semaphore_mem>>) src(%dma_wait3A_64 : memref<10000x128xf32, #tpu.memory_space<hbm>>) dst(%dma_wait3A_58 : memref<128x128xf32, #tpu.memory_space<vmem>>)
    %run_scoped3A_67 = arith.constant 1 : i32
    %run_scoped3A_68 = arith.constant 39 : i32
    "tpu.region"() ({
      %run_scoped3A_302 = tpu.sem_alloc : memref<!tpu.dma_semaphore, #tpu.memory_space<semaphore_mem>>
      %dma_start3A_303 = arith.constant 0 : i32
      %dma_start3A_304 = arith.constant 0 : i32
      %dma_start3A_305 = tpu.memref_slice %arg15[%run_scoped3A_67, %dma_start3A_303, %dma_start3A_304] : memref<2x128x128xf32, #tpu.memory_space<vmem>> -> memref<1x128x128xf32, #tpu.memory_space<vmem>>
      %dma_start3A_306 = tpu.memref_squeeze %dma_start3A_305 : memref<1x128x128xf32, #tpu.memory_space<vmem>> -> memref<128x128xf32, #tpu.memory_space<vmem>>
      %dma_start3A_307 = arith.constant 0 : i32
      %dma_start3A_308 = tpu.memref_slice %arg14[%run_scoped3A_68, %dma_start3A_307] : memref<40x128xi32, #tpu.memory_space<vmem>> -> memref<1x128xi32, #tpu.memory_space<vmem>>
      %dma_start3A_309 = tpu.memref_squeeze %dma_start3A_308 : memref<1x128xi32, #tpu.memory_space<vmem>> -> memref<128xi32, #tpu.memory_space<vmem>>
      %dma_start3A_310 = arith.constant 0 : i32
      %dma_start3A_311 = arith.constant 0 : i32
      %dma_start3A_312 = tpu.memref_slice %arg18[%dma_start3A_310, %dma_start3A_311] : memref<10112x128xf32, #tpu.memory_space<vmem_shared>> -> memref<10112x128xf32, #tpu.memory_space<vmem_shared>>
      tpu.enqueue_indirect_dma source(%dma_start3A_306 : memref<128x128xf32, #tpu.memory_space<vmem>>) target(%dma_start3A_312 : memref<10112x128xf32, #tpu.memory_space<vmem_shared>>) offsets(%dma_start3A_309 : memref<128xi32, #tpu.memory_space<vmem>>) semaphore(%run_scoped3A_302 : memref<!tpu.dma_semaphore, #tpu.memory_space<semaphore_mem>>) {add = true}
      %dma_wait3A_313 = arith.constant 0 : i32
      %dma_wait3A_314 = arith.constant 0 : i32
      %dma_wait3A_315 = tpu.memref_slice %arg15[%run_scoped3A_67, %dma_wait3A_313, %dma_wait3A_314] : memref<2x128x128xf32, #tpu.memory_space<vmem>> -> memref<1x128x128xf32, #tpu.memory_space<vmem>>
      %dma_wait3A_316 = tpu.memref_squeeze %dma_wait3A_315 : memref<1x128x128xf32, #tpu.memory_space<vmem>> -> memref<128x128xf32, #tpu.memory_space<vmem>>
      %dma_wait3A_317 = arith.constant 0 : i32
      %dma_wait3A_318 = tpu.memref_slice %arg14[%run_scoped3A_68, %dma_wait3A_317] : memref<40x128xi32, #tpu.memory_space<vmem>> -> memref<1x128xi32, #tpu.memory_space<vmem>>
      %dma_wait3A_319 = tpu.memref_squeeze %dma_wait3A_318 : memref<1x128xi32, #tpu.memory_space<vmem>> -> memref<128xi32, #tpu.memory_space<vmem>>
      %dma_wait3A_320 = arith.constant 0 : i32
      %dma_wait3A_321 = arith.constant 0 : i32
      %dma_wait3A_322 = tpu.memref_slice %arg18[%dma_wait3A_320, %dma_wait3A_321] : memref<10112x128xf32, #tpu.memory_space<vmem_shared>> -> memref<10112x128xf32, #tpu.memory_space<vmem_shared>>
      tpu.wait_indirect_dma semaphore(%run_scoped3A_302 : memref<!tpu.dma_semaphore, #tpu.memory_space<semaphore_mem>>) src(%dma_wait3A_316 : memref<128x128xf32, #tpu.memory_space<vmem>>) dst(%dma_wait3A_322 : memref<10112x128xf32, #tpu.memory_space<vmem_shared>>)
      tpu.yield
    }) : () -> ()
    %barrier3A_69 = arith.constant 0 : index
    tpu.barrier barrier_id(%barrier3A_69)
    %mul3A_70 = arith.constant 632 : i32
    %mul3A_71 = arith.muli %arg1, %mul3A_70 : i32
    %mul3A_72 = arith.constant 632 : i32
    %mul3A_73 = arith.muli %arg1, %mul3A_72 : i32
    "tpu.region"() ({
      %run_scoped3A_302 = tpu.sem_alloc : memref<!tpu.dma_semaphore, #tpu.memory_space<semaphore_mem>>
      %dma_start3A_303 = arith.constant 0 : i32
      %dma_start3A_304 = arith.constant 0 : i32
      %dma_start3A_305 = tpu.memref_slice %arg9[%arg0, %dma_start3A_303, %dma_start3A_304] : memref<2x10112x128xf32, #tpu.memory_space<hbm>> -> memref<1x10112x128xf32, #tpu.memory_space<hbm>>
      %dma_start3A_306 = tpu.memref_squeeze %dma_start3A_305 : memref<1x10112x128xf32, #tpu.memory_space<hbm>> -> memref<10112x128xf32, #tpu.memory_space<hbm>>
      %dma_start3A_307 = arith.constant 0 : i32
      %dma_start3A_308 = tpu.memref_slice %dma_start3A_306[%mul3A_73, %dma_start3A_307] : memref<10112x128xf32, #tpu.memory_space<hbm>> -> memref<632x128xf32, #tpu.memory_space<hbm>>
      %dma_start3A_309 = arith.constant 0 : i32
      %dma_start3A_310 = tpu.memref_slice %arg18[%mul3A_71, %dma_start3A_309] : memref<10112x128xf32, #tpu.memory_space<vmem_shared>> -> memref<632x128xf32, #tpu.memory_space<vmem_shared>>
      tpu.enqueue_dma source(%dma_start3A_310 : memref<632x128xf32, #tpu.memory_space<vmem_shared>>) target(%dma_start3A_308 : memref<632x128xf32, #tpu.memory_space<hbm>>) target_semaphore(%run_scoped3A_302 : memref<!tpu.dma_semaphore, #tpu.memory_space<semaphore_mem>>)
      %dma_wait3A_311 = arith.constant 0 : i32
      %dma_wait3A_312 = arith.constant 0 : i32
      %dma_wait3A_313 = tpu.memref_slice %arg9[%arg0, %dma_wait3A_311, %dma_wait3A_312] : memref<2x10112x128xf32, #tpu.memory_space<hbm>> -> memref<1x10112x128xf32, #tpu.memory_space<hbm>>
      %dma_wait3A_314 = tpu.memref_squeeze %dma_wait3A_313 : memref<1x10112x128xf32, #tpu.memory_space<hbm>> -> memref<10112x128xf32, #tpu.memory_space<hbm>>
      %dma_wait3A_315 = arith.constant 0 : i32
      %dma_wait3A_316 = tpu.memref_slice %dma_wait3A_314[%mul3A_73, %dma_wait3A_315] : memref<10112x128xf32, #tpu.memory_space<hbm>> -> memref<632x128xf32, #tpu.memory_space<hbm>>
      %dma_wait3A_317 = arith.constant 0 : i32
      %dma_wait3A_318 = tpu.memref_slice %arg18[%mul3A_71, %dma_wait3A_317] : memref<10112x128xf32, #tpu.memory_space<vmem_shared>> -> memref<632x128xf32, #tpu.memory_space<vmem_shared>>
      tpu.wait_dma2 semaphore(%run_scoped3A_302 : memref<!tpu.dma_semaphore, #tpu.memory_space<semaphore_mem>>) src(%dma_wait3A_318 : memref<632x128xf32, #tpu.memory_space<vmem_shared>>) dst(%dma_wait3A_316 : memref<632x128xf32, #tpu.memory_space<hbm>>)
      tpu.yield
    }) : () -> ()
    %dma_start3A_74 = arith.constant 0 : i32
    %dma_start3A_75 = arith.constant 0 : i32
    %dma_start3A_76 = arith.constant 0 : i32
    %dma_start3A_77 = arith.constant 0 : i32
    %dma_start3A_78 = arith.constant 0 : i32
    %dma_start3A_79 = tpu.memref_slice %arg15[%dma_start3A_75, %dma_start3A_77, %dma_start3A_78] : memref<2x128x128xf32, #tpu.memory_space<vmem>> -> memref<1x128x128xf32, #tpu.memory_space<vmem>>
    %dma_start3A_80 = tpu.memref_squeeze %dma_start3A_79 : memref<1x128x128xf32, #tpu.memory_space<vmem>> -> memref<128x128xf32, #tpu.memory_space<vmem>>
    %dma_start3A_81 = arith.constant 0 : i32
    %dma_start3A_82 = tpu.memref_slice %arg13[%dma_start3A_74, %dma_start3A_81] : memref<40x128xi32, #tpu.memory_space<vmem>> -> memref<1x128xi32, #tpu.memory_space<vmem>>
    %dma_start3A_83 = tpu.memref_squeeze %dma_start3A_82 : memref<1x128xi32, #tpu.memory_space<vmem>> -> memref<128xi32, #tpu.memory_space<vmem>>
    %dma_start3A_84 = arith.constant 0 : i32
    %dma_start3A_85 = arith.constant 0 : i32
    %dma_start3A_86 = tpu.memref_slice %arg3[%dma_start3A_84, %dma_start3A_85] : memref<10000x128xf32, #tpu.memory_space<hbm>> -> memref<10000x128xf32, #tpu.memory_space<hbm>>
    %dma_start3A_87 = tpu.memref_slice %arg16[%dma_start3A_76] : memref<2x!tpu.dma_semaphore, #tpu.memory_space<semaphore_mem>> -> memref<1x!tpu.dma_semaphore, #tpu.memory_space<semaphore_mem>>
    %dma_start3A_88 = tpu.memref_squeeze %dma_start3A_87 : memref<1x!tpu.dma_semaphore, #tpu.memory_space<semaphore_mem>> -> memref<!tpu.dma_semaphore, #tpu.memory_space<semaphore_mem>>
    tpu.enqueue_indirect_dma source(%dma_start3A_86 : memref<10000x128xf32, #tpu.memory_space<hbm>>) target(%dma_start3A_80 : memref<128x128xf32, #tpu.memory_space<vmem>>) offsets(%dma_start3A_83 : memref<128xi32, #tpu.memory_space<vmem>>) semaphore(%dma_start3A_88 : memref<!tpu.dma_semaphore, #tpu.memory_space<semaphore_mem>>)
    %dma_start3A_89 = arith.constant 1 : i32
    %dma_start3A_90 = arith.constant 1 : i32
    %dma_start3A_91 = arith.constant 1 : i32
    %dma_start3A_92 = arith.constant 0 : i32
    %dma_start3A_93 = arith.constant 0 : i32
    %dma_start3A_94 = tpu.memref_slice %arg15[%dma_start3A_90, %dma_start3A_92, %dma_start3A_93] : memref<2x128x128xf32, #tpu.memory_space<vmem>> -> memref<1x128x128xf32, #tpu.memory_space<vmem>>
    %dma_start3A_95 = tpu.memref_squeeze %dma_start3A_94 : memref<1x128x128xf32, #tpu.memory_space<vmem>> -> memref<128x128xf32, #tpu.memory_space<vmem>>
    %dma_start3A_96 = arith.constant 0 : i32
    %dma_start3A_97 = tpu.memref_slice %arg13[%dma_start3A_89, %dma_start3A_96] : memref<40x128xi32, #tpu.memory_space<vmem>> -> memref<1x128xi32, #tpu.memory_space<vmem>>
    %dma_start3A_98 = tpu.memref_squeeze %dma_start3A_97 : memref<1x128xi32, #tpu.memory_space<vmem>> -> memref<128xi32, #tpu.memory_space<vmem>>
    %dma_start3A_99 = arith.constant 0 : i32
    %dma_start3A_100 = arith.constant 0 : i32
    %dma_start3A_101 = tpu.memref_slice %arg3[%dma_start3A_99, %dma_start3A_100] : memref<10000x128xf32, #tpu.memory_space<hbm>> -> memref<10000x128xf32, #tpu.memory_space<hbm>>
    %dma_start3A_102 = tpu.memref_slice %arg16[%dma_start3A_91] : memref<2x!tpu.dma_semaphore, #tpu.memory_space<semaphore_mem>> -> memref<1x!tpu.dma_semaphore, #tpu.memory_space<semaphore_mem>>
    %dma_start3A_103 = tpu.memref_squeeze %dma_start3A_102 : memref<1x!tpu.dma_semaphore, #tpu.memory_space<semaphore_mem>> -> memref<!tpu.dma_semaphore, #tpu.memory_space<semaphore_mem>>
    tpu.enqueue_indirect_dma source(%dma_start3A_101 : memref<10000x128xf32, #tpu.memory_space<hbm>>) target(%dma_start3A_95 : memref<128x128xf32, #tpu.memory_space<vmem>>) offsets(%dma_start3A_98 : memref<128xi32, #tpu.memory_space<vmem>>) semaphore(%dma_start3A_103 : memref<!tpu.dma_semaphore, #tpu.memory_space<semaphore_mem>>)
    %barrier3A_104 = arith.constant 0 : index
    tpu.barrier barrier_id(%barrier3A_104)
    %scan3A_105 = arith.constant 0 : i32
    %scan3A_106 = arith.constant 0 : i32
    %scan3A_107 = arith.constant 19 : i32
    %scan3A_108 = arith.addi %scan3A_106, %scan3A_107 : i32
    %scan3A_109 = arith.constant 1 : i32
    scf.for %scan3A_302 = %scan3A_106 to %scan3A_108 step %scan3A_109  : i32 {
      %mul3A_303 = arith.constant 2 : i32
      %mul3A_304 = arith.muli %mul3A_303, %scan3A_302 : i32
      %add3A_305 = arith.constant 0 : i32
      %add3A_306 = arith.addi %mul3A_304, %add3A_305 : i32
      %dma_wait3A_307 = arith.constant 0 : i32
      %dma_wait3A_308 = arith.constant 0 : i32
      %dma_wait3A_309 = arith.constant 0 : i32
      %dma_wait3A_310 = arith.constant 0 : i32
      %dma_wait3A_311 = tpu.memref_slice %arg15[%dma_wait3A_307, %dma_wait3A_309, %dma_wait3A_310] : memref<2x128x128xf32, #tpu.memory_space<vmem>> -> memref<1x128x128xf32, #tpu.memory_space<vmem>>
      %dma_wait3A_312 = tpu.memref_squeeze %dma_wait3A_311 : memref<1x128x128xf32, #tpu.memory_space<vmem>> -> memref<128x128xf32, #tpu.memory_space<vmem>>
      %dma_wait3A_313 = arith.constant 0 : i32
      %dma_wait3A_314 = tpu.memref_slice %arg13[%add3A_306, %dma_wait3A_313] : memref<40x128xi32, #tpu.memory_space<vmem>> -> memref<1x128xi32, #tpu.memory_space<vmem>>
      %dma_wait3A_315 = tpu.memref_squeeze %dma_wait3A_314 : memref<1x128xi32, #tpu.memory_space<vmem>> -> memref<128xi32, #tpu.memory_space<vmem>>
      %dma_wait3A_316 = arith.constant 0 : i32
      %dma_wait3A_317 = arith.constant 0 : i32
      %dma_wait3A_318 = tpu.memref_slice %arg3[%dma_wait3A_316, %dma_wait3A_317] : memref<10000x128xf32, #tpu.memory_space<hbm>> -> memref<10000x128xf32, #tpu.memory_space<hbm>>
      %dma_wait3A_319 = tpu.memref_slice %arg16[%dma_wait3A_308] : memref<2x!tpu.dma_semaphore, #tpu.memory_space<semaphore_mem>> -> memref<1x!tpu.dma_semaphore, #tpu.memory_space<semaphore_mem>>
      %dma_wait3A_320 = tpu.memref_squeeze %dma_wait3A_319 : memref<1x!tpu.dma_semaphore, #tpu.memory_space<semaphore_mem>> -> memref<!tpu.dma_semaphore, #tpu.memory_space<semaphore_mem>>
      tpu.wait_indirect_dma semaphore(%dma_wait3A_320 : memref<!tpu.dma_semaphore, #tpu.memory_space<semaphore_mem>>) src(%dma_wait3A_318 : memref<10000x128xf32, #tpu.memory_space<hbm>>) dst(%dma_wait3A_312 : memref<128x128xf32, #tpu.memory_space<vmem>>)
      %run_scoped3A_321 = arith.constant 0 : i32
      "tpu.region"() ({
        %run_scoped3A_373 = tpu.sem_alloc : memref<!tpu.dma_semaphore, #tpu.memory_space<semaphore_mem>>
        %dma_start3A_374 = arith.constant 0 : i32
        %dma_start3A_375 = arith.constant 0 : i32
        %dma_start3A_376 = tpu.memref_slice %arg15[%run_scoped3A_321, %dma_start3A_374, %dma_start3A_375] : memref<2x128x128xf32, #tpu.memory_space<vmem>> -> memref<1x128x128xf32, #tpu.memory_space<vmem>>
        %dma_start3A_377 = tpu.memref_squeeze %dma_start3A_376 : memref<1x128x128xf32, #tpu.memory_space<vmem>> -> memref<128x128xf32, #tpu.memory_space<vmem>>
        %dma_start3A_378 = arith.constant 0 : i32
        %dma_start3A_379 = tpu.memref_slice %arg14[%add3A_306, %dma_start3A_378] : memref<40x128xi32, #tpu.memory_space<vmem>> -> memref<1x128xi32, #tpu.memory_space<vmem>>
        %dma_start3A_380 = tpu.memref_squeeze %dma_start3A_379 : memref<1x128xi32, #tpu.memory_space<vmem>> -> memref<128xi32, #tpu.memory_space<vmem>>
        %dma_start3A_381 = arith.constant 0 : i32
        %dma_start3A_382 = arith.constant 0 : i32
        %dma_start3A_383 = tpu.memref_slice %arg18[%dma_start3A_381, %dma_start3A_382] : memref<10112x128xf32, #tpu.memory_space<vmem_shared>> -> memref<10112x128xf32, #tpu.memory_space<vmem_shared>>
        tpu.enqueue_indirect_dma source(%dma_start3A_377 : memref<128x128xf32, #tpu.memory_space<vmem>>) target(%dma_start3A_383 : memref<10112x128xf32, #tpu.memory_space<vmem_shared>>) offsets(%dma_start3A_380 : memref<128xi32, #tpu.memory_space<vmem>>) semaphore(%run_scoped3A_373 : memref<!tpu.dma_semaphore, #tpu.memory_space<semaphore_mem>>) {add = true}
        %dma_wait3A_384 = arith.constant 0 : i32
        %dma_wait3A_385 = arith.constant 0 : i32
        %dma_wait3A_386 = tpu.memref_slice %arg15[%run_scoped3A_321, %dma_wait3A_384, %dma_wait3A_385] : memref<2x128x128xf32, #tpu.memory_space<vmem>> -> memref<1x128x128xf32, #tpu.memory_space<vmem>>
        %dma_wait3A_387 = tpu.memref_squeeze %dma_wait3A_386 : memref<1x128x128xf32, #tpu.memory_space<vmem>> -> memref<128x128xf32, #tpu.memory_space<vmem>>
        %dma_wait3A_388 = arith.constant 0 : i32
        %dma_wait3A_389 = tpu.memref_slice %arg14[%add3A_306, %dma_wait3A_388] : memref<40x128xi32, #tpu.memory_space<vmem>> -> memref<1x128xi32, #tpu.memory_space<vmem>>
        %dma_wait3A_390 = tpu.memref_squeeze %dma_wait3A_389 : memref<1x128xi32, #tpu.memory_space<vmem>> -> memref<128xi32, #tpu.memory_space<vmem>>
        %dma_wait3A_391 = arith.constant 0 : i32
        %dma_wait3A_392 = arith.constant 0 : i32
        %dma_wait3A_393 = tpu.memref_slice %arg18[%dma_wait3A_391, %dma_wait3A_392] : memref<10112x128xf32, #tpu.memory_space<vmem_shared>> -> memref<10112x128xf32, #tpu.memory_space<vmem_shared>>
        tpu.wait_indirect_dma semaphore(%run_scoped3A_373 : memref<!tpu.dma_semaphore, #tpu.memory_space<semaphore_mem>>) src(%dma_wait3A_387 : memref<128x128xf32, #tpu.memory_space<vmem>>) dst(%dma_wait3A_393 : memref<10112x128xf32, #tpu.memory_space<vmem_shared>>)
        tpu.yield
      }) : () -> ()
      %add3A_322 = arith.constant 2 : i32
      %add3A_323 = arith.addi %add3A_306, %add3A_322 : i32
      %dma_start3A_324 = arith.constant 0 : i32
      %dma_start3A_325 = arith.constant 0 : i32
      %dma_start3A_326 = arith.constant 0 : i32
      %dma_start3A_327 = arith.constant 0 : i32
      %dma_start3A_328 = tpu.memref_slice %arg15[%dma_start3A_324, %dma_start3A_326, %dma_start3A_327] : memref<2x128x128xf32, #tpu.memory_space<vmem>> -> memref<1x128x128xf32, #tpu.memory_space<vmem>>
      %dma_start3A_329 = tpu.memref_squeeze %dma_start3A_328 : memref<1x128x128xf32, #tpu.memory_space<vmem>> -> memref<128x128xf32, #tpu.memory_space<vmem>>
      %dma_start3A_330 = arith.constant 0 : i32
      %dma_start3A_331 = tpu.memref_slice %arg13[%add3A_323, %dma_start3A_330] : memref<40x128xi32, #tpu.memory_space<vmem>> -> memref<1x128xi32, #tpu.memory_space<vmem>>
      %dma_start3A_332 = tpu.memref_squeeze %dma_start3A_331 : memref<1x128xi32, #tpu.memory_space<vmem>> -> memref<128xi32, #tpu.memory_space<vmem>>
      %dma_start3A_333 = arith.constant 0 : i32
      %dma_start3A_334 = arith.constant 0 : i32
      %dma_start3A_335 = tpu.memref_slice %arg3[%dma_start3A_333, %dma_start3A_334] : memref<10000x128xf32, #tpu.memory_space<hbm>> -> memref<10000x128xf32, #tpu.memory_space<hbm>>
      %dma_start3A_336 = tpu.memref_slice %arg16[%dma_start3A_325] : memref<2x!tpu.dma_semaphore, #tpu.memory_space<semaphore_mem>> -> memref<1x!tpu.dma_semaphore, #tpu.memory_space<semaphore_mem>>
      %dma_start3A_337 = tpu.memref_squeeze %dma_start3A_336 : memref<1x!tpu.dma_semaphore, #tpu.memory_space<semaphore_mem>> -> memref<!tpu.dma_semaphore, #tpu.memory_space<semaphore_mem>>
      tpu.enqueue_indirect_dma source(%dma_start3A_335 : memref<10000x128xf32, #tpu.memory_space<hbm>>) target(%dma_start3A_329 : memref<128x128xf32, #tpu.memory_space<vmem>>) offsets(%dma_start3A_332 : memref<128xi32, #tpu.memory_space<vmem>>) semaphore(%dma_start3A_337 : memref<!tpu.dma_semaphore, #tpu.memory_space<semaphore_mem>>)
      %mul3A_338 = arith.constant 2 : i32
      %mul3A_339 = arith.muli %mul3A_338, %scan3A_302 : i32
      %add3A_340 = arith.constant 1 : i32
      %add3A_341 = arith.addi %mul3A_339, %add3A_340 : i32
      %dma_wait3A_342 = arith.constant 1 : i32
      %dma_wait3A_343 = arith.constant 1 : i32
      %dma_wait3A_344 = arith.constant 0 : i32
      %dma_wait3A_345 = arith.constant 0 : i32
      %dma_wait3A_346 = tpu.memref_slice %arg15[%dma_wait3A_342, %dma_wait3A_344, %dma_wait3A_345] : memref<2x128x128xf32, #tpu.memory_space<vmem>> -> memref<1x128x128xf32, #tpu.memory_space<vmem>>
      %dma_wait3A_347 = tpu.memref_squeeze %dma_wait3A_346 : memref<1x128x128xf32, #tpu.memory_space<vmem>> -> memref<128x128xf32, #tpu.memory_space<vmem>>
      %dma_wait3A_348 = arith.constant 0 : i32
      %dma_wait3A_349 = tpu.memref_slice %arg13[%add3A_341, %dma_wait3A_348] : memref<40x128xi32, #tpu.memory_space<vmem>> -> memref<1x128xi32, #tpu.memory_space<vmem>>
      %dma_wait3A_350 = tpu.memref_squeeze %dma_wait3A_349 : memref<1x128xi32, #tpu.memory_space<vmem>> -> memref<128xi32, #tpu.memory_space<vmem>>
      %dma_wait3A_351 = arith.constant 0 : i32
      %dma_wait3A_352 = arith.constant 0 : i32
      %dma_wait3A_353 = tpu.memref_slice %arg3[%dma_wait3A_351, %dma_wait3A_352] : memref<10000x128xf32, #tpu.memory_space<hbm>> -> memref<10000x128xf32, #tpu.memory_space<hbm>>
      %dma_wait3A_354 = tpu.memref_slice %arg16[%dma_wait3A_343] : memref<2x!tpu.dma_semaphore, #tpu.memory_space<semaphore_mem>> -> memref<1x!tpu.dma_semaphore, #tpu.memory_space<semaphore_mem>>
      %dma_wait3A_355 = tpu.memref_squeeze %dma_wait3A_354 : memref<1x!tpu.dma_semaphore, #tpu.memory_space<semaphore_mem>> -> memref<!tpu.dma_semaphore, #tpu.memory_space<semaphore_mem>>
      tpu.wait_indirect_dma semaphore(%dma_wait3A_355 : memref<!tpu.dma_semaphore, #tpu.memory_space<semaphore_mem>>) src(%dma_wait3A_353 : memref<10000x128xf32, #tpu.memory_space<hbm>>) dst(%dma_wait3A_347 : memref<128x128xf32, #tpu.memory_space<vmem>>)
      %run_scoped3A_356 = arith.constant 1 : i32
      "tpu.region"() ({
        %run_scoped3A_373 = tpu.sem_alloc : memref<!tpu.dma_semaphore, #tpu.memory_space<semaphore_mem>>
        %dma_start3A_374 = arith.constant 0 : i32
        %dma_start3A_375 = arith.constant 0 : i32
        %dma_start3A_376 = tpu.memref_slice %arg15[%run_scoped3A_356, %dma_start3A_374, %dma_start3A_375] : memref<2x128x128xf32, #tpu.memory_space<vmem>> -> memref<1x128x128xf32, #tpu.memory_space<vmem>>
        %dma_start3A_377 = tpu.memref_squeeze %dma_start3A_376 : memref<1x128x128xf32, #tpu.memory_space<vmem>> -> memref<128x128xf32, #tpu.memory_space<vmem>>
        %dma_start3A_378 = arith.constant 0 : i32
        %dma_start3A_379 = tpu.memref_slice %arg14[%add3A_341, %dma_start3A_378] : memref<40x128xi32, #tpu.memory_space<vmem>> -> memref<1x128xi32, #tpu.memory_space<vmem>>
        %dma_start3A_380 = tpu.memref_squeeze %dma_start3A_379 : memref<1x128xi32, #tpu.memory_space<vmem>> -> memref<128xi32, #tpu.memory_space<vmem>>
        %dma_start3A_381 = arith.constant 0 : i32
        %dma_start3A_382 = arith.constant 0 : i32
        %dma_start3A_383 = tpu.memref_slice %arg18[%dma_start3A_381, %dma_start3A_382] : memref<10112x128xf32, #tpu.memory_space<vmem_shared>> -> memref<10112x128xf32, #tpu.memory_space<vmem_shared>>
        tpu.enqueue_indirect_dma source(%dma_start3A_377 : memref<128x128xf32, #tpu.memory_space<vmem>>) target(%dma_start3A_383 : memref<10112x128xf32, #tpu.memory_space<vmem_shared>>) offsets(%dma_start3A_380 : memref<128xi32, #tpu.memory_space<vmem>>) semaphore(%run_scoped3A_373 : memref<!tpu.dma_semaphore, #tpu.memory_space<semaphore_mem>>) {add = true}
        %dma_wait3A_384 = arith.constant 0 : i32
        %dma_wait3A_385 = arith.constant 0 : i32
        %dma_wait3A_386 = tpu.memref_slice %arg15[%run_scoped3A_356, %dma_wait3A_384, %dma_wait3A_385] : memref<2x128x128xf32, #tpu.memory_space<vmem>> -> memref<1x128x128xf32, #tpu.memory_space<vmem>>
        %dma_wait3A_387 = tpu.memref_squeeze %dma_wait3A_386 : memref<1x128x128xf32, #tpu.memory_space<vmem>> -> memref<128x128xf32, #tpu.memory_space<vmem>>
        %dma_wait3A_388 = arith.constant 0 : i32
        %dma_wait3A_389 = tpu.memref_slice %arg14[%add3A_341, %dma_wait3A_388] : memref<40x128xi32, #tpu.memory_space<vmem>> -> memref<1x128xi32, #tpu.memory_space<vmem>>
        %dma_wait3A_390 = tpu.memref_squeeze %dma_wait3A_389 : memref<1x128xi32, #tpu.memory_space<vmem>> -> memref<128xi32, #tpu.memory_space<vmem>>
        %dma_wait3A_391 = arith.constant 0 : i32
        %dma_wait3A_392 = arith.constant 0 : i32
        %dma_wait3A_393 = tpu.memref_slice %arg18[%dma_wait3A_391, %dma_wait3A_392] : memref<10112x128xf32, #tpu.memory_space<vmem_shared>> -> memref<10112x128xf32, #tpu.memory_space<vmem_shared>>
        tpu.wait_indirect_dma semaphore(%run_scoped3A_373 : memref<!tpu.dma_semaphore, #tpu.memory_space<semaphore_mem>>) src(%dma_wait3A_387 : memref<128x128xf32, #tpu.memory_space<vmem>>) dst(%dma_wait3A_393 : memref<10112x128xf32, #tpu.memory_space<vmem_shared>>)
        tpu.yield
      }) : () -> ()
      %add3A_357 = arith.constant 2 : i32
      %add3A_358 = arith.addi %add3A_341, %add3A_357 : i32
      %dma_start3A_359 = arith.constant 1 : i32
      %dma_start3A_360 = arith.constant 1 : i32
      %dma_start3A_361 = arith.constant 0 : i32
      %dma_start3A_362 = arith.constant 0 : i32
      %dma_start3A_363 = tpu.memref_slice %arg15[%dma_start3A_359, %dma_start3A_361, %dma_start3A_362] : memref<2x128x128xf32, #tpu.memory_space<vmem>> -> memref<1x128x128xf32, #tpu.memory_space<vmem>>
      %dma_start3A_364 = tpu.memref_squeeze %dma_start3A_363 : memref<1x128x128xf32, #tpu.memory_space<vmem>> -> memref<128x128xf32, #tpu.memory_space<vmem>>
      %dma_start3A_365 = arith.constant 0 : i32
      %dma_start3A_366 = tpu.memref_slice %arg13[%add3A_358, %dma_start3A_365] : memref<40x128xi32, #tpu.memory_space<vmem>> -> memref<1x128xi32, #tpu.memory_space<vmem>>
      %dma_start3A_367 = tpu.memref_squeeze %dma_start3A_366 : memref<1x128xi32, #tpu.memory_space<vmem>> -> memref<128xi32, #tpu.memory_space<vmem>>
      %dma_start3A_368 = arith.constant 0 : i32
      %dma_start3A_369 = arith.constant 0 : i32
      %dma_start3A_370 = tpu.memref_slice %arg3[%dma_start3A_368, %dma_start3A_369] : memref<10000x128xf32, #tpu.memory_space<hbm>> -> memref<10000x128xf32, #tpu.memory_space<hbm>>
      %dma_start3A_371 = tpu.memref_slice %arg16[%dma_start3A_360] : memref<2x!tpu.dma_semaphore, #tpu.memory_space<semaphore_mem>> -> memref<1x!tpu.dma_semaphore, #tpu.memory_space<semaphore_mem>>
      %dma_start3A_372 = tpu.memref_squeeze %dma_start3A_371 : memref<1x!tpu.dma_semaphore, #tpu.memory_space<semaphore_mem>> -> memref<!tpu.dma_semaphore, #tpu.memory_space<semaphore_mem>>
      tpu.enqueue_indirect_dma source(%dma_start3A_370 : memref<10000x128xf32, #tpu.memory_space<hbm>>) target(%dma_start3A_364 : memref<128x128xf32, #tpu.memory_space<vmem>>) offsets(%dma_start3A_367 : memref<128xi32, #tpu.memory_space<vmem>>) semaphore(%dma_start3A_372 : memref<!tpu.dma_semaphore, #tpu.memory_space<semaphore_mem>>)
    }
    %scan3A_110 = arith.constant 19 : i32
    %dma_wait3A_111 = arith.constant 38 : i32
    %dma_wait3A_112 = arith.constant 0 : i32
    %dma_wait3A_113 = arith.constant 0 : i32
    %dma_wait3A_114 = arith.constant 0 : i32
    %dma_wait3A_115 = arith.constant 0 : i32
    %dma_wait3A_116 = tpu.memref_slice %arg15[%dma_wait3A_112, %dma_wait3A_114, %dma_wait3A_115] : memref<2x128x128xf32, #tpu.memory_space<vmem>> -> memref<1x128x128xf32, #tpu.memory_space<vmem>>
    %dma_wait3A_117 = tpu.memref_squeeze %dma_wait3A_116 : memref<1x128x128xf32, #tpu.memory_space<vmem>> -> memref<128x128xf32, #tpu.memory_space<vmem>>
    %dma_wait3A_118 = arith.constant 0 : i32
    %dma_wait3A_119 = tpu.memref_slice %arg13[%dma_wait3A_111, %dma_wait3A_118] : memref<40x128xi32, #tpu.memory_space<vmem>> -> memref<1x128xi32, #tpu.memory_space<vmem>>
    %dma_wait3A_120 = tpu.memref_squeeze %dma_wait3A_119 : memref<1x128xi32, #tpu.memory_space<vmem>> -> memref<128xi32, #tpu.memory_space<vmem>>
    %dma_wait3A_121 = arith.constant 0 : i32
    %dma_wait3A_122 = arith.constant 0 : i32
    %dma_wait3A_123 = tpu.memref_slice %arg3[%dma_wait3A_121, %dma_wait3A_122] : memref<10000x128xf32, #tpu.memory_space<hbm>> -> memref<10000x128xf32, #tpu.memory_space<hbm>>
    %dma_wait3A_124 = tpu.memref_slice %arg16[%dma_wait3A_113] : memref<2x!tpu.dma_semaphore, #tpu.memory_space<semaphore_mem>> -> memref<1x!tpu.dma_semaphore, #tpu.memory_space<semaphore_mem>>
    %dma_wait3A_125 = tpu.memref_squeeze %dma_wait3A_124 : memref<1x!tpu.dma_semaphore, #tpu.memory_space<semaphore_mem>> -> memref<!tpu.dma_semaphore, #tpu.memory_space<semaphore_mem>>
    tpu.wait_indirect_dma semaphore(%dma_wait3A_125 : memref<!tpu.dma_semaphore, #tpu.memory_space<semaphore_mem>>) src(%dma_wait3A_123 : memref<10000x128xf32, #tpu.memory_space<hbm>>) dst(%dma_wait3A_117 : memref<128x128xf32, #tpu.memory_space<vmem>>)
    %run_scoped3A_126 = arith.constant 0 : i32
    %run_scoped3A_127 = arith.constant 38 : i32
    "tpu.region"() ({
      %run_scoped3A_302 = tpu.sem_alloc : memref<!tpu.dma_semaphore, #tpu.memory_space<semaphore_mem>>
      %dma_start3A_303 = arith.constant 0 : i32
      %dma_start3A_304 = arith.constant 0 : i32
      %dma_start3A_305 = tpu.memref_slice %arg15[%run_scoped3A_126, %dma_start3A_303, %dma_start3A_304] : memref<2x128x128xf32, #tpu.memory_space<vmem>> -> memref<1x128x128xf32, #tpu.memory_space<vmem>>
      %dma_start3A_306 = tpu.memref_squeeze %dma_start3A_305 : memref<1x128x128xf32, #tpu.memory_space<vmem>> -> memref<128x128xf32, #tpu.memory_space<vmem>>
      %dma_start3A_307 = arith.constant 0 : i32
      %dma_start3A_308 = tpu.memref_slice %arg14[%run_scoped3A_127, %dma_start3A_307] : memref<40x128xi32, #tpu.memory_space<vmem>> -> memref<1x128xi32, #tpu.memory_space<vmem>>
      %dma_start3A_309 = tpu.memref_squeeze %dma_start3A_308 : memref<1x128xi32, #tpu.memory_space<vmem>> -> memref<128xi32, #tpu.memory_space<vmem>>
      %dma_start3A_310 = arith.constant 0 : i32
      %dma_start3A_311 = arith.constant 0 : i32
      %dma_start3A_312 = tpu.memref_slice %arg18[%dma_start3A_310, %dma_start3A_311] : memref<10112x128xf32, #tpu.memory_space<vmem_shared>> -> memref<10112x128xf32, #tpu.memory_space<vmem_shared>>
      tpu.enqueue_indirect_dma source(%dma_start3A_306 : memref<128x128xf32, #tpu.memory_space<vmem>>) target(%dma_start3A_312 : memref<10112x128xf32, #tpu.memory_space<vmem_shared>>) offsets(%dma_start3A_309 : memref<128xi32, #tpu.memory_space<vmem>>) semaphore(%run_scoped3A_302 : memref<!tpu.dma_semaphore, #tpu.memory_space<semaphore_mem>>) {add = true}
      %dma_wait3A_313 = arith.constant 0 : i32
      %dma_wait3A_314 = arith.constant 0 : i32
      %dma_wait3A_315 = tpu.memref_slice %arg15[%run_scoped3A_126, %dma_wait3A_313, %dma_wait3A_314] : memref<2x128x128xf32, #tpu.memory_space<vmem>> -> memref<1x128x128xf32, #tpu.memory_space<vmem>>
      %dma_wait3A_316 = tpu.memref_squeeze %dma_wait3A_315 : memref<1x128x128xf32, #tpu.memory_space<vmem>> -> memref<128x128xf32, #tpu.memory_space<vmem>>
      %dma_wait3A_317 = arith.constant 0 : i32
      %dma_wait3A_318 = tpu.memref_slice %arg14[%run_scoped3A_127, %dma_wait3A_317] : memref<40x128xi32, #tpu.memory_space<vmem>> -> memref<1x128xi32, #tpu.memory_space<vmem>>
      %dma_wait3A_319 = tpu.memref_squeeze %dma_wait3A_318 : memref<1x128xi32, #tpu.memory_space<vmem>> -> memref<128xi32, #tpu.memory_space<vmem>>
      %dma_wait3A_320 = arith.constant 0 : i32
      %dma_wait3A_321 = arith.constant 0 : i32
      %dma_wait3A_322 = tpu.memref_slice %arg18[%dma_wait3A_320, %dma_wait3A_321] : memref<10112x128xf32, #tpu.memory_space<vmem_shared>> -> memref<10112x128xf32, #tpu.memory_space<vmem_shared>>
      tpu.wait_indirect_dma semaphore(%run_scoped3A_302 : memref<!tpu.dma_semaphore, #tpu.memory_space<semaphore_mem>>) src(%dma_wait3A_316 : memref<128x128xf32, #tpu.memory_space<vmem>>) dst(%dma_wait3A_322 : memref<10112x128xf32, #tpu.memory_space<vmem_shared>>)
      tpu.yield
    }) : () -> ()
    %dma_wait3A_128 = arith.constant 39 : i32
    %dma_wait3A_129 = arith.constant 1 : i32
    %dma_wait3A_130 = arith.constant 1 : i32
    %dma_wait3A_131 = arith.constant 0 : i32
    %dma_wait3A_132 = arith.constant 0 : i32
    %dma_wait3A_133 = tpu.memref_slice %arg15[%dma_wait3A_129, %dma_wait3A_131, %dma_wait3A_132] : memref<2x128x128xf32, #tpu.memory_space<vmem>> -> memref<1x128x128xf32, #tpu.memory_space<vmem>>
    %dma_wait3A_134 = tpu.memref_squeeze %dma_wait3A_133 : memref<1x128x128xf32, #tpu.memory_space<vmem>> -> memref<128x128xf32, #tpu.memory_space<vmem>>
    %dma_wait3A_135 = arith.constant 0 : i32
    %dma_wait3A_136 = tpu.memref_slice %arg13[%dma_wait3A_128, %dma_wait3A_135] : memref<40x128xi32, #tpu.memory_space<vmem>> -> memref<1x128xi32, #tpu.memory_space<vmem>>
    %dma_wait3A_137 = tpu.memref_squeeze %dma_wait3A_136 : memref<1x128xi32, #tpu.memory_space<vmem>> -> memref<128xi32, #tpu.memory_space<vmem>>
    %dma_wait3A_138 = arith.constant 0 : i32
    %dma_wait3A_139 = arith.constant 0 : i32
    %dma_wait3A_140 = tpu.memref_slice %arg3[%dma_wait3A_138, %dma_wait3A_139] : memref<10000x128xf32, #tpu.memory_space<hbm>> -> memref<10000x128xf32, #tpu.memory_space<hbm>>
    %dma_wait3A_141 = tpu.memref_slice %arg16[%dma_wait3A_130] : memref<2x!tpu.dma_semaphore, #tpu.memory_space<semaphore_mem>> -> memref<1x!tpu.dma_semaphore, #tpu.memory_space<semaphore_mem>>
    %dma_wait3A_142 = tpu.memref_squeeze %dma_wait3A_141 : memref<1x!tpu.dma_semaphore, #tpu.memory_space<semaphore_mem>> -> memref<!tpu.dma_semaphore, #tpu.memory_space<semaphore_mem>>
    tpu.wait_indirect_dma semaphore(%dma_wait3A_142 : memref<!tpu.dma_semaphore, #tpu.memory_space<semaphore_mem>>) src(%dma_wait3A_140 : memref<10000x128xf32, #tpu.memory_space<hbm>>) dst(%dma_wait3A_134 : memref<128x128xf32, #tpu.memory_space<vmem>>)
    %run_scoped3A_143 = arith.constant 1 : i32
    %run_scoped3A_144 = arith.constant 39 : i32
    "tpu.region"() ({
      %run_scoped3A_302 = tpu.sem_alloc : memref<!tpu.dma_semaphore, #tpu.memory_space<semaphore_mem>>
      %dma_start3A_303 = arith.constant 0 : i32
      %dma_start3A_304 = arith.constant 0 : i32
      %dma_start3A_305 = tpu.memref_slice %arg15[%run_scoped3A_143, %dma_start3A_303, %dma_start3A_304] : memref<2x128x128xf32, #tpu.memory_space<vmem>> -> memref<1x128x128xf32, #tpu.memory_space<vmem>>
      %dma_start3A_306 = tpu.memref_squeeze %dma_start3A_305 : memref<1x128x128xf32, #tpu.memory_space<vmem>> -> memref<128x128xf32, #tpu.memory_space<vmem>>
      %dma_start3A_307 = arith.constant 0 : i32
      %dma_start3A_308 = tpu.memref_slice %arg14[%run_scoped3A_144, %dma_start3A_307] : memref<40x128xi32, #tpu.memory_space<vmem>> -> memref<1x128xi32, #tpu.memory_space<vmem>>
      %dma_start3A_309 = tpu.memref_squeeze %dma_start3A_308 : memref<1x128xi32, #tpu.memory_space<vmem>> -> memref<128xi32, #tpu.memory_space<vmem>>
      %dma_start3A_310 = arith.constant 0 : i32
      %dma_start3A_311 = arith.constant 0 : i32
      %dma_start3A_312 = tpu.memref_slice %arg18[%dma_start3A_310, %dma_start3A_311] : memref<10112x128xf32, #tpu.memory_space<vmem_shared>> -> memref<10112x128xf32, #tpu.memory_space<vmem_shared>>
      tpu.enqueue_indirect_dma source(%dma_start3A_306 : memref<128x128xf32, #tpu.memory_space<vmem>>) target(%dma_start3A_312 : memref<10112x128xf32, #tpu.memory_space<vmem_shared>>) offsets(%dma_start3A_309 : memref<128xi32, #tpu.memory_space<vmem>>) semaphore(%run_scoped3A_302 : memref<!tpu.dma_semaphore, #tpu.memory_space<semaphore_mem>>) {add = true}
      %dma_wait3A_313 = arith.constant 0 : i32
      %dma_wait3A_314 = arith.constant 0 : i32
      %dma_wait3A_315 = tpu.memref_slice %arg15[%run_scoped3A_143, %dma_wait3A_313, %dma_wait3A_314] : memref<2x128x128xf32, #tpu.memory_space<vmem>> -> memref<1x128x128xf32, #tpu.memory_space<vmem>>
      %dma_wait3A_316 = tpu.memref_squeeze %dma_wait3A_315 : memref<1x128x128xf32, #tpu.memory_space<vmem>> -> memref<128x128xf32, #tpu.memory_space<vmem>>
      %dma_wait3A_317 = arith.constant 0 : i32
      %dma_wait3A_318 = tpu.memref_slice %arg14[%run_scoped3A_144, %dma_wait3A_317] : memref<40x128xi32, #tpu.memory_space<vmem>> -> memref<1x128xi32, #tpu.memory_space<vmem>>
      %dma_wait3A_319 = tpu.memref_squeeze %dma_wait3A_318 : memref<1x128xi32, #tpu.memory_space<vmem>> -> memref<128xi32, #tpu.memory_space<vmem>>
      %dma_wait3A_320 = arith.constant 0 : i32
      %dma_wait3A_321 = arith.constant 0 : i32
      %dma_wait3A_322 = tpu.memref_slice %arg18[%dma_wait3A_320, %dma_wait3A_321] : memref<10112x128xf32, #tpu.memory_space<vmem_shared>> -> memref<10112x128xf32, #tpu.memory_space<vmem_shared>>
      tpu.wait_indirect_dma semaphore(%run_scoped3A_302 : memref<!tpu.dma_semaphore, #tpu.memory_space<semaphore_mem>>) src(%dma_wait3A_316 : memref<128x128xf32, #tpu.memory_space<vmem>>) dst(%dma_wait3A_322 : memref<10112x128xf32, #tpu.memory_space<vmem_shared>>)
      tpu.yield
    }) : () -> ()
    %barrier3A_145 = arith.constant 0 : index
    tpu.barrier barrier_id(%barrier3A_145)
    %mul3A_146 = arith.constant 632 : i32
    %mul3A_147 = arith.muli %arg1, %mul3A_146 : i32
    %mul3A_148 = arith.constant 632 : i32
    %mul3A_149 = arith.muli %arg1, %mul3A_148 : i32
    "tpu.region"() ({
      %run_scoped3A_302 = tpu.sem_alloc : memref<!tpu.dma_semaphore, #tpu.memory_space<semaphore_mem>>
      %dma_start3A_303 = arith.constant 0 : i32
      %dma_start3A_304 = arith.constant 0 : i32
      %dma_start3A_305 = tpu.memref_slice %arg10[%arg0, %dma_start3A_303, %dma_start3A_304] : memref<2x10112x128xf32, #tpu.memory_space<hbm>> -> memref<1x10112x128xf32, #tpu.memory_space<hbm>>
      %dma_start3A_306 = tpu.memref_squeeze %dma_start3A_305 : memref<1x10112x128xf32, #tpu.memory_space<hbm>> -> memref<10112x128xf32, #tpu.memory_space<hbm>>
      %dma_start3A_307 = arith.constant 0 : i32
      %dma_start3A_308 = tpu.memref_slice %dma_start3A_306[%mul3A_149, %dma_start3A_307] : memref<10112x128xf32, #tpu.memory_space<hbm>> -> memref<632x128xf32, #tpu.memory_space<hbm>>
      %dma_start3A_309 = arith.constant 0 : i32
      %dma_start3A_310 = tpu.memref_slice %arg18[%mul3A_147, %dma_start3A_309] : memref<10112x128xf32, #tpu.memory_space<vmem_shared>> -> memref<632x128xf32, #tpu.memory_space<vmem_shared>>
      tpu.enqueue_dma source(%dma_start3A_310 : memref<632x128xf32, #tpu.memory_space<vmem_shared>>) target(%dma_start3A_308 : memref<632x128xf32, #tpu.memory_space<hbm>>) target_semaphore(%run_scoped3A_302 : memref<!tpu.dma_semaphore, #tpu.memory_space<semaphore_mem>>)
      %dma_wait3A_311 = arith.constant 0 : i32
      %dma_wait3A_312 = arith.constant 0 : i32
      %dma_wait3A_313 = tpu.memref_slice %arg10[%arg0, %dma_wait3A_311, %dma_wait3A_312] : memref<2x10112x128xf32, #tpu.memory_space<hbm>> -> memref<1x10112x128xf32, #tpu.memory_space<hbm>>
      %dma_wait3A_314 = tpu.memref_squeeze %dma_wait3A_313 : memref<1x10112x128xf32, #tpu.memory_space<hbm>> -> memref<10112x128xf32, #tpu.memory_space<hbm>>
      %dma_wait3A_315 = arith.constant 0 : i32
      %dma_wait3A_316 = tpu.memref_slice %dma_wait3A_314[%mul3A_149, %dma_wait3A_315] : memref<10112x128xf32, #tpu.memory_space<hbm>> -> memref<632x128xf32, #tpu.memory_space<hbm>>
      %dma_wait3A_317 = arith.constant 0 : i32
      %dma_wait3A_318 = tpu.memref_slice %arg18[%mul3A_147, %dma_wait3A_317] : memref<10112x128xf32, #tpu.memory_space<vmem_shared>> -> memref<632x128xf32, #tpu.memory_space<vmem_shared>>
      tpu.wait_dma2 semaphore(%run_scoped3A_302 : memref<!tpu.dma_semaphore, #tpu.memory_space<semaphore_mem>>) src(%dma_wait3A_318 : memref<632x128xf32, #tpu.memory_space<vmem_shared>>) dst(%dma_wait3A_316 : memref<632x128xf32, #tpu.memory_space<hbm>>)
      tpu.yield
    }) : () -> ()
    %dma_start3A_150 = arith.constant 0 : i32
    %dma_start3A_151 = arith.constant 0 : i32
    %dma_start3A_152 = arith.constant 0 : i32
    %dma_start3A_153 = arith.constant 0 : i32
    %dma_start3A_154 = arith.constant 0 : i32
    %dma_start3A_155 = tpu.memref_slice %arg15[%dma_start3A_151, %dma_start3A_153, %dma_start3A_154] : memref<2x128x128xf32, #tpu.memory_space<vmem>> -> memref<1x128x128xf32, #tpu.memory_space<vmem>>
    %dma_start3A_156 = tpu.memref_squeeze %dma_start3A_155 : memref<1x128x128xf32, #tpu.memory_space<vmem>> -> memref<128x128xf32, #tpu.memory_space<vmem>>
    %dma_start3A_157 = arith.constant 0 : i32
    %dma_start3A_158 = tpu.memref_slice %arg13[%dma_start3A_150, %dma_start3A_157] : memref<40x128xi32, #tpu.memory_space<vmem>> -> memref<1x128xi32, #tpu.memory_space<vmem>>
    %dma_start3A_159 = tpu.memref_squeeze %dma_start3A_158 : memref<1x128xi32, #tpu.memory_space<vmem>> -> memref<128xi32, #tpu.memory_space<vmem>>
    %dma_start3A_160 = arith.constant 0 : i32
    %dma_start3A_161 = arith.constant 0 : i32
    %dma_start3A_162 = tpu.memref_slice %arg4[%dma_start3A_160, %dma_start3A_161] : memref<10000x128xf32, #tpu.memory_space<hbm>> -> memref<10000x128xf32, #tpu.memory_space<hbm>>
    %dma_start3A_163 = tpu.memref_slice %arg16[%dma_start3A_152] : memref<2x!tpu.dma_semaphore, #tpu.memory_space<semaphore_mem>> -> memref<1x!tpu.dma_semaphore, #tpu.memory_space<semaphore_mem>>
    %dma_start3A_164 = tpu.memref_squeeze %dma_start3A_163 : memref<1x!tpu.dma_semaphore, #tpu.memory_space<semaphore_mem>> -> memref<!tpu.dma_semaphore, #tpu.memory_space<semaphore_mem>>
    tpu.enqueue_indirect_dma source(%dma_start3A_162 : memref<10000x128xf32, #tpu.memory_space<hbm>>) target(%dma_start3A_156 : memref<128x128xf32, #tpu.memory_space<vmem>>) offsets(%dma_start3A_159 : memref<128xi32, #tpu.memory_space<vmem>>) semaphore(%dma_start3A_164 : memref<!tpu.dma_semaphore, #tpu.memory_space<semaphore_mem>>)
    %dma_start3A_165 = arith.constant 1 : i32
    %dma_start3A_166 = arith.constant 1 : i32
    %dma_start3A_167 = arith.constant 1 : i32
    %dma_start3A_168 = arith.constant 0 : i32
    %dma_start3A_169 = arith.constant 0 : i32
    %dma_start3A_170 = tpu.memref_slice %arg15[%dma_start3A_166, %dma_start3A_168, %dma_start3A_169] : memref<2x128x128xf32, #tpu.memory_space<vmem>> -> memref<1x128x128xf32, #tpu.memory_space<vmem>>
    %dma_start3A_171 = tpu.memref_squeeze %dma_start3A_170 : memref<1x128x128xf32, #tpu.memory_space<vmem>> -> memref<128x128xf32, #tpu.memory_space<vmem>>
    %dma_start3A_172 = arith.constant 0 : i32
    %dma_start3A_173 = tpu.memref_slice %arg13[%dma_start3A_165, %dma_start3A_172] : memref<40x128xi32, #tpu.memory_space<vmem>> -> memref<1x128xi32, #tpu.memory_space<vmem>>
    %dma_start3A_174 = tpu.memref_squeeze %dma_start3A_173 : memref<1x128xi32, #tpu.memory_space<vmem>> -> memref<128xi32, #tpu.memory_space<vmem>>
    %dma_start3A_175 = arith.constant 0 : i32
    %dma_start3A_176 = arith.constant 0 : i32
    %dma_start3A_177 = tpu.memref_slice %arg4[%dma_start3A_175, %dma_start3A_176] : memref<10000x128xf32, #tpu.memory_space<hbm>> -> memref<10000x128xf32, #tpu.memory_space<hbm>>
    %dma_start3A_178 = tpu.memref_slice %arg16[%dma_start3A_167] : memref<2x!tpu.dma_semaphore, #tpu.memory_space<semaphore_mem>> -> memref<1x!tpu.dma_semaphore, #tpu.memory_space<semaphore_mem>>
    %dma_start3A_179 = tpu.memref_squeeze %dma_start3A_178 : memref<1x!tpu.dma_semaphore, #tpu.memory_space<semaphore_mem>> -> memref<!tpu.dma_semaphore, #tpu.memory_space<semaphore_mem>>
    tpu.enqueue_indirect_dma source(%dma_start3A_177 : memref<10000x128xf32, #tpu.memory_space<hbm>>) target(%dma_start3A_171 : memref<128x128xf32, #tpu.memory_space<vmem>>) offsets(%dma_start3A_174 : memref<128xi32, #tpu.memory_space<vmem>>) semaphore(%dma_start3A_179 : memref<!tpu.dma_semaphore, #tpu.memory_space<semaphore_mem>>)
    %barrier3A_180 = arith.constant 0 : index
    tpu.barrier barrier_id(%barrier3A_180)
    %scan3A_181 = arith.constant 0 : i32
    %scan3A_182 = arith.constant 0 : i32
    %scan3A_183 = arith.constant 19 : i32
    %scan3A_184 = arith.addi %scan3A_182, %scan3A_183 : i32
    %scan3A_185 = arith.constant 1 : i32
    scf.for %scan3A_302 = %scan3A_182 to %scan3A_184 step %scan3A_185  : i32 {
      %mul3A_303 = arith.constant 2 : i32
      %mul3A_304 = arith.muli %mul3A_303, %scan3A_302 : i32
      %add3A_305 = arith.constant 0 : i32
      %add3A_306 = arith.addi %mul3A_304, %add3A_305 : i32
      %dma_wait3A_307 = arith.constant 0 : i32
      %dma_wait3A_308 = arith.constant 0 : i32
      %dma_wait3A_309 = arith.constant 0 : i32
      %dma_wait3A_310 = arith.constant 0 : i32
      %dma_wait3A_311 = tpu.memref_slice %arg15[%dma_wait3A_307, %dma_wait3A_309, %dma_wait3A_310] : memref<2x128x128xf32, #tpu.memory_space<vmem>> -> memref<1x128x128xf32, #tpu.memory_space<vmem>>
      %dma_wait3A_312 = tpu.memref_squeeze %dma_wait3A_311 : memref<1x128x128xf32, #tpu.memory_space<vmem>> -> memref<128x128xf32, #tpu.memory_space<vmem>>
      %dma_wait3A_313 = arith.constant 0 : i32
      %dma_wait3A_314 = tpu.memref_slice %arg13[%add3A_306, %dma_wait3A_313] : memref<40x128xi32, #tpu.memory_space<vmem>> -> memref<1x128xi32, #tpu.memory_space<vmem>>
      %dma_wait3A_315 = tpu.memref_squeeze %dma_wait3A_314 : memref<1x128xi32, #tpu.memory_space<vmem>> -> memref<128xi32, #tpu.memory_space<vmem>>
      %dma_wait3A_316 = arith.constant 0 : i32
      %dma_wait3A_317 = arith.constant 0 : i32
      %dma_wait3A_318 = tpu.memref_slice %arg4[%dma_wait3A_316, %dma_wait3A_317] : memref<10000x128xf32, #tpu.memory_space<hbm>> -> memref<10000x128xf32, #tpu.memory_space<hbm>>
      %dma_wait3A_319 = tpu.memref_slice %arg16[%dma_wait3A_308] : memref<2x!tpu.dma_semaphore, #tpu.memory_space<semaphore_mem>> -> memref<1x!tpu.dma_semaphore, #tpu.memory_space<semaphore_mem>>
      %dma_wait3A_320 = tpu.memref_squeeze %dma_wait3A_319 : memref<1x!tpu.dma_semaphore, #tpu.memory_space<semaphore_mem>> -> memref<!tpu.dma_semaphore, #tpu.memory_space<semaphore_mem>>
      tpu.wait_indirect_dma semaphore(%dma_wait3A_320 : memref<!tpu.dma_semaphore, #tpu.memory_space<semaphore_mem>>) src(%dma_wait3A_318 : memref<10000x128xf32, #tpu.memory_space<hbm>>) dst(%dma_wait3A_312 : memref<128x128xf32, #tpu.memory_space<vmem>>)
      %run_scoped3A_321 = arith.constant 0 : i32
      "tpu.region"() ({
        %run_scoped3A_373 = tpu.sem_alloc : memref<!tpu.dma_semaphore, #tpu.memory_space<semaphore_mem>>
        %dma_start3A_374 = arith.constant 0 : i32
        %dma_start3A_375 = arith.constant 0 : i32
        %dma_start3A_376 = tpu.memref_slice %arg15[%run_scoped3A_321, %dma_start3A_374, %dma_start3A_375] : memref<2x128x128xf32, #tpu.memory_space<vmem>> -> memref<1x128x128xf32, #tpu.memory_space<vmem>>
        %dma_start3A_377 = tpu.memref_squeeze %dma_start3A_376 : memref<1x128x128xf32, #tpu.memory_space<vmem>> -> memref<128x128xf32, #tpu.memory_space<vmem>>
        %dma_start3A_378 = arith.constant 0 : i32
        %dma_start3A_379 = tpu.memref_slice %arg14[%add3A_306, %dma_start3A_378] : memref<40x128xi32, #tpu.memory_space<vmem>> -> memref<1x128xi32, #tpu.memory_space<vmem>>
        %dma_start3A_380 = tpu.memref_squeeze %dma_start3A_379 : memref<1x128xi32, #tpu.memory_space<vmem>> -> memref<128xi32, #tpu.memory_space<vmem>>
        %dma_start3A_381 = arith.constant 0 : i32
        %dma_start3A_382 = arith.constant 0 : i32
        %dma_start3A_383 = tpu.memref_slice %arg18[%dma_start3A_381, %dma_start3A_382] : memref<10112x128xf32, #tpu.memory_space<vmem_shared>> -> memref<10112x128xf32, #tpu.memory_space<vmem_shared>>
        tpu.enqueue_indirect_dma source(%dma_start3A_377 : memref<128x128xf32, #tpu.memory_space<vmem>>) target(%dma_start3A_383 : memref<10112x128xf32, #tpu.memory_space<vmem_shared>>) offsets(%dma_start3A_380 : memref<128xi32, #tpu.memory_space<vmem>>) semaphore(%run_scoped3A_373 : memref<!tpu.dma_semaphore, #tpu.memory_space<semaphore_mem>>) {add = true}
        %dma_wait3A_384 = arith.constant 0 : i32
        %dma_wait3A_385 = arith.constant 0 : i32
        %dma_wait3A_386 = tpu.memref_slice %arg15[%run_scoped3A_321, %dma_wait3A_384, %dma_wait3A_385] : memref<2x128x128xf32, #tpu.memory_space<vmem>> -> memref<1x128x128xf32, #tpu.memory_space<vmem>>
        %dma_wait3A_387 = tpu.memref_squeeze %dma_wait3A_386 : memref<1x128x128xf32, #tpu.memory_space<vmem>> -> memref<128x128xf32, #tpu.memory_space<vmem>>
        %dma_wait3A_388 = arith.constant 0 : i32
        %dma_wait3A_389 = tpu.memref_slice %arg14[%add3A_306, %dma_wait3A_388] : memref<40x128xi32, #tpu.memory_space<vmem>> -> memref<1x128xi32, #tpu.memory_space<vmem>>
        %dma_wait3A_390 = tpu.memref_squeeze %dma_wait3A_389 : memref<1x128xi32, #tpu.memory_space<vmem>> -> memref<128xi32, #tpu.memory_space<vmem>>
        %dma_wait3A_391 = arith.constant 0 : i32
        %dma_wait3A_392 = arith.constant 0 : i32
        %dma_wait3A_393 = tpu.memref_slice %arg18[%dma_wait3A_391, %dma_wait3A_392] : memref<10112x128xf32, #tpu.memory_space<vmem_shared>> -> memref<10112x128xf32, #tpu.memory_space<vmem_shared>>
        tpu.wait_indirect_dma semaphore(%run_scoped3A_373 : memref<!tpu.dma_semaphore, #tpu.memory_space<semaphore_mem>>) src(%dma_wait3A_387 : memref<128x128xf32, #tpu.memory_space<vmem>>) dst(%dma_wait3A_393 : memref<10112x128xf32, #tpu.memory_space<vmem_shared>>)
        tpu.yield
      }) : () -> ()
      %add3A_322 = arith.constant 2 : i32
      %add3A_323 = arith.addi %add3A_306, %add3A_322 : i32
      %dma_start3A_324 = arith.constant 0 : i32
      %dma_start3A_325 = arith.constant 0 : i32
      %dma_start3A_326 = arith.constant 0 : i32
      %dma_start3A_327 = arith.constant 0 : i32
      %dma_start3A_328 = tpu.memref_slice %arg15[%dma_start3A_324, %dma_start3A_326, %dma_start3A_327] : memref<2x128x128xf32, #tpu.memory_space<vmem>> -> memref<1x128x128xf32, #tpu.memory_space<vmem>>
      %dma_start3A_329 = tpu.memref_squeeze %dma_start3A_328 : memref<1x128x128xf32, #tpu.memory_space<vmem>> -> memref<128x128xf32, #tpu.memory_space<vmem>>
      %dma_start3A_330 = arith.constant 0 : i32
      %dma_start3A_331 = tpu.memref_slice %arg13[%add3A_323, %dma_start3A_330] : memref<40x128xi32, #tpu.memory_space<vmem>> -> memref<1x128xi32, #tpu.memory_space<vmem>>
      %dma_start3A_332 = tpu.memref_squeeze %dma_start3A_331 : memref<1x128xi32, #tpu.memory_space<vmem>> -> memref<128xi32, #tpu.memory_space<vmem>>
      %dma_start3A_333 = arith.constant 0 : i32
      %dma_start3A_334 = arith.constant 0 : i32
      %dma_start3A_335 = tpu.memref_slice %arg4[%dma_start3A_333, %dma_start3A_334] : memref<10000x128xf32, #tpu.memory_space<hbm>> -> memref<10000x128xf32, #tpu.memory_space<hbm>>
      %dma_start3A_336 = tpu.memref_slice %arg16[%dma_start3A_325] : memref<2x!tpu.dma_semaphore, #tpu.memory_space<semaphore_mem>> -> memref<1x!tpu.dma_semaphore, #tpu.memory_space<semaphore_mem>>
      %dma_start3A_337 = tpu.memref_squeeze %dma_start3A_336 : memref<1x!tpu.dma_semaphore, #tpu.memory_space<semaphore_mem>> -> memref<!tpu.dma_semaphore, #tpu.memory_space<semaphore_mem>>
      tpu.enqueue_indirect_dma source(%dma_start3A_335 : memref<10000x128xf32, #tpu.memory_space<hbm>>) target(%dma_start3A_329 : memref<128x128xf32, #tpu.memory_space<vmem>>) offsets(%dma_start3A_332 : memref<128xi32, #tpu.memory_space<vmem>>) semaphore(%dma_start3A_337 : memref<!tpu.dma_semaphore, #tpu.memory_space<semaphore_mem>>)
      %mul3A_338 = arith.constant 2 : i32
      %mul3A_339 = arith.muli %mul3A_338, %scan3A_302 : i32
      %add3A_340 = arith.constant 1 : i32
      %add3A_341 = arith.addi %mul3A_339, %add3A_340 : i32
      %dma_wait3A_342 = arith.constant 1 : i32
      %dma_wait3A_343 = arith.constant 1 : i32
      %dma_wait3A_344 = arith.constant 0 : i32
      %dma_wait3A_345 = arith.constant 0 : i32
      %dma_wait3A_346 = tpu.memref_slice %arg15[%dma_wait3A_342, %dma_wait3A_344, %dma_wait3A_345] : memref<2x128x128xf32, #tpu.memory_space<vmem>> -> memref<1x128x128xf32, #tpu.memory_space<vmem>>
      %dma_wait3A_347 = tpu.memref_squeeze %dma_wait3A_346 : memref<1x128x128xf32, #tpu.memory_space<vmem>> -> memref<128x128xf32, #tpu.memory_space<vmem>>
      %dma_wait3A_348 = arith.constant 0 : i32
      %dma_wait3A_349 = tpu.memref_slice %arg13[%add3A_341, %dma_wait3A_348] : memref<40x128xi32, #tpu.memory_space<vmem>> -> memref<1x128xi32, #tpu.memory_space<vmem>>
      %dma_wait3A_350 = tpu.memref_squeeze %dma_wait3A_349 : memref<1x128xi32, #tpu.memory_space<vmem>> -> memref<128xi32, #tpu.memory_space<vmem>>
      %dma_wait3A_351 = arith.constant 0 : i32
      %dma_wait3A_352 = arith.constant 0 : i32
      %dma_wait3A_353 = tpu.memref_slice %arg4[%dma_wait3A_351, %dma_wait3A_352] : memref<10000x128xf32, #tpu.memory_space<hbm>> -> memref<10000x128xf32, #tpu.memory_space<hbm>>
      %dma_wait3A_354 = tpu.memref_slice %arg16[%dma_wait3A_343] : memref<2x!tpu.dma_semaphore, #tpu.memory_space<semaphore_mem>> -> memref<1x!tpu.dma_semaphore, #tpu.memory_space<semaphore_mem>>
      %dma_wait3A_355 = tpu.memref_squeeze %dma_wait3A_354 : memref<1x!tpu.dma_semaphore, #tpu.memory_space<semaphore_mem>> -> memref<!tpu.dma_semaphore, #tpu.memory_space<semaphore_mem>>
      tpu.wait_indirect_dma semaphore(%dma_wait3A_355 : memref<!tpu.dma_semaphore, #tpu.memory_space<semaphore_mem>>) src(%dma_wait3A_353 : memref<10000x128xf32, #tpu.memory_space<hbm>>) dst(%dma_wait3A_347 : memref<128x128xf32, #tpu.memory_space<vmem>>)
      %run_scoped3A_356 = arith.constant 1 : i32
      "tpu.region"() ({
        %run_scoped3A_373 = tpu.sem_alloc : memref<!tpu.dma_semaphore, #tpu.memory_space<semaphore_mem>>
        %dma_start3A_374 = arith.constant 0 : i32
        %dma_start3A_375 = arith.constant 0 : i32
        %dma_start3A_376 = tpu.memref_slice %arg15[%run_scoped3A_356, %dma_start3A_374, %dma_start3A_375] : memref<2x128x128xf32, #tpu.memory_space<vmem>> -> memref<1x128x128xf32, #tpu.memory_space<vmem>>
        %dma_start3A_377 = tpu.memref_squeeze %dma_start3A_376 : memref<1x128x128xf32, #tpu.memory_space<vmem>> -> memref<128x128xf32, #tpu.memory_space<vmem>>
        %dma_start3A_378 = arith.constant 0 : i32
        %dma_start3A_379 = tpu.memref_slice %arg14[%add3A_341, %dma_start3A_378] : memref<40x128xi32, #tpu.memory_space<vmem>> -> memref<1x128xi32, #tpu.memory_space<vmem>>
        %dma_start3A_380 = tpu.memref_squeeze %dma_start3A_379 : memref<1x128xi32, #tpu.memory_space<vmem>> -> memref<128xi32, #tpu.memory_space<vmem>>
        %dma_start3A_381 = arith.constant 0 : i32
        %dma_start3A_382 = arith.constant 0 : i32
        %dma_start3A_383 = tpu.memref_slice %arg18[%dma_start3A_381, %dma_start3A_382] : memref<10112x128xf32, #tpu.memory_space<vmem_shared>> -> memref<10112x128xf32, #tpu.memory_space<vmem_shared>>
        tpu.enqueue_indirect_dma source(%dma_start3A_377 : memref<128x128xf32, #tpu.memory_space<vmem>>) target(%dma_start3A_383 : memref<10112x128xf32, #tpu.memory_space<vmem_shared>>) offsets(%dma_start3A_380 : memref<128xi32, #tpu.memory_space<vmem>>) semaphore(%run_scoped3A_373 : memref<!tpu.dma_semaphore, #tpu.memory_space<semaphore_mem>>) {add = true}
        %dma_wait3A_384 = arith.constant 0 : i32
        %dma_wait3A_385 = arith.constant 0 : i32
        %dma_wait3A_386 = tpu.memref_slice %arg15[%run_scoped3A_356, %dma_wait3A_384, %dma_wait3A_385] : memref<2x128x128xf32, #tpu.memory_space<vmem>> -> memref<1x128x128xf32, #tpu.memory_space<vmem>>
        %dma_wait3A_387 = tpu.memref_squeeze %dma_wait3A_386 : memref<1x128x128xf32, #tpu.memory_space<vmem>> -> memref<128x128xf32, #tpu.memory_space<vmem>>
        %dma_wait3A_388 = arith.constant 0 : i32
        %dma_wait3A_389 = tpu.memref_slice %arg14[%add3A_341, %dma_wait3A_388] : memref<40x128xi32, #tpu.memory_space<vmem>> -> memref<1x128xi32, #tpu.memory_space<vmem>>
        %dma_wait3A_390 = tpu.memref_squeeze %dma_wait3A_389 : memref<1x128xi32, #tpu.memory_space<vmem>> -> memref<128xi32, #tpu.memory_space<vmem>>
        %dma_wait3A_391 = arith.constant 0 : i32
        %dma_wait3A_392 = arith.constant 0 : i32
        %dma_wait3A_393 = tpu.memref_slice %arg18[%dma_wait3A_391, %dma_wait3A_392] : memref<10112x128xf32, #tpu.memory_space<vmem_shared>> -> memref<10112x128xf32, #tpu.memory_space<vmem_shared>>
        tpu.wait_indirect_dma semaphore(%run_scoped3A_373 : memref<!tpu.dma_semaphore, #tpu.memory_space<semaphore_mem>>) src(%dma_wait3A_387 : memref<128x128xf32, #tpu.memory_space<vmem>>) dst(%dma_wait3A_393 : memref<10112x128xf32, #tpu.memory_space<vmem_shared>>)
        tpu.yield
      }) : () -> ()
      %add3A_357 = arith.constant 2 : i32
      %add3A_358 = arith.addi %add3A_341, %add3A_357 : i32
      %dma_start3A_359 = arith.constant 1 : i32
      %dma_start3A_360 = arith.constant 1 : i32
      %dma_start3A_361 = arith.constant 0 : i32
      %dma_start3A_362 = arith.constant 0 : i32
      %dma_start3A_363 = tpu.memref_slice %arg15[%dma_start3A_359, %dma_start3A_361, %dma_start3A_362] : memref<2x128x128xf32, #tpu.memory_space<vmem>> -> memref<1x128x128xf32, #tpu.memory_space<vmem>>
      %dma_start3A_364 = tpu.memref_squeeze %dma_start3A_363 : memref<1x128x128xf32, #tpu.memory_space<vmem>> -> memref<128x128xf32, #tpu.memory_space<vmem>>
      %dma_start3A_365 = arith.constant 0 : i32
      %dma_start3A_366 = tpu.memref_slice %arg13[%add3A_358, %dma_start3A_365] : memref<40x128xi32, #tpu.memory_space<vmem>> -> memref<1x128xi32, #tpu.memory_space<vmem>>
      %dma_start3A_367 = tpu.memref_squeeze %dma_start3A_366 : memref<1x128xi32, #tpu.memory_space<vmem>> -> memref<128xi32, #tpu.memory_space<vmem>>
      %dma_start3A_368 = arith.constant 0 : i32
      %dma_start3A_369 = arith.constant 0 : i32
      %dma_start3A_370 = tpu.memref_slice %arg4[%dma_start3A_368, %dma_start3A_369] : memref<10000x128xf32, #tpu.memory_space<hbm>> -> memref<10000x128xf32, #tpu.memory_space<hbm>>
      %dma_start3A_371 = tpu.memref_slice %arg16[%dma_start3A_360] : memref<2x!tpu.dma_semaphore, #tpu.memory_space<semaphore_mem>> -> memref<1x!tpu.dma_semaphore, #tpu.memory_space<semaphore_mem>>
      %dma_start3A_372 = tpu.memref_squeeze %dma_start3A_371 : memref<1x!tpu.dma_semaphore, #tpu.memory_space<semaphore_mem>> -> memref<!tpu.dma_semaphore, #tpu.memory_space<semaphore_mem>>
      tpu.enqueue_indirect_dma source(%dma_start3A_370 : memref<10000x128xf32, #tpu.memory_space<hbm>>) target(%dma_start3A_364 : memref<128x128xf32, #tpu.memory_space<vmem>>) offsets(%dma_start3A_367 : memref<128xi32, #tpu.memory_space<vmem>>) semaphore(%dma_start3A_372 : memref<!tpu.dma_semaphore, #tpu.memory_space<semaphore_mem>>)
    }
    %scan3A_186 = arith.constant 19 : i32
    %dma_wait3A_187 = arith.constant 38 : i32
    %dma_wait3A_188 = arith.constant 0 : i32
    %dma_wait3A_189 = arith.constant 0 : i32
    %dma_wait3A_190 = arith.constant 0 : i32
    %dma_wait3A_191 = arith.constant 0 : i32
    %dma_wait3A_192 = tpu.memref_slice %arg15[%dma_wait3A_188, %dma_wait3A_190, %dma_wait3A_191] : memref<2x128x128xf32, #tpu.memory_space<vmem>> -> memref<1x128x128xf32, #tpu.memory_space<vmem>>
    %dma_wait3A_193 = tpu.memref_squeeze %dma_wait3A_192 : memref<1x128x128xf32, #tpu.memory_space<vmem>> -> memref<128x128xf32, #tpu.memory_space<vmem>>
    %dma_wait3A_194 = arith.constant 0 : i32
    %dma_wait3A_195 = tpu.memref_slice %arg13[%dma_wait3A_187, %dma_wait3A_194] : memref<40x128xi32, #tpu.memory_space<vmem>> -> memref<1x128xi32, #tpu.memory_space<vmem>>
    %dma_wait3A_196 = tpu.memref_squeeze %dma_wait3A_195 : memref<1x128xi32, #tpu.memory_space<vmem>> -> memref<128xi32, #tpu.memory_space<vmem>>
    %dma_wait3A_197 = arith.constant 0 : i32
    %dma_wait3A_198 = arith.constant 0 : i32
    %dma_wait3A_199 = tpu.memref_slice %arg4[%dma_wait3A_197, %dma_wait3A_198] : memref<10000x128xf32, #tpu.memory_space<hbm>> -> memref<10000x128xf32, #tpu.memory_space<hbm>>
    %dma_wait3A_200 = tpu.memref_slice %arg16[%dma_wait3A_189] : memref<2x!tpu.dma_semaphore, #tpu.memory_space<semaphore_mem>> -> memref<1x!tpu.dma_semaphore, #tpu.memory_space<semaphore_mem>>
    %dma_wait3A_201 = tpu.memref_squeeze %dma_wait3A_200 : memref<1x!tpu.dma_semaphore, #tpu.memory_space<semaphore_mem>> -> memref<!tpu.dma_semaphore, #tpu.memory_space<semaphore_mem>>
    tpu.wait_indirect_dma semaphore(%dma_wait3A_201 : memref<!tpu.dma_semaphore, #tpu.memory_space<semaphore_mem>>) src(%dma_wait3A_199 : memref<10000x128xf32, #tpu.memory_space<hbm>>) dst(%dma_wait3A_193 : memref<128x128xf32, #tpu.memory_space<vmem>>)
    %run_scoped3A_202 = arith.constant 0 : i32
    %run_scoped3A_203 = arith.constant 38 : i32
    "tpu.region"() ({
      %run_scoped3A_302 = tpu.sem_alloc : memref<!tpu.dma_semaphore, #tpu.memory_space<semaphore_mem>>
      %dma_start3A_303 = arith.constant 0 : i32
      %dma_start3A_304 = arith.constant 0 : i32
      %dma_start3A_305 = tpu.memref_slice %arg15[%run_scoped3A_202, %dma_start3A_303, %dma_start3A_304] : memref<2x128x128xf32, #tpu.memory_space<vmem>> -> memref<1x128x128xf32, #tpu.memory_space<vmem>>
      %dma_start3A_306 = tpu.memref_squeeze %dma_start3A_305 : memref<1x128x128xf32, #tpu.memory_space<vmem>> -> memref<128x128xf32, #tpu.memory_space<vmem>>
      %dma_start3A_307 = arith.constant 0 : i32
      %dma_start3A_308 = tpu.memref_slice %arg14[%run_scoped3A_203, %dma_start3A_307] : memref<40x128xi32, #tpu.memory_space<vmem>> -> memref<1x128xi32, #tpu.memory_space<vmem>>
      %dma_start3A_309 = tpu.memref_squeeze %dma_start3A_308 : memref<1x128xi32, #tpu.memory_space<vmem>> -> memref<128xi32, #tpu.memory_space<vmem>>
      %dma_start3A_310 = arith.constant 0 : i32
      %dma_start3A_311 = arith.constant 0 : i32
      %dma_start3A_312 = tpu.memref_slice %arg18[%dma_start3A_310, %dma_start3A_311] : memref<10112x128xf32, #tpu.memory_space<vmem_shared>> -> memref<10112x128xf32, #tpu.memory_space<vmem_shared>>
      tpu.enqueue_indirect_dma source(%dma_start3A_306 : memref<128x128xf32, #tpu.memory_space<vmem>>) target(%dma_start3A_312 : memref<10112x128xf32, #tpu.memory_space<vmem_shared>>) offsets(%dma_start3A_309 : memref<128xi32, #tpu.memory_space<vmem>>) semaphore(%run_scoped3A_302 : memref<!tpu.dma_semaphore, #tpu.memory_space<semaphore_mem>>) {add = true}
      %dma_wait3A_313 = arith.constant 0 : i32
      %dma_wait3A_314 = arith.constant 0 : i32
      %dma_wait3A_315 = tpu.memref_slice %arg15[%run_scoped3A_202, %dma_wait3A_313, %dma_wait3A_314] : memref<2x128x128xf32, #tpu.memory_space<vmem>> -> memref<1x128x128xf32, #tpu.memory_space<vmem>>
      %dma_wait3A_316 = tpu.memref_squeeze %dma_wait3A_315 : memref<1x128x128xf32, #tpu.memory_space<vmem>> -> memref<128x128xf32, #tpu.memory_space<vmem>>
      %dma_wait3A_317 = arith.constant 0 : i32
      %dma_wait3A_318 = tpu.memref_slice %arg14[%run_scoped3A_203, %dma_wait3A_317] : memref<40x128xi32, #tpu.memory_space<vmem>> -> memref<1x128xi32, #tpu.memory_space<vmem>>
      %dma_wait3A_319 = tpu.memref_squeeze %dma_wait3A_318 : memref<1x128xi32, #tpu.memory_space<vmem>> -> memref<128xi32, #tpu.memory_space<vmem>>
      %dma_wait3A_320 = arith.constant 0 : i32
      %dma_wait3A_321 = arith.constant 0 : i32
      %dma_wait3A_322 = tpu.memref_slice %arg18[%dma_wait3A_320, %dma_wait3A_321] : memref<10112x128xf32, #tpu.memory_space<vmem_shared>> -> memref<10112x128xf32, #tpu.memory_space<vmem_shared>>
      tpu.wait_indirect_dma semaphore(%run_scoped3A_302 : memref<!tpu.dma_semaphore, #tpu.memory_space<semaphore_mem>>) src(%dma_wait3A_316 : memref<128x128xf32, #tpu.memory_space<vmem>>) dst(%dma_wait3A_322 : memref<10112x128xf32, #tpu.memory_space<vmem_shared>>)
      tpu.yield
    }) : () -> ()
    %dma_wait3A_204 = arith.constant 39 : i32
    %dma_wait3A_205 = arith.constant 1 : i32
    %dma_wait3A_206 = arith.constant 1 : i32
    %dma_wait3A_207 = arith.constant 0 : i32
    %dma_wait3A_208 = arith.constant 0 : i32
    %dma_wait3A_209 = tpu.memref_slice %arg15[%dma_wait3A_205, %dma_wait3A_207, %dma_wait3A_208] : memref<2x128x128xf32, #tpu.memory_space<vmem>> -> memref<1x128x128xf32, #tpu.memory_space<vmem>>
    %dma_wait3A_210 = tpu.memref_squeeze %dma_wait3A_209 : memref<1x128x128xf32, #tpu.memory_space<vmem>> -> memref<128x128xf32, #tpu.memory_space<vmem>>
    %dma_wait3A_211 = arith.constant 0 : i32
    %dma_wait3A_212 = tpu.memref_slice %arg13[%dma_wait3A_204, %dma_wait3A_211] : memref<40x128xi32, #tpu.memory_space<vmem>> -> memref<1x128xi32, #tpu.memory_space<vmem>>
    %dma_wait3A_213 = tpu.memref_squeeze %dma_wait3A_212 : memref<1x128xi32, #tpu.memory_space<vmem>> -> memref<128xi32, #tpu.memory_space<vmem>>
    %dma_wait3A_214 = arith.constant 0 : i32
    %dma_wait3A_215 = arith.constant 0 : i32
    %dma_wait3A_216 = tpu.memref_slice %arg4[%dma_wait3A_214, %dma_wait3A_215] : memref<10000x128xf32, #tpu.memory_space<hbm>> -> memref<10000x128xf32, #tpu.memory_space<hbm>>
    %dma_wait3A_217 = tpu.memref_slice %arg16[%dma_wait3A_206] : memref<2x!tpu.dma_semaphore, #tpu.memory_space<semaphore_mem>> -> memref<1x!tpu.dma_semaphore, #tpu.memory_space<semaphore_mem>>
    %dma_wait3A_218 = tpu.memref_squeeze %dma_wait3A_217 : memref<1x!tpu.dma_semaphore, #tpu.memory_space<semaphore_mem>> -> memref<!tpu.dma_semaphore, #tpu.memory_space<semaphore_mem>>
    tpu.wait_indirect_dma semaphore(%dma_wait3A_218 : memref<!tpu.dma_semaphore, #tpu.memory_space<semaphore_mem>>) src(%dma_wait3A_216 : memref<10000x128xf32, #tpu.memory_space<hbm>>) dst(%dma_wait3A_210 : memref<128x128xf32, #tpu.memory_space<vmem>>)
    %run_scoped3A_219 = arith.constant 1 : i32
    %run_scoped3A_220 = arith.constant 39 : i32
    "tpu.region"() ({
      %run_scoped3A_302 = tpu.sem_alloc : memref<!tpu.dma_semaphore, #tpu.memory_space<semaphore_mem>>
      %dma_start3A_303 = arith.constant 0 : i32
      %dma_start3A_304 = arith.constant 0 : i32
      %dma_start3A_305 = tpu.memref_slice %arg15[%run_scoped3A_219, %dma_start3A_303, %dma_start3A_304] : memref<2x128x128xf32, #tpu.memory_space<vmem>> -> memref<1x128x128xf32, #tpu.memory_space<vmem>>
      %dma_start3A_306 = tpu.memref_squeeze %dma_start3A_305 : memref<1x128x128xf32, #tpu.memory_space<vmem>> -> memref<128x128xf32, #tpu.memory_space<vmem>>
      %dma_start3A_307 = arith.constant 0 : i32
      %dma_start3A_308 = tpu.memref_slice %arg14[%run_scoped3A_220, %dma_start3A_307] : memref<40x128xi32, #tpu.memory_space<vmem>> -> memref<1x128xi32, #tpu.memory_space<vmem>>
      %dma_start3A_309 = tpu.memref_squeeze %dma_start3A_308 : memref<1x128xi32, #tpu.memory_space<vmem>> -> memref<128xi32, #tpu.memory_space<vmem>>
      %dma_start3A_310 = arith.constant 0 : i32
      %dma_start3A_311 = arith.constant 0 : i32
      %dma_start3A_312 = tpu.memref_slice %arg18[%dma_start3A_310, %dma_start3A_311] : memref<10112x128xf32, #tpu.memory_space<vmem_shared>> -> memref<10112x128xf32, #tpu.memory_space<vmem_shared>>
      tpu.enqueue_indirect_dma source(%dma_start3A_306 : memref<128x128xf32, #tpu.memory_space<vmem>>) target(%dma_start3A_312 : memref<10112x128xf32, #tpu.memory_space<vmem_shared>>) offsets(%dma_start3A_309 : memref<128xi32, #tpu.memory_space<vmem>>) semaphore(%run_scoped3A_302 : memref<!tpu.dma_semaphore, #tpu.memory_space<semaphore_mem>>) {add = true}
      %dma_wait3A_313 = arith.constant 0 : i32
      %dma_wait3A_314 = arith.constant 0 : i32
      %dma_wait3A_315 = tpu.memref_slice %arg15[%run_scoped3A_219, %dma_wait3A_313, %dma_wait3A_314] : memref<2x128x128xf32, #tpu.memory_space<vmem>> -> memref<1x128x128xf32, #tpu.memory_space<vmem>>
      %dma_wait3A_316 = tpu.memref_squeeze %dma_wait3A_315 : memref<1x128x128xf32, #tpu.memory_space<vmem>> -> memref<128x128xf32, #tpu.memory_space<vmem>>
      %dma_wait3A_317 = arith.constant 0 : i32
      %dma_wait3A_318 = tpu.memref_slice %arg14[%run_scoped3A_220, %dma_wait3A_317] : memref<40x128xi32, #tpu.memory_space<vmem>> -> memref<1x128xi32, #tpu.memory_space<vmem>>
      %dma_wait3A_319 = tpu.memref_squeeze %dma_wait3A_318 : memref<1x128xi32, #tpu.memory_space<vmem>> -> memref<128xi32, #tpu.memory_space<vmem>>
      %dma_wait3A_320 = arith.constant 0 : i32
      %dma_wait3A_321 = arith.constant 0 : i32
      %dma_wait3A_322 = tpu.memref_slice %arg18[%dma_wait3A_320, %dma_wait3A_321] : memref<10112x128xf32, #tpu.memory_space<vmem_shared>> -> memref<10112x128xf32, #tpu.memory_space<vmem_shared>>
      tpu.wait_indirect_dma semaphore(%run_scoped3A_302 : memref<!tpu.dma_semaphore, #tpu.memory_space<semaphore_mem>>) src(%dma_wait3A_316 : memref<128x128xf32, #tpu.memory_space<vmem>>) dst(%dma_wait3A_322 : memref<10112x128xf32, #tpu.memory_space<vmem_shared>>)
      tpu.yield
    }) : () -> ()
    %barrier3A_221 = arith.constant 0 : index
    tpu.barrier barrier_id(%barrier3A_221)
    %mul3A_222 = arith.constant 632 : i32
    %mul3A_223 = arith.muli %arg1, %mul3A_222 : i32
    %mul3A_224 = arith.constant 632 : i32
    %mul3A_225 = arith.muli %arg1, %mul3A_224 : i32
    "tpu.region"() ({
      %run_scoped3A_302 = tpu.sem_alloc : memref<!tpu.dma_semaphore, #tpu.memory_space<semaphore_mem>>
      %dma_start3A_303 = arith.constant 0 : i32
      %dma_start3A_304 = arith.constant 0 : i32
      %dma_start3A_305 = tpu.memref_slice %arg11[%arg0, %dma_start3A_303, %dma_start3A_304] : memref<2x10112x128xf32, #tpu.memory_space<hbm>> -> memref<1x10112x128xf32, #tpu.memory_space<hbm>>
      %dma_start3A_306 = tpu.memref_squeeze %dma_start3A_305 : memref<1x10112x128xf32, #tpu.memory_space<hbm>> -> memref<10112x128xf32, #tpu.memory_space<hbm>>
      %dma_start3A_307 = arith.constant 0 : i32
      %dma_start3A_308 = tpu.memref_slice %dma_start3A_306[%mul3A_225, %dma_start3A_307] : memref<10112x128xf32, #tpu.memory_space<hbm>> -> memref<632x128xf32, #tpu.memory_space<hbm>>
      %dma_start3A_309 = arith.constant 0 : i32
      %dma_start3A_310 = tpu.memref_slice %arg18[%mul3A_223, %dma_start3A_309] : memref<10112x128xf32, #tpu.memory_space<vmem_shared>> -> memref<632x128xf32, #tpu.memory_space<vmem_shared>>
      tpu.enqueue_dma source(%dma_start3A_310 : memref<632x128xf32, #tpu.memory_space<vmem_shared>>) target(%dma_start3A_308 : memref<632x128xf32, #tpu.memory_space<hbm>>) target_semaphore(%run_scoped3A_302 : memref<!tpu.dma_semaphore, #tpu.memory_space<semaphore_mem>>)
      %dma_wait3A_311 = arith.constant 0 : i32
      %dma_wait3A_312 = arith.constant 0 : i32
      %dma_wait3A_313 = tpu.memref_slice %arg11[%arg0, %dma_wait3A_311, %dma_wait3A_312] : memref<2x10112x128xf32, #tpu.memory_space<hbm>> -> memref<1x10112x128xf32, #tpu.memory_space<hbm>>
      %dma_wait3A_314 = tpu.memref_squeeze %dma_wait3A_313 : memref<1x10112x128xf32, #tpu.memory_space<hbm>> -> memref<10112x128xf32, #tpu.memory_space<hbm>>
      %dma_wait3A_315 = arith.constant 0 : i32
      %dma_wait3A_316 = tpu.memref_slice %dma_wait3A_314[%mul3A_225, %dma_wait3A_315] : memref<10112x128xf32, #tpu.memory_space<hbm>> -> memref<632x128xf32, #tpu.memory_space<hbm>>
      %dma_wait3A_317 = arith.constant 0 : i32
      %dma_wait3A_318 = tpu.memref_slice %arg18[%mul3A_223, %dma_wait3A_317] : memref<10112x128xf32, #tpu.memory_space<vmem_shared>> -> memref<632x128xf32, #tpu.memory_space<vmem_shared>>
      tpu.wait_dma2 semaphore(%run_scoped3A_302 : memref<!tpu.dma_semaphore, #tpu.memory_space<semaphore_mem>>) src(%dma_wait3A_318 : memref<632x128xf32, #tpu.memory_space<vmem_shared>>) dst(%dma_wait3A_316 : memref<632x128xf32, #tpu.memory_space<hbm>>)
      tpu.yield
    }) : () -> ()
    %dma_start3A_226 = arith.constant 0 : i32
    %dma_start3A_227 = arith.constant 0 : i32
    %dma_start3A_228 = arith.constant 0 : i32
    %dma_start3A_229 = arith.constant 0 : i32
    %dma_start3A_230 = arith.constant 0 : i32
    %dma_start3A_231 = tpu.memref_slice %arg15[%dma_start3A_227, %dma_start3A_229, %dma_start3A_230] : memref<2x128x128xf32, #tpu.memory_space<vmem>> -> memref<1x128x128xf32, #tpu.memory_space<vmem>>
    %dma_start3A_232 = tpu.memref_squeeze %dma_start3A_231 : memref<1x128x128xf32, #tpu.memory_space<vmem>> -> memref<128x128xf32, #tpu.memory_space<vmem>>
    %dma_start3A_233 = arith.constant 0 : i32
    %dma_start3A_234 = tpu.memref_slice %arg13[%dma_start3A_226, %dma_start3A_233] : memref<40x128xi32, #tpu.memory_space<vmem>> -> memref<1x128xi32, #tpu.memory_space<vmem>>
    %dma_start3A_235 = tpu.memref_squeeze %dma_start3A_234 : memref<1x128xi32, #tpu.memory_space<vmem>> -> memref<128xi32, #tpu.memory_space<vmem>>
    %dma_start3A_236 = arith.constant 0 : i32
    %dma_start3A_237 = arith.constant 0 : i32
    %dma_start3A_238 = tpu.memref_slice %arg5[%dma_start3A_236, %dma_start3A_237] : memref<10000x128xf32, #tpu.memory_space<hbm>> -> memref<10000x128xf32, #tpu.memory_space<hbm>>
    %dma_start3A_239 = tpu.memref_slice %arg16[%dma_start3A_228] : memref<2x!tpu.dma_semaphore, #tpu.memory_space<semaphore_mem>> -> memref<1x!tpu.dma_semaphore, #tpu.memory_space<semaphore_mem>>
    %dma_start3A_240 = tpu.memref_squeeze %dma_start3A_239 : memref<1x!tpu.dma_semaphore, #tpu.memory_space<semaphore_mem>> -> memref<!tpu.dma_semaphore, #tpu.memory_space<semaphore_mem>>
    tpu.enqueue_indirect_dma source(%dma_start3A_238 : memref<10000x128xf32, #tpu.memory_space<hbm>>) target(%dma_start3A_232 : memref<128x128xf32, #tpu.memory_space<vmem>>) offsets(%dma_start3A_235 : memref<128xi32, #tpu.memory_space<vmem>>) semaphore(%dma_start3A_240 : memref<!tpu.dma_semaphore, #tpu.memory_space<semaphore_mem>>)
    %dma_start3A_241 = arith.constant 1 : i32
    %dma_start3A_242 = arith.constant 1 : i32
    %dma_start3A_243 = arith.constant 1 : i32
    %dma_start3A_244 = arith.constant 0 : i32
    %dma_start3A_245 = arith.constant 0 : i32
    %dma_start3A_246 = tpu.memref_slice %arg15[%dma_start3A_242, %dma_start3A_244, %dma_start3A_245] : memref<2x128x128xf32, #tpu.memory_space<vmem>> -> memref<1x128x128xf32, #tpu.memory_space<vmem>>
    %dma_start3A_247 = tpu.memref_squeeze %dma_start3A_246 : memref<1x128x128xf32, #tpu.memory_space<vmem>> -> memref<128x128xf32, #tpu.memory_space<vmem>>
    %dma_start3A_248 = arith.constant 0 : i32
    %dma_start3A_249 = tpu.memref_slice %arg13[%dma_start3A_241, %dma_start3A_248] : memref<40x128xi32, #tpu.memory_space<vmem>> -> memref<1x128xi32, #tpu.memory_space<vmem>>
    %dma_start3A_250 = tpu.memref_squeeze %dma_start3A_249 : memref<1x128xi32, #tpu.memory_space<vmem>> -> memref<128xi32, #tpu.memory_space<vmem>>
    %dma_start3A_251 = arith.constant 0 : i32
    %dma_start3A_252 = arith.constant 0 : i32
    %dma_start3A_253 = tpu.memref_slice %arg5[%dma_start3A_251, %dma_start3A_252] : memref<10000x128xf32, #tpu.memory_space<hbm>> -> memref<10000x128xf32, #tpu.memory_space<hbm>>
    %dma_start3A_254 = tpu.memref_slice %arg16[%dma_start3A_243] : memref<2x!tpu.dma_semaphore, #tpu.memory_space<semaphore_mem>> -> memref<1x!tpu.dma_semaphore, #tpu.memory_space<semaphore_mem>>
    %dma_start3A_255 = tpu.memref_squeeze %dma_start3A_254 : memref<1x!tpu.dma_semaphore, #tpu.memory_space<semaphore_mem>> -> memref<!tpu.dma_semaphore, #tpu.memory_space<semaphore_mem>>
    tpu.enqueue_indirect_dma source(%dma_start3A_253 : memref<10000x128xf32, #tpu.memory_space<hbm>>) target(%dma_start3A_247 : memref<128x128xf32, #tpu.memory_space<vmem>>) offsets(%dma_start3A_250 : memref<128xi32, #tpu.memory_space<vmem>>) semaphore(%dma_start3A_255 : memref<!tpu.dma_semaphore, #tpu.memory_space<semaphore_mem>>)
    %barrier3A_256 = arith.constant 0 : index
    tpu.barrier barrier_id(%barrier3A_256)
    %scan3A_257 = arith.constant 0 : i32
    %scan3A_258 = arith.constant 0 : i32
    %scan3A_259 = arith.constant 19 : i32
    %scan3A_260 = arith.addi %scan3A_258, %scan3A_259 : i32
    %scan3A_261 = arith.constant 1 : i32
    scf.for %scan3A_302 = %scan3A_258 to %scan3A_260 step %scan3A_261  : i32 {
      %mul3A_303 = arith.constant 2 : i32
      %mul3A_304 = arith.muli %mul3A_303, %scan3A_302 : i32
      %add3A_305 = arith.constant 0 : i32
      %add3A_306 = arith.addi %mul3A_304, %add3A_305 : i32
      %dma_wait3A_307 = arith.constant 0 : i32
      %dma_wait3A_308 = arith.constant 0 : i32
      %dma_wait3A_309 = arith.constant 0 : i32
      %dma_wait3A_310 = arith.constant 0 : i32
      %dma_wait3A_311 = tpu.memref_slice %arg15[%dma_wait3A_307, %dma_wait3A_309, %dma_wait3A_310] : memref<2x128x128xf32, #tpu.memory_space<vmem>> -> memref<1x128x128xf32, #tpu.memory_space<vmem>>
      %dma_wait3A_312 = tpu.memref_squeeze %dma_wait3A_311 : memref<1x128x128xf32, #tpu.memory_space<vmem>> -> memref<128x128xf32, #tpu.memory_space<vmem>>
      %dma_wait3A_313 = arith.constant 0 : i32
      %dma_wait3A_314 = tpu.memref_slice %arg13[%add3A_306, %dma_wait3A_313] : memref<40x128xi32, #tpu.memory_space<vmem>> -> memref<1x128xi32, #tpu.memory_space<vmem>>
      %dma_wait3A_315 = tpu.memref_squeeze %dma_wait3A_314 : memref<1x128xi32, #tpu.memory_space<vmem>> -> memref<128xi32, #tpu.memory_space<vmem>>
      %dma_wait3A_316 = arith.constant 0 : i32
      %dma_wait3A_317 = arith.constant 0 : i32
      %dma_wait3A_318 = tpu.memref_slice %arg5[%dma_wait3A_316, %dma_wait3A_317] : memref<10000x128xf32, #tpu.memory_space<hbm>> -> memref<10000x128xf32, #tpu.memory_space<hbm>>
      %dma_wait3A_319 = tpu.memref_slice %arg16[%dma_wait3A_308] : memref<2x!tpu.dma_semaphore, #tpu.memory_space<semaphore_mem>> -> memref<1x!tpu.dma_semaphore, #tpu.memory_space<semaphore_mem>>
      %dma_wait3A_320 = tpu.memref_squeeze %dma_wait3A_319 : memref<1x!tpu.dma_semaphore, #tpu.memory_space<semaphore_mem>> -> memref<!tpu.dma_semaphore, #tpu.memory_space<semaphore_mem>>
      tpu.wait_indirect_dma semaphore(%dma_wait3A_320 : memref<!tpu.dma_semaphore, #tpu.memory_space<semaphore_mem>>) src(%dma_wait3A_318 : memref<10000x128xf32, #tpu.memory_space<hbm>>) dst(%dma_wait3A_312 : memref<128x128xf32, #tpu.memory_space<vmem>>)
      %run_scoped3A_321 = arith.constant 0 : i32
      "tpu.region"() ({
        %run_scoped3A_373 = tpu.sem_alloc : memref<!tpu.dma_semaphore, #tpu.memory_space<semaphore_mem>>
        %dma_start3A_374 = arith.constant 0 : i32
        %dma_start3A_375 = arith.constant 0 : i32
        %dma_start3A_376 = tpu.memref_slice %arg15[%run_scoped3A_321, %dma_start3A_374, %dma_start3A_375] : memref<2x128x128xf32, #tpu.memory_space<vmem>> -> memref<1x128x128xf32, #tpu.memory_space<vmem>>
        %dma_start3A_377 = tpu.memref_squeeze %dma_start3A_376 : memref<1x128x128xf32, #tpu.memory_space<vmem>> -> memref<128x128xf32, #tpu.memory_space<vmem>>
        %dma_start3A_378 = arith.constant 0 : i32
        %dma_start3A_379 = tpu.memref_slice %arg14[%add3A_306, %dma_start3A_378] : memref<40x128xi32, #tpu.memory_space<vmem>> -> memref<1x128xi32, #tpu.memory_space<vmem>>
        %dma_start3A_380 = tpu.memref_squeeze %dma_start3A_379 : memref<1x128xi32, #tpu.memory_space<vmem>> -> memref<128xi32, #tpu.memory_space<vmem>>
        %dma_start3A_381 = arith.constant 0 : i32
        %dma_start3A_382 = arith.constant 0 : i32
        %dma_start3A_383 = tpu.memref_slice %arg18[%dma_start3A_381, %dma_start3A_382] : memref<10112x128xf32, #tpu.memory_space<vmem_shared>> -> memref<10112x128xf32, #tpu.memory_space<vmem_shared>>
        tpu.enqueue_indirect_dma source(%dma_start3A_377 : memref<128x128xf32, #tpu.memory_space<vmem>>) target(%dma_start3A_383 : memref<10112x128xf32, #tpu.memory_space<vmem_shared>>) offsets(%dma_start3A_380 : memref<128xi32, #tpu.memory_space<vmem>>) semaphore(%run_scoped3A_373 : memref<!tpu.dma_semaphore, #tpu.memory_space<semaphore_mem>>) {add = true}
        %dma_wait3A_384 = arith.constant 0 : i32
        %dma_wait3A_385 = arith.constant 0 : i32
        %dma_wait3A_386 = tpu.memref_slice %arg15[%run_scoped3A_321, %dma_wait3A_384, %dma_wait3A_385] : memref<2x128x128xf32, #tpu.memory_space<vmem>> -> memref<1x128x128xf32, #tpu.memory_space<vmem>>
        %dma_wait3A_387 = tpu.memref_squeeze %dma_wait3A_386 : memref<1x128x128xf32, #tpu.memory_space<vmem>> -> memref<128x128xf32, #tpu.memory_space<vmem>>
        %dma_wait3A_388 = arith.constant 0 : i32
        %dma_wait3A_389 = tpu.memref_slice %arg14[%add3A_306, %dma_wait3A_388] : memref<40x128xi32, #tpu.memory_space<vmem>> -> memref<1x128xi32, #tpu.memory_space<vmem>>
        %dma_wait3A_390 = tpu.memref_squeeze %dma_wait3A_389 : memref<1x128xi32, #tpu.memory_space<vmem>> -> memref<128xi32, #tpu.memory_space<vmem>>
        %dma_wait3A_391 = arith.constant 0 : i32
        %dma_wait3A_392 = arith.constant 0 : i32
        %dma_wait3A_393 = tpu.memref_slice %arg18[%dma_wait3A_391, %dma_wait3A_392] : memref<10112x128xf32, #tpu.memory_space<vmem_shared>> -> memref<10112x128xf32, #tpu.memory_space<vmem_shared>>
        tpu.wait_indirect_dma semaphore(%run_scoped3A_373 : memref<!tpu.dma_semaphore, #tpu.memory_space<semaphore_mem>>) src(%dma_wait3A_387 : memref<128x128xf32, #tpu.memory_space<vmem>>) dst(%dma_wait3A_393 : memref<10112x128xf32, #tpu.memory_space<vmem_shared>>)
        tpu.yield
      }) : () -> ()
      %add3A_322 = arith.constant 2 : i32
      %add3A_323 = arith.addi %add3A_306, %add3A_322 : i32
      %dma_start3A_324 = arith.constant 0 : i32
      %dma_start3A_325 = arith.constant 0 : i32
      %dma_start3A_326 = arith.constant 0 : i32
      %dma_start3A_327 = arith.constant 0 : i32
      %dma_start3A_328 = tpu.memref_slice %arg15[%dma_start3A_324, %dma_start3A_326, %dma_start3A_327] : memref<2x128x128xf32, #tpu.memory_space<vmem>> -> memref<1x128x128xf32, #tpu.memory_space<vmem>>
      %dma_start3A_329 = tpu.memref_squeeze %dma_start3A_328 : memref<1x128x128xf32, #tpu.memory_space<vmem>> -> memref<128x128xf32, #tpu.memory_space<vmem>>
      %dma_start3A_330 = arith.constant 0 : i32
      %dma_start3A_331 = tpu.memref_slice %arg13[%add3A_323, %dma_start3A_330] : memref<40x128xi32, #tpu.memory_space<vmem>> -> memref<1x128xi32, #tpu.memory_space<vmem>>
      %dma_start3A_332 = tpu.memref_squeeze %dma_start3A_331 : memref<1x128xi32, #tpu.memory_space<vmem>> -> memref<128xi32, #tpu.memory_space<vmem>>
      %dma_start3A_333 = arith.constant 0 : i32
      %dma_start3A_334 = arith.constant 0 : i32
      %dma_start3A_335 = tpu.memref_slice %arg5[%dma_start3A_333, %dma_start3A_334] : memref<10000x128xf32, #tpu.memory_space<hbm>> -> memref<10000x128xf32, #tpu.memory_space<hbm>>
      %dma_start3A_336 = tpu.memref_slice %arg16[%dma_start3A_325] : memref<2x!tpu.dma_semaphore, #tpu.memory_space<semaphore_mem>> -> memref<1x!tpu.dma_semaphore, #tpu.memory_space<semaphore_mem>>
      %dma_start3A_337 = tpu.memref_squeeze %dma_start3A_336 : memref<1x!tpu.dma_semaphore, #tpu.memory_space<semaphore_mem>> -> memref<!tpu.dma_semaphore, #tpu.memory_space<semaphore_mem>>
      tpu.enqueue_indirect_dma source(%dma_start3A_335 : memref<10000x128xf32, #tpu.memory_space<hbm>>) target(%dma_start3A_329 : memref<128x128xf32, #tpu.memory_space<vmem>>) offsets(%dma_start3A_332 : memref<128xi32, #tpu.memory_space<vmem>>) semaphore(%dma_start3A_337 : memref<!tpu.dma_semaphore, #tpu.memory_space<semaphore_mem>>)
      %mul3A_338 = arith.constant 2 : i32
      %mul3A_339 = arith.muli %mul3A_338, %scan3A_302 : i32
      %add3A_340 = arith.constant 1 : i32
      %add3A_341 = arith.addi %mul3A_339, %add3A_340 : i32
      %dma_wait3A_342 = arith.constant 1 : i32
      %dma_wait3A_343 = arith.constant 1 : i32
      %dma_wait3A_344 = arith.constant 0 : i32
      %dma_wait3A_345 = arith.constant 0 : i32
      %dma_wait3A_346 = tpu.memref_slice %arg15[%dma_wait3A_342, %dma_wait3A_344, %dma_wait3A_345] : memref<2x128x128xf32, #tpu.memory_space<vmem>> -> memref<1x128x128xf32, #tpu.memory_space<vmem>>
      %dma_wait3A_347 = tpu.memref_squeeze %dma_wait3A_346 : memref<1x128x128xf32, #tpu.memory_space<vmem>> -> memref<128x128xf32, #tpu.memory_space<vmem>>
      %dma_wait3A_348 = arith.constant 0 : i32
      %dma_wait3A_349 = tpu.memref_slice %arg13[%add3A_341, %dma_wait3A_348] : memref<40x128xi32, #tpu.memory_space<vmem>> -> memref<1x128xi32, #tpu.memory_space<vmem>>
      %dma_wait3A_350 = tpu.memref_squeeze %dma_wait3A_349 : memref<1x128xi32, #tpu.memory_space<vmem>> -> memref<128xi32, #tpu.memory_space<vmem>>
      %dma_wait3A_351 = arith.constant 0 : i32
      %dma_wait3A_352 = arith.constant 0 : i32
      %dma_wait3A_353 = tpu.memref_slice %arg5[%dma_wait3A_351, %dma_wait3A_352] : memref<10000x128xf32, #tpu.memory_space<hbm>> -> memref<10000x128xf32, #tpu.memory_space<hbm>>
      %dma_wait3A_354 = tpu.memref_slice %arg16[%dma_wait3A_343] : memref<2x!tpu.dma_semaphore, #tpu.memory_space<semaphore_mem>> -> memref<1x!tpu.dma_semaphore, #tpu.memory_space<semaphore_mem>>
      %dma_wait3A_355 = tpu.memref_squeeze %dma_wait3A_354 : memref<1x!tpu.dma_semaphore, #tpu.memory_space<semaphore_mem>> -> memref<!tpu.dma_semaphore, #tpu.memory_space<semaphore_mem>>
      tpu.wait_indirect_dma semaphore(%dma_wait3A_355 : memref<!tpu.dma_semaphore, #tpu.memory_space<semaphore_mem>>) src(%dma_wait3A_353 : memref<10000x128xf32, #tpu.memory_space<hbm>>) dst(%dma_wait3A_347 : memref<128x128xf32, #tpu.memory_space<vmem>>)
      %run_scoped3A_356 = arith.constant 1 : i32
      "tpu.region"() ({
        %run_scoped3A_373 = tpu.sem_alloc : memref<!tpu.dma_semaphore, #tpu.memory_space<semaphore_mem>>
        %dma_start3A_374 = arith.constant 0 : i32
        %dma_start3A_375 = arith.constant 0 : i32
        %dma_start3A_376 = tpu.memref_slice %arg15[%run_scoped3A_356, %dma_start3A_374, %dma_start3A_375] : memref<2x128x128xf32, #tpu.memory_space<vmem>> -> memref<1x128x128xf32, #tpu.memory_space<vmem>>
        %dma_start3A_377 = tpu.memref_squeeze %dma_start3A_376 : memref<1x128x128xf32, #tpu.memory_space<vmem>> -> memref<128x128xf32, #tpu.memory_space<vmem>>
        %dma_start3A_378 = arith.constant 0 : i32
        %dma_start3A_379 = tpu.memref_slice %arg14[%add3A_341, %dma_start3A_378] : memref<40x128xi32, #tpu.memory_space<vmem>> -> memref<1x128xi32, #tpu.memory_space<vmem>>
        %dma_start3A_380 = tpu.memref_squeeze %dma_start3A_379 : memref<1x128xi32, #tpu.memory_space<vmem>> -> memref<128xi32, #tpu.memory_space<vmem>>
        %dma_start3A_381 = arith.constant 0 : i32
        %dma_start3A_382 = arith.constant 0 : i32
        %dma_start3A_383 = tpu.memref_slice %arg18[%dma_start3A_381, %dma_start3A_382] : memref<10112x128xf32, #tpu.memory_space<vmem_shared>> -> memref<10112x128xf32, #tpu.memory_space<vmem_shared>>
        tpu.enqueue_indirect_dma source(%dma_start3A_377 : memref<128x128xf32, #tpu.memory_space<vmem>>) target(%dma_start3A_383 : memref<10112x128xf32, #tpu.memory_space<vmem_shared>>) offsets(%dma_start3A_380 : memref<128xi32, #tpu.memory_space<vmem>>) semaphore(%run_scoped3A_373 : memref<!tpu.dma_semaphore, #tpu.memory_space<semaphore_mem>>) {add = true}
        %dma_wait3A_384 = arith.constant 0 : i32
        %dma_wait3A_385 = arith.constant 0 : i32
        %dma_wait3A_386 = tpu.memref_slice %arg15[%run_scoped3A_356, %dma_wait3A_384, %dma_wait3A_385] : memref<2x128x128xf32, #tpu.memory_space<vmem>> -> memref<1x128x128xf32, #tpu.memory_space<vmem>>
        %dma_wait3A_387 = tpu.memref_squeeze %dma_wait3A_386 : memref<1x128x128xf32, #tpu.memory_space<vmem>> -> memref<128x128xf32, #tpu.memory_space<vmem>>
        %dma_wait3A_388 = arith.constant 0 : i32
        %dma_wait3A_389 = tpu.memref_slice %arg14[%add3A_341, %dma_wait3A_388] : memref<40x128xi32, #tpu.memory_space<vmem>> -> memref<1x128xi32, #tpu.memory_space<vmem>>
        %dma_wait3A_390 = tpu.memref_squeeze %dma_wait3A_389 : memref<1x128xi32, #tpu.memory_space<vmem>> -> memref<128xi32, #tpu.memory_space<vmem>>
        %dma_wait3A_391 = arith.constant 0 : i32
        %dma_wait3A_392 = arith.constant 0 : i32
        %dma_wait3A_393 = tpu.memref_slice %arg18[%dma_wait3A_391, %dma_wait3A_392] : memref<10112x128xf32, #tpu.memory_space<vmem_shared>> -> memref<10112x128xf32, #tpu.memory_space<vmem_shared>>
        tpu.wait_indirect_dma semaphore(%run_scoped3A_373 : memref<!tpu.dma_semaphore, #tpu.memory_space<semaphore_mem>>) src(%dma_wait3A_387 : memref<128x128xf32, #tpu.memory_space<vmem>>) dst(%dma_wait3A_393 : memref<10112x128xf32, #tpu.memory_space<vmem_shared>>)
        tpu.yield
      }) : () -> ()
      %add3A_357 = arith.constant 2 : i32
      %add3A_358 = arith.addi %add3A_341, %add3A_357 : i32
      %dma_start3A_359 = arith.constant 1 : i32
      %dma_start3A_360 = arith.constant 1 : i32
      %dma_start3A_361 = arith.constant 0 : i32
      %dma_start3A_362 = arith.constant 0 : i32
      %dma_start3A_363 = tpu.memref_slice %arg15[%dma_start3A_359, %dma_start3A_361, %dma_start3A_362] : memref<2x128x128xf32, #tpu.memory_space<vmem>> -> memref<1x128x128xf32, #tpu.memory_space<vmem>>
      %dma_start3A_364 = tpu.memref_squeeze %dma_start3A_363 : memref<1x128x128xf32, #tpu.memory_space<vmem>> -> memref<128x128xf32, #tpu.memory_space<vmem>>
      %dma_start3A_365 = arith.constant 0 : i32
      %dma_start3A_366 = tpu.memref_slice %arg13[%add3A_358, %dma_start3A_365] : memref<40x128xi32, #tpu.memory_space<vmem>> -> memref<1x128xi32, #tpu.memory_space<vmem>>
      %dma_start3A_367 = tpu.memref_squeeze %dma_start3A_366 : memref<1x128xi32, #tpu.memory_space<vmem>> -> memref<128xi32, #tpu.memory_space<vmem>>
      %dma_start3A_368 = arith.constant 0 : i32
      %dma_start3A_369 = arith.constant 0 : i32
      %dma_start3A_370 = tpu.memref_slice %arg5[%dma_start3A_368, %dma_start3A_369] : memref<10000x128xf32, #tpu.memory_space<hbm>> -> memref<10000x128xf32, #tpu.memory_space<hbm>>
      %dma_start3A_371 = tpu.memref_slice %arg16[%dma_start3A_360] : memref<2x!tpu.dma_semaphore, #tpu.memory_space<semaphore_mem>> -> memref<1x!tpu.dma_semaphore, #tpu.memory_space<semaphore_mem>>
      %dma_start3A_372 = tpu.memref_squeeze %dma_start3A_371 : memref<1x!tpu.dma_semaphore, #tpu.memory_space<semaphore_mem>> -> memref<!tpu.dma_semaphore, #tpu.memory_space<semaphore_mem>>
      tpu.enqueue_indirect_dma source(%dma_start3A_370 : memref<10000x128xf32, #tpu.memory_space<hbm>>) target(%dma_start3A_364 : memref<128x128xf32, #tpu.memory_space<vmem>>) offsets(%dma_start3A_367 : memref<128xi32, #tpu.memory_space<vmem>>) semaphore(%dma_start3A_372 : memref<!tpu.dma_semaphore, #tpu.memory_space<semaphore_mem>>)
    }
    %scan3A_262 = arith.constant 19 : i32
    %dma_wait3A_263 = arith.constant 38 : i32
    %dma_wait3A_264 = arith.constant 0 : i32
    %dma_wait3A_265 = arith.constant 0 : i32
    %dma_wait3A_266 = arith.constant 0 : i32
    %dma_wait3A_267 = arith.constant 0 : i32
    %dma_wait3A_268 = tpu.memref_slice %arg15[%dma_wait3A_264, %dma_wait3A_266, %dma_wait3A_267] : memref<2x128x128xf32, #tpu.memory_space<vmem>> -> memref<1x128x128xf32, #tpu.memory_space<vmem>>
    %dma_wait3A_269 = tpu.memref_squeeze %dma_wait3A_268 : memref<1x128x128xf32, #tpu.memory_space<vmem>> -> memref<128x128xf32, #tpu.memory_space<vmem>>
    %dma_wait3A_270 = arith.constant 0 : i32
    %dma_wait3A_271 = tpu.memref_slice %arg13[%dma_wait3A_263, %dma_wait3A_270] : memref<40x128xi32, #tpu.memory_space<vmem>> -> memref<1x128xi32, #tpu.memory_space<vmem>>
    %dma_wait3A_272 = tpu.memref_squeeze %dma_wait3A_271 : memref<1x128xi32, #tpu.memory_space<vmem>> -> memref<128xi32, #tpu.memory_space<vmem>>
    %dma_wait3A_273 = arith.constant 0 : i32
    %dma_wait3A_274 = arith.constant 0 : i32
    %dma_wait3A_275 = tpu.memref_slice %arg5[%dma_wait3A_273, %dma_wait3A_274] : memref<10000x128xf32, #tpu.memory_space<hbm>> -> memref<10000x128xf32, #tpu.memory_space<hbm>>
    %dma_wait3A_276 = tpu.memref_slice %arg16[%dma_wait3A_265] : memref<2x!tpu.dma_semaphore, #tpu.memory_space<semaphore_mem>> -> memref<1x!tpu.dma_semaphore, #tpu.memory_space<semaphore_mem>>
    %dma_wait3A_277 = tpu.memref_squeeze %dma_wait3A_276 : memref<1x!tpu.dma_semaphore, #tpu.memory_space<semaphore_mem>> -> memref<!tpu.dma_semaphore, #tpu.memory_space<semaphore_mem>>
    tpu.wait_indirect_dma semaphore(%dma_wait3A_277 : memref<!tpu.dma_semaphore, #tpu.memory_space<semaphore_mem>>) src(%dma_wait3A_275 : memref<10000x128xf32, #tpu.memory_space<hbm>>) dst(%dma_wait3A_269 : memref<128x128xf32, #tpu.memory_space<vmem>>)
    %run_scoped3A_278 = arith.constant 0 : i32
    %run_scoped3A_279 = arith.constant 38 : i32
    "tpu.region"() ({
      %run_scoped3A_302 = tpu.sem_alloc : memref<!tpu.dma_semaphore, #tpu.memory_space<semaphore_mem>>
      %dma_start3A_303 = arith.constant 0 : i32
      %dma_start3A_304 = arith.constant 0 : i32
      %dma_start3A_305 = tpu.memref_slice %arg15[%run_scoped3A_278, %dma_start3A_303, %dma_start3A_304] : memref<2x128x128xf32, #tpu.memory_space<vmem>> -> memref<1x128x128xf32, #tpu.memory_space<vmem>>
      %dma_start3A_306 = tpu.memref_squeeze %dma_start3A_305 : memref<1x128x128xf32, #tpu.memory_space<vmem>> -> memref<128x128xf32, #tpu.memory_space<vmem>>
      %dma_start3A_307 = arith.constant 0 : i32
      %dma_start3A_308 = tpu.memref_slice %arg14[%run_scoped3A_279, %dma_start3A_307] : memref<40x128xi32, #tpu.memory_space<vmem>> -> memref<1x128xi32, #tpu.memory_space<vmem>>
      %dma_start3A_309 = tpu.memref_squeeze %dma_start3A_308 : memref<1x128xi32, #tpu.memory_space<vmem>> -> memref<128xi32, #tpu.memory_space<vmem>>
      %dma_start3A_310 = arith.constant 0 : i32
      %dma_start3A_311 = arith.constant 0 : i32
      %dma_start3A_312 = tpu.memref_slice %arg18[%dma_start3A_310, %dma_start3A_311] : memref<10112x128xf32, #tpu.memory_space<vmem_shared>> -> memref<10112x128xf32, #tpu.memory_space<vmem_shared>>
      tpu.enqueue_indirect_dma source(%dma_start3A_306 : memref<128x128xf32, #tpu.memory_space<vmem>>) target(%dma_start3A_312 : memref<10112x128xf32, #tpu.memory_space<vmem_shared>>) offsets(%dma_start3A_309 : memref<128xi32, #tpu.memory_space<vmem>>) semaphore(%run_scoped3A_302 : memref<!tpu.dma_semaphore, #tpu.memory_space<semaphore_mem>>) {add = true}
      %dma_wait3A_313 = arith.constant 0 : i32
      %dma_wait3A_314 = arith.constant 0 : i32
      %dma_wait3A_315 = tpu.memref_slice %arg15[%run_scoped3A_278, %dma_wait3A_313, %dma_wait3A_314] : memref<2x128x128xf32, #tpu.memory_space<vmem>> -> memref<1x128x128xf32, #tpu.memory_space<vmem>>
      %dma_wait3A_316 = tpu.memref_squeeze %dma_wait3A_315 : memref<1x128x128xf32, #tpu.memory_space<vmem>> -> memref<128x128xf32, #tpu.memory_space<vmem>>
      %dma_wait3A_317 = arith.constant 0 : i32
      %dma_wait3A_318 = tpu.memref_slice %arg14[%run_scoped3A_279, %dma_wait3A_317] : memref<40x128xi32, #tpu.memory_space<vmem>> -> memref<1x128xi32, #tpu.memory_space<vmem>>
      %dma_wait3A_319 = tpu.memref_squeeze %dma_wait3A_318 : memref<1x128xi32, #tpu.memory_space<vmem>> -> memref<128xi32, #tpu.memory_space<vmem>>
      %dma_wait3A_320 = arith.constant 0 : i32
      %dma_wait3A_321 = arith.constant 0 : i32
      %dma_wait3A_322 = tpu.memref_slice %arg18[%dma_wait3A_320, %dma_wait3A_321] : memref<10112x128xf32, #tpu.memory_space<vmem_shared>> -> memref<10112x128xf32, #tpu.memory_space<vmem_shared>>
      tpu.wait_indirect_dma semaphore(%run_scoped3A_302 : memref<!tpu.dma_semaphore, #tpu.memory_space<semaphore_mem>>) src(%dma_wait3A_316 : memref<128x128xf32, #tpu.memory_space<vmem>>) dst(%dma_wait3A_322 : memref<10112x128xf32, #tpu.memory_space<vmem_shared>>)
      tpu.yield
    }) : () -> ()
    %dma_wait3A_280 = arith.constant 39 : i32
    %dma_wait3A_281 = arith.constant 1 : i32
    %dma_wait3A_282 = arith.constant 1 : i32
    %dma_wait3A_283 = arith.constant 0 : i32
    %dma_wait3A_284 = arith.constant 0 : i32
    %dma_wait3A_285 = tpu.memref_slice %arg15[%dma_wait3A_281, %dma_wait3A_283, %dma_wait3A_284] : memref<2x128x128xf32, #tpu.memory_space<vmem>> -> memref<1x128x128xf32, #tpu.memory_space<vmem>>
    %dma_wait3A_286 = tpu.memref_squeeze %dma_wait3A_285 : memref<1x128x128xf32, #tpu.memory_space<vmem>> -> memref<128x128xf32, #tpu.memory_space<vmem>>
    %dma_wait3A_287 = arith.constant 0 : i32
    %dma_wait3A_288 = tpu.memref_slice %arg13[%dma_wait3A_280, %dma_wait3A_287] : memref<40x128xi32, #tpu.memory_space<vmem>> -> memref<1x128xi32, #tpu.memory_space<vmem>>
    %dma_wait3A_289 = tpu.memref_squeeze %dma_wait3A_288 : memref<1x128xi32, #tpu.memory_space<vmem>> -> memref<128xi32, #tpu.memory_space<vmem>>
    %dma_wait3A_290 = arith.constant 0 : i32
    %dma_wait3A_291 = arith.constant 0 : i32
    %dma_wait3A_292 = tpu.memref_slice %arg5[%dma_wait3A_290, %dma_wait3A_291] : memref<10000x128xf32, #tpu.memory_space<hbm>> -> memref<10000x128xf32, #tpu.memory_space<hbm>>
    %dma_wait3A_293 = tpu.memref_slice %arg16[%dma_wait3A_282] : memref<2x!tpu.dma_semaphore, #tpu.memory_space<semaphore_mem>> -> memref<1x!tpu.dma_semaphore, #tpu.memory_space<semaphore_mem>>
    %dma_wait3A_294 = tpu.memref_squeeze %dma_wait3A_293 : memref<1x!tpu.dma_semaphore, #tpu.memory_space<semaphore_mem>> -> memref<!tpu.dma_semaphore, #tpu.memory_space<semaphore_mem>>
    tpu.wait_indirect_dma semaphore(%dma_wait3A_294 : memref<!tpu.dma_semaphore, #tpu.memory_space<semaphore_mem>>) src(%dma_wait3A_292 : memref<10000x128xf32, #tpu.memory_space<hbm>>) dst(%dma_wait3A_286 : memref<128x128xf32, #tpu.memory_space<vmem>>)
    %run_scoped3A_295 = arith.constant 1 : i32
    %run_scoped3A_296 = arith.constant 39 : i32
    "tpu.region"() ({
      %run_scoped3A_302 = tpu.sem_alloc : memref<!tpu.dma_semaphore, #tpu.memory_space<semaphore_mem>>
      %dma_start3A_303 = arith.constant 0 : i32
      %dma_start3A_304 = arith.constant 0 : i32
      %dma_start3A_305 = tpu.memref_slice %arg15[%run_scoped3A_295, %dma_start3A_303, %dma_start3A_304] : memref<2x128x128xf32, #tpu.memory_space<vmem>> -> memref<1x128x128xf32, #tpu.memory_space<vmem>>
      %dma_start3A_306 = tpu.memref_squeeze %dma_start3A_305 : memref<1x128x128xf32, #tpu.memory_space<vmem>> -> memref<128x128xf32, #tpu.memory_space<vmem>>
      %dma_start3A_307 = arith.constant 0 : i32
      %dma_start3A_308 = tpu.memref_slice %arg14[%run_scoped3A_296, %dma_start3A_307] : memref<40x128xi32, #tpu.memory_space<vmem>> -> memref<1x128xi32, #tpu.memory_space<vmem>>
      %dma_start3A_309 = tpu.memref_squeeze %dma_start3A_308 : memref<1x128xi32, #tpu.memory_space<vmem>> -> memref<128xi32, #tpu.memory_space<vmem>>
      %dma_start3A_310 = arith.constant 0 : i32
      %dma_start3A_311 = arith.constant 0 : i32
      %dma_start3A_312 = tpu.memref_slice %arg18[%dma_start3A_310, %dma_start3A_311] : memref<10112x128xf32, #tpu.memory_space<vmem_shared>> -> memref<10112x128xf32, #tpu.memory_space<vmem_shared>>
      tpu.enqueue_indirect_dma source(%dma_start3A_306 : memref<128x128xf32, #tpu.memory_space<vmem>>) target(%dma_start3A_312 : memref<10112x128xf32, #tpu.memory_space<vmem_shared>>) offsets(%dma_start3A_309 : memref<128xi32, #tpu.memory_space<vmem>>) semaphore(%run_scoped3A_302 : memref<!tpu.dma_semaphore, #tpu.memory_space<semaphore_mem>>) {add = true}
      %dma_wait3A_313 = arith.constant 0 : i32
      %dma_wait3A_314 = arith.constant 0 : i32
      %dma_wait3A_315 = tpu.memref_slice %arg15[%run_scoped3A_295, %dma_wait3A_313, %dma_wait3A_314] : memref<2x128x128xf32, #tpu.memory_space<vmem>> -> memref<1x128x128xf32, #tpu.memory_space<vmem>>
      %dma_wait3A_316 = tpu.memref_squeeze %dma_wait3A_315 : memref<1x128x128xf32, #tpu.memory_space<vmem>> -> memref<128x128xf32, #tpu.memory_space<vmem>>
      %dma_wait3A_317 = arith.constant 0 : i32
      %dma_wait3A_318 = tpu.memref_slice %arg14[%run_scoped3A_296, %dma_wait3A_317] : memref<40x128xi32, #tpu.memory_space<vmem>> -> memref<1x128xi32, #tpu.memory_space<vmem>>
      %dma_wait3A_319 = tpu.memref_squeeze %dma_wait3A_318 : memref<1x128xi32, #tpu.memory_space<vmem>> -> memref<128xi32, #tpu.memory_space<vmem>>
      %dma_wait3A_320 = arith.constant 0 : i32
      %dma_wait3A_321 = arith.constant 0 : i32
      %dma_wait3A_322 = tpu.memref_slice %arg18[%dma_wait3A_320, %dma_wait3A_321] : memref<10112x128xf32, #tpu.memory_space<vmem_shared>> -> memref<10112x128xf32, #tpu.memory_space<vmem_shared>>
      tpu.wait_indirect_dma semaphore(%run_scoped3A_302 : memref<!tpu.dma_semaphore, #tpu.memory_space<semaphore_mem>>) src(%dma_wait3A_316 : memref<128x128xf32, #tpu.memory_space<vmem>>) dst(%dma_wait3A_322 : memref<10112x128xf32, #tpu.memory_space<vmem_shared>>)
      tpu.yield
    }) : () -> ()
    %barrier3A_297 = arith.constant 0 : index
    tpu.barrier barrier_id(%barrier3A_297)
    %mul3A_298 = arith.constant 632 : i32
    %mul3A_299 = arith.muli %arg1, %mul3A_298 : i32
    %mul3A_300 = arith.constant 632 : i32
    %mul3A_301 = arith.muli %arg1, %mul3A_300 : i32
    "tpu.region"() ({
      %run_scoped3A_302 = tpu.sem_alloc : memref<!tpu.dma_semaphore, #tpu.memory_space<semaphore_mem>>
      %dma_start3A_303 = arith.constant 0 : i32
      %dma_start3A_304 = arith.constant 0 : i32
      %dma_start3A_305 = tpu.memref_slice %arg12[%arg0, %dma_start3A_303, %dma_start3A_304] : memref<2x10112x128xf32, #tpu.memory_space<hbm>> -> memref<1x10112x128xf32, #tpu.memory_space<hbm>>
      %dma_start3A_306 = tpu.memref_squeeze %dma_start3A_305 : memref<1x10112x128xf32, #tpu.memory_space<hbm>> -> memref<10112x128xf32, #tpu.memory_space<hbm>>
      %dma_start3A_307 = arith.constant 0 : i32
      %dma_start3A_308 = tpu.memref_slice %dma_start3A_306[%mul3A_301, %dma_start3A_307] : memref<10112x128xf32, #tpu.memory_space<hbm>> -> memref<632x128xf32, #tpu.memory_space<hbm>>
      %dma_start3A_309 = arith.constant 0 : i32
      %dma_start3A_310 = tpu.memref_slice %arg18[%mul3A_299, %dma_start3A_309] : memref<10112x128xf32, #tpu.memory_space<vmem_shared>> -> memref<632x128xf32, #tpu.memory_space<vmem_shared>>
      tpu.enqueue_dma source(%dma_start3A_310 : memref<632x128xf32, #tpu.memory_space<vmem_shared>>) target(%dma_start3A_308 : memref<632x128xf32, #tpu.memory_space<hbm>>) target_semaphore(%run_scoped3A_302 : memref<!tpu.dma_semaphore, #tpu.memory_space<semaphore_mem>>)
      %dma_wait3A_311 = arith.constant 0 : i32
      %dma_wait3A_312 = arith.constant 0 : i32
      %dma_wait3A_313 = tpu.memref_slice %arg12[%arg0, %dma_wait3A_311, %dma_wait3A_312] : memref<2x10112x128xf32, #tpu.memory_space<hbm>> -> memref<1x10112x128xf32, #tpu.memory_space<hbm>>
      %dma_wait3A_314 = tpu.memref_squeeze %dma_wait3A_313 : memref<1x10112x128xf32, #tpu.memory_space<hbm>> -> memref<10112x128xf32, #tpu.memory_space<hbm>>
      %dma_wait3A_315 = arith.constant 0 : i32
      %dma_wait3A_316 = tpu.memref_slice %dma_wait3A_314[%mul3A_301, %dma_wait3A_315] : memref<10112x128xf32, #tpu.memory_space<hbm>> -> memref<632x128xf32, #tpu.memory_space<hbm>>
      %dma_wait3A_317 = arith.constant 0 : i32
      %dma_wait3A_318 = tpu.memref_slice %arg18[%mul3A_299, %dma_wait3A_317] : memref<10112x128xf32, #tpu.memory_space<vmem_shared>> -> memref<632x128xf32, #tpu.memory_space<vmem_shared>>
      tpu.wait_dma2 semaphore(%run_scoped3A_302 : memref<!tpu.dma_semaphore, #tpu.memory_space<semaphore_mem>>) src(%dma_wait3A_318 : memref<632x128xf32, #tpu.memory_space<vmem_shared>>) dst(%dma_wait3A_316 : memref<632x128xf32, #tpu.memory_space<hbm>>)
      tpu.yield
    }) : () -> ()
    return
  }
}

module attributes {stable_mosaic.version = 14 : i64} {
  func.func @_mat1_body(%arg0: i32, %arg1: memref<1000x256xf32, #tpu.memory_space<vmem>>, %arg2: memref<256x512xf32, #tpu.memory_space<vmem>>, %arg3: memref<2x1000x128xf32, #tpu.memory_space<vmem>>, %arg4: memref<1000x1xf32, #tpu.memory_space<vmem>>, %arg5: memref<1000x128xf32, #tpu.memory_space<vmem>>, %arg6: memref<1000x128xf32, #tpu.memory_space<vmem>>, %arg7: memref<1000x128xf32, #tpu.memory_space<vmem>>, %arg8: memref<1000x128xf32, #tpu.memory_space<vmem>>) attributes {dimension_semantics = [#tpu.dimension_semantics<arbitrary>], iteration_bounds = array<i64: 10>, scalar_prefetch = 0 : i64, scratch_operands = 0 : i64, tpu.core_type = #tpu.core_type<tc>, window_params = [{transform_indices = @transform_0, window_bounds = array<i64: 1000, 256>}, {pipeline_mode = #tpu.pipeline_mode<synchronous>, transform_indices = @transform_1, window_bounds = array<i64: 256, 512>}, {transform_indices = @transform_2, window_bounds = array<i64: 2, 1000, 128>}, {transform_indices = @transform_3, window_bounds = array<i64: 1000, 1>}, {transform_indices = @transform_4, window_bounds = array<i64: 1000, 128>}, {transform_indices = @transform_5, window_bounds = array<i64: 1000, 128>}, {transform_indices = @transform_6, window_bounds = array<i64: 1000, 128>}, {transform_indices = @transform_7, window_bounds = array<i64: 1000, 128>}]} {
    %get3A = arith.constant 0 : index
    %get3A_0 = arith.constant 0 : index
    %get3A_1 = arith.constant 0 : index
    %get3A_2 = vector.load %arg3[%get3A, %get3A_0, %get3A_1] : memref<2x1000x128xf32, #tpu.memory_space<vmem>>, vector<1x1000x128xf32>
    %get3A_3 = vector.shape_cast %get3A_2 : vector<1x1000x128xf32> to vector<1000x128xf32>
    %get3A_4 = arith.constant 1 : index
    %get3A_5 = arith.constant 0 : index
    %get3A_6 = arith.constant 0 : index
    %get3A_7 = vector.load %arg3[%get3A_4, %get3A_5, %get3A_6] : memref<2x1000x128xf32, #tpu.memory_space<vmem>>, vector<1x1000x128xf32>
    %get3A_8 = vector.shape_cast %get3A_7 : vector<1x1000x128xf32> to vector<1000x128xf32>
    %add3A = arith.addf %get3A_3, %get3A_8 : vector<1000x128xf32>
    %slice3A = vector.extract_strided_slice %add3A {offsets = [0, 0], sizes = [1000, 1], strides = [1, 1]} : vector<1000x128xf32> to vector<1000x1xf32>
    %add3A_9 = arith.constant 1.000000e+00 : f32
    %add3A_10 = vector.broadcast %add3A_9 : f32 to vector<1000x1xf32>
    %add3A_11 = arith.addf %slice3A, %add3A_10 : vector<1000x1xf32>
    %rsqrt3A = math.rsqrt %add3A_11 : vector<1000x1xf32>
    %swap3A = arith.constant 0 : index
    %swap3A_12 = arith.constant 0 : index
    %swap3A_13 = vector.load %arg4[%swap3A, %swap3A_12] : memref<1000x1xf32, #tpu.memory_space<vmem>>, vector<1000x1xf32>
    tpu.vector_store %arg4[%swap3A, %swap3A_12], %rsqrt3A {strides = array<i32>} : memref<1000x1xf32, #tpu.memory_space<vmem>>, vector<1000x1xf32>,
    %get3A_14 = arith.constant 0 : index
    %get3A_15 = arith.constant 0 : index
    %get3A_16 = vector.load %arg1[%get3A_14, %get3A_15] : memref<1000x256xf32, #tpu.memory_space<vmem>>, vector<1000x256xf32>
    %get3A_17 = arith.constant 0 : index
    %get3A_18 = arith.constant 0 : index
    %get3A_19 = vector.load %arg2[%get3A_17, %get3A_18] : memref<256x512xf32, #tpu.memory_space<vmem>>, vector<256x512xf32>
    %dot_general3A = arith.constant dense<0.000000e+00> : vector<1000x512xf32>
    %dot_general3A_20 = tpu.matmul %get3A_16, %get3A_19, %dot_general3A {dimension_numbers = #tpu.dot_dimension_numbers<[1], [0], [0], [1], [0, 0, 1, 1], [], []>, transpose_lhs_hint = false} : vector<1000x256xf32>, vector<256x512xf32>, vector<1000x512xf32> -> vector<1000x512xf32>
    %mul3A = vector.broadcast %rsqrt3A : vector<1000x1xf32> to vector<1000x512xf32>
    %mul3A_21 = arith.mulf %dot_general3A_20, %mul3A : vector<1000x512xf32>
    %slice3A_22 = vector.extract_strided_slice %mul3A_21 {offsets = [0, 0], sizes = [1000, 128], strides = [1, 1]} : vector<1000x512xf32> to vector<1000x128xf32>
    %swap3A_23 = arith.constant 0 : index
    %swap3A_24 = arith.constant 0 : index
    %swap3A_25 = vector.load %arg5[%swap3A_23, %swap3A_24] : memref<1000x128xf32, #tpu.memory_space<vmem>>, vector<1000x128xf32>
    tpu.vector_store %arg5[%swap3A_23, %swap3A_24], %slice3A_22 {strides = array<i32>} : memref<1000x128xf32, #tpu.memory_space<vmem>>, vector<1000x128xf32>,
    %slice3A_26 = vector.extract_strided_slice %mul3A_21 {offsets = [0, 128], sizes = [1000, 128], strides = [1, 1]} : vector<1000x512xf32> to vector<1000x128xf32>
    %swap3A_27 = arith.constant 0 : index
    %swap3A_28 = arith.constant 0 : index
    %swap3A_29 = vector.load %arg6[%swap3A_27, %swap3A_28] : memref<1000x128xf32, #tpu.memory_space<vmem>>, vector<1000x128xf32>
    tpu.vector_store %arg6[%swap3A_27, %swap3A_28], %slice3A_26 {strides = array<i32>} : memref<1000x128xf32, #tpu.memory_space<vmem>>, vector<1000x128xf32>,
    %slice3A_30 = vector.extract_strided_slice %mul3A_21 {offsets = [0, 256], sizes = [1000, 128], strides = [1, 1]} : vector<1000x512xf32> to vector<1000x128xf32>
    %swap3A_31 = arith.constant 0 : index
    %swap3A_32 = arith.constant 0 : index
    %swap3A_33 = vector.load %arg7[%swap3A_31, %swap3A_32] : memref<1000x128xf32, #tpu.memory_space<vmem>>, vector<1000x128xf32>
    tpu.vector_store %arg7[%swap3A_31, %swap3A_32], %slice3A_30 {strides = array<i32>} : memref<1000x128xf32, #tpu.memory_space<vmem>>, vector<1000x128xf32>,
    %slice3A_34 = vector.extract_strided_slice %mul3A_21 {offsets = [0, 384], sizes = [1000, 128], strides = [1, 1]} : vector<1000x512xf32> to vector<1000x128xf32>
    %swap3A_35 = arith.constant 0 : index
    %swap3A_36 = arith.constant 0 : index
    %swap3A_37 = vector.load %arg8[%swap3A_35, %swap3A_36] : memref<1000x128xf32, #tpu.memory_space<vmem>>, vector<1000x128xf32>
    tpu.vector_store %arg8[%swap3A_35, %swap3A_36], %slice3A_34 {strides = array<i32>} : memref<1000x128xf32, #tpu.memory_space<vmem>>, vector<1000x128xf32>,
    return
  }
  func.func @transform_0(%arg0: i32) -> (i32, i32) {
    %c0_i32 = arith.constant 0 : i32
    %c0_i32_0 = arith.constant 0 : i32
    return %arg0, %c0_i32 : i32, i32
  }
  func.func @transform_1(%arg0: i32) -> (i32, i32) {
    %c0_i32 = arith.constant 0 : i32
    %c0_i32_0 = arith.constant 0 : i32
    %c0_i32_1 = arith.constant 0 : i32
    return %c0_i32, %c0_i32_0 : i32, i32
  }
  func.func @transform_2(%arg0: i32) -> (i32, i32, i32) {
    %c0_i32 = arith.constant 0 : i32
    %c0_i32_0 = arith.constant 0 : i32
    %c0_i32_1 = arith.constant 0 : i32
    return %c0_i32, %arg0, %c0_i32_0 : i32, i32, i32
  }
  func.func @transform_3(%arg0: i32) -> (i32, i32) {
    %c0_i32 = arith.constant 0 : i32
    %c0_i32_0 = arith.constant 0 : i32
    return %arg0, %c0_i32 : i32, i32
  }
  func.func @transform_4(%arg0: i32) -> (i32, i32) {
    %c0_i32 = arith.constant 0 : i32
    %c0_i32_0 = arith.constant 0 : i32
    return %arg0, %c0_i32 : i32, i32
  }
  func.func @transform_5(%arg0: i32) -> (i32, i32) {
    %c0_i32 = arith.constant 0 : i32
    %c0_i32_0 = arith.constant 0 : i32
    return %arg0, %c0_i32 : i32, i32
  }
  func.func @transform_6(%arg0: i32) -> (i32, i32) {
    %c0_i32 = arith.constant 0 : i32
    %c0_i32_0 = arith.constant 0 : i32
    return %arg0, %c0_i32 : i32, i32
  }
  func.func @transform_7(%arg0: i32) -> (i32, i32) {
    %c0_i32 = arith.constant 0 : i32
    %c0_i32_0 = arith.constant 0 : i32
    return %arg0, %c0_i32 : i32, i32
  }
}

module attributes {stable_mosaic.version = 14 : i64} {
  func.func @_mat2_body(%arg0: i32, %arg1: memref<1000x1xf32, #tpu.memory_space<vmem>>, %arg2: memref<1x512xf32, #tpu.memory_space<vmem>>, %arg3: memref<512x512xf32, #tpu.memory_space<vmem>>, %arg4: memref<2x1000x128xf32, #tpu.memory_space<vmem>>, %arg5: memref<2x1000x128xf32, #tpu.memory_space<vmem>>, %arg6: memref<2x1000x128xf32, #tpu.memory_space<vmem>>, %arg7: memref<2x1000x128xf32, #tpu.memory_space<vmem>>, %arg8: memref<1000x128xf32, #tpu.memory_space<vmem>>, %arg9: memref<1000x128xf32, #tpu.memory_space<vmem>>, %arg10: memref<1000x128xf32, #tpu.memory_space<vmem>>, %arg11: memref<1000x128xf32, #tpu.memory_space<vmem>>, %arg12: memref<1000x128xf32, #tpu.memory_space<vmem>>, %arg13: memref<1000x128xf32, #tpu.memory_space<vmem>>, %arg14: memref<1000x128xf32, #tpu.memory_space<vmem>>, %arg15: memref<1000x128xf32, #tpu.memory_space<vmem>>) attributes {dimension_semantics = [#tpu.dimension_semantics<arbitrary>], iteration_bounds = array<i64: 10>, scalar_prefetch = 0 : i64, scratch_operands = 0 : i64, tpu.core_type = #tpu.core_type<tc>, window_params = [{transform_indices = @transform_0, window_bounds = array<i64: 1000, 1>}, {pipeline_mode = #tpu.pipeline_mode<synchronous>, transform_indices = @transform_1, window_bounds = array<i64: 1, 512>}, {pipeline_mode = #tpu.pipeline_mode<synchronous>, transform_indices = @transform_2, window_bounds = array<i64: 512, 512>}, {transform_indices = @transform_3, window_bounds = array<i64: 2, 1000, 128>}, {transform_indices = @transform_4, window_bounds = array<i64: 2, 1000, 128>}, {transform_indices = @transform_5, window_bounds = array<i64: 2, 1000, 128>}, {transform_indices = @transform_6, window_bounds = array<i64: 2, 1000, 128>}, {transform_indices = @transform_7, window_bounds = array<i64: 1000, 128>}, {transform_indices = @transform_8, window_bounds = array<i64: 1000, 128>}, {transform_indices = @transform_9, window_bounds = array<i64: 1000, 128>}, {transform_indices = @transform_10, window_bounds = array<i64: 1000, 128>}, {transform_indices = @transform_11, window_bounds = array<i64: 1000, 128>}, {transform_indices = @transform_12, window_bounds = array<i64: 1000, 128>}, {transform_indices = @transform_13, window_bounds = array<i64: 1000, 128>}, {transform_indices = @transform_14, window_bounds = array<i64: 1000, 128>}]} {
    %get3A = arith.constant 0 : index
    %get3A_0 = arith.constant 0 : index
    %get3A_1 = vector.load %arg1[%get3A, %get3A_0] : memref<1000x1xf32, #tpu.memory_space<vmem>>, vector<1000x1xf32>
    %get3A_2 = arith.constant 0 : index
    %get3A_3 = arith.constant 0 : index
    %get3A_4 = arith.constant 0 : index
    %get3A_5 = vector.load %arg4[%get3A_2, %get3A_3, %get3A_4] : memref<2x1000x128xf32, #tpu.memory_space<vmem>>, vector<1x1000x128xf32>
    %get3A_6 = vector.shape_cast %get3A_5 : vector<1x1000x128xf32> to vector<1000x128xf32>
    %get3A_7 = arith.constant 1 : index
    %get3A_8 = arith.constant 0 : index
    %get3A_9 = arith.constant 0 : index
    %get3A_10 = vector.load %arg4[%get3A_7, %get3A_8, %get3A_9] : memref<2x1000x128xf32, #tpu.memory_space<vmem>>, vector<1x1000x128xf32>
    %get3A_11 = vector.shape_cast %get3A_10 : vector<1x1000x128xf32> to vector<1000x128xf32>
    %add3A = arith.addf %get3A_6, %get3A_11 : vector<1000x128xf32>
    %get3A_12 = arith.constant 0 : index
    %get3A_13 = arith.constant 0 : index
    %get3A_14 = vector.load %arg8[%get3A_12, %get3A_13] : memref<1000x128xf32, #tpu.memory_space<vmem>>, vector<1000x128xf32>
    %add3A_15 = arith.addf %add3A, %get3A_14 : vector<1000x128xf32>
    %get3A_16 = arith.constant 0 : index
    %get3A_17 = arith.constant 0 : index
    %get3A_18 = vector.load %arg2[%get3A_16, %get3A_17] : memref<1x512xf32, #tpu.memory_space<vmem>>, vector<1x128xf32>
    %get3A_19 = vector.shape_cast %get3A_18 : vector<1x128xf32> to vector<128xf32>
    %broadcast_in_dim3A = vector.shape_cast %get3A_19 : vector<128xf32> to vector<1x128xf32>
    %mul3A = vector.broadcast %get3A_1 : vector<1000x1xf32> to vector<1000x128xf32>
    %mul3A_20 = arith.mulf %add3A_15, %mul3A : vector<1000x128xf32>
    %add3A_21 = vector.broadcast %broadcast_in_dim3A : vector<1x128xf32> to vector<1000x128xf32>
    %add3A_22 = arith.addf %mul3A_20, %add3A_21 : vector<1000x128xf32>
    %max3A = arith.constant 0.000000e+00 : f32
    %max3A_23 = vector.broadcast %max3A : f32 to vector<1000x128xf32>
    %max3A_24 = arith.maximumf %add3A_22, %max3A_23 : vector<1000x128xf32>
    %get3A_25 = arith.constant 0 : index
    %get3A_26 = arith.constant 0 : index
    %get3A_27 = arith.constant 0 : index
    %get3A_28 = vector.load %arg5[%get3A_25, %get3A_26, %get3A_27] : memref<2x1000x128xf32, #tpu.memory_space<vmem>>, vector<1x1000x128xf32>
    %get3A_29 = vector.shape_cast %get3A_28 : vector<1x1000x128xf32> to vector<1000x128xf32>
    %get3A_30 = arith.constant 1 : index
    %get3A_31 = arith.constant 0 : index
    %get3A_32 = arith.constant 0 : index
    %get3A_33 = vector.load %arg5[%get3A_30, %get3A_31, %get3A_32] : memref<2x1000x128xf32, #tpu.memory_space<vmem>>, vector<1x1000x128xf32>
    %get3A_34 = vector.shape_cast %get3A_33 : vector<1x1000x128xf32> to vector<1000x128xf32>
    %add3A_35 = arith.addf %get3A_29, %get3A_34 : vector<1000x128xf32>
    %sub3A = arith.subf %add3A_35, %add3A : vector<1000x128xf32>
    %get3A_36 = arith.constant 0 : index
    %get3A_37 = arith.constant 0 : index
    %get3A_38 = vector.load %arg9[%get3A_36, %get3A_37] : memref<1000x128xf32, #tpu.memory_space<vmem>>, vector<1000x128xf32>
    %add3A_39 = arith.addf %sub3A, %get3A_38 : vector<1000x128xf32>
    %get3A_40 = arith.constant 0 : index
    %get3A_41 = arith.constant 128 : index
    %get3A_42 = vector.load %arg2[%get3A_40, %get3A_41] : memref<1x512xf32, #tpu.memory_space<vmem>>, vector<1x128xf32>
    %get3A_43 = vector.shape_cast %get3A_42 : vector<1x128xf32> to vector<128xf32>
    %broadcast_in_dim3A_44 = vector.shape_cast %get3A_43 : vector<128xf32> to vector<1x128xf32>
    %mul3A_45 = vector.broadcast %get3A_1 : vector<1000x1xf32> to vector<1000x128xf32>
    %mul3A_46 = arith.mulf %add3A_39, %mul3A_45 : vector<1000x128xf32>
    %add3A_47 = vector.broadcast %broadcast_in_dim3A_44 : vector<1x128xf32> to vector<1000x128xf32>
    %add3A_48 = arith.addf %mul3A_46, %add3A_47 : vector<1000x128xf32>
    %max3A_49 = arith.constant 0.000000e+00 : f32
    %max3A_50 = vector.broadcast %max3A_49 : f32 to vector<1000x128xf32>
    %max3A_51 = arith.maximumf %add3A_48, %max3A_50 : vector<1000x128xf32>
    %get3A_52 = arith.constant 0 : index
    %get3A_53 = arith.constant 0 : index
    %get3A_54 = arith.constant 0 : index
    %get3A_55 = vector.load %arg6[%get3A_52, %get3A_53, %get3A_54] : memref<2x1000x128xf32, #tpu.memory_space<vmem>>, vector<1x1000x128xf32>
    %get3A_56 = vector.shape_cast %get3A_55 : vector<1x1000x128xf32> to vector<1000x128xf32>
    %get3A_57 = arith.constant 1 : index
    %get3A_58 = arith.constant 0 : index
    %get3A_59 = arith.constant 0 : index
    %get3A_60 = vector.load %arg6[%get3A_57, %get3A_58, %get3A_59] : memref<2x1000x128xf32, #tpu.memory_space<vmem>>, vector<1x1000x128xf32>
    %get3A_61 = vector.shape_cast %get3A_60 : vector<1x1000x128xf32> to vector<1000x128xf32>
    %add3A_62 = arith.addf %get3A_56, %get3A_61 : vector<1000x128xf32>
    %sub3A_63 = arith.subf %add3A_62, %add3A_35 : vector<1000x128xf32>
    %get3A_64 = arith.constant 0 : index
    %get3A_65 = arith.constant 0 : index
    %get3A_66 = vector.load %arg10[%get3A_64, %get3A_65] : memref<1000x128xf32, #tpu.memory_space<vmem>>, vector<1000x128xf32>
    %add3A_67 = arith.addf %sub3A_63, %get3A_66 : vector<1000x128xf32>
    %get3A_68 = arith.constant 0 : index
    %get3A_69 = arith.constant 256 : index
    %get3A_70 = vector.load %arg2[%get3A_68, %get3A_69] : memref<1x512xf32, #tpu.memory_space<vmem>>, vector<1x128xf32>
    %get3A_71 = vector.shape_cast %get3A_70 : vector<1x128xf32> to vector<128xf32>
    %broadcast_in_dim3A_72 = vector.shape_cast %get3A_71 : vector<128xf32> to vector<1x128xf32>
    %mul3A_73 = vector.broadcast %get3A_1 : vector<1000x1xf32> to vector<1000x128xf32>
    %mul3A_74 = arith.mulf %add3A_67, %mul3A_73 : vector<1000x128xf32>
    %add3A_75 = vector.broadcast %broadcast_in_dim3A_72 : vector<1x128xf32> to vector<1000x128xf32>
    %add3A_76 = arith.addf %mul3A_74, %add3A_75 : vector<1000x128xf32>
    %max3A_77 = arith.constant 0.000000e+00 : f32
    %max3A_78 = vector.broadcast %max3A_77 : f32 to vector<1000x128xf32>
    %max3A_79 = arith.maximumf %add3A_76, %max3A_78 : vector<1000x128xf32>
    %get3A_80 = arith.constant 0 : index
    %get3A_81 = arith.constant 0 : index
    %get3A_82 = arith.constant 0 : index
    %get3A_83 = vector.load %arg7[%get3A_80, %get3A_81, %get3A_82] : memref<2x1000x128xf32, #tpu.memory_space<vmem>>, vector<1x1000x128xf32>
    %get3A_84 = vector.shape_cast %get3A_83 : vector<1x1000x128xf32> to vector<1000x128xf32>
    %get3A_85 = arith.constant 1 : index
    %get3A_86 = arith.constant 0 : index
    %get3A_87 = arith.constant 0 : index
    %get3A_88 = vector.load %arg7[%get3A_85, %get3A_86, %get3A_87] : memref<2x1000x128xf32, #tpu.memory_space<vmem>>, vector<1x1000x128xf32>
    %get3A_89 = vector.shape_cast %get3A_88 : vector<1x1000x128xf32> to vector<1000x128xf32>
    %add3A_90 = arith.addf %get3A_84, %get3A_89 : vector<1000x128xf32>
    %sub3A_91 = arith.subf %add3A_90, %add3A_62 : vector<1000x128xf32>
    %get3A_92 = arith.constant 0 : index
    %get3A_93 = arith.constant 0 : index
    %get3A_94 = vector.load %arg11[%get3A_92, %get3A_93] : memref<1000x128xf32, #tpu.memory_space<vmem>>, vector<1000x128xf32>
    %add3A_95 = arith.addf %sub3A_91, %get3A_94 : vector<1000x128xf32>
    %get3A_96 = arith.constant 0 : index
    %get3A_97 = arith.constant 384 : index
    %get3A_98 = vector.load %arg2[%get3A_96, %get3A_97] : memref<1x512xf32, #tpu.memory_space<vmem>>, vector<1x128xf32>
    %get3A_99 = vector.shape_cast %get3A_98 : vector<1x128xf32> to vector<128xf32>
    %broadcast_in_dim3A_100 = vector.shape_cast %get3A_99 : vector<128xf32> to vector<1x128xf32>
    %mul3A_101 = vector.broadcast %get3A_1 : vector<1000x1xf32> to vector<1000x128xf32>
    %mul3A_102 = arith.mulf %add3A_95, %mul3A_101 : vector<1000x128xf32>
    %add3A_103 = vector.broadcast %broadcast_in_dim3A_100 : vector<1x128xf32> to vector<1000x128xf32>
    %add3A_104 = arith.addf %mul3A_102, %add3A_103 : vector<1000x128xf32>
    %max3A_105 = arith.constant 0.000000e+00 : f32
    %max3A_106 = vector.broadcast %max3A_105 : f32 to vector<1000x128xf32>
    %max3A_107 = arith.maximumf %add3A_104, %max3A_106 : vector<1000x128xf32>
    %concatenate3A = tpu.concatenate %max3A_24, %max3A_51, %max3A_79, %max3A_107 in 1 : vector<1000x128xf32>, vector<1000x128xf32>, vector<1000x128xf32>, vector<1000x128xf32> -> vector<1000x512xf32>
    %get3A_108 = arith.constant 0 : index
    %get3A_109 = arith.constant 0 : index
    %get3A_110 = vector.load %arg3[%get3A_108, %get3A_109] : memref<512x512xf32, #tpu.memory_space<vmem>>, vector<512x512xf32>
    %dot_general3A = arith.constant dense<0.000000e+00> : vector<1000x512xf32>
    %dot_general3A_111 = tpu.matmul %concatenate3A, %get3A_110, %dot_general3A {dimension_numbers = #tpu.dot_dimension_numbers<[1], [0], [0], [1], [0, 0, 1, 1], [], []>, transpose_lhs_hint = false} : vector<1000x512xf32>, vector<512x512xf32>, vector<1000x512xf32> -> vector<1000x512xf32>
    %mul3A_112 = vector.broadcast %get3A_1 : vector<1000x1xf32> to vector<1000x512xf32>
    %mul3A_113 = arith.mulf %dot_general3A_111, %mul3A_112 : vector<1000x512xf32>
    %slice3A = vector.extract_strided_slice %mul3A_113 {offsets = [0, 0], sizes = [1000, 128], strides = [1, 1]} : vector<1000x512xf32> to vector<1000x128xf32>
    %swap3A = arith.constant 0 : index
    %swap3A_114 = arith.constant 0 : index
    %swap3A_115 = vector.load %arg12[%swap3A, %swap3A_114] : memref<1000x128xf32, #tpu.memory_space<vmem>>, vector<1000x128xf32>
    tpu.vector_store %arg12[%swap3A, %swap3A_114], %slice3A {strides = array<i32>} : memref<1000x128xf32, #tpu.memory_space<vmem>>, vector<1000x128xf32>,
    %slice3A_116 = vector.extract_strided_slice %mul3A_113 {offsets = [0, 128], sizes = [1000, 128], strides = [1, 1]} : vector<1000x512xf32> to vector<1000x128xf32>
    %swap3A_117 = arith.constant 0 : index
    %swap3A_118 = arith.constant 0 : index
    %swap3A_119 = vector.load %arg13[%swap3A_117, %swap3A_118] : memref<1000x128xf32, #tpu.memory_space<vmem>>, vector<1000x128xf32>
    tpu.vector_store %arg13[%swap3A_117, %swap3A_118], %slice3A_116 {strides = array<i32>} : memref<1000x128xf32, #tpu.memory_space<vmem>>, vector<1000x128xf32>,
    %slice3A_120 = vector.extract_strided_slice %mul3A_113 {offsets = [0, 256], sizes = [1000, 128], strides = [1, 1]} : vector<1000x512xf32> to vector<1000x128xf32>
    %swap3A_121 = arith.constant 0 : index
    %swap3A_122 = arith.constant 0 : index
    %swap3A_123 = vector.load %arg14[%swap3A_121, %swap3A_122] : memref<1000x128xf32, #tpu.memory_space<vmem>>, vector<1000x128xf32>
    tpu.vector_store %arg14[%swap3A_121, %swap3A_122], %slice3A_120 {strides = array<i32>} : memref<1000x128xf32, #tpu.memory_space<vmem>>, vector<1000x128xf32>,
    %slice3A_124 = vector.extract_strided_slice %mul3A_113 {offsets = [0, 384], sizes = [1000, 128], strides = [1, 1]} : vector<1000x512xf32> to vector<1000x128xf32>
    %swap3A_125 = arith.constant 0 : index
    %swap3A_126 = arith.constant 0 : index
    %swap3A_127 = vector.load %arg15[%swap3A_125, %swap3A_126] : memref<1000x128xf32, #tpu.memory_space<vmem>>, vector<1000x128xf32>
    tpu.vector_store %arg15[%swap3A_125, %swap3A_126], %slice3A_124 {strides = array<i32>} : memref<1000x128xf32, #tpu.memory_space<vmem>>, vector<1000x128xf32>,
    return
  }
  func.func @transform_0(%arg0: i32) -> (i32, i32) {
    %c0_i32 = arith.constant 0 : i32
    %c0_i32_0 = arith.constant 0 : i32
    return %arg0, %c0_i32 : i32, i32
  }
  func.func @transform_1(%arg0: i32) -> (i32, i32) {
    %c0_i32 = arith.constant 0 : i32
    %c0_i32_0 = arith.constant 0 : i32
    %c0_i32_1 = arith.constant 0 : i32
    return %c0_i32, %c0_i32_0 : i32, i32
  }
  func.func @transform_2(%arg0: i32) -> (i32, i32) {
    %c0_i32 = arith.constant 0 : i32
    %c0_i32_0 = arith.constant 0 : i32
    %c0_i32_1 = arith.constant 0 : i32
    return %c0_i32, %c0_i32_0 : i32, i32
  }
  func.func @transform_3(%arg0: i32) -> (i32, i32, i32) {
    %c0_i32 = arith.constant 0 : i32
    %c0_i32_0 = arith.constant 0 : i32
    %c0_i32_1 = arith.constant 0 : i32
    return %c0_i32, %arg0, %c0_i32_0 : i32, i32, i32
  }
  func.func @transform_4(%arg0: i32) -> (i32, i32, i32) {
    %c0_i32 = arith.constant 0 : i32
    %c0_i32_0 = arith.constant 0 : i32
    %c0_i32_1 = arith.constant 0 : i32
    return %c0_i32, %arg0, %c0_i32_0 : i32, i32, i32
  }
  func.func @transform_5(%arg0: i32) -> (i32, i32, i32) {
    %c0_i32 = arith.constant 0 : i32
    %c0_i32_0 = arith.constant 0 : i32
    %c0_i32_1 = arith.constant 0 : i32
    return %c0_i32, %arg0, %c0_i32_0 : i32, i32, i32
  }
  func.func @transform_6(%arg0: i32) -> (i32, i32, i32) {
    %c0_i32 = arith.constant 0 : i32
    %c0_i32_0 = arith.constant 0 : i32
    %c0_i32_1 = arith.constant 0 : i32
    return %c0_i32, %arg0, %c0_i32_0 : i32, i32, i32
  }
  func.func @transform_7(%arg0: i32) -> (i32, i32) {
    %c0_i32 = arith.constant 0 : i32
    %c0_i32_0 = arith.constant 0 : i32
    return %arg0, %c0_i32 : i32, i32
  }
  func.func @transform_8(%arg0: i32) -> (i32, i32) {
    %c0_i32 = arith.constant 0 : i32
    %c0_i32_0 = arith.constant 0 : i32
    return %arg0, %c0_i32 : i32, i32
  }
  func.func @transform_9(%arg0: i32) -> (i32, i32) {
    %c0_i32 = arith.constant 0 : i32
    %c0_i32_0 = arith.constant 0 : i32
    return %arg0, %c0_i32 : i32, i32
  }
  func.func @transform_10(%arg0: i32) -> (i32, i32) {
    %c0_i32 = arith.constant 0 : i32
    %c0_i32_0 = arith.constant 0 : i32
    return %arg0, %c0_i32 : i32, i32
  }
  func.func @transform_11(%arg0: i32) -> (i32, i32) {
    %c0_i32 = arith.constant 0 : i32
    %c0_i32_0 = arith.constant 0 : i32
    return %arg0, %c0_i32 : i32, i32
  }
  func.func @transform_12(%arg0: i32) -> (i32, i32) {
    %c0_i32 = arith.constant 0 : i32
    %c0_i32_0 = arith.constant 0 : i32
    return %arg0, %c0_i32 : i32, i32
  }
  func.func @transform_13(%arg0: i32) -> (i32, i32) {
    %c0_i32 = arith.constant 0 : i32
    %c0_i32_0 = arith.constant 0 : i32
    return %arg0, %c0_i32 : i32, i32
  }
  func.func @transform_14(%arg0: i32) -> (i32, i32) {
    %c0_i32 = arith.constant 0 : i32
    %c0_i32_0 = arith.constant 0 : i32
    return %arg0, %c0_i32 : i32, i32
  }
}

module attributes {stable_mosaic.version = 14 : i64} {
  func.func @_mat3_body(%arg0: i32, %arg1: memref<1000x1xf32, #tpu.memory_space<vmem>>, %arg2: memref<1x512xf32, #tpu.memory_space<vmem>>, %arg3: memref<512x512xf32, #tpu.memory_space<vmem>>, %arg4: memref<1x512xf32, #tpu.memory_space<vmem>>, %arg5: memref<512x64xf32, #tpu.memory_space<vmem>>, %arg6: memref<1x64xf32, #tpu.memory_space<vmem>>, %arg7: memref<2x1000x128xf32, #tpu.memory_space<vmem>>, %arg8: memref<2x1000x128xf32, #tpu.memory_space<vmem>>, %arg9: memref<2x1000x128xf32, #tpu.memory_space<vmem>>, %arg10: memref<2x1000x128xf32, #tpu.memory_space<vmem>>, %arg11: memref<1000x128xf32, #tpu.memory_space<vmem>>, %arg12: memref<1000x128xf32, #tpu.memory_space<vmem>>, %arg13: memref<1000x128xf32, #tpu.memory_space<vmem>>, %arg14: memref<1000x128xf32, #tpu.memory_space<vmem>>, %arg15: memref<1000x512xf32, #tpu.memory_space<vmem>>, %arg16: memref<1x512xf32, #tpu.memory_space<vmem>>, %arg17: memref<1x64xf32, #tpu.memory_space<vmem>>) attributes {dimension_semantics = [#tpu.dimension_semantics<arbitrary>], iteration_bounds = array<i64: 10>, scalar_prefetch = 0 : i64, scratch_operands = 0 : i64, tpu.core_type = #tpu.core_type<tc>, window_params = [{transform_indices = @transform_0, window_bounds = array<i64: 1000, 1>}, {pipeline_mode = #tpu.pipeline_mode<synchronous>, transform_indices = @transform_1, window_bounds = array<i64: 1, 512>}, {pipeline_mode = #tpu.pipeline_mode<synchronous>, transform_indices = @transform_2, window_bounds = array<i64: 512, 512>}, {pipeline_mode = #tpu.pipeline_mode<synchronous>, transform_indices = @transform_3, window_bounds = array<i64: 1, 512>}, {pipeline_mode = #tpu.pipeline_mode<synchronous>, transform_indices = @transform_4, window_bounds = array<i64: 512, 64>}, {pipeline_mode = #tpu.pipeline_mode<synchronous>, transform_indices = @transform_5, window_bounds = array<i64: 1, 64>}, {transform_indices = @transform_6, window_bounds = array<i64: 2, 1000, 128>}, {transform_indices = @transform_7, window_bounds = array<i64: 2, 1000, 128>}, {transform_indices = @transform_8, window_bounds = array<i64: 2, 1000, 128>}, {transform_indices = @transform_9, window_bounds = array<i64: 2, 1000, 128>}, {transform_indices = @transform_10, window_bounds = array<i64: 1000, 128>}, {transform_indices = @transform_11, window_bounds = array<i64: 1000, 128>}, {transform_indices = @transform_12, window_bounds = array<i64: 1000, 128>}, {transform_indices = @transform_13, window_bounds = array<i64: 1000, 128>}, {transform_indices = @transform_14, window_bounds = array<i64: 1000, 512>}, {pipeline_mode = #tpu.pipeline_mode<synchronous>, transform_indices = @transform_15, window_bounds = array<i64: 1, 512>}, {pipeline_mode = #tpu.pipeline_mode<synchronous>, transform_indices = @transform_16, window_bounds = array<i64: 1, 64>}]} {
    %get3A = arith.constant 0 : index
    %get3A_0 = arith.constant 0 : index
    %get3A_1 = vector.load %arg1[%get3A, %get3A_0] : memref<1000x1xf32, #tpu.memory_space<vmem>>, vector<1000x1xf32>
    %get3A_2 = arith.constant 0 : index
    %get3A_3 = arith.constant 0 : index
    %get3A_4 = arith.constant 0 : index
    %get3A_5 = vector.load %arg7[%get3A_2, %get3A_3, %get3A_4] : memref<2x1000x128xf32, #tpu.memory_space<vmem>>, vector<1x1000x128xf32>
    %get3A_6 = vector.shape_cast %get3A_5 : vector<1x1000x128xf32> to vector<1000x128xf32>
    %get3A_7 = arith.constant 1 : index
    %get3A_8 = arith.constant 0 : index
    %get3A_9 = arith.constant 0 : index
    %get3A_10 = vector.load %arg7[%get3A_7, %get3A_8, %get3A_9] : memref<2x1000x128xf32, #tpu.memory_space<vmem>>, vector<1x1000x128xf32>
    %get3A_11 = vector.shape_cast %get3A_10 : vector<1x1000x128xf32> to vector<1000x128xf32>
    %add3A = arith.addf %get3A_6, %get3A_11 : vector<1000x128xf32>
    %get3A_12 = arith.constant 0 : index
    %get3A_13 = arith.constant 0 : index
    %get3A_14 = vector.load %arg11[%get3A_12, %get3A_13] : memref<1000x128xf32, #tpu.memory_space<vmem>>, vector<1000x128xf32>
    %add3A_15 = arith.addf %add3A, %get3A_14 : vector<1000x128xf32>
    %get3A_16 = arith.constant 0 : index
    %get3A_17 = arith.constant 0 : index
    %get3A_18 = vector.load %arg2[%get3A_16, %get3A_17] : memref<1x512xf32, #tpu.memory_space<vmem>>, vector<1x128xf32>
    %get3A_19 = vector.shape_cast %get3A_18 : vector<1x128xf32> to vector<128xf32>
    %broadcast_in_dim3A = vector.shape_cast %get3A_19 : vector<128xf32> to vector<1x128xf32>
    %mul3A = vector.broadcast %get3A_1 : vector<1000x1xf32> to vector<1000x128xf32>
    %mul3A_20 = arith.mulf %add3A_15, %mul3A : vector<1000x128xf32>
    %add3A_21 = vector.broadcast %broadcast_in_dim3A : vector<1x128xf32> to vector<1000x128xf32>
    %add3A_22 = arith.addf %mul3A_20, %add3A_21 : vector<1000x128xf32>
    %get3A_23 = arith.constant 0 : index
    %get3A_24 = arith.constant 0 : index
    %get3A_25 = arith.constant 0 : index
    %get3A_26 = vector.load %arg8[%get3A_23, %get3A_24, %get3A_25] : memref<2x1000x128xf32, #tpu.memory_space<vmem>>, vector<1x1000x128xf32>
    %get3A_27 = vector.shape_cast %get3A_26 : vector<1x1000x128xf32> to vector<1000x128xf32>
    %get3A_28 = arith.constant 1 : index
    %get3A_29 = arith.constant 0 : index
    %get3A_30 = arith.constant 0 : index
    %get3A_31 = vector.load %arg8[%get3A_28, %get3A_29, %get3A_30] : memref<2x1000x128xf32, #tpu.memory_space<vmem>>, vector<1x1000x128xf32>
    %get3A_32 = vector.shape_cast %get3A_31 : vector<1x1000x128xf32> to vector<1000x128xf32>
    %add3A_33 = arith.addf %get3A_27, %get3A_32 : vector<1000x128xf32>
    %sub3A = arith.subf %add3A_33, %add3A : vector<1000x128xf32>
    %get3A_34 = arith.constant 0 : index
    %get3A_35 = arith.constant 0 : index
    %get3A_36 = vector.load %arg12[%get3A_34, %get3A_35] : memref<1000x128xf32, #tpu.memory_space<vmem>>, vector<1000x128xf32>
    %add3A_37 = arith.addf %sub3A, %get3A_36 : vector<1000x128xf32>
    %get3A_38 = arith.constant 0 : index
    %get3A_39 = arith.constant 128 : index
    %get3A_40 = vector.load %arg2[%get3A_38, %get3A_39] : memref<1x512xf32, #tpu.memory_space<vmem>>, vector<1x128xf32>
    %get3A_41 = vector.shape_cast %get3A_40 : vector<1x128xf32> to vector<128xf32>
    %broadcast_in_dim3A_42 = vector.shape_cast %get3A_41 : vector<128xf32> to vector<1x128xf32>
    %mul3A_43 = vector.broadcast %get3A_1 : vector<1000x1xf32> to vector<1000x128xf32>
    %mul3A_44 = arith.mulf %add3A_37, %mul3A_43 : vector<1000x128xf32>
    %add3A_45 = vector.broadcast %broadcast_in_dim3A_42 : vector<1x128xf32> to vector<1000x128xf32>
    %add3A_46 = arith.addf %mul3A_44, %add3A_45 : vector<1000x128xf32>
    %get3A_47 = arith.constant 0 : index
    %get3A_48 = arith.constant 0 : index
    %get3A_49 = arith.constant 0 : index
    %get3A_50 = vector.load %arg9[%get3A_47, %get3A_48, %get3A_49] : memref<2x1000x128xf32, #tpu.memory_space<vmem>>, vector<1x1000x128xf32>
    %get3A_51 = vector.shape_cast %get3A_50 : vector<1x1000x128xf32> to vector<1000x128xf32>
    %get3A_52 = arith.constant 1 : index
    %get3A_53 = arith.constant 0 : index
    %get3A_54 = arith.constant 0 : index
    %get3A_55 = vector.load %arg9[%get3A_52, %get3A_53, %get3A_54] : memref<2x1000x128xf32, #tpu.memory_space<vmem>>, vector<1x1000x128xf32>
    %get3A_56 = vector.shape_cast %get3A_55 : vector<1x1000x128xf32> to vector<1000x128xf32>
    %add3A_57 = arith.addf %get3A_51, %get3A_56 : vector<1000x128xf32>
    %sub3A_58 = arith.subf %add3A_57, %add3A_33 : vector<1000x128xf32>
    %get3A_59 = arith.constant 0 : index
    %get3A_60 = arith.constant 0 : index
    %get3A_61 = vector.load %arg13[%get3A_59, %get3A_60] : memref<1000x128xf32, #tpu.memory_space<vmem>>, vector<1000x128xf32>
    %add3A_62 = arith.addf %sub3A_58, %get3A_61 : vector<1000x128xf32>
    %get3A_63 = arith.constant 0 : index
    %get3A_64 = arith.constant 256 : index
    %get3A_65 = vector.load %arg2[%get3A_63, %get3A_64] : memref<1x512xf32, #tpu.memory_space<vmem>>, vector<1x128xf32>
    %get3A_66 = vector.shape_cast %get3A_65 : vector<1x128xf32> to vector<128xf32>
    %broadcast_in_dim3A_67 = vector.shape_cast %get3A_66 : vector<128xf32> to vector<1x128xf32>
    %mul3A_68 = vector.broadcast %get3A_1 : vector<1000x1xf32> to vector<1000x128xf32>
    %mul3A_69 = arith.mulf %add3A_62, %mul3A_68 : vector<1000x128xf32>
    %add3A_70 = vector.broadcast %broadcast_in_dim3A_67 : vector<1x128xf32> to vector<1000x128xf32>
    %add3A_71 = arith.addf %mul3A_69, %add3A_70 : vector<1000x128xf32>
    %get3A_72 = arith.constant 0 : index
    %get3A_73 = arith.constant 0 : index
    %get3A_74 = arith.constant 0 : index
    %get3A_75 = vector.load %arg10[%get3A_72, %get3A_73, %get3A_74] : memref<2x1000x128xf32, #tpu.memory_space<vmem>>, vector<1x1000x128xf32>
    %get3A_76 = vector.shape_cast %get3A_75 : vector<1x1000x128xf32> to vector<1000x128xf32>
    %get3A_77 = arith.constant 1 : index
    %get3A_78 = arith.constant 0 : index
    %get3A_79 = arith.constant 0 : index
    %get3A_80 = vector.load %arg10[%get3A_77, %get3A_78, %get3A_79] : memref<2x1000x128xf32, #tpu.memory_space<vmem>>, vector<1x1000x128xf32>
    %get3A_81 = vector.shape_cast %get3A_80 : vector<1x1000x128xf32> to vector<1000x128xf32>
    %add3A_82 = arith.addf %get3A_76, %get3A_81 : vector<1000x128xf32>
    %sub3A_83 = arith.subf %add3A_82, %add3A_57 : vector<1000x128xf32>
    %get3A_84 = arith.constant 0 : index
    %get3A_85 = arith.constant 0 : index
    %get3A_86 = vector.load %arg14[%get3A_84, %get3A_85] : memref<1000x128xf32, #tpu.memory_space<vmem>>, vector<1000x128xf32>
    %add3A_87 = arith.addf %sub3A_83, %get3A_86 : vector<1000x128xf32>
    %get3A_88 = arith.constant 0 : index
    %get3A_89 = arith.constant 384 : index
    %get3A_90 = vector.load %arg2[%get3A_88, %get3A_89] : memref<1x512xf32, #tpu.memory_space<vmem>>, vector<1x128xf32>
    %get3A_91 = vector.shape_cast %get3A_90 : vector<1x128xf32> to vector<128xf32>
    %broadcast_in_dim3A_92 = vector.shape_cast %get3A_91 : vector<128xf32> to vector<1x128xf32>
    %mul3A_93 = vector.broadcast %get3A_1 : vector<1000x1xf32> to vector<1000x128xf32>
    %mul3A_94 = arith.mulf %add3A_87, %mul3A_93 : vector<1000x128xf32>
    %add3A_95 = vector.broadcast %broadcast_in_dim3A_92 : vector<1x128xf32> to vector<1000x128xf32>
    %add3A_96 = arith.addf %mul3A_94, %add3A_95 : vector<1000x128xf32>
    %concatenate3A = tpu.concatenate %add3A_22, %add3A_46, %add3A_71, %add3A_96 in 1 : vector<1000x128xf32>, vector<1000x128xf32>, vector<1000x128xf32>, vector<1000x128xf32> -> vector<1000x512xf32>
    %swap3A = arith.constant 0 : index
    %swap3A_97 = arith.constant 0 : index
    %swap3A_98 = vector.load %arg15[%swap3A, %swap3A_97] : memref<1000x512xf32, #tpu.memory_space<vmem>>, vector<1000x512xf32>
    tpu.vector_store %arg15[%swap3A, %swap3A_97], %concatenate3A {strides = array<i32>} : memref<1000x512xf32, #tpu.memory_space<vmem>>, vector<1000x512xf32>,
    %reduce_sum3A = arith.constant dense<0.000000e+00> : vector<512xf32>
    %reduce_sum3A_99 = vector.multi_reduction <add>, %concatenate3A, %reduce_sum3A [0] : vector<1000x512xf32> to vector<512xf32>
    %broadcast_in_dim3A_100 = vector.shape_cast %reduce_sum3A_99 : vector<512xf32> to vector<1x512xf32>
    %mul3A_101 = arith.constant 9.99999974E-5 : f32
    %mul3A_102 = vector.broadcast %mul3A_101 : f32 to vector<1x512xf32>
    %mul3A_103 = arith.mulf %broadcast_in_dim3A_100, %mul3A_102 : vector<1x512xf32>
    %eq3A = arith.constant 0 : i32
    %eq3A_104 = arith.cmpi eq, %arg0, %eq3A : i32
    %convert_element_type3A = arith.extui %eq3A_104 : i1 to i32
    %cond3A = arith.constant 0 : i32
    %cond3A_105 = arith.cmpi ne, %convert_element_type3A, %cond3A : i32
    scf.if %cond3A_105 {
      %swap3A_115 = arith.constant 0 : index
      %swap3A_116 = arith.constant 0 : index
      %swap3A_117 = vector.load %arg16[%swap3A_115, %swap3A_116] : memref<1x512xf32, #tpu.memory_space<vmem>>, vector<1x512xf32>
      tpu.vector_store %arg16[%swap3A_115, %swap3A_116], %mul3A_103 {strides = array<i32>} : memref<1x512xf32, #tpu.memory_space<vmem>>, vector<1x512xf32>,
    } else {
    }
    %gt3A = arith.constant 0 : i32
    %gt3A_106 = arith.cmpi sgt, %arg0, %gt3A : i32
    %convert_element_type3A_107 = arith.extui %gt3A_106 : i1 to i32
    %cond3A_108 = arith.constant 0 : i32
    %cond3A_109 = arith.cmpi ne, %convert_element_type3A_107, %cond3A_108 : i32
    scf.if %cond3A_109 {
      %get3A_115 = arith.constant 0 : index
      %get3A_116 = arith.constant 0 : index
      %get3A_117 = vector.load %arg16[%get3A_115, %get3A_116] : memref<1x512xf32, #tpu.memory_space<vmem>>, vector<1x512xf32>
      %add3A_118 = arith.addf %get3A_117, %mul3A_103 : vector<1x512xf32>
      %swap3A_119 = arith.constant 0 : index
      %swap3A_120 = arith.constant 0 : index
      %swap3A_121 = vector.load %arg16[%swap3A_119, %swap3A_120] : memref<1x512xf32, #tpu.memory_space<vmem>>, vector<1x512xf32>
      tpu.vector_store %arg16[%swap3A_119, %swap3A_120], %add3A_118 {strides = array<i32>} : memref<1x512xf32, #tpu.memory_space<vmem>>, vector<1x512xf32>,
    } else {
    }
    %eq3A_110 = arith.constant 9 : i32
    %eq3A_111 = arith.cmpi eq, %arg0, %eq3A_110 : i32
    %convert_element_type3A_112 = arith.extui %eq3A_111 : i1 to i32
    %cond3A_113 = arith.constant 0 : i32
    %cond3A_114 = arith.cmpi ne, %convert_element_type3A_112, %cond3A_113 : i32
    scf.if %cond3A_114 {
      %get3A_115 = arith.constant 0 : index
      %get3A_116 = arith.constant 0 : index
      %get3A_117 = vector.load %arg16[%get3A_115, %get3A_116] : memref<1x512xf32, #tpu.memory_space<vmem>>, vector<1x512xf32>
      %get3A_118 = arith.constant 0 : index
      %get3A_119 = arith.constant 0 : index
      %get3A_120 = vector.load %arg3[%get3A_118, %get3A_119] : memref<512x512xf32, #tpu.memory_space<vmem>>, vector<512x512xf32>
      %dot_general3A = arith.constant dense<0.000000e+00> : vector<1x512xf32>
      %dot_general3A_121 = tpu.matmul %get3A_117, %get3A_120, %dot_general3A {dimension_numbers = #tpu.dot_dimension_numbers<[1], [0], [0], [1], [0, 0, 1, 1], [], []>, transpose_lhs_hint = false} : vector<1x512xf32>, vector<512x512xf32>, vector<1x512xf32> -> vector<1x512xf32>
      %get3A_122 = arith.constant 0 : index
      %get3A_123 = arith.constant 0 : index
      %get3A_124 = vector.load %arg4[%get3A_122, %get3A_123] : memref<1x512xf32, #tpu.memory_space<vmem>>, vector<1x512xf32>
      %add3A_125 = arith.addf %dot_general3A_121, %get3A_124 : vector<1x512xf32>
      %max3A = arith.constant 0.000000e+00 : f32
      %max3A_126 = vector.broadcast %max3A : f32 to vector<1x512xf32>
      %max3A_127 = arith.maximumf %add3A_125, %max3A_126 : vector<1x512xf32>
      %get3A_128 = arith.constant 0 : index
      %get3A_129 = arith.constant 0 : index
      %get3A_130 = vector.load %arg5[%get3A_128, %get3A_129] : memref<512x64xf32, #tpu.memory_space<vmem>>, vector<512x64xf32>
      %dot_general3A_131 = arith.constant dense<0.000000e+00> : vector<1x64xf32>
      %dot_general3A_132 = tpu.matmul %max3A_127, %get3A_130, %dot_general3A_131 {dimension_numbers = #tpu.dot_dimension_numbers<[1], [0], [0], [1], [0, 0, 1, 1], [], []>, transpose_lhs_hint = false} : vector<1x512xf32>, vector<512x64xf32>, vector<1x64xf32> -> vector<1x64xf32>
      %get3A_133 = arith.constant 0 : index
      %get3A_134 = arith.constant 0 : index
      %get3A_135 = vector.load %arg6[%get3A_133, %get3A_134] : memref<1x64xf32, #tpu.memory_space<vmem>>, vector<1x64xf32>
      %add3A_136 = arith.addf %dot_general3A_132, %get3A_135 : vector<1x64xf32>
      %swap3A_137 = arith.constant 0 : index
      %swap3A_138 = arith.constant 0 : index
      %swap3A_139 = vector.load %arg17[%swap3A_137, %swap3A_138] : memref<1x64xf32, #tpu.memory_space<vmem>>, vector<1x64xf32>
      tpu.vector_store %arg17[%swap3A_137, %swap3A_138], %add3A_136 {strides = array<i32>} : memref<1x64xf32, #tpu.memory_space<vmem>>, vector<1x64xf32>,
    } else {
    }
    return
  }
  func.func @transform_0(%arg0: i32) -> (i32, i32) {
    %c0_i32 = arith.constant 0 : i32
    %c0_i32_0 = arith.constant 0 : i32
    return %arg0, %c0_i32 : i32, i32
  }
  func.func @transform_1(%arg0: i32) -> (i32, i32) {
    %c0_i32 = arith.constant 0 : i32
    %c0_i32_0 = arith.constant 0 : i32
    %c0_i32_1 = arith.constant 0 : i32
    return %c0_i32, %c0_i32_0 : i32, i32
  }
  func.func @transform_2(%arg0: i32) -> (i32, i32) {
    %c0_i32 = arith.constant 0 : i32
    %c0_i32_0 = arith.constant 0 : i32
    %c0_i32_1 = arith.constant 0 : i32
    return %c0_i32, %c0_i32_0 : i32, i32
  }
  func.func @transform_3(%arg0: i32) -> (i32, i32) {
    %c0_i32 = arith.constant 0 : i32
    %c0_i32_0 = arith.constant 0 : i32
    %c0_i32_1 = arith.constant 0 : i32
    return %c0_i32, %c0_i32_0 : i32, i32
  }
  func.func @transform_4(%arg0: i32) -> (i32, i32) {
    %c0_i32 = arith.constant 0 : i32
    %c0_i32_0 = arith.constant 0 : i32
    %c0_i32_1 = arith.constant 0 : i32
    return %c0_i32, %c0_i32_0 : i32, i32
  }
  func.func @transform_5(%arg0: i32) -> (i32, i32) {
    %c0_i32 = arith.constant 0 : i32
    %c0_i32_0 = arith.constant 0 : i32
    %c0_i32_1 = arith.constant 0 : i32
    return %c0_i32, %c0_i32_0 : i32, i32
  }
  func.func @transform_6(%arg0: i32) -> (i32, i32, i32) {
    %c0_i32 = arith.constant 0 : i32
    %c0_i32_0 = arith.constant 0 : i32
    %c0_i32_1 = arith.constant 0 : i32
    return %c0_i32, %arg0, %c0_i32_0 : i32, i32, i32
  }
  func.func @transform_7(%arg0: i32) -> (i32, i32, i32) {
    %c0_i32 = arith.constant 0 : i32
    %c0_i32_0 = arith.constant 0 : i32
    %c0_i32_1 = arith.constant 0 : i32
    return %c0_i32, %arg0, %c0_i32_0 : i32, i32, i32
  }
  func.func @transform_8(%arg0: i32) -> (i32, i32, i32) {
    %c0_i32 = arith.constant 0 : i32
    %c0_i32_0 = arith.constant 0 : i32
    %c0_i32_1 = arith.constant 0 : i32
    return %c0_i32, %arg0, %c0_i32_0 : i32, i32, i32
  }
  func.func @transform_9(%arg0: i32) -> (i32, i32, i32) {
    %c0_i32 = arith.constant 0 : i32
    %c0_i32_0 = arith.constant 0 : i32
    %c0_i32_1 = arith.constant 0 : i32
    return %c0_i32, %arg0, %c0_i32_0 : i32, i32, i32
  }
  func.func @transform_10(%arg0: i32) -> (i32, i32) {
    %c0_i32 = arith.constant 0 : i32
    %c0_i32_0 = arith.constant 0 : i32
    return %arg0, %c0_i32 : i32, i32
  }
  func.func @transform_11(%arg0: i32) -> (i32, i32) {
    %c0_i32 = arith.constant 0 : i32
    %c0_i32_0 = arith.constant 0 : i32
    return %arg0, %c0_i32 : i32, i32
  }
  func.func @transform_12(%arg0: i32) -> (i32, i32) {
    %c0_i32 = arith.constant 0 : i32
    %c0_i32_0 = arith.constant 0 : i32
    return %arg0, %c0_i32 : i32, i32
  }
  func.func @transform_13(%arg0: i32) -> (i32, i32) {
    %c0_i32 = arith.constant 0 : i32
    %c0_i32_0 = arith.constant 0 : i32
    return %arg0, %c0_i32 : i32, i32
  }
  func.func @transform_14(%arg0: i32) -> (i32, i32) {
    %c0_i32 = arith.constant 0 : i32
    %c0_i32_0 = arith.constant 0 : i32
    return %arg0, %c0_i32 : i32, i32
  }
  func.func @transform_15(%arg0: i32) -> (i32, i32) {
    %c0_i32 = arith.constant 0 : i32
    %c0_i32_0 = arith.constant 0 : i32
    %c0_i32_1 = arith.constant 0 : i32
    return %c0_i32, %c0_i32_0 : i32, i32
  }
  func.func @transform_16(%arg0: i32) -> (i32, i32) {
    %c0_i32 = arith.constant 0 : i32
    %c0_i32_0 = arith.constant 0 : i32
    %c0_i32_1 = arith.constant 0 : i32
    return %c0_i32, %c0_i32_0 : i32, i32
  }
}

</mosaic_0001>

<sc_bundles>
// kernel: kernel.11.cloned.1.call-start
scs
__scs_entry_jumppad:
0x0: {  	(pc) =	sbr.rel $0x88, $3  }
0x1: {  	(tag) =	ssettag $0x0;
	lr =	simm.s32 $0x1  }
0x2: {  	[smem:$0x3F97] =	sst lr;
	_ =	strace $0xD0000000  }
0x3: {  	_ = 	snop  }
0x4: {  	_ = 	snop  }
0x5: {  	_ = 	snop  }
0x6: {  	_ = 	snop  }
0x7: {  	_ = 	snop  }
__scs_overlays_trampoline_lowered:
0x8: {  	[smem:$0x3FA6] =	sst s0  }
0x9: {  	[smem:$0x3FA7] =	sst s1  }
0xa: {  	[smem:$0x3FA8] =	sst s2  }
0xb: {  	[smem:$0x3FA9] =	sst s3  }
0xc: {  	[smem:$0x3FAA] =	sst s4  }
0xd: {  	[smem:$0x3FAB] =	sst s5  }
0xe: {  	[smem:$0x3FAC] =	sst s6  }
0xf: {  	[smem:$0x3FAD] =	sst s7  }
0x10: {  	[smem:$0x3FAE] =	sst s8  }
0x11: {  	[smem:$0x3FAF] =	sst s9;
	s0 =	simm.s32 @!p0 $0x0  }
0x12: {  	s1 =	sld [smem:$0x3F95];
	s0 =	simm.s32 @p0 $0x1  }
0x13: {  	[smem:$0x3FB0] =	sst s0;
	s0 =	simm.s32 @!p1 $0x0  }
0x14: {  	s2 =	sld [smem:$0x3F94];
	s0 =	simm.s32 @p1 $0x1  }
0x15: {  	[smem:$0x3FB1] =	sst s0;
	s0 =	simm.s32 @!p2 $0x0  }
0x16: {  	s3 =	sld [smem:$0x3FDB];
	s0 =	simm.s32 @p2 $0x1  }
0x17: {  	s4 =	simm.s32 $0x1BF5;
	[smem:$0x3FB3] =	sst s0  }
0x18: {  	s0 =	sld [smem:$0x3F96];
	_ =	swait.ge [sflag:s4], $0x0  }
0x19: {  	s7 =	sld [smem:$0x3F97]  }
0x1a: {  	s8 =	sadd.s32 $0xFFFFE003, lr  }
0x1b: {  	s9 =	sadd.s32 $0xFFFFFEF7, lr;
	s5 =	simm.s32 $0xFFFFFFFF;
	p2 =	slt.u32 s8, $0xFFFFF086  }
0x1c: {  	p1 =	slt.u32 s9, $0xF7A;
	s5 =	simm.s32 @!p2 $0x0  }
0x1d: {  	s5 =	simm.s32 @p1 $0x1;
	p0 =	seq.s32 s7, s2  }
0x1e: {  	s7 =	smul.u32 @!p0 $0xF7A, s2;
	p2 =	seq.s32 @!p0 s5, $0x0  }
0x1f: {  	s9 =	smul.u32 $0xF7A, s1;
	s8 =	simm.s32 @!p0 $0x1BF5;
	p2 =	por !p2, p0  }
0x20: {  	[sflag:s8] =	ssyncset.s32 @!p0 $0xFFFFF086;
	s6 =	sadd.s32 @!p0 s3, s7;
	s7 =	simm.s32 @!p0 $0x108  }
0x21: {  	s3 =	sadd.s32 s3, s9;
	s6 =	sadd.s32 @!p0 $0x88, s6;
	s7 =	simm.s32 @p2 $0x1082  }
0x22: {  	[simem:s7], [sflag:s8] =	dma.local @!p0 [hbm:s6], $0xF7A  }
0x23: {  	s9 =	sor.u32 $0xD0000000, s2;
	s6 =	simm.s32 $0x108;
	_ =	swait.ge @!p0 [sflag:s8], $0x0  }
0x24: {  	s3 =	sadd.s32 $0x88, s3;
	s6 =	simm.s32 @!p1 $0x1082;
	[sflag:s4] =	ssyncset.s32 $0xFFFFF086  }
0x25: {  	[simem:s6], [sflag:s4] =	dma.local [hbm:s3], $0xF7A  }
0x26: {  	[smem:$0x3F97] =	sst s1;
	(tag) =	ssettag s2;
	_ =	strace s9  }
0x27: {  	s1 =	sld [smem:$0x3FA7]  }
0x28: {  	s2 =	sld [smem:$0x3FA8]  }
0x29: {  	s4 =	sld [smem:$0x3FAA]  }
0x2a: {  	p0 =	seq.s32 s5, $0x0;
	s5 =	sld [smem:$0x3FAB]  }
0x2b: {  	s6 =	sld [smem:$0x3FAC]  }
0x2c: {  	s7 =	sld [smem:$0x3FAD]  }
0x2d: {  	s3 =	simm.s32 $0x108;
	s8 =	sld [smem:$0x3FAE]  }
0x2e: {  	s3 =	simm.s32 @!p0 $0x1082;
	s9 =	sld [smem:$0x3FAF]  }
0x2f: {  	lr =	sadd.s32 s0, s3;
	s0 =	sld [smem:$0x3FA6]  }
0x30: {  	s3 =	sld [smem:$0x3FA9]  }
0x31: {  	[smem:$0x3FB2] =	sst s10  }
0x32: {  	s10 =	sld [smem:$0x3FB0];
	_ =	sdelay $0x3  }
0x33: {  	p0 =	seq.s32 s10, $0x1;
	s10 =	sld [smem:$0x3FB2];
	_ =	sdelay $0x3  }
0x34: {  	[smem:$0x3FB2] =	sst s10  }
0x35: {  	s10 =	sld [smem:$0x3FB1];
	_ =	sdelay $0x3  }
0x36: {  	p1 =	seq.s32 s10, $0x1;
	s10 =	sld [smem:$0x3FB2];
	_ =	sdelay $0x3  }
0x37: {  	[smem:$0x3FB2] =	sst s10  }
0x38: {  	s10 =	sld [smem:$0x3FB3]  }
0x39: {  	_ = 	snop;
	(pc) =	sbr.ind lr, $3  }
0x3a: {  	_ = 	snop  }
0x3b: {  	_ = 	snop  }
0x3c: {  	p2 =	seq.s32 s10, $0x1;
	s10 =	sld [smem:$0x3FB2]  }
0x3d: {  	_ =	shalt  }
0x3e: {  	_ =	shalt  }
0x3f: {  	_ =	shalt  }
0x40: {  	_ =	shalt  }
0x41: {  	_ =	shalt  }
0x42: {  	_ =	shalt  }
0x43: {  	_ =	shalt  }
0x44: {  	_ =	shalt  }
0x45: {  	_ =	shalt  }
0x46: {  	_ =	shalt  }
0x47: {  	_ =	shalt  }
0x48: {  	_ =	shalt  }
0x49: {  	_ =	shalt  }
0x4a: {  	_ =	shalt  }
0x4b: {  	_ =	shalt  }
0x4c: {  	_ =	shalt  }
0x4d: {  	_ =	shalt  }
0x4e: {  	_ =	shalt  }
0x4f: {  	_ =	shalt  }
0x50: {  	_ =	shalt  }
0x51: {  	_ =	shalt  }
0x52: {  	_ =	shalt  }
0x53: {  	_ =	shalt  }
0x54: {  	_ =	shalt  }
0x55: {  	_ =	shalt  }
0x56: {  	_ =	shalt  }
0x57: {  	_ =	shalt  }
0x58: {  	_ =	shalt  }
0x59: {  	_ =	shalt  }
0x5a: {  	_ =	shalt  }
0x5b: {  	_ =	shalt  }
0x5c: {  	_ =	shalt  }
0x5d: {  	_ =	shalt  }
0x5e: {  	_ =	shalt  }
0x5f: {  	_ =	shalt  }
0x60: {  	_ =	shalt  }
0x61: {  	_ =	shalt  }
0x62: {  	_ =	shalt  }
0x63: {  	_ =	shalt  }
0x64: {  	_ =	shalt  }
0x65: {  	_ =	shalt  }
0x66: {  	_ =	shalt  }
0x67: {  	_ =	shalt  }
0x68: {  	_ =	shalt  }
0x69: {  	_ =	shalt  }
0x6a: {  	_ =	shalt  }
0x6b: {  	_ =	shalt  }
0x6c: {  	_ =	shalt  }
0x6d: {  	_ =	shalt  }
0x6e: {  	_ =	shalt  }
0x6f: {  	_ =	shalt  }
0x70: {  	_ =	shalt  }
0x71: {  	_ =	shalt  }
0x72: {  	_ =	shalt  }
0x73: {  	_ =	shalt  }
0x74: {  	_ =	shalt  }
0x75: {  	_ =	shalt  }
0x76: {  	_ =	shalt  }
0x77: {  	_ =	shalt  }
0x78: {  	_ =	shalt  }
0x79: {  	_ =	shalt  }
0x7a: {  	_ =	shalt  }
0x7b: {  	_ =	shalt  }
0x7c: {  	_ =	shalt  }
0x7d: {  	_ =	shalt  }
0x7e: {  	_ =	shalt  }
0x7f: {  	_ =	shalt  }
0x80: {  	_ =	shalt  }
0x81: {  	_ =	shalt  }
0x82: {  	_ =	shalt  }
0x83: {  	_ =	shalt  }
0x84: {  	_ =	shalt  }
0x85: {  	_ =	shalt  }
0x86: {  	_ =	shalt  }
0x87: {  	_ =	shalt  }
.Lfunc_end0:
.L_simem_size_0:
called_computation.1_lowered:
.L_overlay_start_0:
0x88: {  	s2 =	sld [smem:$0x3FD9]  }
0x89: {  	s3 =	sld [smem:$0x3FFE];
	_ =	sdelay $0x1  }
0x8a: {  	s1 =	srdreg.scid  }
0x8b: {  	s0 =	sand.u32 $0x1, s1  }
0x8c: {  	s14 =	sshll.u32 s0, $0xA;
	s2 =	sadd.s32 s3, s2  }
0x8d: {  	s2 =	sadd.s32 s2, s14  }
0x8e: {  	[smem:$0x3FBE] =	sst s2  }
0x8f: {  	_ = 	snop  }
0x90: {  	s2 =	sld [smem:$0x3FD0];
	_ =	sdelay $0x2  }
0x91: {  	s15 =	simm.s32 $0xA;
	s4 =	simm.s32 $0x10  }
0x92: {  	[smem:s4], [sflag:s15] =	dma.local [hbm:s2], $0x1  }
0x93: {  	_ =	swait.eq [sflag:s15], $0x1  }
0x94: {  	[sflag:s15] =	ssyncset.done $0x0  }
0x95: {  	[sflag:s15] =	ssyncadd.s32 $0xFFFFFFFF  }
0x96: {  	s16 =	sld [smem:$0x10];
	(tm) =	ssettm $0x1  }
0x97: {  	s17 =	sld [smem:$0x3FFB];
	_ =	sdelay $0x3  }
0x98: {  	_ =	strace s17  }
0x99: {  	s3 =	sld [smem:$0x3FFC];
	_ =	sdelay $0x3  }
0x9a: {  	_ =	strace s3  }
0x9b: {  	s3 =	sld [smem:$0x3FFD];
	_ =	sdelay $0x3  }
0x9c: {  	_ =	strace s3  }
0x9d: {  	_ =	strace $0x8FFFFFFF  }
0x9e: {  	s18 =	sld [smem:$0x3FDB];
	_ =	sdelay $0x1  }
0x9f: {  	s19 =	simm.s32 $_scs_section_size  }
0xa0: {  	s5 =	simm.s32 $_size__tile_overlayer_lowered;
	s6 =	simm.s32 $_tile_overlayer_lowered  }
0xa1: {  	s22 =	simm.s32 $0x1BFF;
	s21 =	sshll.u32 s6, $0x1;
	s3 =	sadd.s32 s19, s18  }
0xa2: {  	s7 =	simm.s32 $0x0;
	s20 =	sshll.u32 s5, $0x1;
	s5 =	sadd.s32 s21, s3  }
0xa3: {  	[timem:s7], [sflag:s22] =	dma.local [hbm:s5], s20  }
0xa4: {  	_ =	swait.ge [sflag:s22], s20  }
0xa5: {  	s4 =	ssub.s32 $0x0, s20;
	[sflag:s22] =	ssyncset.done $0x0  }
0xa6: {  	[sflag:s22] =	ssyncadd.s32 s4;
	_ =	sdelay $0x1  }
0xa7: {  	s23 =	simm.s32 $0x1B8B  }
0xa8: {  	_ =	swait.ge [sflag:s23], $0x1  }
0xa9: {  	[sflag:s23] =	ssyncset.done $0x0  }
0xaa: {  	s25 =	simm.s32 $0x1B8E;
	s24 =	sld [smem:$0x3FFE];
	[sflag:s23] =	ssyncadd.s32 $0xFFFFFFFF  }
0xab: {  	s26 =	simm.s32 $execute0_lowered;
	[smem:$0x3FD2] =	sst s25  }
0xac: {  	s5 =	sshll.u32 s26, $0x1;
	_ =	strace $0x80000049;
	[dreg:$0x1] =	wrdreg $0xFFFFFFFF  }
0xad: {  	s28 =	simm.s32 $_size_execute0_lowered;
	s3 =	sadd.s32 s3, s5;
	[dreg:$0x0] =	wrdreg $0x0  }
0xae: {  	s5 =	sshll.u32 s28, $0x1;
	[dreg:$0x2] =	wrdreg s3  }
0xaf: {  	[dreg:$0x3] =	wrdreg s5  }
0xb0: {  	[dreg:$0x4] =	wrdreg $0xC0  }
0xb1: {  	_ =	task [dreg:s7], $0x5FFFF  }
0xb2: {  	[dreg:$0x1] =	wrdreg $0xFFFFFFFF  }
0xb3: {  	[dreg:$0x0] =	wrdreg $0x60  }
0xb4: {  	[dreg:$0x2] =	wrdreg s24  }
0xb5: {  	[dreg:$0x3] =	wrdreg s16  }
0xb6: {  	[dreg:$0x4] =	wrdreg $0xA8000  }
0xb7: {  	[dreg:$0x5] =	wrdreg $0x9  }
0xb8: {  	_ =	task.clear_ibuf [dreg:s7], $0x6FFFF;
	_ =	strace $0x90000049  }
0xb9: {  	s29 =	simm.s32 $0x9;
	_ =	strace $0x8000004B  }
0xba: {  	_ =	swait.ge [sflag:s29], $0x1  }
0xbb: {  	[sflag:s29] =	ssyncadd.s32 $0xFFFFFFFF  }
0xbc: {  	_ =	strace $0x9000004B  }
0xbd: {  	_ =	sfence  }
0xbe: {  	s30 =	sld [smem:$0x0];
	_ =	sdelay $0x2  }
0xbf: {  	s31 =	sshll.u32 s1, $0xD;
	s1 =	sshrl.u32 s1, $0x2  }
0xc0: {  	s3 =	sand.u32 $0x4000, s31;
	s1 =	sadd.s32 s1, s30  }
0xc1: {  	s0 =	sor.u32 s3, s0;
	s1 =	sshll.u32 s1, $0x11  }
0xc2: {  	s0 =	sor.u32 s1, s0  }
0xc3: {  	s0 =	sadd.s32 $0x8F2B, s0  }
0xc4: {  	[sflag:s0] =	ssyncadd.remote.s32 $0x1  }
0xc5: {  	_ =	sfence.sel $0xFFFF  }
0xc6: {  	[dreg:$0x0] =	wrdreg $0xFFFFFFFF;
	(pc) =	sbr.abs _section_cstart, $3  }
0xc7: {  	[dreg:$0x1] =	wrdreg $0xFFFFFFFF  }
0xc8: {  	_ =	task.clear_ibuf [dreg:s7], $0x2FFFF;
	_ =	strace $0x9FFFFFFF  }
0xc9: {  	(tm) =	ssettm $0x7FFFFFFF  }
tec
execute0_lowered:
.L_overlay_start_1:
0x0: {  	(tag) =	ssettag $0x1  }
0x1: {  	s9 =	rddreg [dreg:$0x0]  }
0x2: {  	s11 =	rddreg [dreg:$0x1]  }
0x3: {  	s1 =	rddreg [dreg:$0x2];
	s2 =	srdreg.scid  }
0x4: {  	s0 =	rddreg [dreg:$0x3];
	s3 =	simm.s32 $0x0;
	s19 =	simm.s32 $0x1  }
0x5: {  	s20 =	simm.s32 $0x2;
	s26 =	simm.s32 $0x2780;
	s28 =	simm.s32 $0x0  }
0x6: {  	s8 =	sand.u32 $0x1, s2;
	[smem:$0x7FF] =	sst s3;
	s2 =	stileid.u32  }
0x7: {  	s4 =	sadd.s32 $0x37A00, s9;
	s6 =	sadd.s32 $0x85E00, s9;
	s12 =	smul.u32 $0x27800, s8  }
0x8: {  	s5 =	sshll.u32 s8, $0x4;
	_ =	strace $0x8000004A;
	s15 =	smul.u32 $0x4F000, s2  }
0x9: {  	s13 =	ssub.s32 $0x2, s8;
	s8 =	sadd.s32 $0x8800, s9;
	s24 =	smul.u32 $0x2780, s2  }
0xa: {  	s17 =	sshll.u32 s2, $0x6;
	s7 =	sor.u32 s2, s5;
	s5 =	sadd.s32 $0x5EC00, s9  }
0xb: {  	s14 =	sshrl.u32 s13, $0x1;
	s17 =	sor.u32 $0x1C03, s17;
	s10 =	smul.u32 $0x280, s7  }
0xc: {  	s7 =	sadd.s32 $0x10800, s9;
	s16 =	sadd.s32 s12, s9;
	s13 =	ssub.s32 s13, s14  }
0xd: {  	s31 =	sshrl.u32 s15, $0x2;
	s21 =	sadd.s32 s11, s12;
	s12 =	simm.s32 $0x3  }
0xe: {  	s14 =	simm.s32 $0x80;
	s15 =	simm.s32 $0x2800;
	s22 =	sadd.s32 $0xD4200, s16  }
0xf: {  	s18 =	sadd.s32 s31, s1;
	s23 =	sadd.s32 $0x123200, s16;
	s25 =	sadd.s32 $0x172200, s16  }
0x10: {  	s11 =	smax.u32 s13, $0x1;
	s13 =	simm.s32 $0x1400;
	s16 =	simm.s32 $0x6800  }
0x11: {  	s21 =	sadd.s32 s24, s21;
	s10 =	sadd.s32 s10, s9;
	s18 =	sshrl.u32 s18, $0x3  }
0x12: {  	s22 =	sadd.s32 s24, s22;
	s23 =	sadd.s32 s24, s23;
	s24 =	sadd.s32 s24, s25  }
0x13: {  	s25 =	simm.s32 $0x2700;
	s9 =	sadd.s32 $0xB800, s10;
	s10 =	sadd.s32 $0x3800, s10  }
.LBB2_1:
0x14: {  	[tilespmem:s3], [sflag:$0x3] =	stream.linear.gather [hbm4b:s9+s3], $0x1400, $0x38;
	[tilespmem:$0x1E400] =	vst v63  }
0x15: {  	_ =	swait.ge [sflag:s12], $0x1400  }
0x16: {  	[sflag:s12] =	ssyncset.done $0x0  }
0x17: {  	[sflag:s12] =	ssyncadd.s32 $0xFFFFEC00  }
0x18: {  	[tilespmem:s13], [sflag:$0x3] =	stream.linear.gather [hbm4b:s10+s3], $0x1400, $0x38;
	[tilespmem:$0x1E400] =	vst v63  }
0x19: {  	_ =	swait.ge [sflag:s12], $0x1400  }
0x1a: {  	[sflag:s12] =	ssyncset.done $0x0  }
0x1b: {  	[sflag:s12] =	ssyncadd.s32 $0xFFFFEC00  }
0x1c: {  	[tilespmem:s15], [sflag:$0x1] =	stream.indirect.gather [hbm4b:s4+s14], $0x80, s3, s14, $0xb8;
	[tilespmem:$0x1E400] =	vst v63  }
0x1d: {  	_ = 	snop  }
0x1e: {  	[tilespmem:s16], [sflag:$0x2] =	stream.indirect.gather [hbm4b:s4+s14], $0x80, s14, s14, $0xb8;
	[tilespmem:$0x1E400] =	vst v63  }
0x1f: {  	[spmem:s18], [sflag:s17] =	dma.local [hbm:s8], $0x2780  }
0x20: {  	_ =	swait.ge [sflag:s12], $0x2780  }
0x21: {  	[sflag:s12] =	ssyncset.done $0x0  }
0x22: {  	[sflag:s12] =	ssyncadd.s32 $0xFFFFD880  }
0x23: {  	[bflag:$0x0] =	sbarrier.arrive $0xFFFF  }
0x24: {  	_ =	swait.ge [sflag:s19], $0x4000  }
0x25: {  	[sflag:s19] =	ssyncset.done $0x0  }
0x26: {  	s29 =	simm.s32 $0x1400;
	[sflag:s19] =	ssyncadd.s32 $0xFFFFC000  }
0x27: {  	[spmem:s1] =	stream.indirect.scatter.add.f32 [tilespmem:s15], [sflag:$0x3], $0x80, s29, s14, $0xb8;
	[tilespmem:$0x1E400] =	vst v63  }
0x28: {  	_ =	swait.ge [sflag:s12], $0x4000  }
0x29: {  	[sflag:s12] =	ssyncset.done $0x0  }
0x2a: {  	s29 =	simm.s32 $0x100;
	[sflag:s12] =	ssyncadd.s32 $0xFFFFC000  }
0x2b: {  	[tilespmem:s15], [sflag:$0x1] =	stream.indirect.gather [hbm4b:s4+s14], $0x80, s29, s14, $0xb8;
	[tilespmem:$0x1E400] =	vst v63  }
0x2c: {  	_ =	swait.ge [sflag:s20], $0x4000  }
0x2d: {  	[sflag:s20] =	ssyncset.done $0x0  }
0x2e: {  	s29 =	simm.s32 $0x1480;
	[sflag:s20] =	ssyncadd.s32 $0xFFFFC000  }
0x2f: {  	[spmem:s1] =	stream.indirect.scatter.add.f32 [tilespmem:s16], [sflag:$0x3], $0x80, s29, s14, $0xb8;
	[tilespmem:$0x1E400] =	vst v63  }
0x30: {  	_ =	swait.ge [sflag:s12], $0x4000  }
0x31: {  	[sflag:s12] =	ssyncset.done $0x0  }
0x32: {  	s30 =	simm.s32 $0x180;
	s29 =	simm.s32 $0x400;
	[sflag:s12] =	ssyncadd.s32 $0xFFFFC000  }
.LBB2_2:
0x33: {  	[tilespmem:s16], [sflag:$0x2] =	stream.indirect.gather [hbm4b:s4+s14], $0x80, s30, s14, $0xb8;
	[tilespmem:$0x1E400] =	vst v63  }
0x34: {  	s30 =	smov.u32 s29  }
0x35: {  	p0 =	sne.s32 s29, $0x4800;
	s29 =	sadd.s32 $0x400, s29;
	_ =	swait.ge [sflag:s19], $0x4000  }
0x36: {  	s30 =	sshra.s32 s30, $0x2;
	[sflag:s19] =	ssyncset.done $0x0  }
0x37: {  	s31 =	sadd.s32 $0x1400, s30;
	[sflag:s19] =	ssyncadd.s32 $0xFFFFC000  }
0x38: {  	[spmem:s1] =	stream.indirect.scatter.add.f32 [tilespmem:s15], [sflag:$0x3], $0x80, s31, s14, $0xb8;
	[tilespmem:$0x1E400] =	vst v63  }
0x39: {  	_ =	swait.ge [sflag:s12], $0x4000  }
0x3a: {  	[sflag:s12] =	ssyncset.done $0x0  }
0x3b: {  	s31 =	sadd.s32 $0x100, s30;
	[sflag:s12] =	ssyncadd.s32 $0xFFFFC000  }
0x3c: {  	[tilespmem:s15], [sflag:$0x1] =	stream.indirect.gather [hbm4b:s4+s14], $0x80, s31, s14, $0xb8;
	[tilespmem:$0x1E400] =	vst v63  }
0x3d: {  	_ =	swait.ge [sflag:s20], $0x4000  }
0x3e: {  	[sflag:s20] =	ssyncset.done $0x0  }
.Ltmp0:
0x3f: {  	s31 =	sadd.s32 $0x1480, s30;
	[sflag:s20] =	ssyncadd.s32 $0xFFFFC000;
	(pc) =	sbr.rel @p0 .LBB2_2-.Ltmp0, $4  }
0x40: {  	[spmem:s1] =	stream.indirect.scatter.add.f32 [tilespmem:s16], [sflag:$0x3], $0x80, s31, s14, $0xb8;
	[tilespmem:$0x1E400] =	vst v63  }
0x41: {  	_ =	swait.ge [sflag:s12], $0x4000  }
0x42: {  	[sflag:s12] =	ssyncset.done $0x0  }
0x43: {  	s30 =	sadd.s32 $0x180, s30;
	[sflag:s12] =	ssyncadd.s32 $0xFFFFC000  }
0x44: {  	[tilespmem:s16], [sflag:$0x2] =	stream.indirect.gather [hbm4b:s4+s14], $0x80, s30, s14, $0xb8;
	[tilespmem:$0x1E400] =	vst v63  }
0x45: {  	_ =	swait.ge [sflag:s19], $0x4000  }
0x46: {  	[sflag:s19] =	ssyncset.done $0x0  }
0x47: {  	[sflag:s19] =	ssyncadd.s32 $0xFFFFC000  }
0x48: {  	[spmem:s1] =	stream.indirect.scatter.add.f32 [tilespmem:s15], [sflag:$0x3], $0x80, s25, s14, $0xb8;
	[tilespmem:$0x1E400] =	vst v63  }
0x49: {  	_ =	swait.ge [sflag:s12], $0x4000  }
0x4a: {  	[sflag:s12] =	ssyncset.done $0x0  }
0x4b: {  	[sflag:s12] =	ssyncadd.s32 $0xFFFFC000  }
0x4c: {  	_ =	swait.ge [sflag:s20], $0x4000  }
0x4d: {  	[sflag:s20] =	ssyncset.done $0x0  }
0x4e: {  	[sflag:s20] =	ssyncadd.s32 $0xFFFFC000  }
0x4f: {  	[spmem:s1] =	stream.indirect.scatter.add.f32 [tilespmem:s16], [sflag:$0x3], $0x80, s26, s14, $0xb8;
	[tilespmem:$0x1E400] =	vst v63  }
0x50: {  	_ =	swait.ge [sflag:s12], $0x4000  }
0x51: {  	[sflag:s12] =	ssyncset.done $0x0  }
0x52: {  	[sflag:s12] =	ssyncadd.s32 $0xFFFFC000  }
0x53: {  	[bflag:$0x0] =	sbarrier.arrive $0xFFFF  }
0x54: {  	[hbm:s21], [sflag:s17] =	dma.local [spmem:s18], $0x2780  }
0x55: {  	_ =	swait.ge [sflag:s12], $0x2780  }
0x56: {  	[sflag:s12] =	ssyncset.done $0x0  }
0x57: {  	s29 =	simm.s32 $0x0;
	[sflag:s12] =	ssyncadd.s32 $0xFFFFD880  }
0x58: {  	[tilespmem:s15], [sflag:$0x1] =	stream.indirect.gather [hbm4b:s5+s14], $0x80, s29, s14, $0xb8;
	[tilespmem:$0x1E400] =	vst v63  }
0x59: {  	_ = 	snop  }
0x5a: {  	[tilespmem:s16], [sflag:$0x2] =	stream.indirect.gather [hbm4b:s5+s14], $0x80, s14, s14, $0xb8;
	[tilespmem:$0x1E400] =	vst v63  }
0x5b: {  	[bflag:$0x0] =	sbarrier.arrive $0xFFFF  }
0x5c: {  	_ =	swait.ge [sflag:s19], $0x4000  }
0x5d: {  	[sflag:s19] =	ssyncset.done $0x0  }
0x5e: {  	s29 =	simm.s32 $0x1400;
	[sflag:s19] =	ssyncadd.s32 $0xFFFFC000  }
0x5f: {  	[spmem:s1] =	stream.indirect.scatter.add.f32 [tilespmem:s15], [sflag:$0x3], $0x80, s29, s14, $0xb8;
	[tilespmem:$0x1E400] =	vst v63  }
0x60: {  	_ =	swait.ge [sflag:s12], $0x4000  }
0x61: {  	[sflag:s12] =	ssyncset.done $0x0  }
0x62: {  	s29 =	simm.s32 $0x100;
	[sflag:s12] =	ssyncadd.s32 $0xFFFFC000  }
0x63: {  	[tilespmem:s15], [sflag:$0x1] =	stream.indirect.gather [hbm4b:s5+s14], $0x80, s29, s14, $0xb8;
	[tilespmem:$0x1E400] =	vst v63  }
0x64: {  	_ =	swait.ge [sflag:s20], $0x4000  }
0x65: {  	[sflag:s20] =	ssyncset.done $0x0  }
0x66: {  	s29 =	simm.s32 $0x1480;
	[sflag:s20] =	ssyncadd.s32 $0xFFFFC000  }
0x67: {  	[spmem:s1] =	stream.indirect.scatter.add.f32 [tilespmem:s16], [sflag:$0x3], $0x80, s29, s14, $0xb8;
	[tilespmem:$0x1E400] =	vst v63  }
0x68: {  	_ =	swait.ge [sflag:s12], $0x4000  }
0x69: {  	[sflag:s12] =	ssyncset.done $0x0  }
0x6a: {  	s30 =	simm.s32 $0x180;
	s29 =	simm.s32 $0x400;
	[sflag:s12] =	ssyncadd.s32 $0xFFFFC000  }
.LBB2_4:
0x6b: {  	[tilespmem:s16], [sflag:$0x2] =	stream.indirect.gather [hbm4b:s5+s14], $0x80, s30, s14, $0xb8;
	[tilespmem:$0x1E400] =	vst v63  }
0x6c: {  	s30 =	smov.u32 s29  }
0x6d: {  	p0 =	sne.s32 s29, $0x4800;
	s29 =	sadd.s32 $0x400, s29;
	_ =	swait.ge [sflag:s19], $0x4000  }
0x6e: {  	s30 =	sshra.s32 s30, $0x2;
	[sflag:s19] =	ssyncset.done $0x0  }
0x6f: {  	s31 =	sadd.s32 $0x1400, s30;
	[sflag:s19] =	ssyncadd.s32 $0xFFFFC000  }
0x70: {  	[spmem:s1] =	stream.indirect.scatter.add.f32 [tilespmem:s15], [sflag:$0x3], $0x80, s31, s14, $0xb8;
	[tilespmem:$0x1E400] =	vst v63  }
0x71: {  	_ =	swait.ge [sflag:s12], $0x4000  }
0x72: {  	[sflag:s12] =	ssyncset.done $0x0  }
0x73: {  	s31 =	sadd.s32 $0x100, s30;
	[sflag:s12] =	ssyncadd.s32 $0xFFFFC000  }
0x74: {  	[tilespmem:s15], [sflag:$0x1] =	stream.indirect.gather [hbm4b:s5+s14], $0x80, s31, s14, $0xb8;
	[tilespmem:$0x1E400] =	vst v63  }
0x75: {  	_ =	swait.ge [sflag:s20], $0x4000  }
0x76: {  	[sflag:s20] =	ssyncset.done $0x0  }
.Ltmp1:
0x77: {  	s31 =	sadd.s32 $0x1480, s30;
	[sflag:s20] =	ssyncadd.s32 $0xFFFFC000;
	(pc) =	sbr.rel @p0 .LBB2_4-.Ltmp1, $4  }
0x78: {  	[spmem:s1] =	stream.indirect.scatter.add.f32 [tilespmem:s16], [sflag:$0x3], $0x80, s31, s14, $0xb8;
	[tilespmem:$0x1E400] =	vst v63  }
0x79: {  	_ =	swait.ge [sflag:s12], $0x4000  }
0x7a: {  	[sflag:s12] =	ssyncset.done $0x0  }
0x7b: {  	s30 =	sadd.s32 $0x180, s30;
	[sflag:s12] =	ssyncadd.s32 $0xFFFFC000  }
0x7c: {  	[tilespmem:s16], [sflag:$0x2] =	stream.indirect.gather [hbm4b:s5+s14], $0x80, s30, s14, $0xb8;
	[tilespmem:$0x1E400] =	vst v63  }
0x7d: {  	_ =	swait.ge [sflag:s19], $0x4000  }
0x7e: {  	[sflag:s19] =	ssyncset.done $0x0  }
0x7f: {  	[sflag:s19] =	ssyncadd.s32 $0xFFFFC000  }
0x80: {  	[spmem:s1] =	stream.indirect.scatter.add.f32 [tilespmem:s15], [sflag:$0x3], $0x80, s25, s14, $0xb8;
	[tilespmem:$0x1E400] =	vst v63  }
0x81: {  	_ =	swait.ge [sflag:s12], $0x4000  }
0x82: {  	[sflag:s12] =	ssyncset.done $0x0  }
0x83: {  	[sflag:s12] =	ssyncadd.s32 $0xFFFFC000  }
0x84: {  	_ =	swait.ge [sflag:s20], $0x4000  }
0x85: {  	[sflag:s20] =	ssyncset.done $0x0  }
0x86: {  	[sflag:s20] =	ssyncadd.s32 $0xFFFFC000  }
0x87: {  	[spmem:s1] =	stream.indirect.scatter.add.f32 [tilespmem:s16], [sflag:$0x3], $0x80, s26, s14, $0xb8;
	[tilespmem:$0x1E400] =	vst v63  }
0x88: {  	_ =	swait.ge [sflag:s12], $0x4000  }
0x89: {  	[sflag:s12] =	ssyncset.done $0x0  }
0x8a: {  	[sflag:s12] =	ssyncadd.s32 $0xFFFFC000  }
0x8b: {  	[bflag:$0x0] =	sbarrier.arrive $0xFFFF  }
0x8c: {  	[hbm:s22], [sflag:s17] =	dma.local [spmem:s18], $0x2780  }
0x8d: {  	_ =	swait.ge [sflag:s12], $0x2780  }
0x8e: {  	[sflag:s12] =	ssyncset.done $0x0  }
0x8f: {  	s29 =	simm.s32 $0x0;
	[sflag:s12] =	ssyncadd.s32 $0xFFFFD880  }
0x90: {  	[tilespmem:s15], [sflag:$0x1] =	stream.indirect.gather [hbm4b:s6+s14], $0x80, s29, s14, $0xb8;
	[tilespmem:$0x1E400] =	vst v63  }
0x91: {  	_ = 	snop  }
0x92: {  	[tilespmem:s16], [sflag:$0x2] =	stream.indirect.gather [hbm4b:s6+s14], $0x80, s14, s14, $0xb8;
	[tilespmem:$0x1E400] =	vst v63  }
0x93: {  	[bflag:$0x0] =	sbarrier.arrive $0xFFFF  }
0x94: {  	_ =	swait.ge [sflag:s19], $0x4000  }
0x95: {  	[sflag:s19] =	ssyncset.done $0x0  }
0x96: {  	s29 =	simm.s32 $0x1400;
	[sflag:s19] =	ssyncadd.s32 $0xFFFFC000  }
0x97: {  	[spmem:s1] =	stream.indirect.scatter.add.f32 [tilespmem:s15], [sflag:$0x3], $0x80, s29, s14, $0xb8;
	[tilespmem:$0x1E400] =	vst v63  }
0x98: {  	_ =	swait.ge [sflag:s12], $0x4000  }
0x99: {  	[sflag:s12] =	ssyncset.done $0x0  }
0x9a: {  	s29 =	simm.s32 $0x100;
	[sflag:s12] =	ssyncadd.s32 $0xFFFFC000  }
0x9b: {  	[tilespmem:s15], [sflag:$0x1] =	stream.indirect.gather [hbm4b:s6+s14], $0x80, s29, s14, $0xb8;
	[tilespmem:$0x1E400] =	vst v63  }
0x9c: {  	_ =	swait.ge [sflag:s20], $0x4000  }
0x9d: {  	[sflag:s20] =	ssyncset.done $0x0  }
0x9e: {  	s29 =	simm.s32 $0x1480;
	[sflag:s20] =	ssyncadd.s32 $0xFFFFC000  }
0x9f: {  	[spmem:s1] =	stream.indirect.scatter.add.f32 [tilespmem:s16], [sflag:$0x3], $0x80, s29, s14, $0xb8;
	[tilespmem:$0x1E400] =	vst v63  }
0xa0: {  	_ =	swait.ge [sflag:s12], $0x4000  }
0xa1: {  	[sflag:s12] =	ssyncset.done $0x0  }
0xa2: {  	s30 =	simm.s32 $0x180;
	s29 =	simm.s32 $0x400;
	[sflag:s12] =	ssyncadd.s32 $0xFFFFC000  }
.LBB2_6:
0xa3: {  	[tilespmem:s16], [sflag:$0x2] =	stream.indirect.gather [hbm4b:s6+s14], $0x80, s30, s14, $0xb8;
	[tilespmem:$0x1E400] =	vst v63  }
0xa4: {  	s30 =	smov.u32 s29  }
0xa5: {  	p0 =	sne.s32 s29, $0x4800;
	s29 =	sadd.s32 $0x400, s29;
	_ =	swait.ge [sflag:s19], $0x4000  }
0xa6: {  	s30 =	sshra.s32 s30, $0x2;
	[sflag:s19] =	ssyncset.done $0x0  }
0xa7: {  	s31 =	sadd.s32 $0x1400, s30;
	[sflag:s19] =	ssyncadd.s32 $0xFFFFC000  }
0xa8: {  	[spmem:s1] =	stream.indirect.scatter.add.f32 [tilespmem:s15], [sflag:$0x3], $0x80, s31, s14, $0xb8;
	[tilespmem:$0x1E400] =	vst v63  }
0xa9: {  	_ =	swait.ge [sflag:s12], $0x4000  }
0xaa: {  	[sflag:s12] =	ssyncset.done $0x0  }
0xab: {  	s31 =	sadd.s32 $0x100, s30;
	[sflag:s12] =	ssyncadd.s32 $0xFFFFC000  }
0xac: {  	[tilespmem:s15], [sflag:$0x1] =	stream.indirect.gather [hbm4b:s6+s14], $0x80, s31, s14, $0xb8;
	[tilespmem:$0x1E400] =	vst v63  }
0xad: {  	_ =	swait.ge [sflag:s20], $0x4000  }
0xae: {  	[sflag:s20] =	ssyncset.done $0x0  }
.Ltmp2:
0xaf: {  	s31 =	sadd.s32 $0x1480, s30;
	[sflag:s20] =	ssyncadd.s32 $0xFFFFC000;
	(pc) =	sbr.rel @p0 .LBB2_6-.Ltmp2, $4  }
0xb0: {  	[spmem:s1] =	stream.indirect.scatter.add.f32 [tilespmem:s16], [sflag:$0x3], $0x80, s31, s14, $0xb8;
	[tilespmem:$0x1E400] =	vst v63  }
0xb1: {  	_ =	swait.ge [sflag:s12], $0x4000  }
0xb2: {  	[sflag:s12] =	ssyncset.done $0x0  }
0xb3: {  	s30 =	sadd.s32 $0x180, s30;
	[sflag:s12] =	ssyncadd.s32 $0xFFFFC000  }
0xb4: {  	[tilespmem:s16], [sflag:$0x2] =	stream.indirect.gather [hbm4b:s6+s14], $0x80, s30, s14, $0xb8;
	[tilespmem:$0x1E400] =	vst v63  }
0xb5: {  	_ =	swait.ge [sflag:s19], $0x4000  }
0xb6: {  	[sflag:s19] =	ssyncset.done $0x0  }
0xb7: {  	[sflag:s19] =	ssyncadd.s32 $0xFFFFC000  }
0xb8: {  	[spmem:s1] =	stream.indirect.scatter.add.f32 [tilespmem:s15], [sflag:$0x3], $0x80, s25, s14, $0xb8;
	[tilespmem:$0x1E400] =	vst v63  }
0xb9: {  	_ =	swait.ge [sflag:s12], $0x4000  }
0xba: {  	[sflag:s12] =	ssyncset.done $0x0  }
0xbb: {  	[sflag:s12] =	ssyncadd.s32 $0xFFFFC000  }
0xbc: {  	_ =	swait.ge [sflag:s20], $0x4000  }
0xbd: {  	[sflag:s20] =	ssyncset.done $0x0  }
0xbe: {  	[sflag:s20] =	ssyncadd.s32 $0xFFFFC000  }
0xbf: {  	[spmem:s1] =	stream.indirect.scatter.add.f32 [tilespmem:s16], [sflag:$0x3], $0x80, s26, s14, $0xb8;
	[tilespmem:$0x1E400] =	vst v63  }
0xc0: {  	_ =	swait.ge [sflag:s12], $0x4000  }
0xc1: {  	[sflag:s12] =	ssyncset.done $0x0  }
0xc2: {  	[sflag:s12] =	ssyncadd.s32 $0xFFFFC000  }
0xc3: {  	[bflag:$0x0] =	sbarrier.arrive $0xFFFF  }
0xc4: {  	[hbm:s23], [sflag:s17] =	dma.local [spmem:s18], $0x2780  }
0xc5: {  	_ =	swait.ge [sflag:s12], $0x2780  }
0xc6: {  	[sflag:s12] =	ssyncset.done $0x0  }
0xc7: {  	s29 =	simm.s32 $0x0;
	[sflag:s12] =	ssyncadd.s32 $0xFFFFD880  }
0xc8: {  	[tilespmem:s15], [sflag:$0x1] =	stream.indirect.gather [hbm4b:s7+s14], $0x80, s29, s14, $0xb8;
	[tilespmem:$0x1E400] =	vst v63  }
0xc9: {  	_ = 	snop  }
0xca: {  	[tilespmem:s16], [sflag:$0x2] =	stream.indirect.gather [hbm4b:s7+s14], $0x80, s14, s14, $0xb8;
	[tilespmem:$0x1E400] =	vst v63  }
0xcb: {  	[bflag:$0x0] =	sbarrier.arrive $0xFFFF  }
0xcc: {  	_ =	swait.ge [sflag:s19], $0x4000  }
0xcd: {  	[sflag:s19] =	ssyncset.done $0x0  }
0xce: {  	s29 =	simm.s32 $0x1400;
	[sflag:s19] =	ssyncadd.s32 $0xFFFFC000  }
0xcf: {  	[spmem:s1] =	stream.indirect.scatter.add.f32 [tilespmem:s15], [sflag:$0x3], $0x80, s29, s14, $0xb8;
	[tilespmem:$0x1E400] =	vst v63  }
0xd0: {  	_ =	swait.ge [sflag:s12], $0x4000  }
0xd1: {  	[sflag:s12] =	ssyncset.done $0x0  }
0xd2: {  	s29 =	simm.s32 $0x100;
	[sflag:s12] =	ssyncadd.s32 $0xFFFFC000  }
0xd3: {  	[tilespmem:s15], [sflag:$0x1] =	stream.indirect.gather [hbm4b:s7+s14], $0x80, s29, s14, $0xb8;
	[tilespmem:$0x1E400] =	vst v63  }
0xd4: {  	_ =	swait.ge [sflag:s20], $0x4000  }
0xd5: {  	[sflag:s20] =	ssyncset.done $0x0  }
0xd6: {  	s29 =	simm.s32 $0x1480;
	[sflag:s20] =	ssyncadd.s32 $0xFFFFC000  }
0xd7: {  	[spmem:s1] =	stream.indirect.scatter.add.f32 [tilespmem:s16], [sflag:$0x3], $0x80, s29, s14, $0xb8;
	[tilespmem:$0x1E400] =	vst v63  }
0xd8: {  	_ =	swait.ge [sflag:s12], $0x4000  }
0xd9: {  	[sflag:s12] =	ssyncset.done $0x0  }
0xda: {  	s30 =	simm.s32 $0x180;
	s29 =	simm.s32 $0x400;
	[sflag:s12] =	ssyncadd.s32 $0xFFFFC000  }
.LBB2_8:
0xdb: {  	[tilespmem:s16], [sflag:$0x2] =	stream.indirect.gather [hbm4b:s7+s14], $0x80, s30, s14, $0xb8;
	[tilespmem:$0x1E400] =	vst v63  }
0xdc: {  	s30 =	smov.u32 s29  }
0xdd: {  	p0 =	sne.s32 s29, $0x4800;
	s29 =	sadd.s32 $0x400, s29;
	_ =	swait.ge [sflag:s19], $0x4000  }
0xde: {  	s30 =	sshra.s32 s30, $0x2;
	[sflag:s19] =	ssyncset.done $0x0  }
0xdf: {  	s31 =	sadd.s32 $0x1400, s30;
	[sflag:s19] =	ssyncadd.s32 $0xFFFFC000  }
0xe0: {  	[spmem:s1] =	stream.indirect.scatter.add.f32 [tilespmem:s15], [sflag:$0x3], $0x80, s31, s14, $0xb8;
	[tilespmem:$0x1E400] =	vst v63  }
0xe1: {  	_ =	swait.ge [sflag:s12], $0x4000  }
0xe2: {  	[sflag:s12] =	ssyncset.done $0x0  }
0xe3: {  	s31 =	sadd.s32 $0x100, s30;
	[sflag:s12] =	ssyncadd.s32 $0xFFFFC000  }
0xe4: {  	[tilespmem:s15], [sflag:$0x1] =	stream.indirect.gather [hbm4b:s7+s14], $0x80, s31, s14, $0xb8;
	[tilespmem:$0x1E400] =	vst v63  }
0xe5: {  	_ =	swait.ge [sflag:s20], $0x4000  }
0xe6: {  	[sflag:s20] =	ssyncset.done $0x0  }
.Ltmp3:
0xe7: {  	s31 =	sadd.s32 $0x1480, s30;
	[sflag:s20] =	ssyncadd.s32 $0xFFFFC000;
	(pc) =	sbr.rel @p0 .LBB2_8-.Ltmp3, $4  }
0xe8: {  	[spmem:s1] =	stream.indirect.scatter.add.f32 [tilespmem:s16], [sflag:$0x3], $0x80, s31, s14, $0xb8;
	[tilespmem:$0x1E400] =	vst v63  }
0xe9: {  	_ =	swait.ge [sflag:s12], $0x4000  }
0xea: {  	[sflag:s12] =	ssyncset.done $0x0  }
0xeb: {  	s30 =	sadd.s32 $0x180, s30;
	[sflag:s12] =	ssyncadd.s32 $0xFFFFC000  }
0xec: {  	[tilespmem:s16], [sflag:$0x2] =	stream.indirect.gather [hbm4b:s7+s14], $0x80, s30, s14, $0xb8;
	[tilespmem:$0x1E400] =	vst v63  }
0xed: {  	_ =	swait.ge [sflag:s19], $0x4000  }
0xee: {  	[sflag:s19] =	ssyncset.done $0x0  }
0xef: {  	[sflag:s19] =	ssyncadd.s32 $0xFFFFC000  }
0xf0: {  	[spmem:s1] =	stream.indirect.scatter.add.f32 [tilespmem:s15], [sflag:$0x3], $0x80, s25, s14, $0xb8;
	[tilespmem:$0x1E400] =	vst v63  }
0xf1: {  	_ =	swait.ge [sflag:s12], $0x4000  }
0xf2: {  	[sflag:s12] =	ssyncset.done $0x0  }
0xf3: {  	[sflag:s12] =	ssyncadd.s32 $0xFFFFC000  }
0xf4: {  	_ =	swait.ge [sflag:s20], $0x4000  }
0xf5: {  	[sflag:s20] =	ssyncset.done $0x0  }
0xf6: {  	[sflag:s20] =	ssyncadd.s32 $0xFFFFC000  }
0xf7: {  	[spmem:s1] =	stream.indirect.scatter.add.f32 [tilespmem:s16], [sflag:$0x3], $0x80, s26, s14, $0xb8;
	[tilespmem:$0x1E400] =	vst v63  }
0xf8: {  	_ =	swait.ge [sflag:s12], $0x4000  }
0xf9: {  	s28 =	sadd.s32 $0x1, s28;
	[sflag:s12] =	ssyncset.done $0x0  }
0xfa: {  	p0 =	sne.s32 s28, s11;
	[sflag:s12] =	ssyncadd.s32 $0xFFFFC000  }
.Ltmp4:
0xfb: {  	[bflag:$0x0] =	sbarrier.arrive $0xFFFF;
	(pc) =	sbr.rel @p0 .LBB2_1-.Ltmp4, $4  }
0xfc: {  	[hbm:s24], [sflag:s17] =	dma.local [spmem:s18], $0x2780  }
0xfd: {  	_ =	swait.ge [sflag:s12], $0x2780  }
0xfe: {  	[sflag:s12] =	ssyncset.done $0x0  }
0xff: {  	[sflag:s12] =	ssyncadd.s32 $0xFFFFD880  }
0x100: {  	_ =	sfence.sel $0x180000  }
0x101: {  	[bflag:$0x0] =	sbarrier.arrive $0xFFFF  }
0x102: {  	p0 =	sne.s32 s2, $0x0;
	_ =	strace $0x9000004A  }
0x103: {  	s0 =	sadd.s32 @!p0 $0x100000, s0;
	[bflag:$0x2] =	sbarrier.arrive $0xFFFF  }
0x104: {  	[sflag:s0] =	ssyncadd.tile.s32 @!p0 $0x1;
	_ =	shalt  }
.Lfunc_end2:
_tile_overlayer_lowered:
.L_overlay_start_2:
0x105: {  	(tag) =	ssettag $0x2  }
0x106: {  	s0 =	rddreg [dreg:$0x0];
	s2 =	stileid.u32  }
0x107: {  	s1 =	rddreg [dreg:$0x1];
	p0 =	sne.s32 s2, $0x0  }
0x108: {  	s3 =	rddreg [dreg:$0x2];
	[bflag:$0x3] =	sbarrier.arrive $0xFFFF;
	s2 =	simm.s32 @!p0 $0x1C03  }
0x109: {  	[timem:s3], [sflag:s2] =	dma.local @!p0 [hbm:s0], s1  }
0x10a: {  	s0 =	simm.s32 @!p0 $0x3  }
0x10b: {  	_ =	swait.ge @!p0 [sflag:s0], s1  }
0x10c: {  	s1 =	ssub.s32 @!p0 $0x0, s1;
	[sflag:s0] =	ssyncset.done @!p0 $0x0  }
0x10d: {  	[sflag:s0] =	ssyncadd.s32 @!p0 s1  }
0x10e: {  	[bflag:$0x3] =	sbarrier.arrive $0xFFFF  }
0x10f: {  	_ =	shalt  }

// kernel: kernel.14.cloned.1.call-start
scs
__scs_entry_jumppad:
0x0: {  	(pc) =	sbr.rel $0x88, $3  }
0x1: {  	(tag) =	ssettag $0x0;
	lr =	simm.s32 $0x1  }
0x2: {  	[smem:$0x3F97] =	sst lr;
	_ =	strace $0xD0000000  }
0x3: {  	_ = 	snop  }
0x4: {  	_ = 	snop  }
0x5: {  	_ = 	snop  }
0x6: {  	_ = 	snop  }
0x7: {  	_ = 	snop  }
__scs_overlays_trampoline_lowered:
0x8: {  	[smem:$0x3FA6] =	sst s0  }
0x9: {  	[smem:$0x3FA7] =	sst s1  }
0xa: {  	[smem:$0x3FA8] =	sst s2  }
0xb: {  	[smem:$0x3FA9] =	sst s3  }
0xc: {  	[smem:$0x3FAA] =	sst s4  }
0xd: {  	[smem:$0x3FAB] =	sst s5  }
0xe: {  	[smem:$0x3FAC] =	sst s6  }
0xf: {  	[smem:$0x3FAD] =	sst s7  }
0x10: {  	[smem:$0x3FAE] =	sst s8  }
0x11: {  	[smem:$0x3FAF] =	sst s9;
	s0 =	simm.s32 @!p0 $0x0  }
0x12: {  	s1 =	sld [smem:$0x3F95];
	s0 =	simm.s32 @p0 $0x1  }
0x13: {  	[smem:$0x3FB0] =	sst s0;
	s0 =	simm.s32 @!p1 $0x0  }
0x14: {  	s2 =	sld [smem:$0x3F94];
	s0 =	simm.s32 @p1 $0x1  }
0x15: {  	[smem:$0x3FB1] =	sst s0;
	s0 =	simm.s32 @!p2 $0x0  }
0x16: {  	s3 =	sld [smem:$0x3FDB];
	s0 =	simm.s32 @p2 $0x1  }
0x17: {  	s4 =	simm.s32 $0x1BF5;
	[smem:$0x3FB3] =	sst s0  }
0x18: {  	s0 =	sld [smem:$0x3F96];
	_ =	swait.ge [sflag:s4], $0x0  }
0x19: {  	s7 =	sld [smem:$0x3F97]  }
0x1a: {  	s8 =	sadd.s32 $0xFFFFE003, lr  }
0x1b: {  	s9 =	sadd.s32 $0xFFFFFEF7, lr;
	s5 =	simm.s32 $0xFFFFFFFF;
	p2 =	slt.u32 s8, $0xFFFFF086  }
0x1c: {  	p1 =	slt.u32 s9, $0xF7A;
	s5 =	simm.s32 @!p2 $0x0  }
0x1d: {  	s5 =	simm.s32 @p1 $0x1;
	p0 =	seq.s32 s7, s2  }
0x1e: {  	s7 =	smul.u32 @!p0 $0xF7A, s2;
	p2 =	seq.s32 @!p0 s5, $0x0  }
0x1f: {  	s9 =	smul.u32 $0xF7A, s1;
	s8 =	simm.s32 @!p0 $0x1BF5;
	p2 =	por !p2, p0  }
0x20: {  	[sflag:s8] =	ssyncset.s32 @!p0 $0xFFFFF086;
	s6 =	sadd.s32 @!p0 s3, s7;
	s7 =	simm.s32 @!p0 $0x108  }
0x21: {  	s3 =	sadd.s32 s3, s9;
	s6 =	sadd.s32 @!p0 $0x88, s6;
	s7 =	simm.s32 @p2 $0x1082  }
0x22: {  	[simem:s7], [sflag:s8] =	dma.local @!p0 [hbm:s6], $0xF7A  }
0x23: {  	s9 =	sor.u32 $0xD0000000, s2;
	s6 =	simm.s32 $0x108;
	_ =	swait.ge @!p0 [sflag:s8], $0x0  }
0x24: {  	s3 =	sadd.s32 $0x88, s3;
	s6 =	simm.s32 @!p1 $0x1082;
	[sflag:s4] =	ssyncset.s32 $0xFFFFF086  }
0x25: {  	[simem:s6], [sflag:s4] =	dma.local [hbm:s3], $0xF7A  }
0x26: {  	[smem:$0x3F97] =	sst s1;
	(tag) =	ssettag s2;
	_ =	strace s9  }
0x27: {  	s1 =	sld [smem:$0x3FA7]  }
0x28: {  	s2 =	sld [smem:$0x3FA8]  }
0x29: {  	s4 =	sld [smem:$0x3FAA]  }
0x2a: {  	p0 =	seq.s32 s5, $0x0;
	s5 =	sld [smem:$0x3FAB]  }
0x2b: {  	s6 =	sld [smem:$0x3FAC]  }
0x2c: {  	s7 =	sld [smem:$0x3FAD]  }
0x2d: {  	s3 =	simm.s32 $0x108;
	s8 =	sld [smem:$0x3FAE]  }
0x2e: {  	s3 =	simm.s32 @!p0 $0x1082;
	s9 =	sld [smem:$0x3FAF]  }
0x2f: {  	lr =	sadd.s32 s0, s3;
	s0 =	sld [smem:$0x3FA6]  }
0x30: {  	s3 =	sld [smem:$0x3FA9]  }
0x31: {  	[smem:$0x3FB2] =	sst s10  }
0x32: {  	s10 =	sld [smem:$0x3FB0];
	_ =	sdelay $0x3  }
0x33: {  	p0 =	seq.s32 s10, $0x1;
	s10 =	sld [smem:$0x3FB2];
	_ =	sdelay $0x3  }
0x34: {  	[smem:$0x3FB2] =	sst s10  }
0x35: {  	s10 =	sld [smem:$0x3FB1];
	_ =	sdelay $0x3  }
0x36: {  	p1 =	seq.s32 s10, $0x1;
	s10 =	sld [smem:$0x3FB2];
	_ =	sdelay $0x3  }
0x37: {  	[smem:$0x3FB2] =	sst s10  }
0x38: {  	s10 =	sld [smem:$0x3FB3]  }
0x39: {  	_ = 	snop;
	(pc) =	sbr.ind lr, $3  }
0x3a: {  	_ = 	snop  }
0x3b: {  	_ = 	snop  }
0x3c: {  	p2 =	seq.s32 s10, $0x1;
	s10 =	sld [smem:$0x3FB2]  }
0x3d: {  	_ =	shalt  }
0x3e: {  	_ =	shalt  }
0x3f: {  	_ =	shalt  }
0x40: {  	_ =	shalt  }
0x41: {  	_ =	shalt  }
0x42: {  	_ =	shalt  }
0x43: {  	_ =	shalt  }
0x44: {  	_ =	shalt  }
0x45: {  	_ =	shalt  }
0x46: {  	_ =	shalt  }
0x47: {  	_ =	shalt  }
0x48: {  	_ =	shalt  }
0x49: {  	_ =	shalt  }
0x4a: {  	_ =	shalt  }
0x4b: {  	_ =	shalt  }
0x4c: {  	_ =	shalt  }
0x4d: {  	_ =	shalt  }
0x4e: {  	_ =	shalt  }
0x4f: {  	_ =	shalt  }
0x50: {  	_ =	shalt  }
0x51: {  	_ =	shalt  }
0x52: {  	_ =	shalt  }
0x53: {  	_ =	shalt  }
0x54: {  	_ =	shalt  }
0x55: {  	_ =	shalt  }
0x56: {  	_ =	shalt  }
0x57: {  	_ =	shalt  }
0x58: {  	_ =	shalt  }
0x59: {  	_ =	shalt  }
0x5a: {  	_ =	shalt  }
0x5b: {  	_ =	shalt  }
0x5c: {  	_ =	shalt  }
0x5d: {  	_ =	shalt  }
0x5e: {  	_ =	shalt  }
0x5f: {  	_ =	shalt  }
0x60: {  	_ =	shalt  }
0x61: {  	_ =	shalt  }
0x62: {  	_ =	shalt  }
0x63: {  	_ =	shalt  }
0x64: {  	_ =	shalt  }
0x65: {  	_ =	shalt  }
0x66: {  	_ =	shalt  }
0x67: {  	_ =	shalt  }
0x68: {  	_ =	shalt  }
0x69: {  	_ =	shalt  }
0x6a: {  	_ =	shalt  }
0x6b: {  	_ =	shalt  }
0x6c: {  	_ =	shalt  }
0x6d: {  	_ =	shalt  }
0x6e: {  	_ =	shalt  }
0x6f: {  	_ =	shalt  }
0x70: {  	_ =	shalt  }
0x71: {  	_ =	shalt  }
0x72: {  	_ =	shalt  }
0x73: {  	_ =	shalt  }
0x74: {  	_ =	shalt  }
0x75: {  	_ =	shalt  }
0x76: {  	_ =	shalt  }
0x77: {  	_ =	shalt  }
0x78: {  	_ =	shalt  }
0x79: {  	_ =	shalt  }
0x7a: {  	_ =	shalt  }
0x7b: {  	_ =	shalt  }
0x7c: {  	_ =	shalt  }
0x7d: {  	_ =	shalt  }
0x7e: {  	_ =	shalt  }
0x7f: {  	_ =	shalt  }
0x80: {  	_ =	shalt  }
0x81: {  	_ =	shalt  }
0x82: {  	_ =	shalt  }
0x83: {  	_ =	shalt  }
0x84: {  	_ =	shalt  }
0x85: {  	_ =	shalt  }
0x86: {  	_ =	shalt  }
0x87: {  	_ =	shalt  }
.Lfunc_end0:
.L_simem_size_0:
called_computation.2_lowered:
.L_overlay_start_0:
0x88: {  	s2 =	sld [smem:$0x3FD9]  }
0x89: {  	s3 =	sld [smem:$0x3FFE];
	_ =	sdelay $0x1  }
0x8a: {  	s1 =	srdreg.scid  }
0x8b: {  	s0 =	sand.u32 $0x1, s1  }
0x8c: {  	s14 =	sshll.u32 s0, $0xA;
	s2 =	sadd.s32 s3, s2  }
0x8d: {  	s2 =	sadd.s32 s2, s14  }
0x8e: {  	[smem:$0x3FBE] =	sst s2  }
0x8f: {  	_ = 	snop  }
0x90: {  	s2 =	sld [smem:$0x3FD0];
	_ =	sdelay $0x2  }
0x91: {  	s15 =	simm.s32 $0xA;
	s4 =	simm.s32 $0x10  }
0x92: {  	[smem:s4], [sflag:s15] =	dma.local [hbm:s2], $0x1  }
0x93: {  	_ =	swait.eq [sflag:s15], $0x1  }
0x94: {  	[sflag:s15] =	ssyncset.done $0x0  }
0x95: {  	[sflag:s15] =	ssyncadd.s32 $0xFFFFFFFF  }
0x96: {  	s16 =	sld [smem:$0x10];
	(tm) =	ssettm $0x1  }
0x97: {  	s17 =	sld [smem:$0x3FFB];
	_ =	sdelay $0x3  }
0x98: {  	_ =	strace s17  }
0x99: {  	s3 =	sld [smem:$0x3FFC];
	_ =	sdelay $0x3  }
0x9a: {  	_ =	strace s3  }
0x9b: {  	s3 =	sld [smem:$0x3FFD];
	_ =	sdelay $0x3  }
0x9c: {  	_ =	strace s3  }
0x9d: {  	_ =	strace $0x8FFFFFFF  }
0x9e: {  	s18 =	sld [smem:$0x3FDB];
	_ =	sdelay $0x1  }
0x9f: {  	s19 =	simm.s32 $_scs_section_size  }
0xa0: {  	s5 =	simm.s32 $_size__tile_overlayer_lowered;
	s6 =	simm.s32 $_tile_overlayer_lowered  }
0xa1: {  	s22 =	simm.s32 $0x1BFF;
	s21 =	sshll.u32 s6, $0x1;
	s3 =	sadd.s32 s19, s18  }
0xa2: {  	s7 =	simm.s32 $0x0;
	s20 =	sshll.u32 s5, $0x1;
	s5 =	sadd.s32 s21, s3  }
0xa3: {  	[timem:s7], [sflag:s22] =	dma.local [hbm:s5], s20  }
0xa4: {  	_ =	swait.ge [sflag:s22], s20  }
0xa5: {  	s4 =	ssub.s32 $0x0, s20;
	[sflag:s22] =	ssyncset.done $0x0  }
0xa6: {  	[sflag:s22] =	ssyncadd.s32 s4;
	_ =	sdelay $0x1  }
0xa7: {  	s23 =	simm.s32 $0x1B8B  }
0xa8: {  	_ =	swait.ge [sflag:s23], $0x1  }
0xa9: {  	[sflag:s23] =	ssyncset.done $0x0  }
0xaa: {  	s25 =	simm.s32 $0x1B8E;
	s24 =	sld [smem:$0x3FFE];
	[sflag:s23] =	ssyncadd.s32 $0xFFFFFFFF  }
0xab: {  	s26 =	simm.s32 $execute0_lowered;
	[smem:$0x3FD2] =	sst s25  }
0xac: {  	s5 =	sshll.u32 s26, $0x1;
	_ =	strace $0x8000004C;
	[dreg:$0x1] =	wrdreg $0xFFFFFFFF  }
0xad: {  	s28 =	simm.s32 $_size_execute0_lowered;
	s3 =	sadd.s32 s3, s5;
	[dreg:$0x0] =	wrdreg $0x0  }
0xae: {  	s5 =	sshll.u32 s28, $0x1;
	[dreg:$0x2] =	wrdreg s3  }
0xaf: {  	[dreg:$0x3] =	wrdreg s5  }
0xb0: {  	[dreg:$0x4] =	wrdreg $0xC0  }
0xb1: {  	_ =	task [dreg:s7], $0x5FFFF  }
0xb2: {  	[dreg:$0x1] =	wrdreg $0xFFFFFFFF  }
0xb3: {  	[dreg:$0x0] =	wrdreg $0x60  }
0xb4: {  	[dreg:$0x2] =	wrdreg s16  }
0xb5: {  	[dreg:$0x3] =	wrdreg s24  }
0xb6: {  	[dreg:$0x4] =	wrdreg $0xA8000  }
0xb7: {  	[dreg:$0x5] =	wrdreg $0x9  }
0xb8: {  	_ =	task.clear_ibuf [dreg:s7], $0x6FFFF;
	_ =	strace $0x9000004C  }
0xb9: {  	s29 =	simm.s32 $0x9;
	_ =	strace $0x8000004E  }
0xba: {  	_ =	swait.ge [sflag:s29], $0x1  }
0xbb: {  	[sflag:s29] =	ssyncadd.s32 $0xFFFFFFFF  }
0xbc: {  	_ =	strace $0x9000004E  }
0xbd: {  	_ =	sfence  }
0xbe: {  	s30 =	sld [smem:$0x0];
	_ =	sdelay $0x2  }
0xbf: {  	s31 =	sshll.u32 s1, $0xD;
	s1 =	sshrl.u32 s1, $0x2  }
0xc0: {  	s3 =	sand.u32 $0x4000, s31;
	s1 =	sadd.s32 s1, s30  }
0xc1: {  	s0 =	sor.u32 s3, s0;
	s1 =	sshll.u32 s1, $0x11  }
0xc2: {  	s0 =	sor.u32 s1, s0  }
0xc3: {  	s0 =	sadd.s32 $0x8F2B, s0  }
0xc4: {  	[sflag:s0] =	ssyncadd.remote.s32 $0x1  }
0xc5: {  	_ =	sfence.sel $0xFFFF  }
0xc6: {  	[dreg:$0x0] =	wrdreg $0xFFFFFFFF;
	(pc) =	sbr.abs _section_cstart, $3  }
0xc7: {  	[dreg:$0x1] =	wrdreg $0xFFFFFFFF  }
0xc8: {  	_ =	task.clear_ibuf [dreg:s7], $0x2FFFF;
	_ =	strace $0x9FFFFFFF  }
0xc9: {  	(tm) =	ssettm $0x7FFFFFFF  }
tec
execute0_lowered:
.L_overlay_start_1:
0x0: {  	(tag) =	ssettag $0x1  }
0x1: {  	s1 =	rddreg [dreg:$0x0]  }
0x2: {  	s9 =	rddreg [dreg:$0x1]  }
0x3: {  	s2 =	rddreg [dreg:$0x2]  }
0x4: {  	s3 =	srdreg.scid;
	s0 =	rddreg [dreg:$0x3];
	s4 =	simm.s32 $0x0  }
0x5: {  	s15 =	simm.s32 $0x2800;
	s16 =	simm.s32 $0x6800;
	s19 =	simm.s32 $0x1  }
0x6: {  	s20 =	simm.s32 $0x2;
	s26 =	simm.s32 $0x2780;
	s28 =	simm.s32 $0x0  }
0x7: {  	s8 =	sand.u32 $0x1, s3;
	[smem:$0x7FF] =	sst s4;
	s3 =	stileid.u32  }
0x8: {  	s6 =	sadd.s32 $0x37A00, s9;
	s5 =	sshll.u32 s8, $0x4;
	s11 =	smul.u32 $0x27800, s8  }
0x9: {  	_ =	strace $0x8000004D;
	s12 =	ssub.s32 $0x2, s8;
	s14 =	smul.u32 $0x4F000, s3  }
0xa: {  	s8 =	sadd.s32 $0x8800, s9;
	s24 =	smul.u32 $0x2780, s3;
	s17 =	sshll.u32 s3, $0x6  }
0xb: {  	s7 =	sor.u32 s3, s5;
	s5 =	sadd.s32 $0x10800, s9;
	s13 =	sshrl.u32 s12, $0x1  }
0xc: {  	s17 =	sor.u32 $0x1C03, s17;
	s10 =	smul.u32 $0x280, s7;
	s7 =	sadd.s32 $0x5EC00, s9  }
0xd: {  	s11 =	sadd.s32 s11, s9;
	s12 =	ssub.s32 s12, s13;
	s31 =	sshrl.u32 s14, $0x2  }
0xe: {  	s13 =	simm.s32 $0x1400;
	s14 =	simm.s32 $0x80;
	s21 =	sadd.s32 $0xD4200, s11  }
0xf: {  	s22 =	sadd.s32 $0x123200, s11;
	s18 =	sadd.s32 s31, s2;
	s23 =	sadd.s32 $0x172200, s11  }
0x10: {  	s25 =	sadd.s32 $0x1C1200, s11;
	s11 =	smax.u32 s12, $0x1;
	s12 =	simm.s32 $0x3  }
0x11: {  	s10 =	sadd.s32 s10, s9;
	s18 =	sshrl.u32 s18, $0x3;
	s21 =	sadd.s32 s24, s21  }
0x12: {  	s22 =	sadd.s32 s24, s22;
	s23 =	sadd.s32 s24, s23;
	s24 =	sadd.s32 s24, s25  }
0x13: {  	s25 =	simm.s32 $0x2700;
	s9 =	sadd.s32 $0xB800, s10;
	s10 =	sadd.s32 $0x3800, s10  }
.LBB2_1:
0x14: {  	[tilespmem:s4], [sflag:$0x3] =	stream.linear.gather [hbm4b:s9+s4], $0x1400, $0x38;
	[tilespmem:$0x1E400] =	vst v63  }
0x15: {  	_ =	swait.ge [sflag:s12], $0x1400  }
0x16: {  	[sflag:s12] =	ssyncset.done $0x0  }
0x17: {  	[sflag:s12] =	ssyncadd.s32 $0xFFFFEC00  }
0x18: {  	[tilespmem:s13], [sflag:$0x3] =	stream.linear.gather [hbm4b:s10+s4], $0x1400, $0x38;
	[tilespmem:$0x1E400] =	vst v63  }
0x19: {  	_ =	swait.ge [sflag:s12], $0x1400  }
0x1a: {  	[sflag:s12] =	ssyncset.done $0x0  }
0x1b: {  	[sflag:s12] =	ssyncadd.s32 $0xFFFFEC00  }
0x1c: {  	[tilespmem:s15], [sflag:$0x1] =	stream.indirect.gather [hbm4b:s1+s14], $0x80, s4, s14, $0xb8;
	[tilespmem:$0x1E400] =	vst v63  }
0x1d: {  	_ = 	snop  }
0x1e: {  	[tilespmem:s16], [sflag:$0x2] =	stream.indirect.gather [hbm4b:s1+s14], $0x80, s14, s14, $0xb8;
	[tilespmem:$0x1E400] =	vst v63  }
0x1f: {  	[spmem:s18], [sflag:s17] =	dma.local [hbm:s8], $0x2780  }
0x20: {  	_ =	swait.ge [sflag:s12], $0x2780  }
0x21: {  	[sflag:s12] =	ssyncset.done $0x0  }
0x22: {  	[sflag:s12] =	ssyncadd.s32 $0xFFFFD880  }
0x23: {  	[bflag:$0x0] =	sbarrier.arrive $0xFFFF  }
0x24: {  	_ =	swait.ge [sflag:s19], $0x4000  }
0x25: {  	[sflag:s19] =	ssyncset.done $0x0  }
0x26: {  	s29 =	simm.s32 $0x1400;
	[sflag:s19] =	ssyncadd.s32 $0xFFFFC000  }
0x27: {  	[spmem:s2] =	stream.indirect.scatter.add.f32 [tilespmem:s15], [sflag:$0x3], $0x80, s29, s14, $0xb8;
	[tilespmem:$0x1E400] =	vst v63  }
0x28: {  	_ =	swait.ge [sflag:s12], $0x4000  }
0x29: {  	[sflag:s12] =	ssyncset.done $0x0  }
0x2a: {  	s29 =	simm.s32 $0x100;
	[sflag:s12] =	ssyncadd.s32 $0xFFFFC000  }
0x2b: {  	[tilespmem:s15], [sflag:$0x1] =	stream.indirect.gather [hbm4b:s1+s14], $0x80, s29, s14, $0xb8;
	[tilespmem:$0x1E400] =	vst v63  }
0x2c: {  	_ =	swait.ge [sflag:s20], $0x4000  }
0x2d: {  	[sflag:s20] =	ssyncset.done $0x0  }
0x2e: {  	s29 =	simm.s32 $0x1480;
	[sflag:s20] =	ssyncadd.s32 $0xFFFFC000  }
0x2f: {  	[spmem:s2] =	stream.indirect.scatter.add.f32 [tilespmem:s16], [sflag:$0x3], $0x80, s29, s14, $0xb8;
	[tilespmem:$0x1E400] =	vst v63  }
0x30: {  	_ =	swait.ge [sflag:s12], $0x4000  }
0x31: {  	[sflag:s12] =	ssyncset.done $0x0  }
0x32: {  	s30 =	simm.s32 $0x180;
	s29 =	simm.s32 $0x400;
	[sflag:s12] =	ssyncadd.s32 $0xFFFFC000  }
.LBB2_2:
0x33: {  	[tilespmem:s16], [sflag:$0x2] =	stream.indirect.gather [hbm4b:s1+s14], $0x80, s30, s14, $0xb8;
	[tilespmem:$0x1E400] =	vst v63  }
0x34: {  	s30 =	smov.u32 s29  }
0x35: {  	p0 =	sne.s32 s29, $0x4800;
	s29 =	sadd.s32 $0x400, s29;
	_ =	swait.ge [sflag:s19], $0x4000  }
0x36: {  	s30 =	sshra.s32 s30, $0x2;
	[sflag:s19] =	ssyncset.done $0x0  }
0x37: {  	s31 =	sadd.s32 $0x1400, s30;
	[sflag:s19] =	ssyncadd.s32 $0xFFFFC000  }
0x38: {  	[spmem:s2] =	stream.indirect.scatter.add.f32 [tilespmem:s15], [sflag:$0x3], $0x80, s31, s14, $0xb8;
	[tilespmem:$0x1E400] =	vst v63  }
0x39: {  	_ =	swait.ge [sflag:s12], $0x4000  }
0x3a: {  	[sflag:s12] =	ssyncset.done $0x0  }
0x3b: {  	s31 =	sadd.s32 $0x100, s30;
	[sflag:s12] =	ssyncadd.s32 $0xFFFFC000  }
0x3c: {  	[tilespmem:s15], [sflag:$0x1] =	stream.indirect.gather [hbm4b:s1+s14], $0x80, s31, s14, $0xb8;
	[tilespmem:$0x1E400] =	vst v63  }
0x3d: {  	_ =	swait.ge [sflag:s20], $0x4000  }
0x3e: {  	[sflag:s20] =	ssyncset.done $0x0  }
.Ltmp0:
0x3f: {  	s31 =	sadd.s32 $0x1480, s30;
	[sflag:s20] =	ssyncadd.s32 $0xFFFFC000;
	(pc) =	sbr.rel @p0 .LBB2_2-.Ltmp0, $4  }
0x40: {  	[spmem:s2] =	stream.indirect.scatter.add.f32 [tilespmem:s16], [sflag:$0x3], $0x80, s31, s14, $0xb8;
	[tilespmem:$0x1E400] =	vst v63  }
0x41: {  	_ =	swait.ge [sflag:s12], $0x4000  }
0x42: {  	[sflag:s12] =	ssyncset.done $0x0  }
0x43: {  	s30 =	sadd.s32 $0x180, s30;
	[sflag:s12] =	ssyncadd.s32 $0xFFFFC000  }
0x44: {  	[tilespmem:s16], [sflag:$0x2] =	stream.indirect.gather [hbm4b:s1+s14], $0x80, s30, s14, $0xb8;
	[tilespmem:$0x1E400] =	vst v63  }
0x45: {  	_ =	swait.ge [sflag:s19], $0x4000  }
0x46: {  	[sflag:s19] =	ssyncset.done $0x0  }
0x47: {  	[sflag:s19] =	ssyncadd.s32 $0xFFFFC000  }
0x48: {  	[spmem:s2] =	stream.indirect.scatter.add.f32 [tilespmem:s15], [sflag:$0x3], $0x80, s25, s14, $0xb8;
	[tilespmem:$0x1E400] =	vst v63  }
0x49: {  	_ =	swait.ge [sflag:s12], $0x4000  }
0x4a: {  	[sflag:s12] =	ssyncset.done $0x0  }
0x4b: {  	[sflag:s12] =	ssyncadd.s32 $0xFFFFC000  }
0x4c: {  	_ =	swait.ge [sflag:s20], $0x4000  }
0x4d: {  	[sflag:s20] =	ssyncset.done $0x0  }
0x4e: {  	[sflag:s20] =	ssyncadd.s32 $0xFFFFC000  }
0x4f: {  	[spmem:s2] =	stream.indirect.scatter.add.f32 [tilespmem:s16], [sflag:$0x3], $0x80, s26, s14, $0xb8;
	[tilespmem:$0x1E400] =	vst v63  }
0x50: {  	_ =	swait.ge [sflag:s12], $0x4000  }
0x51: {  	[sflag:s12] =	ssyncset.done $0x0  }
0x52: {  	[sflag:s12] =	ssyncadd.s32 $0xFFFFC000  }
0x53: {  	[bflag:$0x0] =	sbarrier.arrive $0xFFFF  }
0x54: {  	[hbm:s21], [sflag:s17] =	dma.local [spmem:s18], $0x2780  }
0x55: {  	_ =	swait.ge [sflag:s12], $0x2780  }
0x56: {  	[sflag:s12] =	ssyncset.done $0x0  }
0x57: {  	s29 =	simm.s32 $0x0;
	[sflag:s12] =	ssyncadd.s32 $0xFFFFD880  }
0x58: {  	[tilespmem:s15], [sflag:$0x1] =	stream.indirect.gather [hbm4b:s5+s14], $0x80, s29, s14, $0xb8;
	[tilespmem:$0x1E400] =	vst v63  }
0x59: {  	_ = 	snop  }
0x5a: {  	[tilespmem:s16], [sflag:$0x2] =	stream.indirect.gather [hbm4b:s5+s14], $0x80, s14, s14, $0xb8;
	[tilespmem:$0x1E400] =	vst v63  }
0x5b: {  	[bflag:$0x0] =	sbarrier.arrive $0xFFFF  }
0x5c: {  	_ =	swait.ge [sflag:s19], $0x4000  }
0x5d: {  	[sflag:s19] =	ssyncset.done $0x0  }
0x5e: {  	s29 =	simm.s32 $0x1400;
	[sflag:s19] =	ssyncadd.s32 $0xFFFFC000  }
0x5f: {  	[spmem:s2] =	stream.indirect.scatter.add.f32 [tilespmem:s15], [sflag:$0x3], $0x80, s29, s14, $0xb8;
	[tilespmem:$0x1E400] =	vst v63  }
0x60: {  	_ =	swait.ge [sflag:s12], $0x4000  }
0x61: {  	[sflag:s12] =	ssyncset.done $0x0  }
0x62: {  	s29 =	simm.s32 $0x100;
	[sflag:s12] =	ssyncadd.s32 $0xFFFFC000  }
0x63: {  	[tilespmem:s15], [sflag:$0x1] =	stream.indirect.gather [hbm4b:s5+s14], $0x80, s29, s14, $0xb8;
	[tilespmem:$0x1E400] =	vst v63  }
0x64: {  	_ =	swait.ge [sflag:s20], $0x4000  }
0x65: {  	[sflag:s20] =	ssyncset.done $0x0  }
0x66: {  	s29 =	simm.s32 $0x1480;
	[sflag:s20] =	ssyncadd.s32 $0xFFFFC000  }
0x67: {  	[spmem:s2] =	stream.indirect.scatter.add.f32 [tilespmem:s16], [sflag:$0x3], $0x80, s29, s14, $0xb8;
	[tilespmem:$0x1E400] =	vst v63  }
0x68: {  	_ =	swait.ge [sflag:s12], $0x4000  }
0x69: {  	[sflag:s12] =	ssyncset.done $0x0  }
0x6a: {  	s30 =	simm.s32 $0x180;
	s29 =	simm.s32 $0x400;
	[sflag:s12] =	ssyncadd.s32 $0xFFFFC000  }
.LBB2_4:
0x6b: {  	[tilespmem:s16], [sflag:$0x2] =	stream.indirect.gather [hbm4b:s5+s14], $0x80, s30, s14, $0xb8;
	[tilespmem:$0x1E400] =	vst v63  }
0x6c: {  	s30 =	smov.u32 s29  }
0x6d: {  	p0 =	sne.s32 s29, $0x4800;
	s29 =	sadd.s32 $0x400, s29;
	_ =	swait.ge [sflag:s19], $0x4000  }
0x6e: {  	s30 =	sshra.s32 s30, $0x2;
	[sflag:s19] =	ssyncset.done $0x0  }
0x6f: {  	s31 =	sadd.s32 $0x1400, s30;
	[sflag:s19] =	ssyncadd.s32 $0xFFFFC000  }
0x70: {  	[spmem:s2] =	stream.indirect.scatter.add.f32 [tilespmem:s15], [sflag:$0x3], $0x80, s31, s14, $0xb8;
	[tilespmem:$0x1E400] =	vst v63  }
0x71: {  	_ =	swait.ge [sflag:s12], $0x4000  }
0x72: {  	[sflag:s12] =	ssyncset.done $0x0  }
0x73: {  	s31 =	sadd.s32 $0x100, s30;
	[sflag:s12] =	ssyncadd.s32 $0xFFFFC000  }
0x74: {  	[tilespmem:s15], [sflag:$0x1] =	stream.indirect.gather [hbm4b:s5+s14], $0x80, s31, s14, $0xb8;
	[tilespmem:$0x1E400] =	vst v63  }
0x75: {  	_ =	swait.ge [sflag:s20], $0x4000  }
0x76: {  	[sflag:s20] =	ssyncset.done $0x0  }
.Ltmp1:
0x77: {  	s31 =	sadd.s32 $0x1480, s30;
	[sflag:s20] =	ssyncadd.s32 $0xFFFFC000;
	(pc) =	sbr.rel @p0 .LBB2_4-.Ltmp1, $4  }
0x78: {  	[spmem:s2] =	stream.indirect.scatter.add.f32 [tilespmem:s16], [sflag:$0x3], $0x80, s31, s14, $0xb8;
	[tilespmem:$0x1E400] =	vst v63  }
0x79: {  	_ =	swait.ge [sflag:s12], $0x4000  }
0x7a: {  	[sflag:s12] =	ssyncset.done $0x0  }
0x7b: {  	s30 =	sadd.s32 $0x180, s30;
	[sflag:s12] =	ssyncadd.s32 $0xFFFFC000  }
0x7c: {  	[tilespmem:s16], [sflag:$0x2] =	stream.indirect.gather [hbm4b:s5+s14], $0x80, s30, s14, $0xb8;
	[tilespmem:$0x1E400] =	vst v63  }
0x7d: {  	_ =	swait.ge [sflag:s19], $0x4000  }
0x7e: {  	[sflag:s19] =	ssyncset.done $0x0  }
0x7f: {  	[sflag:s19] =	ssyncadd.s32 $0xFFFFC000  }
0x80: {  	[spmem:s2] =	stream.indirect.scatter.add.f32 [tilespmem:s15], [sflag:$0x3], $0x80, s25, s14, $0xb8;
	[tilespmem:$0x1E400] =	vst v63  }
0x81: {  	_ =	swait.ge [sflag:s12], $0x4000  }
0x82: {  	[sflag:s12] =	ssyncset.done $0x0  }
0x83: {  	[sflag:s12] =	ssyncadd.s32 $0xFFFFC000  }
0x84: {  	_ =	swait.ge [sflag:s20], $0x4000  }
0x85: {  	[sflag:s20] =	ssyncset.done $0x0  }
0x86: {  	[sflag:s20] =	ssyncadd.s32 $0xFFFFC000  }
0x87: {  	[spmem:s2] =	stream.indirect.scatter.add.f32 [tilespmem:s16], [sflag:$0x3], $0x80, s26, s14, $0xb8;
	[tilespmem:$0x1E400] =	vst v63  }
0x88: {  	_ =	swait.ge [sflag:s12], $0x4000  }
0x89: {  	[sflag:s12] =	ssyncset.done $0x0  }
0x8a: {  	[sflag:s12] =	ssyncadd.s32 $0xFFFFC000  }
0x8b: {  	[bflag:$0x0] =	sbarrier.arrive $0xFFFF  }
0x8c: {  	[hbm:s22], [sflag:s17] =	dma.local [spmem:s18], $0x2780  }
0x8d: {  	_ =	swait.ge [sflag:s12], $0x2780  }
0x8e: {  	[sflag:s12] =	ssyncset.done $0x0  }
0x8f: {  	s29 =	simm.s32 $0x0;
	[sflag:s12] =	ssyncadd.s32 $0xFFFFD880  }
0x90: {  	[tilespmem:s15], [sflag:$0x1] =	stream.indirect.gather [hbm4b:s6+s14], $0x80, s29, s14, $0xb8;
	[tilespmem:$0x1E400] =	vst v63  }
0x91: {  	_ = 	snop  }
0x92: {  	[tilespmem:s16], [sflag:$0x2] =	stream.indirect.gather [hbm4b:s6+s14], $0x80, s14, s14, $0xb8;
	[tilespmem:$0x1E400] =	vst v63  }
0x93: {  	[bflag:$0x0] =	sbarrier.arrive $0xFFFF  }
0x94: {  	_ =	swait.ge [sflag:s19], $0x4000  }
0x95: {  	[sflag:s19] =	ssyncset.done $0x0  }
0x96: {  	s29 =	simm.s32 $0x1400;
	[sflag:s19] =	ssyncadd.s32 $0xFFFFC000  }
0x97: {  	[spmem:s2] =	stream.indirect.scatter.add.f32 [tilespmem:s15], [sflag:$0x3], $0x80, s29, s14, $0xb8;
	[tilespmem:$0x1E400] =	vst v63  }
0x98: {  	_ =	swait.ge [sflag:s12], $0x4000  }
0x99: {  	[sflag:s12] =	ssyncset.done $0x0  }
0x9a: {  	s29 =	simm.s32 $0x100;
	[sflag:s12] =	ssyncadd.s32 $0xFFFFC000  }
0x9b: {  	[tilespmem:s15], [sflag:$0x1] =	stream.indirect.gather [hbm4b:s6+s14], $0x80, s29, s14, $0xb8;
	[tilespmem:$0x1E400] =	vst v63  }
0x9c: {  	_ =	swait.ge [sflag:s20], $0x4000  }
0x9d: {  	[sflag:s20] =	ssyncset.done $0x0  }
0x9e: {  	s29 =	simm.s32 $0x1480;
	[sflag:s20] =	ssyncadd.s32 $0xFFFFC000  }
0x9f: {  	[spmem:s2] =	stream.indirect.scatter.add.f32 [tilespmem:s16], [sflag:$0x3], $0x80, s29, s14, $0xb8;
	[tilespmem:$0x1E400] =	vst v63  }
0xa0: {  	_ =	swait.ge [sflag:s12], $0x4000  }
0xa1: {  	[sflag:s12] =	ssyncset.done $0x0  }
0xa2: {  	s30 =	simm.s32 $0x180;
	s29 =	simm.s32 $0x400;
	[sflag:s12] =	ssyncadd.s32 $0xFFFFC000  }
.LBB2_6:
0xa3: {  	[tilespmem:s16], [sflag:$0x2] =	stream.indirect.gather [hbm4b:s6+s14], $0x80, s30, s14, $0xb8;
	[tilespmem:$0x1E400] =	vst v63  }
0xa4: {  	s30 =	smov.u32 s29  }
0xa5: {  	p0 =	sne.s32 s29, $0x4800;
	s29 =	sadd.s32 $0x400, s29;
	_ =	swait.ge [sflag:s19], $0x4000  }
0xa6: {  	s30 =	sshra.s32 s30, $0x2;
	[sflag:s19] =	ssyncset.done $0x0  }
0xa7: {  	s31 =	sadd.s32 $0x1400, s30;
	[sflag:s19] =	ssyncadd.s32 $0xFFFFC000  }
0xa8: {  	[spmem:s2] =	stream.indirect.scatter.add.f32 [tilespmem:s15], [sflag:$0x3], $0x80, s31, s14, $0xb8;
	[tilespmem:$0x1E400] =	vst v63  }
0xa9: {  	_ =	swait.ge [sflag:s12], $0x4000  }
0xaa: {  	[sflag:s12] =	ssyncset.done $0x0  }
0xab: {  	s31 =	sadd.s32 $0x100, s30;
	[sflag:s12] =	ssyncadd.s32 $0xFFFFC000  }
0xac: {  	[tilespmem:s15], [sflag:$0x1] =	stream.indirect.gather [hbm4b:s6+s14], $0x80, s31, s14, $0xb8;
	[tilespmem:$0x1E400] =	vst v63  }
0xad: {  	_ =	swait.ge [sflag:s20], $0x4000  }
0xae: {  	[sflag:s20] =	ssyncset.done $0x0  }
.Ltmp2:
0xaf: {  	s31 =	sadd.s32 $0x1480, s30;
	[sflag:s20] =	ssyncadd.s32 $0xFFFFC000;
	(pc) =	sbr.rel @p0 .LBB2_6-.Ltmp2, $4  }
0xb0: {  	[spmem:s2] =	stream.indirect.scatter.add.f32 [tilespmem:s16], [sflag:$0x3], $0x80, s31, s14, $0xb8;
	[tilespmem:$0x1E400] =	vst v63  }
0xb1: {  	_ =	swait.ge [sflag:s12], $0x4000  }
0xb2: {  	[sflag:s12] =	ssyncset.done $0x0  }
0xb3: {  	s30 =	sadd.s32 $0x180, s30;
	[sflag:s12] =	ssyncadd.s32 $0xFFFFC000  }
0xb4: {  	[tilespmem:s16], [sflag:$0x2] =	stream.indirect.gather [hbm4b:s6+s14], $0x80, s30, s14, $0xb8;
	[tilespmem:$0x1E400] =	vst v63  }
0xb5: {  	_ =	swait.ge [sflag:s19], $0x4000  }
0xb6: {  	[sflag:s19] =	ssyncset.done $0x0  }
0xb7: {  	[sflag:s19] =	ssyncadd.s32 $0xFFFFC000  }
0xb8: {  	[spmem:s2] =	stream.indirect.scatter.add.f32 [tilespmem:s15], [sflag:$0x3], $0x80, s25, s14, $0xb8;
	[tilespmem:$0x1E400] =	vst v63  }
0xb9: {  	_ =	swait.ge [sflag:s12], $0x4000  }
0xba: {  	[sflag:s12] =	ssyncset.done $0x0  }
0xbb: {  	[sflag:s12] =	ssyncadd.s32 $0xFFFFC000  }
0xbc: {  	_ =	swait.ge [sflag:s20], $0x4000  }
0xbd: {  	[sflag:s20] =	ssyncset.done $0x0  }
0xbe: {  	[sflag:s20] =	ssyncadd.s32 $0xFFFFC000  }
0xbf: {  	[spmem:s2] =	stream.indirect.scatter.add.f32 [tilespmem:s16], [sflag:$0x3], $0x80, s26, s14, $0xb8;
	[tilespmem:$0x1E400] =	vst v63  }
0xc0: {  	_ =	swait.ge [sflag:s12], $0x4000  }
0xc1: {  	[sflag:s12] =	ssyncset.done $0x0  }
0xc2: {  	[sflag:s12] =	ssyncadd.s32 $0xFFFFC000  }
0xc3: {  	[bflag:$0x0] =	sbarrier.arrive $0xFFFF  }
0xc4: {  	[hbm:s23], [sflag:s17] =	dma.local [spmem:s18], $0x2780  }
0xc5: {  	_ =	swait.ge [sflag:s12], $0x2780  }
0xc6: {  	[sflag:s12] =	ssyncset.done $0x0  }
0xc7: {  	s29 =	simm.s32 $0x0;
	[sflag:s12] =	ssyncadd.s32 $0xFFFFD880  }
0xc8: {  	[tilespmem:s15], [sflag:$0x1] =	stream.indirect.gather [hbm4b:s7+s14], $0x80, s29, s14, $0xb8;
	[tilespmem:$0x1E400] =	vst v63  }
0xc9: {  	_ = 	snop  }
0xca: {  	[tilespmem:s16], [sflag:$0x2] =	stream.indirect.gather [hbm4b:s7+s14], $0x80, s14, s14, $0xb8;
	[tilespmem:$0x1E400] =	vst v63  }
0xcb: {  	[bflag:$0x0] =	sbarrier.arrive $0xFFFF  }
0xcc: {  	_ =	swait.ge [sflag:s19], $0x4000  }
0xcd: {  	[sflag:s19] =	ssyncset.done $0x0  }
0xce: {  	s29 =	simm.s32 $0x1400;
	[sflag:s19] =	ssyncadd.s32 $0xFFFFC000  }
0xcf: {  	[spmem:s2] =	stream.indirect.scatter.add.f32 [tilespmem:s15], [sflag:$0x3], $0x80, s29, s14, $0xb8;
	[tilespmem:$0x1E400] =	vst v63  }
0xd0: {  	_ =	swait.ge [sflag:s12], $0x4000  }
0xd1: {  	[sflag:s12] =	ssyncset.done $0x0  }
0xd2: {  	s29 =	simm.s32 $0x100;
	[sflag:s12] =	ssyncadd.s32 $0xFFFFC000  }
0xd3: {  	[tilespmem:s15], [sflag:$0x1] =	stream.indirect.gather [hbm4b:s7+s14], $0x80, s29, s14, $0xb8;
	[tilespmem:$0x1E400] =	vst v63  }
0xd4: {  	_ =	swait.ge [sflag:s20], $0x4000  }
0xd5: {  	[sflag:s20] =	ssyncset.done $0x0  }
0xd6: {  	s29 =	simm.s32 $0x1480;
	[sflag:s20] =	ssyncadd.s32 $0xFFFFC000  }
0xd7: {  	[spmem:s2] =	stream.indirect.scatter.add.f32 [tilespmem:s16], [sflag:$0x3], $0x80, s29, s14, $0xb8;
	[tilespmem:$0x1E400] =	vst v63  }
0xd8: {  	_ =	swait.ge [sflag:s12], $0x4000  }
0xd9: {  	[sflag:s12] =	ssyncset.done $0x0  }
0xda: {  	s30 =	simm.s32 $0x180;
	s29 =	simm.s32 $0x400;
	[sflag:s12] =	ssyncadd.s32 $0xFFFFC000  }
.LBB2_8:
0xdb: {  	[tilespmem:s16], [sflag:$0x2] =	stream.indirect.gather [hbm4b:s7+s14], $0x80, s30, s14, $0xb8;
	[tilespmem:$0x1E400] =	vst v63  }
0xdc: {  	s30 =	smov.u32 s29  }
0xdd: {  	p0 =	sne.s32 s29, $0x4800;
	s29 =	sadd.s32 $0x400, s29;
	_ =	swait.ge [sflag:s19], $0x4000  }
0xde: {  	s30 =	sshra.s32 s30, $0x2;
	[sflag:s19] =	ssyncset.done $0x0  }
0xdf: {  	s31 =	sadd.s32 $0x1400, s30;
	[sflag:s19] =	ssyncadd.s32 $0xFFFFC000  }
0xe0: {  	[spmem:s2] =	stream.indirect.scatter.add.f32 [tilespmem:s15], [sflag:$0x3], $0x80, s31, s14, $0xb8;
	[tilespmem:$0x1E400] =	vst v63  }
0xe1: {  	_ =	swait.ge [sflag:s12], $0x4000  }
0xe2: {  	[sflag:s12] =	ssyncset.done $0x0  }
0xe3: {  	s31 =	sadd.s32 $0x100, s30;
	[sflag:s12] =	ssyncadd.s32 $0xFFFFC000  }
0xe4: {  	[tilespmem:s15], [sflag:$0x1] =	stream.indirect.gather [hbm4b:s7+s14], $0x80, s31, s14, $0xb8;
	[tilespmem:$0x1E400] =	vst v63  }
0xe5: {  	_ =	swait.ge [sflag:s20], $0x4000  }
0xe6: {  	[sflag:s20] =	ssyncset.done $0x0  }
.Ltmp3:
0xe7: {  	s31 =	sadd.s32 $0x1480, s30;
	[sflag:s20] =	ssyncadd.s32 $0xFFFFC000;
	(pc) =	sbr.rel @p0 .LBB2_8-.Ltmp3, $4  }
0xe8: {  	[spmem:s2] =	stream.indirect.scatter.add.f32 [tilespmem:s16], [sflag:$0x3], $0x80, s31, s14, $0xb8;
	[tilespmem:$0x1E400] =	vst v63  }
0xe9: {  	_ =	swait.ge [sflag:s12], $0x4000  }
0xea: {  	[sflag:s12] =	ssyncset.done $0x0  }
0xeb: {  	s30 =	sadd.s32 $0x180, s30;
	[sflag:s12] =	ssyncadd.s32 $0xFFFFC000  }
0xec: {  	[tilespmem:s16], [sflag:$0x2] =	stream.indirect.gather [hbm4b:s7+s14], $0x80, s30, s14, $0xb8;
	[tilespmem:$0x1E400] =	vst v63  }
0xed: {  	_ =	swait.ge [sflag:s19], $0x4000  }
0xee: {  	[sflag:s19] =	ssyncset.done $0x0  }
0xef: {  	[sflag:s19] =	ssyncadd.s32 $0xFFFFC000  }
0xf0: {  	[spmem:s2] =	stream.indirect.scatter.add.f32 [tilespmem:s15], [sflag:$0x3], $0x80, s25, s14, $0xb8;
	[tilespmem:$0x1E400] =	vst v63  }
0xf1: {  	_ =	swait.ge [sflag:s12], $0x4000  }
0xf2: {  	[sflag:s12] =	ssyncset.done $0x0  }
0xf3: {  	[sflag:s12] =	ssyncadd.s32 $0xFFFFC000  }
0xf4: {  	_ =	swait.ge [sflag:s20], $0x4000  }
0xf5: {  	[sflag:s20] =	ssyncset.done $0x0  }
0xf6: {  	[sflag:s20] =	ssyncadd.s32 $0xFFFFC000  }
0xf7: {  	[spmem:s2] =	stream.indirect.scatter.add.f32 [tilespmem:s16], [sflag:$0x3], $0x80, s26, s14, $0xb8;
	[tilespmem:$0x1E400] =	vst v63  }
0xf8: {  	_ =	swait.ge [sflag:s12], $0x4000  }
0xf9: {  	s28 =	sadd.s32 $0x1, s28;
	[sflag:s12] =	ssyncset.done $0x0  }
0xfa: {  	p0 =	sne.s32 s28, s11;
	[sflag:s12] =	ssyncadd.s32 $0xFFFFC000  }
.Ltmp4:
0xfb: {  	[bflag:$0x0] =	sbarrier.arrive $0xFFFF;
	(pc) =	sbr.rel @p0 .LBB2_1-.Ltmp4, $4  }
0xfc: {  	[hbm:s24], [sflag:s17] =	dma.local [spmem:s18], $0x2780  }
0xfd: {  	_ =	swait.ge [sflag:s12], $0x2780  }
0xfe: {  	[sflag:s12] =	ssyncset.done $0x0  }
0xff: {  	[sflag:s12] =	ssyncadd.s32 $0xFFFFD880  }
0x100: {  	_ =	sfence.sel $0x180000  }
0x101: {  	[bflag:$0x0] =	sbarrier.arrive $0xFFFF  }
0x102: {  	p0 =	sne.s32 s3, $0x0;
	_ =	strace $0x9000004D  }
0x103: {  	s0 =	sadd.s32 @!p0 $0x100000, s0;
	[bflag:$0x2] =	sbarrier.arrive $0xFFFF  }
0x104: {  	[sflag:s0] =	ssyncadd.tile.s32 @!p0 $0x1;
	_ =	shalt  }
.Lfunc_end2:
_tile_overlayer_lowered:
.L_overlay_start_2:
0x105: {  	(tag) =	ssettag $0x2  }
0x106: {  	s0 =	rddreg [dreg:$0x0];
	s2 =	stileid.u32  }
0x107: {  	s1 =	rddreg [dreg:$0x1];
	p0 =	sne.s32 s2, $0x0  }
0x108: {  	s3 =	rddreg [dreg:$0x2];
	[bflag:$0x3] =	sbarrier.arrive $0xFFFF;
	s2 =	simm.s32 @!p0 $0x1C03  }
0x109: {  	[timem:s3], [sflag:s2] =	dma.local @!p0 [hbm:s0], s1  }
0x10a: {  	s0 =	simm.s32 @!p0 $0x3  }
0x10b: {  	_ =	swait.ge @!p0 [sflag:s0], s1  }
0x10c: {  	s1 =	ssub.s32 @!p0 $0x0, s1;
	[sflag:s0] =	ssyncset.done @!p0 $0x0  }
0x10d: {  	[sflag:s0] =	ssyncadd.s32 @!p0 s1  }
0x10e: {  	[bflag:$0x3] =	sbarrier.arrive $0xFFFF  }
0x10f: {  	_ =	shalt  }

// kernel: kernel.8.cloned.1.call-start
scs
__scs_entry_jumppad:
0x0: {  	(pc) =	sbr.rel $0x88, $3  }
0x1: {  	(tag) =	ssettag $0x0;
	lr =	simm.s32 $0x1  }
0x2: {  	[smem:$0x3F97] =	sst lr;
	_ =	strace $0xD0000000  }
0x3: {  	_ = 	snop  }
0x4: {  	_ = 	snop  }
0x5: {  	_ = 	snop  }
0x6: {  	_ = 	snop  }
0x7: {  	_ = 	snop  }
__scs_overlays_trampoline_lowered:
0x8: {  	[smem:$0x3FA6] =	sst s0  }
0x9: {  	[smem:$0x3FA7] =	sst s1  }
0xa: {  	[smem:$0x3FA8] =	sst s2  }
0xb: {  	[smem:$0x3FA9] =	sst s3  }
0xc: {  	[smem:$0x3FAA] =	sst s4  }
0xd: {  	[smem:$0x3FAB] =	sst s5  }
0xe: {  	[smem:$0x3FAC] =	sst s6  }
0xf: {  	[smem:$0x3FAD] =	sst s7  }
0x10: {  	[smem:$0x3FAE] =	sst s8  }
0x11: {  	[smem:$0x3FAF] =	sst s9;
	s0 =	simm.s32 @!p0 $0x0  }
0x12: {  	s1 =	sld [smem:$0x3F95];
	s0 =	simm.s32 @p0 $0x1  }
0x13: {  	[smem:$0x3FB0] =	sst s0;
	s0 =	simm.s32 @!p1 $0x0  }
0x14: {  	s2 =	sld [smem:$0x3F94];
	s0 =	simm.s32 @p1 $0x1  }
0x15: {  	[smem:$0x3FB1] =	sst s0;
	s0 =	simm.s32 @!p2 $0x0  }
0x16: {  	s3 =	sld [smem:$0x3FDB];
	s0 =	simm.s32 @p2 $0x1  }
0x17: {  	s4 =	simm.s32 $0x1BF5;
	[smem:$0x3FB3] =	sst s0  }
0x18: {  	s0 =	sld [smem:$0x3F96];
	_ =	swait.ge [sflag:s4], $0x0  }
0x19: {  	s7 =	sld [smem:$0x3F97]  }
0x1a: {  	s8 =	sadd.s32 $0xFFFFE003, lr  }
0x1b: {  	s9 =	sadd.s32 $0xFFFFFEF7, lr;
	s5 =	simm.s32 $0xFFFFFFFF;
	p2 =	slt.u32 s8, $0xFFFFF086  }
0x1c: {  	p1 =	slt.u32 s9, $0xF7A;
	s5 =	simm.s32 @!p2 $0x0  }
0x1d: {  	s5 =	simm.s32 @p1 $0x1;
	p0 =	seq.s32 s7, s2  }
0x1e: {  	s7 =	smul.u32 @!p0 $0xF7A, s2;
	p2 =	seq.s32 @!p0 s5, $0x0  }
0x1f: {  	s9 =	smul.u32 $0xF7A, s1;
	s8 =	simm.s32 @!p0 $0x1BF5;
	p2 =	por !p2, p0  }
0x20: {  	[sflag:s8] =	ssyncset.s32 @!p0 $0xFFFFF086;
	s6 =	sadd.s32 @!p0 s3, s7;
	s7 =	simm.s32 @!p0 $0x108  }
0x21: {  	s3 =	sadd.s32 s3, s9;
	s6 =	sadd.s32 @!p0 $0x88, s6;
	s7 =	simm.s32 @p2 $0x1082  }
0x22: {  	[simem:s7], [sflag:s8] =	dma.local @!p0 [hbm:s6], $0xF7A  }
0x23: {  	s9 =	sor.u32 $0xD0000000, s2;
	s6 =	simm.s32 $0x108;
	_ =	swait.ge @!p0 [sflag:s8], $0x0  }
0x24: {  	s3 =	sadd.s32 $0x88, s3;
	s6 =	simm.s32 @!p1 $0x1082;
	[sflag:s4] =	ssyncset.s32 $0xFFFFF086  }
0x25: {  	[simem:s6], [sflag:s4] =	dma.local [hbm:s3], $0xF7A  }
0x26: {  	[smem:$0x3F97] =	sst s1;
	(tag) =	ssettag s2;
	_ =	strace s9  }
0x27: {  	s1 =	sld [smem:$0x3FA7]  }
0x28: {  	s2 =	sld [smem:$0x3FA8]  }
0x29: {  	s4 =	sld [smem:$0x3FAA]  }
0x2a: {  	p0 =	seq.s32 s5, $0x0;
	s5 =	sld [smem:$0x3FAB]  }
0x2b: {  	s6 =	sld [smem:$0x3FAC]  }
0x2c: {  	s7 =	sld [smem:$0x3FAD]  }
0x2d: {  	s3 =	simm.s32 $0x108;
	s8 =	sld [smem:$0x3FAE]  }
0x2e: {  	s3 =	simm.s32 @!p0 $0x1082;
	s9 =	sld [smem:$0x3FAF]  }
0x2f: {  	lr =	sadd.s32 s0, s3;
	s0 =	sld [smem:$0x3FA6]  }
0x30: {  	s3 =	sld [smem:$0x3FA9]  }
0x31: {  	[smem:$0x3FB2] =	sst s10  }
0x32: {  	s10 =	sld [smem:$0x3FB0];
	_ =	sdelay $0x3  }
0x33: {  	p0 =	seq.s32 s10, $0x1;
	s10 =	sld [smem:$0x3FB2];
	_ =	sdelay $0x3  }
0x34: {  	[smem:$0x3FB2] =	sst s10  }
0x35: {  	s10 =	sld [smem:$0x3FB1];
	_ =	sdelay $0x3  }
0x36: {  	p1 =	seq.s32 s10, $0x1;
	s10 =	sld [smem:$0x3FB2];
	_ =	sdelay $0x3  }
0x37: {  	[smem:$0x3FB2] =	sst s10  }
0x38: {  	s10 =	sld [smem:$0x3FB3]  }
0x39: {  	_ = 	snop;
	(pc) =	sbr.ind lr, $3  }
0x3a: {  	_ = 	snop  }
0x3b: {  	_ = 	snop  }
0x3c: {  	p2 =	seq.s32 s10, $0x1;
	s10 =	sld [smem:$0x3FB2]  }
0x3d: {  	_ =	shalt  }
0x3e: {  	_ =	shalt  }
0x3f: {  	_ =	shalt  }
0x40: {  	_ =	shalt  }
0x41: {  	_ =	shalt  }
0x42: {  	_ =	shalt  }
0x43: {  	_ =	shalt  }
0x44: {  	_ =	shalt  }
0x45: {  	_ =	shalt  }
0x46: {  	_ =	shalt  }
0x47: {  	_ =	shalt  }
0x48: {  	_ =	shalt  }
0x49: {  	_ =	shalt  }
0x4a: {  	_ =	shalt  }
0x4b: {  	_ =	shalt  }
0x4c: {  	_ =	shalt  }
0x4d: {  	_ =	shalt  }
0x4e: {  	_ =	shalt  }
0x4f: {  	_ =	shalt  }
0x50: {  	_ =	shalt  }
0x51: {  	_ =	shalt  }
0x52: {  	_ =	shalt  }
0x53: {  	_ =	shalt  }
0x54: {  	_ =	shalt  }
0x55: {  	_ =	shalt  }
0x56: {  	_ =	shalt  }
0x57: {  	_ =	shalt  }
0x58: {  	_ =	shalt  }
0x59: {  	_ =	shalt  }
0x5a: {  	_ =	shalt  }
0x5b: {  	_ =	shalt  }
0x5c: {  	_ =	shalt  }
0x5d: {  	_ =	shalt  }
0x5e: {  	_ =	shalt  }
0x5f: {  	_ =	shalt  }
0x60: {  	_ =	shalt  }
0x61: {  	_ =	shalt  }
0x62: {  	_ =	shalt  }
0x63: {  	_ =	shalt  }
0x64: {  	_ =	shalt  }
0x65: {  	_ =	shalt  }
0x66: {  	_ =	shalt  }
0x67: {  	_ =	shalt  }
0x68: {  	_ =	shalt  }
0x69: {  	_ =	shalt  }
0x6a: {  	_ =	shalt  }
0x6b: {  	_ =	shalt  }
0x6c: {  	_ =	shalt  }
0x6d: {  	_ =	shalt  }
0x6e: {  	_ =	shalt  }
0x6f: {  	_ =	shalt  }
0x70: {  	_ =	shalt  }
0x71: {  	_ =	shalt  }
0x72: {  	_ =	shalt  }
0x73: {  	_ =	shalt  }
0x74: {  	_ =	shalt  }
0x75: {  	_ =	shalt  }
0x76: {  	_ =	shalt  }
0x77: {  	_ =	shalt  }
0x78: {  	_ =	shalt  }
0x79: {  	_ =	shalt  }
0x7a: {  	_ =	shalt  }
0x7b: {  	_ =	shalt  }
0x7c: {  	_ =	shalt  }
0x7d: {  	_ =	shalt  }
0x7e: {  	_ =	shalt  }
0x7f: {  	_ =	shalt  }
0x80: {  	_ =	shalt  }
0x81: {  	_ =	shalt  }
0x82: {  	_ =	shalt  }
0x83: {  	_ =	shalt  }
0x84: {  	_ =	shalt  }
0x85: {  	_ =	shalt  }
0x86: {  	_ =	shalt  }
0x87: {  	_ =	shalt  }
.Lfunc_end0:
.L_simem_size_0:
called_computation_lowered:
.L_overlay_start_0:
0x88: {  	s2 =	sld [smem:$0x3FD9]  }
0x89: {  	s3 =	sld [smem:$0x3FFE];
	_ =	sdelay $0x1  }
0x8a: {  	s1 =	srdreg.scid  }
0x8b: {  	s0 =	sand.u32 $0x1, s1  }
0x8c: {  	s14 =	sshll.u32 s0, $0xA;
	s2 =	sadd.s32 s3, s2  }
0x8d: {  	s2 =	sadd.s32 s2, s14  }
0x8e: {  	[smem:$0x3FBE] =	sst s2  }
0x8f: {  	_ = 	snop  }
0x90: {  	s2 =	sld [smem:$0x3FD0];
	_ =	sdelay $0x2  }
0x91: {  	s15 =	simm.s32 $0xA;
	s4 =	simm.s32 $0x10  }
0x92: {  	[smem:s4], [sflag:s15] =	dma.local [hbm:s2], $0x1  }
0x93: {  	_ =	swait.eq [sflag:s15], $0x1  }
0x94: {  	[sflag:s15] =	ssyncset.done $0x0  }
0x95: {  	[sflag:s15] =	ssyncadd.s32 $0xFFFFFFFF  }
0x96: {  	s16 =	sld [smem:$0x10];
	(tm) =	ssettm $0x1  }
0x97: {  	s17 =	sld [smem:$0x3FFB];
	_ =	sdelay $0x3  }
0x98: {  	_ =	strace s17  }
0x99: {  	s3 =	sld [smem:$0x3FFC];
	_ =	sdelay $0x3  }
0x9a: {  	_ =	strace s3  }
0x9b: {  	s3 =	sld [smem:$0x3FFD];
	_ =	sdelay $0x3  }
0x9c: {  	_ =	strace s3  }
0x9d: {  	_ =	strace $0x8FFFFFFF  }
0x9e: {  	s18 =	sld [smem:$0x3FDB];
	_ =	sdelay $0x1  }
0x9f: {  	s19 =	simm.s32 $_scs_section_size  }
0xa0: {  	s5 =	simm.s32 $_size__tile_overlayer_lowered;
	s6 =	simm.s32 $_tile_overlayer_lowered  }
0xa1: {  	s22 =	simm.s32 $0x1BFF;
	s21 =	sshll.u32 s6, $0x1;
	s3 =	sadd.s32 s19, s18  }
0xa2: {  	s7 =	simm.s32 $0x0;
	s20 =	sshll.u32 s5, $0x1;
	s5 =	sadd.s32 s21, s3  }
0xa3: {  	[timem:s7], [sflag:s22] =	dma.local [hbm:s5], s20  }
0xa4: {  	_ =	swait.ge [sflag:s22], s20  }
0xa5: {  	s4 =	ssub.s32 $0x0, s20;
	[sflag:s22] =	ssyncset.done $0x0  }
0xa6: {  	[sflag:s22] =	ssyncadd.s32 s4;
	_ =	sdelay $0x1  }
0xa7: {  	s23 =	simm.s32 $0x1B8B  }
0xa8: {  	_ =	swait.ge [sflag:s23], $0x1  }
0xa9: {  	[sflag:s23] =	ssyncset.done $0x0  }
0xaa: {  	s25 =	simm.s32 $0x1B8E;
	s24 =	sld [smem:$0x3FFE];
	[sflag:s23] =	ssyncadd.s32 $0xFFFFFFFF  }
0xab: {  	s26 =	simm.s32 $execute0_lowered;
	[smem:$0x3FD2] =	sst s25  }
0xac: {  	s5 =	sshll.u32 s26, $0x1;
	_ =	strace $0x80000046;
	[dreg:$0x1] =	wrdreg $0xFFFFFFFF  }
0xad: {  	s28 =	simm.s32 $_size_execute0_lowered;
	s3 =	sadd.s32 s3, s5;
	[dreg:$0x0] =	wrdreg $0x0  }
0xae: {  	s5 =	sshll.u32 s28, $0x1;
	[dreg:$0x2] =	wrdreg s3  }
0xaf: {  	[dreg:$0x3] =	wrdreg s5  }
0xb0: {  	[dreg:$0x4] =	wrdreg $0xC0  }
0xb1: {  	_ =	task [dreg:s7], $0x5FFFF  }
0xb2: {  	[dreg:$0x1] =	wrdreg $0xFFFFFFFF  }
0xb3: {  	[dreg:$0x0] =	wrdreg $0x60  }
0xb4: {  	[dreg:$0x2] =	wrdreg s24  }
0xb5: {  	[dreg:$0x3] =	wrdreg s16  }
0xb6: {  	[dreg:$0x4] =	wrdreg $0x54000  }
0xb7: {  	[dreg:$0x5] =	wrdreg $0x9  }
0xb8: {  	_ =	task.clear_ibuf [dreg:s7], $0x6FFFF;
	_ =	strace $0x90000046  }
0xb9: {  	s29 =	simm.s32 $0x9;
	_ =	strace $0x80000048  }
0xba: {  	_ =	swait.ge [sflag:s29], $0x1  }
0xbb: {  	[sflag:s29] =	ssyncadd.s32 $0xFFFFFFFF  }
0xbc: {  	_ =	strace $0x90000048  }
0xbd: {  	_ =	sfence  }
0xbe: {  	s30 =	sld [smem:$0x0];
	_ =	sdelay $0x2  }
0xbf: {  	s31 =	sshll.u32 s1, $0xD;
	s1 =	sshrl.u32 s1, $0x2  }
0xc0: {  	s3 =	sand.u32 $0x4000, s31;
	s1 =	sadd.s32 s1, s30  }
0xc1: {  	s0 =	sor.u32 s3, s0;
	s1 =	sshll.u32 s1, $0x11  }
0xc2: {  	s0 =	sor.u32 s1, s0  }
0xc3: {  	s0 =	sadd.s32 $0x8F2B, s0  }
0xc4: {  	[sflag:s0] =	ssyncadd.remote.s32 $0x1  }
0xc5: {  	_ =	sfence.sel $0xFFFF  }
0xc6: {  	[dreg:$0x0] =	wrdreg $0xFFFFFFFF;
	(pc) =	sbr.abs _section_cstart, $3  }
0xc7: {  	[dreg:$0x1] =	wrdreg $0xFFFFFFFF  }
0xc8: {  	_ =	task.clear_ibuf [dreg:s7], $0x2FFFF;
	_ =	strace $0x9FFFFFFF  }
0xc9: {  	(tm) =	ssettm $0x7FFFFFFF  }
tec
execute0_lowered:
.L_overlay_start_1:
0x0: {  	(tag) =	ssettag $0x1  }
0x1: {  	s0 =	srdreg.scid;
	s5 =	rddreg [dreg:$0x0]  }
0x2: {  	s7 =	rddreg [dreg:$0x1];
	s6 =	sand.u32 $0x1, s0;
	s0 =	stileid.u32  }
0x3: {  	s2 =	rddreg [dreg:$0x2];
	s3 =	simm.s32 $0x0;
	s10 =	smul.u32 $0x4F000, s0  }
0x4: {  	[smem:$0x7FF] =	sst s3;
	s1 =	sshll.u32 s6, $0x4;
	s12 =	smul.u32 $0x27800, s6  }
0x5: {  	s9 =	ssub.s32 $0x2, s6;
	s14 =	smul.u32 $0x2780, s0;
	s31 =	sshll.u32 s0, $0x6  }
0x6: {  	s4 =	sor.u32 s0, s1;
	s1 =	rddreg [dreg:$0x3];
	s11 =	sshrl.u32 s9, $0x1  }
0x7: {  	_ =	strace $0x80000047;
	s4 =	smul.u32 $0x280, s4;
	s9 =	ssub.s32 s9, s11  }
0x8: {  	s29 =	sshrl.u32 s10, $0x2;
	s13 =	sadd.s32 s7, s12;
	s10 =	sor.u32 $0x1C01, s31  }
0x9: {  	s12 =	simm.s32 $0x80;
	s30 =	sadd.s32 s29, s2;
	s7 =	smax.u32 s9, $0x1  }
0xa: {  	s9 =	simm.s32 $0x1400;
	s13 =	sadd.s32 s14, s13;
	s14 =	simm.s32 $0x0  }
0xb: {  	s8 =	sadd.s32 s4, s5;
	s4 =	sadd.s32 $0x8800, s5;
	s5 =	sadd.s32 $0xB000, s5  }
0xc: {  	s11 =	sshrl.u32 s30, $0x3;
	s6 =	sadd.s32 $0x3800, s8;
	s8 =	simm.s32 $0x1  }
.LBB2_1:
0xd: {  	[tilespmem:s3], [sflag:$0x1] =	stream.linear.gather [hbm4b:s6+s3], $0x1400, $0x38;
	[tilespmem:$0x19000] =	vst v63  }
0xe: {  	_ =	swait.ge [sflag:s8], $0x1400  }
0xf: {  	[sflag:s8] =	ssyncset.done $0x0  }
0x10: {  	[sflag:s8] =	ssyncadd.s32 $0xFFFFEC00  }
0x11: {  	[tilespmem:s9], [sflag:$0x1] =	stream.linear.gather [hbm4b:s5+s3], $0x4000, $0x38;
	[tilespmem:$0x19000] =	vst v63  }
0x12: {  	_ =	swait.ge [sflag:s8], $0x4000  }
0x13: {  	[sflag:s8] =	ssyncset.done $0x0  }
0x14: {  	[sflag:s8] =	ssyncadd.s32 $0xFFFFC000  }
0x15: {  	[spmem:s11], [sflag:s10] =	dma.local [hbm:s4], $0x2780  }
0x16: {  	_ =	swait.ge [sflag:s8], $0x2780  }
0x17: {  	[sflag:s8] =	ssyncset.done $0x0  }
0x18: {  	[sflag:s8] =	ssyncadd.s32 $0xFFFFD880  }
0x19: {  	s15 =	simm.s32 $0x0;
	[bflag:$0x0] =	sbarrier.arrive $0xFFFF  }
0x1a: {  	[spmem:s2] =	stream.indirect.scatter.add.f32 [tilespmem:s9], [sflag:$0x1], $0x80, s15, s12, $0xb8;
	[tilespmem:$0x19000] =	vst v63  }
0x1b: {  	_ =	swait.ge [sflag:s8], $0x4000  }
0x1c: {  	s15 =	simm.s32 $0x200;
	[sflag:s8] =	ssyncset.done $0x0  }
.LBB2_2:
0x1d: {  	s16 =	sshra.s32 s15, $0x2;
	[sflag:s8] =	ssyncadd.s32 $0xFFFFC000;
	p0 =	sne.s32 s15, $0x4E00  }
0x1e: {  	[spmem:s2] =	stream.indirect.scatter.add.f32 [tilespmem:s9], [sflag:$0x1], $0x80, s16, s12, $0xb8;
	[tilespmem:$0x19000] =	vst v63  }
.Ltmp0:
0x1f: {  	_ = 	snop;
	(pc) =	sbr.rel @p0 .LBB2_2-.Ltmp0, $4  }
0x20: {  	_ = 	snop  }
0x21: {  	s15 =	sadd.s32 $0x200, s15  }
0x22: {  	_ =	swait.ge [sflag:s8], $0x4000  }
0x23: {  	[sflag:s8] =	ssyncset.done $0x0  }
0x24: {  	s14 =	sadd.s32 $0x1, s14  }
0x25: {  	[sflag:s8] =	ssyncadd.s32 $0xFFFFC000;
	p0 =	sne.s32 s14, s7  }
.Ltmp1:
0x26: {  	[bflag:$0x0] =	sbarrier.arrive $0xFFFF;
	(pc) =	sbr.rel @p0 .LBB2_1-.Ltmp1, $4  }
0x27: {  	[hbm:s13], [sflag:s10] =	dma.local [spmem:s11], $0x2780  }
0x28: {  	_ =	swait.ge [sflag:s8], $0x2780  }
0x29: {  	[sflag:s8] =	ssyncset.done $0x0  }
0x2a: {  	[sflag:s8] =	ssyncadd.s32 $0xFFFFD880  }
0x2b: {  	_ =	sfence.sel $0x180000  }
0x2c: {  	[bflag:$0x0] =	sbarrier.arrive $0xFFFF  }
0x2d: {  	p0 =	sne.s32 s0, $0x0;
	_ =	strace $0x90000047  }
0x2e: {  	s0 =	sadd.s32 @!p0 $0x100000, s1;
	[bflag:$0x2] =	sbarrier.arrive $0xFFFF  }
0x2f: {  	[sflag:s0] =	ssyncadd.tile.s32 @!p0 $0x1;
	_ =	shalt  }
.Lfunc_end2:
_tile_overlayer_lowered:
.L_overlay_start_2:
0x30: {  	(tag) =	ssettag $0x2  }
0x31: {  	s0 =	rddreg [dreg:$0x0];
	s2 =	stileid.u32  }
0x32: {  	s1 =	rddreg [dreg:$0x1];
	p0 =	sne.s32 s2, $0x0  }
0x33: {  	s3 =	rddreg [dreg:$0x2];
	[bflag:$0x3] =	sbarrier.arrive $0xFFFF;
	s2 =	simm.s32 @!p0 $0x1C01  }
0x34: {  	[timem:s3], [sflag:s2] =	dma.local @!p0 [hbm:s0], s1  }
0x35: {  	s0 =	simm.s32 @!p0 $0x1  }
0x36: {  	_ =	swait.ge @!p0 [sflag:s0], s1  }
0x37: {  	s1 =	ssub.s32 @!p0 $0x0, s1;
	[sflag:s0] =	ssyncset.done @!p0 $0x0  }
0x38: {  	[sflag:s0] =	ssyncadd.s32 @!p0 s1  }
0x39: {  	[bflag:$0x3] =	sbarrier.arrive $0xFFFF  }
0x3a: {  	_ =	shalt  }

</sc_bundles>
